<compile_context>
chip_gen: v7x
topology: tpu7x:2x2x1
jax: 0.10.2.dev20260603
libtpu: 0.0.44.dev20260713+nightly
codegen_flags: <defaults>
</compile_context>

<pallas_src>
import functools

import jax
import jax.numpy as jnp
from jax import lax
from jax.experimental import pallas as pl
from jax.experimental.pallas import tpu as pltpu
from jax.experimental.pallas import tpu_sc as plsc

N = 10000
E = 160000
D_FEAT = 256
F = 64

NC, NS = 2, 16
NPAD = 10112
EP = 163840
K = 128
EPT = EP // (NC * NS)
NCHUNK = EPT // K
RPT = NPAD // NS
WROW = 80
WACC = 80

_f32 = jnp.float32



def _tc_transform_body(x_ref, w_ref, p_ref, pt_ref, ts_ref, tt_ref):
    xt = jnp.dot(x_ref[...], w_ref[...], preferred_element_type=_f32)
    ts_ref[0:N] = jnp.dot(xt, p_ref[...], preferred_element_type=_f32)
    ts_ref[N:NPAD] = jnp.zeros((NPAD - N, WROW), _f32)
    tt_ref[0:N] = jnp.dot(xt, pt_ref[...], preferred_element_type=_f32)
    tt_ref[N:NPAD] = jnp.zeros((NPAD - N, 16), _f32)


_tc_transform = pl.pallas_call(
    _tc_transform_body,
    out_shape=(
        jax.ShapeDtypeStruct((NPAD, WROW), _f32),
        jax.ShapeDtypeStruct((NPAD, 16), _f32),
    ),
)


def _tc_mid_body(acc_ref, w_ref, p_ref, pt_ref, r_ref, ts_ref, tt_ref):
    s = acc_ref[0] + acc_ref[1]
    num = s[:, 16:80]
    den = jnp.dot(s[:, 0:8], r_ref[...], preferred_element_type=_f32)
    x1 = jnp.maximum(num / jnp.maximum(den, 1e-20), 0.0)
    xt = jnp.dot(x1, w_ref[...], preferred_element_type=_f32)
    ts_ref[...] = jnp.dot(xt, p_ref[...], preferred_element_type=_f32)
    tt_ref[...] = jnp.dot(xt, pt_ref[...], preferred_element_type=_f32)


_tc_mid = pl.pallas_call(
    _tc_mid_body,
    out_shape=(
        jax.ShapeDtypeStruct((NPAD, WROW), _f32),
        jax.ShapeDtypeStruct((NPAD, 16), _f32),
    ),
)


def _tc_final_body(acc_ref, out_ref):
    s = acc_ref[0][:N] + acc_ref[1][:N]
    num = s[:, 16:80]
    den = s[:, 0:1]
    out_ref[...] = jnp.maximum(num / jnp.maximum(den, 1e-20), 0.0)


_tc_final = pl.pallas_call(
    _tc_final_body,
    out_shape=jax.ShapeDtypeStruct((N, F), _f32),
)



def _sc_edge_body(shift, t_hbm, s_hbm, tt_hbm, ts_hbm, zz_hbm, out_hbm,
                  idx_s, sidx, g_t, g_s, w, acc,
                  gsem0, gsem1, ssem0, ssem1, ssem2, ssem3):
    c = lax.axis_index("c")
    sid = lax.axis_index("s")
    r0 = sid * RPT
    gsem = (gsem0, gsem1)
    ssem = (ssem0, ssem1, ssem2, ssem3)

    wid = c * NS + sid
    base0 = wid * EPT
    iota = lax.iota(jnp.int32, 16)
    cols = [lax.shift_right_logical(iota + 16 * k, shift) for k in range(4)]

    def issue(ci, b, t4):
        base = pl.multiple_of(base0 + ci * K, 8)
        pltpu.sync_copy(t_hbm.at[pl.ds(base, K)], sidx.at[t4])
        pltpu.sync_copy(s_hbm.at[pl.ds(base, K)], idx_s.at[b])
        pltpu.async_copy(tt_hbm.at[sidx.at[t4]], g_t.at[b], gsem[b])
        pltpu.async_copy(ts_hbm.at[idx_s.at[b]], g_s.at[b], gsem[b])

    issue(0, 0, 0)
    pltpu.sync_copy(zz_hbm.at[pl.ds(r0, RPT)], acc.at[pl.ds(r0, RPT)])
    plsc.subcore_barrier()

    def drain(slot):
        pltpu.make_async_copy(w.at[slot], acc.at[sidx.at[slot]],
                              ssem[slot]).wait()

    @pl.loop(0, NCHUNK, step=4)
    def _outer(ci):
        for j in range(4):
            b = j % 2
            cur = ci + j
            @pl.when(cur >= 3)
            def _():
                drain((j + 1) % 4)

            @pl.when(cur + 1 < NCHUNK)
            def _():
                issue(cur + 1, 1 - b, (j + 1) % 4)

            pltpu.make_async_copy(tt_hbm.at[sidx.at[j]], g_t.at[b],
                                  gsem[b]).wait()
            pltpu.make_async_copy(ts_hbm.at[idx_s.at[b]], g_s.at[b],
                                  gsem[b]).wait()

            @pl.loop(0, K)
            def _edge(e):
                sc = g_t[b, e, :] + g_s[b, e, 0:16]
                sc = jnp.where(sc >= 0.0, sc, sc * 0.2)
                p = jnp.exp(jnp.minimum(jnp.maximum(sc, -2.0), 2.0))
                w[j, e, 0:16] = p
                for k in range(4):
                    pd = p.at[cols[k]].get(mode="promise_in_bounds")
                    xv = g_s[b, e, pl.ds(16 + 16 * k, 16)]
                    w[j, e, pl.ds(16 + 16 * k, 16)] = pd * xv

            pltpu.async_copy(w.at[j], acc.at[sidx.at[j]], ssem[j], add=True)

    drain(1)
    drain(2)
    drain(3)

    plsc.subcore_barrier()
    pltpu.sync_copy(acc.at[pl.ds(r0, RPT)], out_hbm.at[c, pl.ds(r0, RPT)])


def _make_sc_edge(shift):
    return pl.kernel(
        functools.partial(_sc_edge_body, shift),
        out_type=jax.ShapeDtypeStruct((NC, NPAD, WACC), _f32),
        mesh=plsc.VectorSubcoreMesh(core_axis_name="c", subcore_axis_name="s"),
        scratch_types=[
            pltpu.VMEM((2, K), jnp.int32),
            pltpu.VMEM((4, K), jnp.int32),
            pltpu.VMEM((2, K, 16), _f32),
            pltpu.VMEM((2, K, WROW), _f32),
            pltpu.VMEM((4, K, WACC), _f32),
            pltpu.VMEM_SHARED((NPAD, WACC), _f32),
            pltpu.SemaphoreType.DMA,
            pltpu.SemaphoreType.DMA,
            pltpu.SemaphoreType.DMA,
            pltpu.SemaphoreType.DMA,
            pltpu.SemaphoreType.DMA,
            pltpu.SemaphoreType.DMA,
        ],
        compiler_params=pltpu.CompilerParams(use_tc_tiling_on_sc=False),
    )


_sc_edge_l1 = _make_sc_edge(3)
_sc_edge_l2 = _make_sc_edge(6)



def _block_diag_att(a_half):
    h, u = a_half.shape
    mask = jnp.kron(jnp.eye(h, dtype=_f32), jnp.ones((u, 1), _f32))
    return mask * jnp.tile(a_half.T, (h, 1))


def kernel(node_states, edges, W1, A1, W2, A2):
    h1, _, u1 = W1.shape
    w1r = W1.transpose(1, 0, 2).reshape(D_FEAT, F)
    a1t = _block_diag_att(A1[:, :u1, 0])
    a1s = _block_diag_att(A1[:, u1:, 0])
    z8 = jnp.zeros((F, 8), _f32)
    eye = jnp.eye(F, dtype=_f32)
    p1 = jnp.concatenate([a1s, z8, eye], axis=1)
    pt1 = jnp.concatenate([a1t, z8], axis=1)

    w2r = W2[0]
    z15 = jnp.zeros((F, 15), _f32)
    p2 = jnp.concatenate([A2[0, F:, :], z15, eye], axis=1)
    pt2 = jnp.concatenate([A2[0, :F, :], z15], axis=1)
    rmat = jnp.kron(jnp.eye(8, dtype=_f32), jnp.ones((1, 8), _f32))

    ntile = NC * NS
    ppt = (EP - E) // ntile
    rpt_e = E // ntile
    pad_i = jnp.arange(ppt, dtype=jnp.int32)
    t_pad = jnp.broadcast_to(N + (pad_i % 16), (ntile, ppt))
    s_pad = jnp.broadcast_to(pad_i * 73 % N, (ntile, ppt))
    t_full = jnp.concatenate(
        [edges[:, 0].reshape(ntile, rpt_e), t_pad], axis=1).reshape(EP)
    s_full = jnp.concatenate(
        [edges[:, 1].reshape(ntile, rpt_e), s_pad], axis=1).reshape(EP)

    zz = jnp.zeros((NPAD, WACC), _f32)

    ts1, tt1 = _tc_transform(node_states, w1r, p1, pt1)
    acc1 = _sc_edge_l1(t_full, s_full, tt1, ts1, zz)
    ts2, tt2 = _tc_mid(acc1, w2r, p2, pt2, rmat)
    acc2 = _sc_edge_l2(t_full, s_full, tt2, ts2, zz)
    return _tc_final(acc2)

# --- scband reference (transcript-rebuilt; emitter-appended) ---
"""Pipeline reference for scband-graph-attention-network-transductive-22960895165081 (READ-ONLY COPY).

The authoritative reference and input builder live on the scoring server;
editing this copy changes nothing except your own understanding.
"""

import jax, jax.numpy as jnp
import numpy as np

N = 10000
E = 160000
D_FEAT = 256
UNITS1, HEADS1 = 8, 8
OUT_DIM, HEADS2 = 64, 1


def _gat_head(x, edges, kernel, kernel_att, n_nodes):
    # linear transform
    xt = x @ kernel  # [N, units]
    # gather (src,dst) pairs per edge and concat features
    pair = xt[edges].reshape(edges.shape[0], -1)  # [E, 2*units]
    scores = jax.nn.leaky_relu(pair @ kernel_att, negative_slope=0.2)  # [E, 1]
    scores = jnp.squeeze(scores, -1)  # [E]
    # softmax over incoming edges of each target node (edges[:,0])
    scores = jnp.exp(jnp.clip(scores, -2.0, 2.0))
    denom = jax.ops.segment_sum(scores, edges[:, 0], num_segments=n_nodes)  # [N]
    att = scores / denom[edges[:, 0]]  # [E]
    nbr = xt[edges[:, 1]]  # [E, units]
    return jax.ops.segment_sum(nbr * att[:, None], edges[:, 0], num_segments=n_nodes)


def _multi_head(x, edges, kernels, atts, merge, n_nodes):
    outs = [_gat_head(x, edges, kernels[i], atts[i], n_nodes) for i in range(kernels.shape[0])]
    if merge == "concat":
        o = jnp.concatenate(outs, axis=-1)
    else:
        o = jnp.mean(jnp.stack(outs, axis=0), axis=0)
    return jax.nn.relu(o)


def setup_inputs(seed: int = 0) -> dict:
    key = jax.random.key(seed)
    ks = jax.random.split(key, 6)
    node_states = jax.random.normal(ks[0], (N, D_FEAT), dtype=jnp.float32)
    edges = jax.random.randint(ks[1], (E, 2), 0, N, dtype=jnp.int32)
    W1 = jax.random.normal(ks[2], (HEADS1, D_FEAT, UNITS1), dtype=jnp.float32) * 0.1
    A1 = jax.random.normal(ks[3], (HEADS1, 2 * UNITS1, 1), dtype=jnp.float32) * 0.1
    W2 = jax.random.normal(ks[4], (HEADS2, UNITS1 * HEADS1, OUT_DIM), dtype=jnp.float32) * 0.1
    A2 = jax.random.normal(ks[5], (HEADS2, 2 * OUT_DIM, 1), dtype=jnp.float32) * 0.1
    return {"node_states": node_states, "edges": edges, "W1": W1, "A1": A1, "W2": W2, "A2": A2}


def reference(node_states, edges, W1, A1, W2, A2):
    # layer 1: 8 heads x 8 units, concat -> [N, 64], relu
    x = _multi_head(node_states, edges, W1, A1, "concat", N)
    # layer 2: 1 head x output_dim, concat (single head) -> [N, 64], relu
    out = _multi_head(x, edges, W2, A2, "concat", N)
    return out

if __name__ == "__main__":
    import jax
    _d = setup_inputs()
    print(jax.jit(kernel)(*tuple(_d.values())))

</pallas_src>

<mosaic_0001>
#map = affine_map<(d0, d1) -> (0)>
#map1 = affine_map<(d0, d1) -> (0, 0)>
#map2 = affine_map<(d0, d1) -> (0, 0, 0)>
module attributes {stable_mosaic.version = 14 : i64} {
  func.func @_sc_edge_body(%arg0: i32, %arg1: i32, %arg2: memref<163840xi32, #tpu.memory_space<hbm>>, %arg3: memref<163840xi32, #tpu.memory_space<hbm>>, %arg4: memref<10112x16xf32, #tpu.memory_space<hbm>>, %arg5: memref<10112x80xf32, #tpu.memory_space<hbm>>, %arg6: memref<10112x80xf32, #tpu.memory_space<hbm>>, %arg7: memref<2x10112x80xf32, #tpu.memory_space<hbm>>, %arg8: memref<2x128xi32, #tpu.memory_space<vmem>>, %arg9: memref<4x128xi32, #tpu.memory_space<vmem>>, %arg10: memref<2x128x16xf32, #tpu.memory_space<vmem>>, %arg11: memref<2x128x80xf32, #tpu.memory_space<vmem>>, %arg12: memref<4x128x80xf32, #tpu.memory_space<vmem>>, %arg13: memref<10112x80xf32, #tpu.memory_space<vmem_shared>>, %arg14: memref<!tpu.dma_semaphore, #tpu.memory_space<semaphore_mem>>, %arg15: memref<!tpu.dma_semaphore, #tpu.memory_space<semaphore_mem>>, %arg16: memref<!tpu.dma_semaphore, #tpu.memory_space<semaphore_mem>>, %arg17: memref<!tpu.dma_semaphore, #tpu.memory_space<semaphore_mem>>, %arg18: memref<!tpu.dma_semaphore, #tpu.memory_space<semaphore_mem>>, %arg19: memref<!tpu.dma_semaphore, #tpu.memory_space<semaphore_mem>>) attributes {dimension_semantics = [#tpu.dimension_semantics<core_parallel>, #tpu.dimension_semantics<subcore_parallel>], iteration_bounds = array<i64: 2, 16>, scalar_prefetch = 0 : i64, scratch_operands = 12 : i64, tpu.core_type = #tpu.core_type<sc_vector_subcore>, window_params = [{transform_indices = #map}, {transform_indices = #map}, {transform_indices = #map1}, {transform_indices = #map1}, {transform_indices = #map1}, {transform_indices = #map2}]} {
    %mul3A = arith.constant 632 : i32
    %mul3A_0 = arith.muli %arg1, %mul3A : i32
    %mul3A_1 = arith.constant 16 : i32
    %mul3A_2 = arith.muli %arg0, %mul3A_1 : i32
    %add3A = arith.addi %mul3A_2, %arg1 : i32
    %mul3A_3 = arith.constant 5120 : i32
    %mul3A_4 = arith.muli %add3A, %mul3A_3 : i32
    %iota3A = tpu.iota {dimensions = array<i32: 0>} : vector<16xi32>
    %add3A_5 = arith.constant 0 : i32
    %add3A_6 = vector.broadcast %add3A_5 : i32 to vector<16xi32>
    %add3A_7 = arith.addi %iota3A, %add3A_6 : vector<16xi32>
    %shift_right_logical3A = arith.constant 3 : i32
    %shift_right_logical3A_8 = vector.broadcast %shift_right_logical3A : i32 to vector<16xi32>
    %shift_right_logical3A_9 = arith.shrui %add3A_7, %shift_right_logical3A_8 : vector<16xi32>
    %add3A_10 = arith.constant 16 : i32
    %add3A_11 = vector.broadcast %add3A_10 : i32 to vector<16xi32>
    %add3A_12 = arith.addi %iota3A, %add3A_11 : vector<16xi32>
    %shift_right_logical3A_13 = arith.constant 3 : i32
    %shift_right_logical3A_14 = vector.broadcast %shift_right_logical3A_13 : i32 to vector<16xi32>
    %shift_right_logical3A_15 = arith.shrui %add3A_12, %shift_right_logical3A_14 : vector<16xi32>
    %add3A_16 = arith.constant 32 : i32
    %add3A_17 = vector.broadcast %add3A_16 : i32 to vector<16xi32>
    %add3A_18 = arith.addi %iota3A, %add3A_17 : vector<16xi32>
    %shift_right_logical3A_19 = arith.constant 3 : i32
    %shift_right_logical3A_20 = vector.broadcast %shift_right_logical3A_19 : i32 to vector<16xi32>
    %shift_right_logical3A_21 = arith.shrui %add3A_18, %shift_right_logical3A_20 : vector<16xi32>
    %add3A_22 = arith.constant 48 : i32
    %add3A_23 = vector.broadcast %add3A_22 : i32 to vector<16xi32>
    %add3A_24 = arith.addi %iota3A, %add3A_23 : vector<16xi32>
    %shift_right_logical3A_25 = arith.constant 3 : i32
    %shift_right_logical3A_26 = vector.broadcast %shift_right_logical3A_25 : i32 to vector<16xi32>
    %shift_right_logical3A_27 = arith.shrui %add3A_24, %shift_right_logical3A_26 : vector<16xi32>
    %add3A_28 = arith.constant 0 : i32
    %add3A_29 = arith.addi %mul3A_4, %add3A_28 : i32
    %multiple_of3A = tpu.assume_multiple %add3A_29, 8 : i32
    %run_scoped3A = arith.constant 0 : i32
    "tpu.region"() ({
      %run_scoped3A_94 = tpu.sem_alloc : memref<!tpu.dma_semaphore, #tpu.memory_space<semaphore_mem>>
      %dma_start3A_95 = arith.constant 0 : i32
      %dma_start3A_96 = tpu.memref_slice %arg9[%run_scoped3A, %dma_start3A_95] : memref<4x128xi32, #tpu.memory_space<vmem>> -> memref<1x128xi32, #tpu.memory_space<vmem>>
      %dma_start3A_97 = tpu.memref_squeeze %dma_start3A_96 : memref<1x128xi32, #tpu.memory_space<vmem>> -> memref<128xi32, #tpu.memory_space<vmem>>
      %dma_start3A_98 = tpu.memref_slice %arg2[%multiple_of3A] : memref<163840xi32, #tpu.memory_space<hbm>> -> memref<128xi32, #tpu.memory_space<hbm>>
      %dma_start3A_99 = arith.constant 0 : i32
      %dma_start3A_100 = tpu.memref_slice %arg9[%run_scoped3A, %dma_start3A_99] : memref<4x128xi32, #tpu.memory_space<vmem>> -> memref<1x128xi32, #tpu.memory_space<vmem>>
      %dma_start3A_101 = tpu.memref_squeeze %dma_start3A_100 : memref<1x128xi32, #tpu.memory_space<vmem>> -> memref<128xi32, #tpu.memory_space<vmem>>
      %dma_start3A_102 = tpu.memref_slice %arg2[%multiple_of3A] : memref<163840xi32, #tpu.memory_space<hbm>> -> memref<128xi32, #tpu.memory_space<hbm>>
      tpu.enqueue_dma source(%dma_start3A_102 : memref<128xi32, #tpu.memory_space<hbm>>) target(%dma_start3A_101 : memref<128xi32, #tpu.memory_space<vmem>>) target_semaphore(%run_scoped3A_94 : memref<!tpu.dma_semaphore, #tpu.memory_space<semaphore_mem>>)
      %dma_wait3A_103 = arith.constant 0 : i32
      %dma_wait3A_104 = tpu.memref_slice %arg9[%run_scoped3A, %dma_wait3A_103] : memref<4x128xi32, #tpu.memory_space<vmem>> -> memref<1x128xi32, #tpu.memory_space<vmem>>
      %dma_wait3A_105 = tpu.memref_squeeze %dma_wait3A_104 : memref<1x128xi32, #tpu.memory_space<vmem>> -> memref<128xi32, #tpu.memory_space<vmem>>
      %dma_wait3A_106 = tpu.memref_slice %arg2[%multiple_of3A] : memref<163840xi32, #tpu.memory_space<hbm>> -> memref<128xi32, #tpu.memory_space<hbm>>
      %dma_wait3A_107 = arith.constant 0 : i32
      %dma_wait3A_108 = tpu.memref_slice %arg9[%run_scoped3A, %dma_wait3A_107] : memref<4x128xi32, #tpu.memory_space<vmem>> -> memref<1x128xi32, #tpu.memory_space<vmem>>
      %dma_wait3A_109 = tpu.memref_squeeze %dma_wait3A_108 : memref<1x128xi32, #tpu.memory_space<vmem>> -> memref<128xi32, #tpu.memory_space<vmem>>
      %dma_wait3A_110 = tpu.memref_slice %arg2[%multiple_of3A] : memref<163840xi32, #tpu.memory_space<hbm>> -> memref<128xi32, #tpu.memory_space<hbm>>
      tpu.wait_dma2 semaphore(%run_scoped3A_94 : memref<!tpu.dma_semaphore, #tpu.memory_space<semaphore_mem>>) src(%dma_wait3A_110 : memref<128xi32, #tpu.memory_space<hbm>>) dst(%dma_wait3A_109 : memref<128xi32, #tpu.memory_space<vmem>>)
      tpu.yield
    }) : () -> ()
    %run_scoped3A_30 = arith.constant 0 : i32
    "tpu.region"() ({
      %run_scoped3A_94 = tpu.sem_alloc : memref<!tpu.dma_semaphore, #tpu.memory_space<semaphore_mem>>
      %dma_start3A_95 = arith.constant 0 : i32
      %dma_start3A_96 = tpu.memref_slice %arg8[%run_scoped3A_30, %dma_start3A_95] : memref<2x128xi32, #tpu.memory_space<vmem>> -> memref<1x128xi32, #tpu.memory_space<vmem>>
      %dma_start3A_97 = tpu.memref_squeeze %dma_start3A_96 : memref<1x128xi32, #tpu.memory_space<vmem>> -> memref<128xi32, #tpu.memory_space<vmem>>
      %dma_start3A_98 = tpu.memref_slice %arg3[%multiple_of3A] : memref<163840xi32, #tpu.memory_space<hbm>> -> memref<128xi32, #tpu.memory_space<hbm>>
      %dma_start3A_99 = arith.constant 0 : i32
      %dma_start3A_100 = tpu.memref_slice %arg8[%run_scoped3A_30, %dma_start3A_99] : memref<2x128xi32, #tpu.memory_space<vmem>> -> memref<1x128xi32, #tpu.memory_space<vmem>>
      %dma_start3A_101 = tpu.memref_squeeze %dma_start3A_100 : memref<1x128xi32, #tpu.memory_space<vmem>> -> memref<128xi32, #tpu.memory_space<vmem>>
      %dma_start3A_102 = tpu.memref_slice %arg3[%multiple_of3A] : memref<163840xi32, #tpu.memory_space<hbm>> -> memref<128xi32, #tpu.memory_space<hbm>>
      tpu.enqueue_dma source(%dma_start3A_102 : memref<128xi32, #tpu.memory_space<hbm>>) target(%dma_start3A_101 : memref<128xi32, #tpu.memory_space<vmem>>) target_semaphore(%run_scoped3A_94 : memref<!tpu.dma_semaphore, #tpu.memory_space<semaphore_mem>>)
      %dma_wait3A_103 = arith.constant 0 : i32
      %dma_wait3A_104 = tpu.memref_slice %arg8[%run_scoped3A_30, %dma_wait3A_103] : memref<2x128xi32, #tpu.memory_space<vmem>> -> memref<1x128xi32, #tpu.memory_space<vmem>>
      %dma_wait3A_105 = tpu.memref_squeeze %dma_wait3A_104 : memref<1x128xi32, #tpu.memory_space<vmem>> -> memref<128xi32, #tpu.memory_space<vmem>>
      %dma_wait3A_106 = tpu.memref_slice %arg3[%multiple_of3A] : memref<163840xi32, #tpu.memory_space<hbm>> -> memref<128xi32, #tpu.memory_space<hbm>>
      %dma_wait3A_107 = arith.constant 0 : i32
      %dma_wait3A_108 = tpu.memref_slice %arg8[%run_scoped3A_30, %dma_wait3A_107] : memref<2x128xi32, #tpu.memory_space<vmem>> -> memref<1x128xi32, #tpu.memory_space<vmem>>
      %dma_wait3A_109 = tpu.memref_squeeze %dma_wait3A_108 : memref<1x128xi32, #tpu.memory_space<vmem>> -> memref<128xi32, #tpu.memory_space<vmem>>
      %dma_wait3A_110 = tpu.memref_slice %arg3[%multiple_of3A] : memref<163840xi32, #tpu.memory_space<hbm>> -> memref<128xi32, #tpu.memory_space<hbm>>
      tpu.wait_dma2 semaphore(%run_scoped3A_94 : memref<!tpu.dma_semaphore, #tpu.memory_space<semaphore_mem>>) src(%dma_wait3A_110 : memref<128xi32, #tpu.memory_space<hbm>>) dst(%dma_wait3A_109 : memref<128xi32, #tpu.memory_space<vmem>>)
      tpu.yield
    }) : () -> ()
    %dma_start3A = arith.constant 0 : i32
    %dma_start3A_31 = arith.constant 0 : i32
    %dma_start3A_32 = arith.constant 0 : i32
    %dma_start3A_33 = arith.constant 0 : i32
    %dma_start3A_34 = tpu.memref_slice %arg10[%dma_start3A_31, %dma_start3A_32, %dma_start3A_33] : memref<2x128x16xf32, #tpu.memory_space<vmem>> -> memref<1x128x16xf32, #tpu.memory_space<vmem>>
    %dma_start3A_35 = tpu.memref_squeeze %dma_start3A_34 : memref<1x128x16xf32, #tpu.memory_space<vmem>> -> memref<128x16xf32, #tpu.memory_space<vmem>>
    %dma_start3A_36 = arith.constant 0 : i32
    %dma_start3A_37 = tpu.memref_slice %arg9[%dma_start3A, %dma_start3A_36] : memref<4x128xi32, #tpu.memory_space<vmem>> -> memref<1x128xi32, #tpu.memory_space<vmem>>
    %dma_start3A_38 = tpu.memref_squeeze %dma_start3A_37 : memref<1x128xi32, #tpu.memory_space<vmem>> -> memref<128xi32, #tpu.memory_space<vmem>>
    %dma_start3A_39 = arith.constant 0 : i32
    %dma_start3A_40 = arith.constant 0 : i32
    %dma_start3A_41 = tpu.memref_slice %arg4[%dma_start3A_39, %dma_start3A_40] : memref<10112x16xf32, #tpu.memory_space<hbm>> -> memref<10112x16xf32, #tpu.memory_space<hbm>>
    tpu.enqueue_indirect_dma source(%dma_start3A_41 : memref<10112x16xf32, #tpu.memory_space<hbm>>) target(%dma_start3A_35 : memref<128x16xf32, #tpu.memory_space<vmem>>) offsets(%dma_start3A_38 : memref<128xi32, #tpu.memory_space<vmem>>) semaphore(%arg14 : memref<!tpu.dma_semaphore, #tpu.memory_space<semaphore_mem>>)
    %dma_start3A_42 = arith.constant 0 : i32
    %dma_start3A_43 = arith.constant 0 : i32
    %dma_start3A_44 = arith.constant 0 : i32
    %dma_start3A_45 = arith.constant 0 : i32
    %dma_start3A_46 = tpu.memref_slice %arg11[%dma_start3A_43, %dma_start3A_44, %dma_start3A_45] : memref<2x128x80xf32, #tpu.memory_space<vmem>> -> memref<1x128x80xf32, #tpu.memory_space<vmem>>
    %dma_start3A_47 = tpu.memref_squeeze %dma_start3A_46 : memref<1x128x80xf32, #tpu.memory_space<vmem>> -> memref<128x80xf32, #tpu.memory_space<vmem>>
    %dma_start3A_48 = arith.constant 0 : i32
    %dma_start3A_49 = tpu.memref_slice %arg8[%dma_start3A_42, %dma_start3A_48] : memref<2x128xi32, #tpu.memory_space<vmem>> -> memref<1x128xi32, #tpu.memory_space<vmem>>
    %dma_start3A_50 = tpu.memref_squeeze %dma_start3A_49 : memref<1x128xi32, #tpu.memory_space<vmem>> -> memref<128xi32, #tpu.memory_space<vmem>>
    %dma_start3A_51 = arith.constant 0 : i32
    %dma_start3A_52 = arith.constant 0 : i32
    %dma_start3A_53 = tpu.memref_slice %arg5[%dma_start3A_51, %dma_start3A_52] : memref<10112x80xf32, #tpu.memory_space<hbm>> -> memref<10112x80xf32, #tpu.memory_space<hbm>>
    tpu.enqueue_indirect_dma source(%dma_start3A_53 : memref<10112x80xf32, #tpu.memory_space<hbm>>) target(%dma_start3A_47 : memref<128x80xf32, #tpu.memory_space<vmem>>) offsets(%dma_start3A_50 : memref<128xi32, #tpu.memory_space<vmem>>) semaphore(%arg14 : memref<!tpu.dma_semaphore, #tpu.memory_space<semaphore_mem>>)
    "tpu.region"() ({
      %run_scoped3A_94 = tpu.sem_alloc : memref<!tpu.dma_semaphore, #tpu.memory_space<semaphore_mem>>
      %dma_start3A_95 = arith.constant 0 : i32
      %dma_start3A_96 = tpu.memref_slice %arg13[%mul3A_0, %dma_start3A_95] : memref<10112x80xf32, #tpu.memory_space<vmem_shared>> -> memref<632x80xf32, #tpu.memory_space<vmem_shared>>
      %dma_start3A_97 = arith.constant 0 : i32
      %dma_start3A_98 = tpu.memref_slice %arg6[%mul3A_0, %dma_start3A_97] : memref<10112x80xf32, #tpu.memory_space<hbm>> -> memref<632x80xf32, #tpu.memory_space<hbm>>
      tpu.enqueue_dma source(%dma_start3A_98 : memref<632x80xf32, #tpu.memory_space<hbm>>) target(%dma_start3A_96 : memref<632x80xf32, #tpu.memory_space<vmem_shared>>) target_semaphore(%run_scoped3A_94 : memref<!tpu.dma_semaphore, #tpu.memory_space<semaphore_mem>>)
      %dma_wait3A_99 = arith.constant 0 : i32
      %dma_wait3A_100 = tpu.memref_slice %arg13[%mul3A_0, %dma_wait3A_99] : memref<10112x80xf32, #tpu.memory_space<vmem_shared>> -> memref<632x80xf32, #tpu.memory_space<vmem_shared>>
      %dma_wait3A_101 = arith.constant 0 : i32
      %dma_wait3A_102 = tpu.memref_slice %arg6[%mul3A_0, %dma_wait3A_101] : memref<10112x80xf32, #tpu.memory_space<hbm>> -> memref<632x80xf32, #tpu.memory_space<hbm>>
      tpu.wait_dma2 semaphore(%run_scoped3A_94 : memref<!tpu.dma_semaphore, #tpu.memory_space<semaphore_mem>>) src(%dma_wait3A_102 : memref<632x80xf32, #tpu.memory_space<hbm>>) dst(%dma_wait3A_100 : memref<632x80xf32, #tpu.memory_space<vmem_shared>>)
      tpu.yield
    }) : () -> ()
    %barrier3A = arith.constant 0 : index
    tpu.barrier barrier_id(%barrier3A)
    %scan3A = arith.constant 0 : i32
    %scan3A_54 = arith.constant 10 : i32
    %scan3A_55 = arith.addi %scan3A, %scan3A_54 : i32
    %scan3A_56 = arith.constant 1 : i32
    scf.for %scan3A_94 = %scan3A to %scan3A_55 step %scan3A_56  : i32 {
      %mul3A_95 = arith.constant 4 : i32
      %mul3A_96 = arith.muli %scan3A_94, %mul3A_95 : i32
      %add3A_97 = arith.constant 0 : i32
      %add3A_98 = arith.addi %add3A_97, %mul3A_96 : i32
      %add3A_99 = arith.constant 0 : i32
      %add3A_100 = arith.addi %add3A_98, %add3A_99 : i32
      %ge3A = arith.constant 3 : i32
      %ge3A_101 = arith.cmpi sge, %add3A_100, %ge3A : i32
      %convert_element_type3A = arith.extui %ge3A_101 : i1 to i32
      %cond3A = arith.constant 0 : i32
      %cond3A_102 = arith.cmpi ne, %convert_element_type3A, %cond3A : i32
      scf.if %cond3A_102 {
        %dma_wait3A_315 = arith.constant 1 : i32
        %dma_wait3A_316 = arith.constant 1 : i32
        %dma_wait3A_317 = arith.constant 0 : i32
        %dma_wait3A_318 = arith.constant 0 : i32
        %dma_wait3A_319 = tpu.memref_slice %arg12[%dma_wait3A_315, %dma_wait3A_317, %dma_wait3A_318] : memref<4x128x80xf32, #tpu.memory_space<vmem>> -> memref<1x128x80xf32, #tpu.memory_space<vmem>>
        %dma_wait3A_320 = tpu.memref_squeeze %dma_wait3A_319 : memref<1x128x80xf32, #tpu.memory_space<vmem>> -> memref<128x80xf32, #tpu.memory_space<vmem>>
        %dma_wait3A_321 = arith.constant 0 : i32
        %dma_wait3A_322 = tpu.memref_slice %arg9[%dma_wait3A_316, %dma_wait3A_321] : memref<4x128xi32, #tpu.memory_space<vmem>> -> memref<1x128xi32, #tpu.memory_space<vmem>>
        %dma_wait3A_323 = tpu.memref_squeeze %dma_wait3A_322 : memref<1x128xi32, #tpu.memory_space<vmem>> -> memref<128xi32, #tpu.memory_space<vmem>>
        %dma_wait3A_324 = arith.constant 0 : i32
        %dma_wait3A_325 = arith.constant 0 : i32
        %dma_wait3A_326 = tpu.memref_slice %arg13[%dma_wait3A_324, %dma_wait3A_325] : memref<10112x80xf32, #tpu.memory_space<vmem_shared>> -> memref<10112x80xf32, #tpu.memory_space<vmem_shared>>
        tpu.wait_indirect_dma semaphore(%arg17 : memref<!tpu.dma_semaphore, #tpu.memory_space<semaphore_mem>>) src(%dma_wait3A_320 : memref<128x80xf32, #tpu.memory_space<vmem>>) dst(%dma_wait3A_326 : memref<10112x80xf32, #tpu.memory_space<vmem_shared>>)
      } else {
      }
      %add3A_103 = arith.constant 1 : i32
      %add3A_104 = arith.addi %add3A_100, %add3A_103 : i32
      %lt3A = arith.constant 40 : i32
      %lt3A_105 = arith.cmpi slt, %add3A_104, %lt3A : i32
      %convert_element_type3A_106 = arith.extui %lt3A_105 : i1 to i32
      %cond3A_107 = arith.constant 0 : i32
      %cond3A_108 = arith.cmpi ne, %convert_element_type3A_106, %cond3A_107 : i32
      scf.if %cond3A_108 {
        %add3A_315 = arith.constant 1 : i32
        %add3A_316 = arith.addi %add3A_100, %add3A_315 : i32
        %mul3A_317 = arith.constant 128 : i32
        %mul3A_318 = arith.muli %add3A_316, %mul3A_317 : i32
        %add3A_319 = arith.addi %mul3A_4, %mul3A_318 : i32
        %multiple_of3A_320 = tpu.assume_multiple %add3A_319, 8 : i32
        %run_scoped3A_321 = arith.constant 1 : i32
        "tpu.region"() ({
          %run_scoped3A_347 = tpu.sem_alloc : memref<!tpu.dma_semaphore, #tpu.memory_space<semaphore_mem>>
          %dma_start3A_348 = arith.constant 0 : i32
          %dma_start3A_349 = tpu.memref_slice %arg9[%run_scoped3A_321, %dma_start3A_348] : memref<4x128xi32, #tpu.memory_space<vmem>> -> memref<1x128xi32, #tpu.memory_space<vmem>>
          %dma_start3A_350 = tpu.memref_squeeze %dma_start3A_349 : memref<1x128xi32, #tpu.memory_space<vmem>> -> memref<128xi32, #tpu.memory_space<vmem>>
          %dma_start3A_351 = tpu.memref_slice %arg2[%multiple_of3A_320] : memref<163840xi32, #tpu.memory_space<hbm>> -> memref<128xi32, #tpu.memory_space<hbm>>
          %dma_start3A_352 = arith.constant 0 : i32
          %dma_start3A_353 = tpu.memref_slice %arg9[%run_scoped3A_321, %dma_start3A_352] : memref<4x128xi32, #tpu.memory_space<vmem>> -> memref<1x128xi32, #tpu.memory_space<vmem>>
          %dma_start3A_354 = tpu.memref_squeeze %dma_start3A_353 : memref<1x128xi32, #tpu.memory_space<vmem>> -> memref<128xi32, #tpu.memory_space<vmem>>
          %dma_start3A_355 = tpu.memref_slice %arg2[%multiple_of3A_320] : memref<163840xi32, #tpu.memory_space<hbm>> -> memref<128xi32, #tpu.memory_space<hbm>>
          tpu.enqueue_dma source(%dma_start3A_355 : memref<128xi32, #tpu.memory_space<hbm>>) target(%dma_start3A_354 : memref<128xi32, #tpu.memory_space<vmem>>) target_semaphore(%run_scoped3A_347 : memref<!tpu.dma_semaphore, #tpu.memory_space<semaphore_mem>>)
          %dma_wait3A_356 = arith.constant 0 : i32
          %dma_wait3A_357 = tpu.memref_slice %arg9[%run_scoped3A_321, %dma_wait3A_356] : memref<4x128xi32, #tpu.memory_space<vmem>> -> memref<1x128xi32, #tpu.memory_space<vmem>>
          %dma_wait3A_358 = tpu.memref_squeeze %dma_wait3A_357 : memref<1x128xi32, #tpu.memory_space<vmem>> -> memref<128xi32, #tpu.memory_space<vmem>>
          %dma_wait3A_359 = tpu.memref_slice %arg2[%multiple_of3A_320] : memref<163840xi32, #tpu.memory_space<hbm>> -> memref<128xi32, #tpu.memory_space<hbm>>
          %dma_wait3A_360 = arith.constant 0 : i32
          %dma_wait3A_361 = tpu.memref_slice %arg9[%run_scoped3A_321, %dma_wait3A_360] : memref<4x128xi32, #tpu.memory_space<vmem>> -> memref<1x128xi32, #tpu.memory_space<vmem>>
          %dma_wait3A_362 = tpu.memref_squeeze %dma_wait3A_361 : memref<1x128xi32, #tpu.memory_space<vmem>> -> memref<128xi32, #tpu.memory_space<vmem>>
          %dma_wait3A_363 = tpu.memref_slice %arg2[%multiple_of3A_320] : memref<163840xi32, #tpu.memory_space<hbm>> -> memref<128xi32, #tpu.memory_space<hbm>>
          tpu.wait_dma2 semaphore(%run_scoped3A_347 : memref<!tpu.dma_semaphore, #tpu.memory_space<semaphore_mem>>) src(%dma_wait3A_363 : memref<128xi32, #tpu.memory_space<hbm>>) dst(%dma_wait3A_362 : memref<128xi32, #tpu.memory_space<vmem>>)
          tpu.yield
        }) : () -> ()
        %run_scoped3A_322 = arith.constant 1 : i32
        "tpu.region"() ({
          %run_scoped3A_347 = tpu.sem_alloc : memref<!tpu.dma_semaphore, #tpu.memory_space<semaphore_mem>>
          %dma_start3A_348 = arith.constant 0 : i32
          %dma_start3A_349 = tpu.memref_slice %arg8[%run_scoped3A_322, %dma_start3A_348] : memref<2x128xi32, #tpu.memory_space<vmem>> -> memref<1x128xi32, #tpu.memory_space<vmem>>
          %dma_start3A_350 = tpu.memref_squeeze %dma_start3A_349 : memref<1x128xi32, #tpu.memory_space<vmem>> -> memref<128xi32, #tpu.memory_space<vmem>>
          %dma_start3A_351 = tpu.memref_slice %arg3[%multiple_of3A_320] : memref<163840xi32, #tpu.memory_space<hbm>> -> memref<128xi32, #tpu.memory_space<hbm>>
          %dma_start3A_352 = arith.constant 0 : i32
          %dma_start3A_353 = tpu.memref_slice %arg8[%run_scoped3A_322, %dma_start3A_352] : memref<2x128xi32, #tpu.memory_space<vmem>> -> memref<1x128xi32, #tpu.memory_space<vmem>>
          %dma_start3A_354 = tpu.memref_squeeze %dma_start3A_353 : memref<1x128xi32, #tpu.memory_space<vmem>> -> memref<128xi32, #tpu.memory_space<vmem>>
          %dma_start3A_355 = tpu.memref_slice %arg3[%multiple_of3A_320] : memref<163840xi32, #tpu.memory_space<hbm>> -> memref<128xi32, #tpu.memory_space<hbm>>
          tpu.enqueue_dma source(%dma_start3A_355 : memref<128xi32, #tpu.memory_space<hbm>>) target(%dma_start3A_354 : memref<128xi32, #tpu.memory_space<vmem>>) target_semaphore(%run_scoped3A_347 : memref<!tpu.dma_semaphore, #tpu.memory_space<semaphore_mem>>)
          %dma_wait3A_356 = arith.constant 0 : i32
          %dma_wait3A_357 = tpu.memref_slice %arg8[%run_scoped3A_322, %dma_wait3A_356] : memref<2x128xi32, #tpu.memory_space<vmem>> -> memref<1x128xi32, #tpu.memory_space<vmem>>
          %dma_wait3A_358 = tpu.memref_squeeze %dma_wait3A_357 : memref<1x128xi32, #tpu.memory_space<vmem>> -> memref<128xi32, #tpu.memory_space<vmem>>
          %dma_wait3A_359 = tpu.memref_slice %arg3[%multiple_of3A_320] : memref<163840xi32, #tpu.memory_space<hbm>> -> memref<128xi32, #tpu.memory_space<hbm>>
          %dma_wait3A_360 = arith.constant 0 : i32
          %dma_wait3A_361 = tpu.memref_slice %arg8[%run_scoped3A_322, %dma_wait3A_360] : memref<2x128xi32, #tpu.memory_space<vmem>> -> memref<1x128xi32, #tpu.memory_space<vmem>>
          %dma_wait3A_362 = tpu.memref_squeeze %dma_wait3A_361 : memref<1x128xi32, #tpu.memory_space<vmem>> -> memref<128xi32, #tpu.memory_space<vmem>>
          %dma_wait3A_363 = tpu.memref_slice %arg3[%multiple_of3A_320] : memref<163840xi32, #tpu.memory_space<hbm>> -> memref<128xi32, #tpu.memory_space<hbm>>
          tpu.wait_dma2 semaphore(%run_scoped3A_347 : memref<!tpu.dma_semaphore, #tpu.memory_space<semaphore_mem>>) src(%dma_wait3A_363 : memref<128xi32, #tpu.memory_space<hbm>>) dst(%dma_wait3A_362 : memref<128xi32, #tpu.memory_space<vmem>>)
          tpu.yield
        }) : () -> ()
        %dma_start3A_323 = arith.constant 1 : i32
        %dma_start3A_324 = arith.constant 1 : i32
        %dma_start3A_325 = arith.constant 0 : i32
        %dma_start3A_326 = arith.constant 0 : i32
        %dma_start3A_327 = tpu.memref_slice %arg10[%dma_start3A_324, %dma_start3A_325, %dma_start3A_326] : memref<2x128x16xf32, #tpu.memory_space<vmem>> -> memref<1x128x16xf32, #tpu.memory_space<vmem>>
        %dma_start3A_328 = tpu.memref_squeeze %dma_start3A_327 : memref<1x128x16xf32, #tpu.memory_space<vmem>> -> memref<128x16xf32, #tpu.memory_space<vmem>>
        %dma_start3A_329 = arith.constant 0 : i32
        %dma_start3A_330 = tpu.memref_slice %arg9[%dma_start3A_323, %dma_start3A_329] : memref<4x128xi32, #tpu.memory_space<vmem>> -> memref<1x128xi32, #tpu.memory_space<vmem>>
        %dma_start3A_331 = tpu.memref_squeeze %dma_start3A_330 : memref<1x128xi32, #tpu.memory_space<vmem>> -> memref<128xi32, #tpu.memory_space<vmem>>
        %dma_start3A_332 = arith.constant 0 : i32
        %dma_start3A_333 = arith.constant 0 : i32
        %dma_start3A_334 = tpu.memref_slice %arg4[%dma_start3A_332, %dma_start3A_333] : memref<10112x16xf32, #tpu.memory_space<hbm>> -> memref<10112x16xf32, #tpu.memory_space<hbm>>
        tpu.enqueue_indirect_dma source(%dma_start3A_334 : memref<10112x16xf32, #tpu.memory_space<hbm>>) target(%dma_start3A_328 : memref<128x16xf32, #tpu.memory_space<vmem>>) offsets(%dma_start3A_331 : memref<128xi32, #tpu.memory_space<vmem>>) semaphore(%arg15 : memref<!tpu.dma_semaphore, #tpu.memory_space<semaphore_mem>>)
        %dma_start3A_335 = arith.constant 1 : i32
        %dma_start3A_336 = arith.constant 1 : i32
        %dma_start3A_337 = arith.constant 0 : i32
        %dma_start3A_338 = arith.constant 0 : i32
        %dma_start3A_339 = tpu.memref_slice %arg11[%dma_start3A_336, %dma_start3A_337, %dma_start3A_338] : memref<2x128x80xf32, #tpu.memory_space<vmem>> -> memref<1x128x80xf32, #tpu.memory_space<vmem>>
        %dma_start3A_340 = tpu.memref_squeeze %dma_start3A_339 : memref<1x128x80xf32, #tpu.memory_space<vmem>> -> memref<128x80xf32, #tpu.memory_space<vmem>>
        %dma_start3A_341 = arith.constant 0 : i32
        %dma_start3A_342 = tpu.memref_slice %arg8[%dma_start3A_335, %dma_start3A_341] : memref<2x128xi32, #tpu.memory_space<vmem>> -> memref<1x128xi32, #tpu.memory_space<vmem>>
        %dma_start3A_343 = tpu.memref_squeeze %dma_start3A_342 : memref<1x128xi32, #tpu.memory_space<vmem>> -> memref<128xi32, #tpu.memory_space<vmem>>
        %dma_start3A_344 = arith.constant 0 : i32
        %dma_start3A_345 = arith.constant 0 : i32
        %dma_start3A_346 = tpu.memref_slice %arg5[%dma_start3A_344, %dma_start3A_345] : memref<10112x80xf32, #tpu.memory_space<hbm>> -> memref<10112x80xf32, #tpu.memory_space<hbm>>
        tpu.enqueue_indirect_dma source(%dma_start3A_346 : memref<10112x80xf32, #tpu.memory_space<hbm>>) target(%dma_start3A_340 : memref<128x80xf32, #tpu.memory_space<vmem>>) offsets(%dma_start3A_343 : memref<128xi32, #tpu.memory_space<vmem>>) semaphore(%arg15 : memref<!tpu.dma_semaphore, #tpu.memory_space<semaphore_mem>>)
      } else {
      }
      %dma_wait3A_109 = arith.constant 0 : i32
      %dma_wait3A_110 = arith.constant 0 : i32
      %dma_wait3A_111 = arith.constant 0 : i32
      %dma_wait3A_112 = arith.constant 0 : i32
      %dma_wait3A_113 = tpu.memref_slice %arg10[%dma_wait3A_110, %dma_wait3A_111, %dma_wait3A_112] : memref<2x128x16xf32, #tpu.memory_space<vmem>> -> memref<1x128x16xf32, #tpu.memory_space<vmem>>
      %dma_wait3A_114 = tpu.memref_squeeze %dma_wait3A_113 : memref<1x128x16xf32, #tpu.memory_space<vmem>> -> memref<128x16xf32, #tpu.memory_space<vmem>>
      %dma_wait3A_115 = arith.constant 0 : i32
      %dma_wait3A_116 = tpu.memref_slice %arg9[%dma_wait3A_109, %dma_wait3A_115] : memref<4x128xi32, #tpu.memory_space<vmem>> -> memref<1x128xi32, #tpu.memory_space<vmem>>
      %dma_wait3A_117 = tpu.memref_squeeze %dma_wait3A_116 : memref<1x128xi32, #tpu.memory_space<vmem>> -> memref<128xi32, #tpu.memory_space<vmem>>
      %dma_wait3A_118 = arith.constant 0 : i32
      %dma_wait3A_119 = arith.constant 0 : i32
      %dma_wait3A_120 = tpu.memref_slice %arg4[%dma_wait3A_118, %dma_wait3A_119] : memref<10112x16xf32, #tpu.memory_space<hbm>> -> memref<10112x16xf32, #tpu.memory_space<hbm>>
      tpu.wait_indirect_dma semaphore(%arg14 : memref<!tpu.dma_semaphore, #tpu.memory_space<semaphore_mem>>) src(%dma_wait3A_120 : memref<10112x16xf32, #tpu.memory_space<hbm>>) dst(%dma_wait3A_114 : memref<128x16xf32, #tpu.memory_space<vmem>>)
      %dma_wait3A_121 = arith.constant 0 : i32
      %dma_wait3A_122 = arith.constant 0 : i32
      %dma_wait3A_123 = arith.constant 0 : i32
      %dma_wait3A_124 = arith.constant 0 : i32
      %dma_wait3A_125 = tpu.memref_slice %arg11[%dma_wait3A_122, %dma_wait3A_123, %dma_wait3A_124] : memref<2x128x80xf32, #tpu.memory_space<vmem>> -> memref<1x128x80xf32, #tpu.memory_space<vmem>>
      %dma_wait3A_126 = tpu.memref_squeeze %dma_wait3A_125 : memref<1x128x80xf32, #tpu.memory_space<vmem>> -> memref<128x80xf32, #tpu.memory_space<vmem>>
      %dma_wait3A_127 = arith.constant 0 : i32
      %dma_wait3A_128 = tpu.memref_slice %arg8[%dma_wait3A_121, %dma_wait3A_127] : memref<2x128xi32, #tpu.memory_space<vmem>> -> memref<1x128xi32, #tpu.memory_space<vmem>>
      %dma_wait3A_129 = tpu.memref_squeeze %dma_wait3A_128 : memref<1x128xi32, #tpu.memory_space<vmem>> -> memref<128xi32, #tpu.memory_space<vmem>>
      %dma_wait3A_130 = arith.constant 0 : i32
      %dma_wait3A_131 = arith.constant 0 : i32
      %dma_wait3A_132 = tpu.memref_slice %arg5[%dma_wait3A_130, %dma_wait3A_131] : memref<10112x80xf32, #tpu.memory_space<hbm>> -> memref<10112x80xf32, #tpu.memory_space<hbm>>
      tpu.wait_indirect_dma semaphore(%arg14 : memref<!tpu.dma_semaphore, #tpu.memory_space<semaphore_mem>>) src(%dma_wait3A_132 : memref<10112x80xf32, #tpu.memory_space<hbm>>) dst(%dma_wait3A_126 : memref<128x80xf32, #tpu.memory_space<vmem>>)
      %scan3A_133 = arith.constant 0 : i32
      %scan3A_134 = arith.constant 128 : i32
      %scan3A_135 = arith.addi %scan3A_133, %scan3A_134 : i32
      %scan3A_136 = arith.constant 1 : i32
      scf.for %scan3A_315 = %scan3A_133 to %scan3A_135 step %scan3A_136  : i32 {
        %mul3A_316 = arith.constant 1 : i32
        %mul3A_317 = arith.muli %scan3A_315, %mul3A_316 : i32
        %add3A_318 = arith.constant 0 : i32
        %add3A_319 = arith.addi %add3A_318, %mul3A_317 : i32
        %get3A = arith.constant 0 : i32
        %get3A_320 = arith.index_cast %get3A : i32 to index
        %get3A_321 = arith.index_cast %add3A_319 : i32 to index
        %get3A_322 = arith.constant 0 : index
        %get3A_323 = tpu.vector_load %arg10[%get3A_320, %get3A_321, %get3A_322] {strides = array<i32>} : memref<2x128x16xf32, #tpu.memory_space<vmem>>, vector<1x1x16xf32>,
        %get3A_324 = vector.shape_cast %get3A_323 : vector<1x1x16xf32> to vector<16xf32>
        %get3A_325 = arith.constant 0 : i32
        %get3A_326 = arith.index_cast %get3A_325 : i32 to index
        %get3A_327 = arith.index_cast %add3A_319 : i32 to index
        %get3A_328 = arith.constant 0 : index
        %get3A_329 = tpu.vector_load %arg11[%get3A_326, %get3A_327, %get3A_328] {strides = array<i32>} : memref<2x128x80xf32, #tpu.memory_space<vmem>>, vector<1x1x16xf32>,
        %get3A_330 = vector.shape_cast %get3A_329 : vector<1x1x16xf32> to vector<16xf32>
        %add3A_331 = arith.addf %get3A_324, %get3A_330 : vector<16xf32>
        %ge3A_332 = arith.constant 0.000000e+00 : f32
        %ge3A_333 = vector.broadcast %ge3A_332 : f32 to vector<16xf32>
        %ge3A_334 = arith.cmpf oge, %add3A_331, %ge3A_333 : vector<16xf32>
        %mul3A_335 = arith.constant 2.000000e-01 : f32
        %mul3A_336 = vector.broadcast %mul3A_335 : f32 to vector<16xf32>
        %mul3A_337 = arith.mulf %add3A_331, %mul3A_336 : vector<16xf32>
        %select_n3A = arith.select %ge3A_334, %add3A_331, %mul3A_337 : vector<16xi1>, vector<16xf32>
        %max3A = arith.constant -2.000000e+00 : f32
        %max3A_338 = vector.broadcast %max3A : f32 to vector<16xf32>
        %max3A_339 = arith.maximumf %select_n3A, %max3A_338 : vector<16xf32>
        %min3A = arith.constant 2.000000e+00 : f32
        %min3A_340 = vector.broadcast %min3A : f32 to vector<16xf32>
        %min3A_341 = arith.minimumf %max3A_339, %min3A_340 : vector<16xf32>
        %exp3A = math.exp %min3A_341 : vector<16xf32>
        %swap3A = arith.constant 0 : i32
        %swap3A_342 = arith.index_cast %swap3A : i32 to index
        %swap3A_343 = arith.index_cast %add3A_319 : i32 to index
        %swap3A_344 = arith.constant 0 : index
        %swap3A_345 = tpu.vector_load %arg12[%swap3A_342, %swap3A_343, %swap3A_344] {strides = array<i32>} : memref<4x128x80xf32, #tpu.memory_space<vmem>>, vector<1x1x16xf32>,
        %swap3A_346 = vector.shape_cast %swap3A_345 : vector<1x1x16xf32> to vector<16xf32>
        %swap3A_347 = vector.shape_cast %exp3A : vector<16xf32> to vector<1x1x16xf32>
        tpu.vector_store %arg12[%swap3A_342, %swap3A_343, %swap3A_344], %swap3A_347 {strides = array<i32>} : memref<4x128x80xf32, #tpu.memory_space<vmem>>, vector<1x1x16xf32>,
        %lt3A_348 = arith.constant 0 : i32
        %lt3A_349 = vector.broadcast %lt3A_348 : i32 to vector<16xi32>
        %lt3A_350 = arith.cmpi slt, %shift_right_logical3A_9, %lt3A_349 : vector<16xi32>
        %add3A_351 = arith.constant 16 : i32
        %add3A_352 = vector.broadcast %add3A_351 : i32 to vector<16xi32>
        %add3A_353 = arith.addi %shift_right_logical3A_9, %add3A_352 : vector<16xi32>
        %select_n3A_354 = arith.select %lt3A_350, %add3A_353, %shift_right_logical3A_9 : vector<16xi1>, vector<16xi32>
        %broadcast_in_dim3A = vector.shape_cast %select_n3A_354 : vector<16xi32> to vector<16x1xi32>
        %gather3A = vector.shape_cast %broadcast_in_dim3A : vector<16x1xi32> to vector<16xi32>
        %gather3A_355 = tpu.dynamic_gather %exp3A[%gather3A] in [0] : vector<16xf32>, vector<16xi32> -> vector<16xf32>
        %get3A_356 = arith.constant 0 : i32
        %get3A_357 = arith.index_cast %get3A_356 : i32 to index
        %get3A_358 = arith.index_cast %add3A_319 : i32 to index
        %get3A_359 = arith.constant 16 : index
        %get3A_360 = tpu.vector_load %arg11[%get3A_357, %get3A_358, %get3A_359] {strides = array<i32>} : memref<2x128x80xf32, #tpu.memory_space<vmem>>, vector<1x1x16xf32>,
        %get3A_361 = vector.shape_cast %get3A_360 : vector<1x1x16xf32> to vector<16xf32>
        %mul3A_362 = arith.mulf %gather3A_355, %get3A_361 : vector<16xf32>
        %swap3A_363 = arith.constant 0 : i32
        %swap3A_364 = arith.index_cast %swap3A_363 : i32 to index
        %swap3A_365 = arith.index_cast %add3A_319 : i32 to index
        %swap3A_366 = arith.constant 16 : index
        %swap3A_367 = tpu.vector_load %arg12[%swap3A_364, %swap3A_365, %swap3A_366] {strides = array<i32>} : memref<4x128x80xf32, #tpu.memory_space<vmem>>, vector<1x1x16xf32>,
        %swap3A_368 = vector.shape_cast %swap3A_367 : vector<1x1x16xf32> to vector<16xf32>
        %swap3A_369 = vector.shape_cast %mul3A_362 : vector<16xf32> to vector<1x1x16xf32>
        tpu.vector_store %arg12[%swap3A_364, %swap3A_365, %swap3A_366], %swap3A_369 {strides = array<i32>} : memref<4x128x80xf32, #tpu.memory_space<vmem>>, vector<1x1x16xf32>,
        %lt3A_370 = arith.constant 0 : i32
        %lt3A_371 = vector.broadcast %lt3A_370 : i32 to vector<16xi32>
        %lt3A_372 = arith.cmpi slt, %shift_right_logical3A_15, %lt3A_371 : vector<16xi32>
        %add3A_373 = arith.constant 16 : i32
        %add3A_374 = vector.broadcast %add3A_373 : i32 to vector<16xi32>
        %add3A_375 = arith.addi %shift_right_logical3A_15, %add3A_374 : vector<16xi32>
        %select_n3A_376 = arith.select %lt3A_372, %add3A_375, %shift_right_logical3A_15 : vector<16xi1>, vector<16xi32>
        %broadcast_in_dim3A_377 = vector.shape_cast %select_n3A_376 : vector<16xi32> to vector<16x1xi32>
        %gather3A_378 = vector.shape_cast %broadcast_in_dim3A_377 : vector<16x1xi32> to vector<16xi32>
        %gather3A_379 = tpu.dynamic_gather %exp3A[%gather3A_378] in [0] : vector<16xf32>, vector<16xi32> -> vector<16xf32>
        %get3A_380 = arith.constant 0 : i32
        %get3A_381 = arith.index_cast %get3A_380 : i32 to index
        %get3A_382 = arith.index_cast %add3A_319 : i32 to index
        %get3A_383 = arith.constant 32 : index
        %get3A_384 = tpu.vector_load %arg11[%get3A_381, %get3A_382, %get3A_383] {strides = array<i32>} : memref<2x128x80xf32, #tpu.memory_space<vmem>>, vector<1x1x16xf32>,
        %get3A_385 = vector.shape_cast %get3A_384 : vector<1x1x16xf32> to vector<16xf32>
        %mul3A_386 = arith.mulf %gather3A_379, %get3A_385 : vector<16xf32>
        %swap3A_387 = arith.constant 0 : i32
        %swap3A_388 = arith.index_cast %swap3A_387 : i32 to index
        %swap3A_389 = arith.index_cast %add3A_319 : i32 to index
        %swap3A_390 = arith.constant 32 : index
        %swap3A_391 = tpu.vector_load %arg12[%swap3A_388, %swap3A_389, %swap3A_390] {strides = array<i32>} : memref<4x128x80xf32, #tpu.memory_space<vmem>>, vector<1x1x16xf32>,
        %swap3A_392 = vector.shape_cast %swap3A_391 : vector<1x1x16xf32> to vector<16xf32>
        %swap3A_393 = vector.shape_cast %mul3A_386 : vector<16xf32> to vector<1x1x16xf32>
        tpu.vector_store %arg12[%swap3A_388, %swap3A_389, %swap3A_390], %swap3A_393 {strides = array<i32>} : memref<4x128x80xf32, #tpu.memory_space<vmem>>, vector<1x1x16xf32>,
        %lt3A_394 = arith.constant 0 : i32
        %lt3A_395 = vector.broadcast %lt3A_394 : i32 to vector<16xi32>
        %lt3A_396 = arith.cmpi slt, %shift_right_logical3A_21, %lt3A_395 : vector<16xi32>
        %add3A_397 = arith.constant 16 : i32
        %add3A_398 = vector.broadcast %add3A_397 : i32 to vector<16xi32>
        %add3A_399 = arith.addi %shift_right_logical3A_21, %add3A_398 : vector<16xi32>
        %select_n3A_400 = arith.select %lt3A_396, %add3A_399, %shift_right_logical3A_21 : vector<16xi1>, vector<16xi32>
        %broadcast_in_dim3A_401 = vector.shape_cast %select_n3A_400 : vector<16xi32> to vector<16x1xi32>
        %gather3A_402 = vector.shape_cast %broadcast_in_dim3A_401 : vector<16x1xi32> to vector<16xi32>
        %gather3A_403 = tpu.dynamic_gather %exp3A[%gather3A_402] in [0] : vector<16xf32>, vector<16xi32> -> vector<16xf32>
        %get3A_404 = arith.constant 0 : i32
        %get3A_405 = arith.index_cast %get3A_404 : i32 to index
        %get3A_406 = arith.index_cast %add3A_319 : i32 to index
        %get3A_407 = arith.constant 48 : index
        %get3A_408 = tpu.vector_load %arg11[%get3A_405, %get3A_406, %get3A_407] {strides = array<i32>} : memref<2x128x80xf32, #tpu.memory_space<vmem>>, vector<1x1x16xf32>,
        %get3A_409 = vector.shape_cast %get3A_408 : vector<1x1x16xf32> to vector<16xf32>
        %mul3A_410 = arith.mulf %gather3A_403, %get3A_409 : vector<16xf32>
        %swap3A_411 = arith.constant 0 : i32
        %swap3A_412 = arith.index_cast %swap3A_411 : i32 to index
        %swap3A_413 = arith.index_cast %add3A_319 : i32 to index
        %swap3A_414 = arith.constant 48 : index
        %swap3A_415 = tpu.vector_load %arg12[%swap3A_412, %swap3A_413, %swap3A_414] {strides = array<i32>} : memref<4x128x80xf32, #tpu.memory_space<vmem>>, vector<1x1x16xf32>,
        %swap3A_416 = vector.shape_cast %swap3A_415 : vector<1x1x16xf32> to vector<16xf32>
        %swap3A_417 = vector.shape_cast %mul3A_410 : vector<16xf32> to vector<1x1x16xf32>
        tpu.vector_store %arg12[%swap3A_412, %swap3A_413, %swap3A_414], %swap3A_417 {strides = array<i32>} : memref<4x128x80xf32, #tpu.memory_space<vmem>>, vector<1x1x16xf32>,
        %lt3A_418 = arith.constant 0 : i32
        %lt3A_419 = vector.broadcast %lt3A_418 : i32 to vector<16xi32>
        %lt3A_420 = arith.cmpi slt, %shift_right_logical3A_27, %lt3A_419 : vector<16xi32>
        %add3A_421 = arith.constant 16 : i32
        %add3A_422 = vector.broadcast %add3A_421 : i32 to vector<16xi32>
        %add3A_423 = arith.addi %shift_right_logical3A_27, %add3A_422 : vector<16xi32>
        %select_n3A_424 = arith.select %lt3A_420, %add3A_423, %shift_right_logical3A_27 : vector<16xi1>, vector<16xi32>
        %broadcast_in_dim3A_425 = vector.shape_cast %select_n3A_424 : vector<16xi32> to vector<16x1xi32>
        %gather3A_426 = vector.shape_cast %broadcast_in_dim3A_425 : vector<16x1xi32> to vector<16xi32>
        %gather3A_427 = tpu.dynamic_gather %exp3A[%gather3A_426] in [0] : vector<16xf32>, vector<16xi32> -> vector<16xf32>
        %get3A_428 = arith.constant 0 : i32
        %get3A_429 = arith.index_cast %get3A_428 : i32 to index
        %get3A_430 = arith.index_cast %add3A_319 : i32 to index
        %get3A_431 = arith.constant 64 : index
        %get3A_432 = tpu.vector_load %arg11[%get3A_429, %get3A_430, %get3A_431] {strides = array<i32>} : memref<2x128x80xf32, #tpu.memory_space<vmem>>, vector<1x1x16xf32>,
        %get3A_433 = vector.shape_cast %get3A_432 : vector<1x1x16xf32> to vector<16xf32>
        %mul3A_434 = arith.mulf %gather3A_427, %get3A_433 : vector<16xf32>
        %swap3A_435 = arith.constant 0 : i32
        %swap3A_436 = arith.index_cast %swap3A_435 : i32 to index
        %swap3A_437 = arith.index_cast %add3A_319 : i32 to index
        %swap3A_438 = arith.constant 64 : index
        %swap3A_439 = tpu.vector_load %arg12[%swap3A_436, %swap3A_437, %swap3A_438] {strides = array<i32>} : memref<4x128x80xf32, #tpu.memory_space<vmem>>, vector<1x1x16xf32>,
        %swap3A_440 = vector.shape_cast %swap3A_439 : vector<1x1x16xf32> to vector<16xf32>
        %swap3A_441 = vector.shape_cast %mul3A_434 : vector<16xf32> to vector<1x1x16xf32>
        tpu.vector_store %arg12[%swap3A_436, %swap3A_437, %swap3A_438], %swap3A_441 {strides = array<i32>} : memref<4x128x80xf32, #tpu.memory_space<vmem>>, vector<1x1x16xf32>,
      }
      %scan3A_137 = arith.constant 128 : i32
      %dma_start3A_138 = arith.constant 0 : i32
      %dma_start3A_139 = arith.constant 0 : i32
      %dma_start3A_140 = arith.constant 0 : i32
      %dma_start3A_141 = arith.constant 0 : i32
      %dma_start3A_142 = tpu.memref_slice %arg12[%dma_start3A_138, %dma_start3A_140, %dma_start3A_141] : memref<4x128x80xf32, #tpu.memory_space<vmem>> -> memref<1x128x80xf32, #tpu.memory_space<vmem>>
      %dma_start3A_143 = tpu.memref_squeeze %dma_start3A_142 : memref<1x128x80xf32, #tpu.memory_space<vmem>> -> memref<128x80xf32, #tpu.memory_space<vmem>>
      %dma_start3A_144 = arith.constant 0 : i32
      %dma_start3A_145 = tpu.memref_slice %arg9[%dma_start3A_139, %dma_start3A_144] : memref<4x128xi32, #tpu.memory_space<vmem>> -> memref<1x128xi32, #tpu.memory_space<vmem>>
      %dma_start3A_146 = tpu.memref_squeeze %dma_start3A_145 : memref<1x128xi32, #tpu.memory_space<vmem>> -> memref<128xi32, #tpu.memory_space<vmem>>
      %dma_start3A_147 = arith.constant 0 : i32
      %dma_start3A_148 = arith.constant 0 : i32
      %dma_start3A_149 = tpu.memref_slice %arg13[%dma_start3A_147, %dma_start3A_148] : memref<10112x80xf32, #tpu.memory_space<vmem_shared>> -> memref<10112x80xf32, #tpu.memory_space<vmem_shared>>
      tpu.enqueue_indirect_dma source(%dma_start3A_143 : memref<128x80xf32, #tpu.memory_space<vmem>>) target(%dma_start3A_149 : memref<10112x80xf32, #tpu.memory_space<vmem_shared>>) offsets(%dma_start3A_146 : memref<128xi32, #tpu.memory_space<vmem>>) semaphore(%arg16 : memref<!tpu.dma_semaphore, #tpu.memory_space<semaphore_mem>>) {add = true}
      %add3A_150 = arith.constant 1 : i32
      %add3A_151 = arith.addi %add3A_98, %add3A_150 : i32
      %ge3A_152 = arith.constant 3 : i32
      %ge3A_153 = arith.cmpi sge, %add3A_151, %ge3A_152 : i32
      %convert_element_type3A_154 = arith.extui %ge3A_153 : i1 to i32
      %cond3A_155 = arith.constant 0 : i32
      %cond3A_156 = arith.cmpi ne, %convert_element_type3A_154, %cond3A_155 : i32
      scf.if %cond3A_156 {
        %dma_wait3A_315 = arith.constant 2 : i32
        %dma_wait3A_316 = arith.constant 2 : i32
        %dma_wait3A_317 = arith.constant 0 : i32
        %dma_wait3A_318 = arith.constant 0 : i32
        %dma_wait3A_319 = tpu.memref_slice %arg12[%dma_wait3A_315, %dma_wait3A_317, %dma_wait3A_318] : memref<4x128x80xf32, #tpu.memory_space<vmem>> -> memref<1x128x80xf32, #tpu.memory_space<vmem>>
        %dma_wait3A_320 = tpu.memref_squeeze %dma_wait3A_319 : memref<1x128x80xf32, #tpu.memory_space<vmem>> -> memref<128x80xf32, #tpu.memory_space<vmem>>
        %dma_wait3A_321 = arith.constant 0 : i32
        %dma_wait3A_322 = tpu.memref_slice %arg9[%dma_wait3A_316, %dma_wait3A_321] : memref<4x128xi32, #tpu.memory_space<vmem>> -> memref<1x128xi32, #tpu.memory_space<vmem>>
        %dma_wait3A_323 = tpu.memref_squeeze %dma_wait3A_322 : memref<1x128xi32, #tpu.memory_space<vmem>> -> memref<128xi32, #tpu.memory_space<vmem>>
        %dma_wait3A_324 = arith.constant 0 : i32
        %dma_wait3A_325 = arith.constant 0 : i32
        %dma_wait3A_326 = tpu.memref_slice %arg13[%dma_wait3A_324, %dma_wait3A_325] : memref<10112x80xf32, #tpu.memory_space<vmem_shared>> -> memref<10112x80xf32, #tpu.memory_space<vmem_shared>>
        tpu.wait_indirect_dma semaphore(%arg18 : memref<!tpu.dma_semaphore, #tpu.memory_space<semaphore_mem>>) src(%dma_wait3A_320 : memref<128x80xf32, #tpu.memory_space<vmem>>) dst(%dma_wait3A_326 : memref<10112x80xf32, #tpu.memory_space<vmem_shared>>)
      } else {
      }
      %add3A_157 = arith.constant 1 : i32
      %add3A_158 = arith.addi %add3A_151, %add3A_157 : i32
      %lt3A_159 = arith.constant 40 : i32
      %lt3A_160 = arith.cmpi slt, %add3A_158, %lt3A_159 : i32
      %convert_element_type3A_161 = arith.extui %lt3A_160 : i1 to i32
      %cond3A_162 = arith.constant 0 : i32
      %cond3A_163 = arith.cmpi ne, %convert_element_type3A_161, %cond3A_162 : i32
      scf.if %cond3A_163 {
        %add3A_315 = arith.constant 1 : i32
        %add3A_316 = arith.addi %add3A_151, %add3A_315 : i32
        %mul3A_317 = arith.constant 128 : i32
        %mul3A_318 = arith.muli %add3A_316, %mul3A_317 : i32
        %add3A_319 = arith.addi %mul3A_4, %mul3A_318 : i32
        %multiple_of3A_320 = tpu.assume_multiple %add3A_319, 8 : i32
        %run_scoped3A_321 = arith.constant 2 : i32
        "tpu.region"() ({
          %run_scoped3A_347 = tpu.sem_alloc : memref<!tpu.dma_semaphore, #tpu.memory_space<semaphore_mem>>
          %dma_start3A_348 = arith.constant 0 : i32
          %dma_start3A_349 = tpu.memref_slice %arg9[%run_scoped3A_321, %dma_start3A_348] : memref<4x128xi32, #tpu.memory_space<vmem>> -> memref<1x128xi32, #tpu.memory_space<vmem>>
          %dma_start3A_350 = tpu.memref_squeeze %dma_start3A_349 : memref<1x128xi32, #tpu.memory_space<vmem>> -> memref<128xi32, #tpu.memory_space<vmem>>
          %dma_start3A_351 = tpu.memref_slice %arg2[%multiple_of3A_320] : memref<163840xi32, #tpu.memory_space<hbm>> -> memref<128xi32, #tpu.memory_space<hbm>>
          %dma_start3A_352 = arith.constant 0 : i32
          %dma_start3A_353 = tpu.memref_slice %arg9[%run_scoped3A_321, %dma_start3A_352] : memref<4x128xi32, #tpu.memory_space<vmem>> -> memref<1x128xi32, #tpu.memory_space<vmem>>
          %dma_start3A_354 = tpu.memref_squeeze %dma_start3A_353 : memref<1x128xi32, #tpu.memory_space<vmem>> -> memref<128xi32, #tpu.memory_space<vmem>>
          %dma_start3A_355 = tpu.memref_slice %arg2[%multiple_of3A_320] : memref<163840xi32, #tpu.memory_space<hbm>> -> memref<128xi32, #tpu.memory_space<hbm>>
          tpu.enqueue_dma source(%dma_start3A_355 : memref<128xi32, #tpu.memory_space<hbm>>) target(%dma_start3A_354 : memref<128xi32, #tpu.memory_space<vmem>>) target_semaphore(%run_scoped3A_347 : memref<!tpu.dma_semaphore, #tpu.memory_space<semaphore_mem>>)
          %dma_wait3A_356 = arith.constant 0 : i32
          %dma_wait3A_357 = tpu.memref_slice %arg9[%run_scoped3A_321, %dma_wait3A_356] : memref<4x128xi32, #tpu.memory_space<vmem>> -> memref<1x128xi32, #tpu.memory_space<vmem>>
          %dma_wait3A_358 = tpu.memref_squeeze %dma_wait3A_357 : memref<1x128xi32, #tpu.memory_space<vmem>> -> memref<128xi32, #tpu.memory_space<vmem>>
          %dma_wait3A_359 = tpu.memref_slice %arg2[%multiple_of3A_320] : memref<163840xi32, #tpu.memory_space<hbm>> -> memref<128xi32, #tpu.memory_space<hbm>>
          %dma_wait3A_360 = arith.constant 0 : i32
          %dma_wait3A_361 = tpu.memref_slice %arg9[%run_scoped3A_321, %dma_wait3A_360] : memref<4x128xi32, #tpu.memory_space<vmem>> -> memref<1x128xi32, #tpu.memory_space<vmem>>
          %dma_wait3A_362 = tpu.memref_squeeze %dma_wait3A_361 : memref<1x128xi32, #tpu.memory_space<vmem>> -> memref<128xi32, #tpu.memory_space<vmem>>
          %dma_wait3A_363 = tpu.memref_slice %arg2[%multiple_of3A_320] : memref<163840xi32, #tpu.memory_space<hbm>> -> memref<128xi32, #tpu.memory_space<hbm>>
          tpu.wait_dma2 semaphore(%run_scoped3A_347 : memref<!tpu.dma_semaphore, #tpu.memory_space<semaphore_mem>>) src(%dma_wait3A_363 : memref<128xi32, #tpu.memory_space<hbm>>) dst(%dma_wait3A_362 : memref<128xi32, #tpu.memory_space<vmem>>)
          tpu.yield
        }) : () -> ()
        %run_scoped3A_322 = arith.constant 0 : i32
        "tpu.region"() ({
          %run_scoped3A_347 = tpu.sem_alloc : memref<!tpu.dma_semaphore, #tpu.memory_space<semaphore_mem>>
          %dma_start3A_348 = arith.constant 0 : i32
          %dma_start3A_349 = tpu.memref_slice %arg8[%run_scoped3A_322, %dma_start3A_348] : memref<2x128xi32, #tpu.memory_space<vmem>> -> memref<1x128xi32, #tpu.memory_space<vmem>>
          %dma_start3A_350 = tpu.memref_squeeze %dma_start3A_349 : memref<1x128xi32, #tpu.memory_space<vmem>> -> memref<128xi32, #tpu.memory_space<vmem>>
          %dma_start3A_351 = tpu.memref_slice %arg3[%multiple_of3A_320] : memref<163840xi32, #tpu.memory_space<hbm>> -> memref<128xi32, #tpu.memory_space<hbm>>
          %dma_start3A_352 = arith.constant 0 : i32
          %dma_start3A_353 = tpu.memref_slice %arg8[%run_scoped3A_322, %dma_start3A_352] : memref<2x128xi32, #tpu.memory_space<vmem>> -> memref<1x128xi32, #tpu.memory_space<vmem>>
          %dma_start3A_354 = tpu.memref_squeeze %dma_start3A_353 : memref<1x128xi32, #tpu.memory_space<vmem>> -> memref<128xi32, #tpu.memory_space<vmem>>
          %dma_start3A_355 = tpu.memref_slice %arg3[%multiple_of3A_320] : memref<163840xi32, #tpu.memory_space<hbm>> -> memref<128xi32, #tpu.memory_space<hbm>>
          tpu.enqueue_dma source(%dma_start3A_355 : memref<128xi32, #tpu.memory_space<hbm>>) target(%dma_start3A_354 : memref<128xi32, #tpu.memory_space<vmem>>) target_semaphore(%run_scoped3A_347 : memref<!tpu.dma_semaphore, #tpu.memory_space<semaphore_mem>>)
          %dma_wait3A_356 = arith.constant 0 : i32
          %dma_wait3A_357 = tpu.memref_slice %arg8[%run_scoped3A_322, %dma_wait3A_356] : memref<2x128xi32, #tpu.memory_space<vmem>> -> memref<1x128xi32, #tpu.memory_space<vmem>>
          %dma_wait3A_358 = tpu.memref_squeeze %dma_wait3A_357 : memref<1x128xi32, #tpu.memory_space<vmem>> -> memref<128xi32, #tpu.memory_space<vmem>>
          %dma_wait3A_359 = tpu.memref_slice %arg3[%multiple_of3A_320] : memref<163840xi32, #tpu.memory_space<hbm>> -> memref<128xi32, #tpu.memory_space<hbm>>
          %dma_wait3A_360 = arith.constant 0 : i32
          %dma_wait3A_361 = tpu.memref_slice %arg8[%run_scoped3A_322, %dma_wait3A_360] : memref<2x128xi32, #tpu.memory_space<vmem>> -> memref<1x128xi32, #tpu.memory_space<vmem>>
          %dma_wait3A_362 = tpu.memref_squeeze %dma_wait3A_361 : memref<1x128xi32, #tpu.memory_space<vmem>> -> memref<128xi32, #tpu.memory_space<vmem>>
          %dma_wait3A_363 = tpu.memref_slice %arg3[%multiple_of3A_320] : memref<163840xi32, #tpu.memory_space<hbm>> -> memref<128xi32, #tpu.memory_space<hbm>>
          tpu.wait_dma2 semaphore(%run_scoped3A_347 : memref<!tpu.dma_semaphore, #tpu.memory_space<semaphore_mem>>) src(%dma_wait3A_363 : memref<128xi32, #tpu.memory_space<hbm>>) dst(%dma_wait3A_362 : memref<128xi32, #tpu.memory_space<vmem>>)
          tpu.yield
        }) : () -> ()
        %dma_start3A_323 = arith.constant 2 : i32
        %dma_start3A_324 = arith.constant 0 : i32
        %dma_start3A_325 = arith.constant 0 : i32
        %dma_start3A_326 = arith.constant 0 : i32
        %dma_start3A_327 = tpu.memref_slice %arg10[%dma_start3A_324, %dma_start3A_325, %dma_start3A_326] : memref<2x128x16xf32, #tpu.memory_space<vmem>> -> memref<1x128x16xf32, #tpu.memory_space<vmem>>
        %dma_start3A_328 = tpu.memref_squeeze %dma_start3A_327 : memref<1x128x16xf32, #tpu.memory_space<vmem>> -> memref<128x16xf32, #tpu.memory_space<vmem>>
        %dma_start3A_329 = arith.constant 0 : i32
        %dma_start3A_330 = tpu.memref_slice %arg9[%dma_start3A_323, %dma_start3A_329] : memref<4x128xi32, #tpu.memory_space<vmem>> -> memref<1x128xi32, #tpu.memory_space<vmem>>
        %dma_start3A_331 = tpu.memref_squeeze %dma_start3A_330 : memref<1x128xi32, #tpu.memory_space<vmem>> -> memref<128xi32, #tpu.memory_space<vmem>>
        %dma_start3A_332 = arith.constant 0 : i32
        %dma_start3A_333 = arith.constant 0 : i32
        %dma_start3A_334 = tpu.memref_slice %arg4[%dma_start3A_332, %dma_start3A_333] : memref<10112x16xf32, #tpu.memory_space<hbm>> -> memref<10112x16xf32, #tpu.memory_space<hbm>>
        tpu.enqueue_indirect_dma source(%dma_start3A_334 : memref<10112x16xf32, #tpu.memory_space<hbm>>) target(%dma_start3A_328 : memref<128x16xf32, #tpu.memory_space<vmem>>) offsets(%dma_start3A_331 : memref<128xi32, #tpu.memory_space<vmem>>) semaphore(%arg14 : memref<!tpu.dma_semaphore, #tpu.memory_space<semaphore_mem>>)
        %dma_start3A_335 = arith.constant 0 : i32
        %dma_start3A_336 = arith.constant 0 : i32
        %dma_start3A_337 = arith.constant 0 : i32
        %dma_start3A_338 = arith.constant 0 : i32
        %dma_start3A_339 = tpu.memref_slice %arg11[%dma_start3A_336, %dma_start3A_337, %dma_start3A_338] : memref<2x128x80xf32, #tpu.memory_space<vmem>> -> memref<1x128x80xf32, #tpu.memory_space<vmem>>
        %dma_start3A_340 = tpu.memref_squeeze %dma_start3A_339 : memref<1x128x80xf32, #tpu.memory_space<vmem>> -> memref<128x80xf32, #tpu.memory_space<vmem>>
        %dma_start3A_341 = arith.constant 0 : i32
        %dma_start3A_342 = tpu.memref_slice %arg8[%dma_start3A_335, %dma_start3A_341] : memref<2x128xi32, #tpu.memory_space<vmem>> -> memref<1x128xi32, #tpu.memory_space<vmem>>
        %dma_start3A_343 = tpu.memref_squeeze %dma_start3A_342 : memref<1x128xi32, #tpu.memory_space<vmem>> -> memref<128xi32, #tpu.memory_space<vmem>>
        %dma_start3A_344 = arith.constant 0 : i32
        %dma_start3A_345 = arith.constant 0 : i32
        %dma_start3A_346 = tpu.memref_slice %arg5[%dma_start3A_344, %dma_start3A_345] : memref<10112x80xf32, #tpu.memory_space<hbm>> -> memref<10112x80xf32, #tpu.memory_space<hbm>>
        tpu.enqueue_indirect_dma source(%dma_start3A_346 : memref<10112x80xf32, #tpu.memory_space<hbm>>) target(%dma_start3A_340 : memref<128x80xf32, #tpu.memory_space<vmem>>) offsets(%dma_start3A_343 : memref<128xi32, #tpu.memory_space<vmem>>) semaphore(%arg14 : memref<!tpu.dma_semaphore, #tpu.memory_space<semaphore_mem>>)
      } else {
      }
      %dma_wait3A_164 = arith.constant 1 : i32
      %dma_wait3A_165 = arith.constant 1 : i32
      %dma_wait3A_166 = arith.constant 0 : i32
      %dma_wait3A_167 = arith.constant 0 : i32
      %dma_wait3A_168 = tpu.memref_slice %arg10[%dma_wait3A_165, %dma_wait3A_166, %dma_wait3A_167] : memref<2x128x16xf32, #tpu.memory_space<vmem>> -> memref<1x128x16xf32, #tpu.memory_space<vmem>>
      %dma_wait3A_169 = tpu.memref_squeeze %dma_wait3A_168 : memref<1x128x16xf32, #tpu.memory_space<vmem>> -> memref<128x16xf32, #tpu.memory_space<vmem>>
      %dma_wait3A_170 = arith.constant 0 : i32
      %dma_wait3A_171 = tpu.memref_slice %arg9[%dma_wait3A_164, %dma_wait3A_170] : memref<4x128xi32, #tpu.memory_space<vmem>> -> memref<1x128xi32, #tpu.memory_space<vmem>>
      %dma_wait3A_172 = tpu.memref_squeeze %dma_wait3A_171 : memref<1x128xi32, #tpu.memory_space<vmem>> -> memref<128xi32, #tpu.memory_space<vmem>>
      %dma_wait3A_173 = arith.constant 0 : i32
      %dma_wait3A_174 = arith.constant 0 : i32
      %dma_wait3A_175 = tpu.memref_slice %arg4[%dma_wait3A_173, %dma_wait3A_174] : memref<10112x16xf32, #tpu.memory_space<hbm>> -> memref<10112x16xf32, #tpu.memory_space<hbm>>
      tpu.wait_indirect_dma semaphore(%arg15 : memref<!tpu.dma_semaphore, #tpu.memory_space<semaphore_mem>>) src(%dma_wait3A_175 : memref<10112x16xf32, #tpu.memory_space<hbm>>) dst(%dma_wait3A_169 : memref<128x16xf32, #tpu.memory_space<vmem>>)
      %dma_wait3A_176 = arith.constant 1 : i32
      %dma_wait3A_177 = arith.constant 1 : i32
      %dma_wait3A_178 = arith.constant 0 : i32
      %dma_wait3A_179 = arith.constant 0 : i32
      %dma_wait3A_180 = tpu.memref_slice %arg11[%dma_wait3A_177, %dma_wait3A_178, %dma_wait3A_179] : memref<2x128x80xf32, #tpu.memory_space<vmem>> -> memref<1x128x80xf32, #tpu.memory_space<vmem>>
      %dma_wait3A_181 = tpu.memref_squeeze %dma_wait3A_180 : memref<1x128x80xf32, #tpu.memory_space<vmem>> -> memref<128x80xf32, #tpu.memory_space<vmem>>
      %dma_wait3A_182 = arith.constant 0 : i32
      %dma_wait3A_183 = tpu.memref_slice %arg8[%dma_wait3A_176, %dma_wait3A_182] : memref<2x128xi32, #tpu.memory_space<vmem>> -> memref<1x128xi32, #tpu.memory_space<vmem>>
      %dma_wait3A_184 = tpu.memref_squeeze %dma_wait3A_183 : memref<1x128xi32, #tpu.memory_space<vmem>> -> memref<128xi32, #tpu.memory_space<vmem>>
      %dma_wait3A_185 = arith.constant 0 : i32
      %dma_wait3A_186 = arith.constant 0 : i32
      %dma_wait3A_187 = tpu.memref_slice %arg5[%dma_wait3A_185, %dma_wait3A_186] : memref<10112x80xf32, #tpu.memory_space<hbm>> -> memref<10112x80xf32, #tpu.memory_space<hbm>>
      tpu.wait_indirect_dma semaphore(%arg15 : memref<!tpu.dma_semaphore, #tpu.memory_space<semaphore_mem>>) src(%dma_wait3A_187 : memref<10112x80xf32, #tpu.memory_space<hbm>>) dst(%dma_wait3A_181 : memref<128x80xf32, #tpu.memory_space<vmem>>)
      %scan3A_188 = arith.constant 0 : i32
      %scan3A_189 = arith.constant 128 : i32
      %scan3A_190 = arith.addi %scan3A_188, %scan3A_189 : i32
      %scan3A_191 = arith.constant 1 : i32
      scf.for %scan3A_315 = %scan3A_188 to %scan3A_190 step %scan3A_191  : i32 {
        %mul3A_316 = arith.constant 1 : i32
        %mul3A_317 = arith.muli %scan3A_315, %mul3A_316 : i32
        %add3A_318 = arith.constant 0 : i32
        %add3A_319 = arith.addi %add3A_318, %mul3A_317 : i32
        %get3A = arith.constant 1 : i32
        %get3A_320 = arith.index_cast %get3A : i32 to index
        %get3A_321 = arith.index_cast %add3A_319 : i32 to index
        %get3A_322 = arith.constant 0 : index
        %get3A_323 = tpu.vector_load %arg10[%get3A_320, %get3A_321, %get3A_322] {strides = array<i32>} : memref<2x128x16xf32, #tpu.memory_space<vmem>>, vector<1x1x16xf32>,
        %get3A_324 = vector.shape_cast %get3A_323 : vector<1x1x16xf32> to vector<16xf32>
        %get3A_325 = arith.constant 1 : i32
        %get3A_326 = arith.index_cast %get3A_325 : i32 to index
        %get3A_327 = arith.index_cast %add3A_319 : i32 to index
        %get3A_328 = arith.constant 0 : index
        %get3A_329 = tpu.vector_load %arg11[%get3A_326, %get3A_327, %get3A_328] {strides = array<i32>} : memref<2x128x80xf32, #tpu.memory_space<vmem>>, vector<1x1x16xf32>,
        %get3A_330 = vector.shape_cast %get3A_329 : vector<1x1x16xf32> to vector<16xf32>
        %add3A_331 = arith.addf %get3A_324, %get3A_330 : vector<16xf32>
        %ge3A_332 = arith.constant 0.000000e+00 : f32
        %ge3A_333 = vector.broadcast %ge3A_332 : f32 to vector<16xf32>
        %ge3A_334 = arith.cmpf oge, %add3A_331, %ge3A_333 : vector<16xf32>
        %mul3A_335 = arith.constant 2.000000e-01 : f32
        %mul3A_336 = vector.broadcast %mul3A_335 : f32 to vector<16xf32>
        %mul3A_337 = arith.mulf %add3A_331, %mul3A_336 : vector<16xf32>
        %select_n3A = arith.select %ge3A_334, %add3A_331, %mul3A_337 : vector<16xi1>, vector<16xf32>
        %max3A = arith.constant -2.000000e+00 : f32
        %max3A_338 = vector.broadcast %max3A : f32 to vector<16xf32>
        %max3A_339 = arith.maximumf %select_n3A, %max3A_338 : vector<16xf32>
        %min3A = arith.constant 2.000000e+00 : f32
        %min3A_340 = vector.broadcast %min3A : f32 to vector<16xf32>
        %min3A_341 = arith.minimumf %max3A_339, %min3A_340 : vector<16xf32>
        %exp3A = math.exp %min3A_341 : vector<16xf32>
        %swap3A = arith.constant 1 : i32
        %swap3A_342 = arith.index_cast %swap3A : i32 to index
        %swap3A_343 = arith.index_cast %add3A_319 : i32 to index
        %swap3A_344 = arith.constant 0 : index
        %swap3A_345 = tpu.vector_load %arg12[%swap3A_342, %swap3A_343, %swap3A_344] {strides = array<i32>} : memref<4x128x80xf32, #tpu.memory_space<vmem>>, vector<1x1x16xf32>,
        %swap3A_346 = vector.shape_cast %swap3A_345 : vector<1x1x16xf32> to vector<16xf32>
        %swap3A_347 = vector.shape_cast %exp3A : vector<16xf32> to vector<1x1x16xf32>
        tpu.vector_store %arg12[%swap3A_342, %swap3A_343, %swap3A_344], %swap3A_347 {strides = array<i32>} : memref<4x128x80xf32, #tpu.memory_space<vmem>>, vector<1x1x16xf32>,
        %lt3A_348 = arith.constant 0 : i32
        %lt3A_349 = vector.broadcast %lt3A_348 : i32 to vector<16xi32>
        %lt3A_350 = arith.cmpi slt, %shift_right_logical3A_9, %lt3A_349 : vector<16xi32>
        %add3A_351 = arith.constant 16 : i32
        %add3A_352 = vector.broadcast %add3A_351 : i32 to vector<16xi32>
        %add3A_353 = arith.addi %shift_right_logical3A_9, %add3A_352 : vector<16xi32>
        %select_n3A_354 = arith.select %lt3A_350, %add3A_353, %shift_right_logical3A_9 : vector<16xi1>, vector<16xi32>
        %broadcast_in_dim3A = vector.shape_cast %select_n3A_354 : vector<16xi32> to vector<16x1xi32>
        %gather3A = vector.shape_cast %broadcast_in_dim3A : vector<16x1xi32> to vector<16xi32>
        %gather3A_355 = tpu.dynamic_gather %exp3A[%gather3A] in [0] : vector<16xf32>, vector<16xi32> -> vector<16xf32>
        %get3A_356 = arith.constant 1 : i32
        %get3A_357 = arith.index_cast %get3A_356 : i32 to index
        %get3A_358 = arith.index_cast %add3A_319 : i32 to index
        %get3A_359 = arith.constant 16 : index
        %get3A_360 = tpu.vector_load %arg11[%get3A_357, %get3A_358, %get3A_359] {strides = array<i32>} : memref<2x128x80xf32, #tpu.memory_space<vmem>>, vector<1x1x16xf32>,
        %get3A_361 = vector.shape_cast %get3A_360 : vector<1x1x16xf32> to vector<16xf32>
        %mul3A_362 = arith.mulf %gather3A_355, %get3A_361 : vector<16xf32>
        %swap3A_363 = arith.constant 1 : i32
        %swap3A_364 = arith.index_cast %swap3A_363 : i32 to index
        %swap3A_365 = arith.index_cast %add3A_319 : i32 to index
        %swap3A_366 = arith.constant 16 : index
        %swap3A_367 = tpu.vector_load %arg12[%swap3A_364, %swap3A_365, %swap3A_366] {strides = array<i32>} : memref<4x128x80xf32, #tpu.memory_space<vmem>>, vector<1x1x16xf32>,
        %swap3A_368 = vector.shape_cast %swap3A_367 : vector<1x1x16xf32> to vector<16xf32>
        %swap3A_369 = vector.shape_cast %mul3A_362 : vector<16xf32> to vector<1x1x16xf32>
        tpu.vector_store %arg12[%swap3A_364, %swap3A_365, %swap3A_366], %swap3A_369 {strides = array<i32>} : memref<4x128x80xf32, #tpu.memory_space<vmem>>, vector<1x1x16xf32>,
        %lt3A_370 = arith.constant 0 : i32
        %lt3A_371 = vector.broadcast %lt3A_370 : i32 to vector<16xi32>
        %lt3A_372 = arith.cmpi slt, %shift_right_logical3A_15, %lt3A_371 : vector<16xi32>
        %add3A_373 = arith.constant 16 : i32
        %add3A_374 = vector.broadcast %add3A_373 : i32 to vector<16xi32>
        %add3A_375 = arith.addi %shift_right_logical3A_15, %add3A_374 : vector<16xi32>
        %select_n3A_376 = arith.select %lt3A_372, %add3A_375, %shift_right_logical3A_15 : vector<16xi1>, vector<16xi32>
        %broadcast_in_dim3A_377 = vector.shape_cast %select_n3A_376 : vector<16xi32> to vector<16x1xi32>
        %gather3A_378 = vector.shape_cast %broadcast_in_dim3A_377 : vector<16x1xi32> to vector<16xi32>
        %gather3A_379 = tpu.dynamic_gather %exp3A[%gather3A_378] in [0] : vector<16xf32>, vector<16xi32> -> vector<16xf32>
        %get3A_380 = arith.constant 1 : i32
        %get3A_381 = arith.index_cast %get3A_380 : i32 to index
        %get3A_382 = arith.index_cast %add3A_319 : i32 to index
        %get3A_383 = arith.constant 32 : index
        %get3A_384 = tpu.vector_load %arg11[%get3A_381, %get3A_382, %get3A_383] {strides = array<i32>} : memref<2x128x80xf32, #tpu.memory_space<vmem>>, vector<1x1x16xf32>,
        %get3A_385 = vector.shape_cast %get3A_384 : vector<1x1x16xf32> to vector<16xf32>
        %mul3A_386 = arith.mulf %gather3A_379, %get3A_385 : vector<16xf32>
        %swap3A_387 = arith.constant 1 : i32
        %swap3A_388 = arith.index_cast %swap3A_387 : i32 to index
        %swap3A_389 = arith.index_cast %add3A_319 : i32 to index
        %swap3A_390 = arith.constant 32 : index
        %swap3A_391 = tpu.vector_load %arg12[%swap3A_388, %swap3A_389, %swap3A_390] {strides = array<i32>} : memref<4x128x80xf32, #tpu.memory_space<vmem>>, vector<1x1x16xf32>,
        %swap3A_392 = vector.shape_cast %swap3A_391 : vector<1x1x16xf32> to vector<16xf32>
        %swap3A_393 = vector.shape_cast %mul3A_386 : vector<16xf32> to vector<1x1x16xf32>
        tpu.vector_store %arg12[%swap3A_388, %swap3A_389, %swap3A_390], %swap3A_393 {strides = array<i32>} : memref<4x128x80xf32, #tpu.memory_space<vmem>>, vector<1x1x16xf32>,
        %lt3A_394 = arith.constant 0 : i32
        %lt3A_395 = vector.broadcast %lt3A_394 : i32 to vector<16xi32>
        %lt3A_396 = arith.cmpi slt, %shift_right_logical3A_21, %lt3A_395 : vector<16xi32>
        %add3A_397 = arith.constant 16 : i32
        %add3A_398 = vector.broadcast %add3A_397 : i32 to vector<16xi32>
        %add3A_399 = arith.addi %shift_right_logical3A_21, %add3A_398 : vector<16xi32>
        %select_n3A_400 = arith.select %lt3A_396, %add3A_399, %shift_right_logical3A_21 : vector<16xi1>, vector<16xi32>
        %broadcast_in_dim3A_401 = vector.shape_cast %select_n3A_400 : vector<16xi32> to vector<16x1xi32>
        %gather3A_402 = vector.shape_cast %broadcast_in_dim3A_401 : vector<16x1xi32> to vector<16xi32>
        %gather3A_403 = tpu.dynamic_gather %exp3A[%gather3A_402] in [0] : vector<16xf32>, vector<16xi32> -> vector<16xf32>
        %get3A_404 = arith.constant 1 : i32
        %get3A_405 = arith.index_cast %get3A_404 : i32 to index
        %get3A_406 = arith.index_cast %add3A_319 : i32 to index
        %get3A_407 = arith.constant 48 : index
        %get3A_408 = tpu.vector_load %arg11[%get3A_405, %get3A_406, %get3A_407] {strides = array<i32>} : memref<2x128x80xf32, #tpu.memory_space<vmem>>, vector<1x1x16xf32>,
        %get3A_409 = vector.shape_cast %get3A_408 : vector<1x1x16xf32> to vector<16xf32>
        %mul3A_410 = arith.mulf %gather3A_403, %get3A_409 : vector<16xf32>
        %swap3A_411 = arith.constant 1 : i32
        %swap3A_412 = arith.index_cast %swap3A_411 : i32 to index
        %swap3A_413 = arith.index_cast %add3A_319 : i32 to index
        %swap3A_414 = arith.constant 48 : index
        %swap3A_415 = tpu.vector_load %arg12[%swap3A_412, %swap3A_413, %swap3A_414] {strides = array<i32>} : memref<4x128x80xf32, #tpu.memory_space<vmem>>, vector<1x1x16xf32>,
        %swap3A_416 = vector.shape_cast %swap3A_415 : vector<1x1x16xf32> to vector<16xf32>
        %swap3A_417 = vector.shape_cast %mul3A_410 : vector<16xf32> to vector<1x1x16xf32>
        tpu.vector_store %arg12[%swap3A_412, %swap3A_413, %swap3A_414], %swap3A_417 {strides = array<i32>} : memref<4x128x80xf32, #tpu.memory_space<vmem>>, vector<1x1x16xf32>,
        %lt3A_418 = arith.constant 0 : i32
        %lt3A_419 = vector.broadcast %lt3A_418 : i32 to vector<16xi32>
        %lt3A_420 = arith.cmpi slt, %shift_right_logical3A_27, %lt3A_419 : vector<16xi32>
        %add3A_421 = arith.constant 16 : i32
        %add3A_422 = vector.broadcast %add3A_421 : i32 to vector<16xi32>
        %add3A_423 = arith.addi %shift_right_logical3A_27, %add3A_422 : vector<16xi32>
        %select_n3A_424 = arith.select %lt3A_420, %add3A_423, %shift_right_logical3A_27 : vector<16xi1>, vector<16xi32>
        %broadcast_in_dim3A_425 = vector.shape_cast %select_n3A_424 : vector<16xi32> to vector<16x1xi32>
        %gather3A_426 = vector.shape_cast %broadcast_in_dim3A_425 : vector<16x1xi32> to vector<16xi32>
        %gather3A_427 = tpu.dynamic_gather %exp3A[%gather3A_426] in [0] : vector<16xf32>, vector<16xi32> -> vector<16xf32>
        %get3A_428 = arith.constant 1 : i32
        %get3A_429 = arith.index_cast %get3A_428 : i32 to index
        %get3A_430 = arith.index_cast %add3A_319 : i32 to index
        %get3A_431 = arith.constant 64 : index
        %get3A_432 = tpu.vector_load %arg11[%get3A_429, %get3A_430, %get3A_431] {strides = array<i32>} : memref<2x128x80xf32, #tpu.memory_space<vmem>>, vector<1x1x16xf32>,
        %get3A_433 = vector.shape_cast %get3A_432 : vector<1x1x16xf32> to vector<16xf32>
        %mul3A_434 = arith.mulf %gather3A_427, %get3A_433 : vector<16xf32>
        %swap3A_435 = arith.constant 1 : i32
        %swap3A_436 = arith.index_cast %swap3A_435 : i32 to index
        %swap3A_437 = arith.index_cast %add3A_319 : i32 to index
        %swap3A_438 = arith.constant 64 : index
        %swap3A_439 = tpu.vector_load %arg12[%swap3A_436, %swap3A_437, %swap3A_438] {strides = array<i32>} : memref<4x128x80xf32, #tpu.memory_space<vmem>>, vector<1x1x16xf32>,
        %swap3A_440 = vector.shape_cast %swap3A_439 : vector<1x1x16xf32> to vector<16xf32>
        %swap3A_441 = vector.shape_cast %mul3A_434 : vector<16xf32> to vector<1x1x16xf32>
        tpu.vector_store %arg12[%swap3A_436, %swap3A_437, %swap3A_438], %swap3A_441 {strides = array<i32>} : memref<4x128x80xf32, #tpu.memory_space<vmem>>, vector<1x1x16xf32>,
      }
      %scan3A_192 = arith.constant 128 : i32
      %dma_start3A_193 = arith.constant 1 : i32
      %dma_start3A_194 = arith.constant 1 : i32
      %dma_start3A_195 = arith.constant 0 : i32
      %dma_start3A_196 = arith.constant 0 : i32
      %dma_start3A_197 = tpu.memref_slice %arg12[%dma_start3A_193, %dma_start3A_195, %dma_start3A_196] : memref<4x128x80xf32, #tpu.memory_space<vmem>> -> memref<1x128x80xf32, #tpu.memory_space<vmem>>
      %dma_start3A_198 = tpu.memref_squeeze %dma_start3A_197 : memref<1x128x80xf32, #tpu.memory_space<vmem>> -> memref<128x80xf32, #tpu.memory_space<vmem>>
      %dma_start3A_199 = arith.constant 0 : i32
      %dma_start3A_200 = tpu.memref_slice %arg9[%dma_start3A_194, %dma_start3A_199] : memref<4x128xi32, #tpu.memory_space<vmem>> -> memref<1x128xi32, #tpu.memory_space<vmem>>
      %dma_start3A_201 = tpu.memref_squeeze %dma_start3A_200 : memref<1x128xi32, #tpu.memory_space<vmem>> -> memref<128xi32, #tpu.memory_space<vmem>>
      %dma_start3A_202 = arith.constant 0 : i32
      %dma_start3A_203 = arith.constant 0 : i32
      %dma_start3A_204 = tpu.memref_slice %arg13[%dma_start3A_202, %dma_start3A_203] : memref<10112x80xf32, #tpu.memory_space<vmem_shared>> -> memref<10112x80xf32, #tpu.memory_space<vmem_shared>>
      tpu.enqueue_indirect_dma source(%dma_start3A_198 : memref<128x80xf32, #tpu.memory_space<vmem>>) target(%dma_start3A_204 : memref<10112x80xf32, #tpu.memory_space<vmem_shared>>) offsets(%dma_start3A_201 : memref<128xi32, #tpu.memory_space<vmem>>) semaphore(%arg17 : memref<!tpu.dma_semaphore, #tpu.memory_space<semaphore_mem>>) {add = true}
      %add3A_205 = arith.constant 2 : i32
      %add3A_206 = arith.addi %add3A_98, %add3A_205 : i32
      %ge3A_207 = arith.constant 3 : i32
      %ge3A_208 = arith.cmpi sge, %add3A_206, %ge3A_207 : i32
      %convert_element_type3A_209 = arith.extui %ge3A_208 : i1 to i32
      %cond3A_210 = arith.constant 0 : i32
      %cond3A_211 = arith.cmpi ne, %convert_element_type3A_209, %cond3A_210 : i32
      scf.if %cond3A_211 {
        %dma_wait3A_315 = arith.constant 3 : i32
        %dma_wait3A_316 = arith.constant 3 : i32
        %dma_wait3A_317 = arith.constant 0 : i32
        %dma_wait3A_318 = arith.constant 0 : i32
        %dma_wait3A_319 = tpu.memref_slice %arg12[%dma_wait3A_315, %dma_wait3A_317, %dma_wait3A_318] : memref<4x128x80xf32, #tpu.memory_space<vmem>> -> memref<1x128x80xf32, #tpu.memory_space<vmem>>
        %dma_wait3A_320 = tpu.memref_squeeze %dma_wait3A_319 : memref<1x128x80xf32, #tpu.memory_space<vmem>> -> memref<128x80xf32, #tpu.memory_space<vmem>>
        %dma_wait3A_321 = arith.constant 0 : i32
        %dma_wait3A_322 = tpu.memref_slice %arg9[%dma_wait3A_316, %dma_wait3A_321] : memref<4x128xi32, #tpu.memory_space<vmem>> -> memref<1x128xi32, #tpu.memory_space<vmem>>
        %dma_wait3A_323 = tpu.memref_squeeze %dma_wait3A_322 : memref<1x128xi32, #tpu.memory_space<vmem>> -> memref<128xi32, #tpu.memory_space<vmem>>
        %dma_wait3A_324 = arith.constant 0 : i32
        %dma_wait3A_325 = arith.constant 0 : i32
        %dma_wait3A_326 = tpu.memref_slice %arg13[%dma_wait3A_324, %dma_wait3A_325] : memref<10112x80xf32, #tpu.memory_space<vmem_shared>> -> memref<10112x80xf32, #tpu.memory_space<vmem_shared>>
        tpu.wait_indirect_dma semaphore(%arg19 : memref<!tpu.dma_semaphore, #tpu.memory_space<semaphore_mem>>) src(%dma_wait3A_320 : memref<128x80xf32, #tpu.memory_space<vmem>>) dst(%dma_wait3A_326 : memref<10112x80xf32, #tpu.memory_space<vmem_shared>>)
      } else {
      }
      %add3A_212 = arith.constant 1 : i32
      %add3A_213 = arith.addi %add3A_206, %add3A_212 : i32
      %lt3A_214 = arith.constant 40 : i32
      %lt3A_215 = arith.cmpi slt, %add3A_213, %lt3A_214 : i32
      %convert_element_type3A_216 = arith.extui %lt3A_215 : i1 to i32
      %cond3A_217 = arith.constant 0 : i32
      %cond3A_218 = arith.cmpi ne, %convert_element_type3A_216, %cond3A_217 : i32
      scf.if %cond3A_218 {
        %add3A_315 = arith.constant 1 : i32
        %add3A_316 = arith.addi %add3A_206, %add3A_315 : i32
        %mul3A_317 = arith.constant 128 : i32
        %mul3A_318 = arith.muli %add3A_316, %mul3A_317 : i32
        %add3A_319 = arith.addi %mul3A_4, %mul3A_318 : i32
        %multiple_of3A_320 = tpu.assume_multiple %add3A_319, 8 : i32
        %run_scoped3A_321 = arith.constant 3 : i32
        "tpu.region"() ({
          %run_scoped3A_347 = tpu.sem_alloc : memref<!tpu.dma_semaphore, #tpu.memory_space<semaphore_mem>>
          %dma_start3A_348 = arith.constant 0 : i32
          %dma_start3A_349 = tpu.memref_slice %arg9[%run_scoped3A_321, %dma_start3A_348] : memref<4x128xi32, #tpu.memory_space<vmem>> -> memref<1x128xi32, #tpu.memory_space<vmem>>
          %dma_start3A_350 = tpu.memref_squeeze %dma_start3A_349 : memref<1x128xi32, #tpu.memory_space<vmem>> -> memref<128xi32, #tpu.memory_space<vmem>>
          %dma_start3A_351 = tpu.memref_slice %arg2[%multiple_of3A_320] : memref<163840xi32, #tpu.memory_space<hbm>> -> memref<128xi32, #tpu.memory_space<hbm>>
          %dma_start3A_352 = arith.constant 0 : i32
          %dma_start3A_353 = tpu.memref_slice %arg9[%run_scoped3A_321, %dma_start3A_352] : memref<4x128xi32, #tpu.memory_space<vmem>> -> memref<1x128xi32, #tpu.memory_space<vmem>>
          %dma_start3A_354 = tpu.memref_squeeze %dma_start3A_353 : memref<1x128xi32, #tpu.memory_space<vmem>> -> memref<128xi32, #tpu.memory_space<vmem>>
          %dma_start3A_355 = tpu.memref_slice %arg2[%multiple_of3A_320] : memref<163840xi32, #tpu.memory_space<hbm>> -> memref<128xi32, #tpu.memory_space<hbm>>
          tpu.enqueue_dma source(%dma_start3A_355 : memref<128xi32, #tpu.memory_space<hbm>>) target(%dma_start3A_354 : memref<128xi32, #tpu.memory_space<vmem>>) target_semaphore(%run_scoped3A_347 : memref<!tpu.dma_semaphore, #tpu.memory_space<semaphore_mem>>)
          %dma_wait3A_356 = arith.constant 0 : i32
          %dma_wait3A_357 = tpu.memref_slice %arg9[%run_scoped3A_321, %dma_wait3A_356] : memref<4x128xi32, #tpu.memory_space<vmem>> -> memref<1x128xi32, #tpu.memory_space<vmem>>
          %dma_wait3A_358 = tpu.memref_squeeze %dma_wait3A_357 : memref<1x128xi32, #tpu.memory_space<vmem>> -> memref<128xi32, #tpu.memory_space<vmem>>
          %dma_wait3A_359 = tpu.memref_slice %arg2[%multiple_of3A_320] : memref<163840xi32, #tpu.memory_space<hbm>> -> memref<128xi32, #tpu.memory_space<hbm>>
          %dma_wait3A_360 = arith.constant 0 : i32
          %dma_wait3A_361 = tpu.memref_slice %arg9[%run_scoped3A_321, %dma_wait3A_360] : memref<4x128xi32, #tpu.memory_space<vmem>> -> memref<1x128xi32, #tpu.memory_space<vmem>>
          %dma_wait3A_362 = tpu.memref_squeeze %dma_wait3A_361 : memref<1x128xi32, #tpu.memory_space<vmem>> -> memref<128xi32, #tpu.memory_space<vmem>>
          %dma_wait3A_363 = tpu.memref_slice %arg2[%multiple_of3A_320] : memref<163840xi32, #tpu.memory_space<hbm>> -> memref<128xi32, #tpu.memory_space<hbm>>
          tpu.wait_dma2 semaphore(%run_scoped3A_347 : memref<!tpu.dma_semaphore, #tpu.memory_space<semaphore_mem>>) src(%dma_wait3A_363 : memref<128xi32, #tpu.memory_space<hbm>>) dst(%dma_wait3A_362 : memref<128xi32, #tpu.memory_space<vmem>>)
          tpu.yield
        }) : () -> ()
        %run_scoped3A_322 = arith.constant 1 : i32
        "tpu.region"() ({
          %run_scoped3A_347 = tpu.sem_alloc : memref<!tpu.dma_semaphore, #tpu.memory_space<semaphore_mem>>
          %dma_start3A_348 = arith.constant 0 : i32
          %dma_start3A_349 = tpu.memref_slice %arg8[%run_scoped3A_322, %dma_start3A_348] : memref<2x128xi32, #tpu.memory_space<vmem>> -> memref<1x128xi32, #tpu.memory_space<vmem>>
          %dma_start3A_350 = tpu.memref_squeeze %dma_start3A_349 : memref<1x128xi32, #tpu.memory_space<vmem>> -> memref<128xi32, #tpu.memory_space<vmem>>
          %dma_start3A_351 = tpu.memref_slice %arg3[%multiple_of3A_320] : memref<163840xi32, #tpu.memory_space<hbm>> -> memref<128xi32, #tpu.memory_space<hbm>>
          %dma_start3A_352 = arith.constant 0 : i32
          %dma_start3A_353 = tpu.memref_slice %arg8[%run_scoped3A_322, %dma_start3A_352] : memref<2x128xi32, #tpu.memory_space<vmem>> -> memref<1x128xi32, #tpu.memory_space<vmem>>
          %dma_start3A_354 = tpu.memref_squeeze %dma_start3A_353 : memref<1x128xi32, #tpu.memory_space<vmem>> -> memref<128xi32, #tpu.memory_space<vmem>>
          %dma_start3A_355 = tpu.memref_slice %arg3[%multiple_of3A_320] : memref<163840xi32, #tpu.memory_space<hbm>> -> memref<128xi32, #tpu.memory_space<hbm>>
          tpu.enqueue_dma source(%dma_start3A_355 : memref<128xi32, #tpu.memory_space<hbm>>) target(%dma_start3A_354 : memref<128xi32, #tpu.memory_space<vmem>>) target_semaphore(%run_scoped3A_347 : memref<!tpu.dma_semaphore, #tpu.memory_space<semaphore_mem>>)
          %dma_wait3A_356 = arith.constant 0 : i32
          %dma_wait3A_357 = tpu.memref_slice %arg8[%run_scoped3A_322, %dma_wait3A_356] : memref<2x128xi32, #tpu.memory_space<vmem>> -> memref<1x128xi32, #tpu.memory_space<vmem>>
          %dma_wait3A_358 = tpu.memref_squeeze %dma_wait3A_357 : memref<1x128xi32, #tpu.memory_space<vmem>> -> memref<128xi32, #tpu.memory_space<vmem>>
          %dma_wait3A_359 = tpu.memref_slice %arg3[%multiple_of3A_320] : memref<163840xi32, #tpu.memory_space<hbm>> -> memref<128xi32, #tpu.memory_space<hbm>>
          %dma_wait3A_360 = arith.constant 0 : i32
          %dma_wait3A_361 = tpu.memref_slice %arg8[%run_scoped3A_322, %dma_wait3A_360] : memref<2x128xi32, #tpu.memory_space<vmem>> -> memref<1x128xi32, #tpu.memory_space<vmem>>
          %dma_wait3A_362 = tpu.memref_squeeze %dma_wait3A_361 : memref<1x128xi32, #tpu.memory_space<vmem>> -> memref<128xi32, #tpu.memory_space<vmem>>
          %dma_wait3A_363 = tpu.memref_slice %arg3[%multiple_of3A_320] : memref<163840xi32, #tpu.memory_space<hbm>> -> memref<128xi32, #tpu.memory_space<hbm>>
          tpu.wait_dma2 semaphore(%run_scoped3A_347 : memref<!tpu.dma_semaphore, #tpu.memory_space<semaphore_mem>>) src(%dma_wait3A_363 : memref<128xi32, #tpu.memory_space<hbm>>) dst(%dma_wait3A_362 : memref<128xi32, #tpu.memory_space<vmem>>)
          tpu.yield
        }) : () -> ()
        %dma_start3A_323 = arith.constant 3 : i32
        %dma_start3A_324 = arith.constant 1 : i32
        %dma_start3A_325 = arith.constant 0 : i32
        %dma_start3A_326 = arith.constant 0 : i32
        %dma_start3A_327 = tpu.memref_slice %arg10[%dma_start3A_324, %dma_start3A_325, %dma_start3A_326] : memref<2x128x16xf32, #tpu.memory_space<vmem>> -> memref<1x128x16xf32, #tpu.memory_space<vmem>>
        %dma_start3A_328 = tpu.memref_squeeze %dma_start3A_327 : memref<1x128x16xf32, #tpu.memory_space<vmem>> -> memref<128x16xf32, #tpu.memory_space<vmem>>
        %dma_start3A_329 = arith.constant 0 : i32
        %dma_start3A_330 = tpu.memref_slice %arg9[%dma_start3A_323, %dma_start3A_329] : memref<4x128xi32, #tpu.memory_space<vmem>> -> memref<1x128xi32, #tpu.memory_space<vmem>>
        %dma_start3A_331 = tpu.memref_squeeze %dma_start3A_330 : memref<1x128xi32, #tpu.memory_space<vmem>> -> memref<128xi32, #tpu.memory_space<vmem>>
        %dma_start3A_332 = arith.constant 0 : i32
        %dma_start3A_333 = arith.constant 0 : i32
        %dma_start3A_334 = tpu.memref_slice %arg4[%dma_start3A_332, %dma_start3A_333] : memref<10112x16xf32, #tpu.memory_space<hbm>> -> memref<10112x16xf32, #tpu.memory_space<hbm>>
        tpu.enqueue_indirect_dma source(%dma_start3A_334 : memref<10112x16xf32, #tpu.memory_space<hbm>>) target(%dma_start3A_328 : memref<128x16xf32, #tpu.memory_space<vmem>>) offsets(%dma_start3A_331 : memref<128xi32, #tpu.memory_space<vmem>>) semaphore(%arg15 : memref<!tpu.dma_semaphore, #tpu.memory_space<semaphore_mem>>)
        %dma_start3A_335 = arith.constant 1 : i32
        %dma_start3A_336 = arith.constant 1 : i32
        %dma_start3A_337 = arith.constant 0 : i32
        %dma_start3A_338 = arith.constant 0 : i32
        %dma_start3A_339 = tpu.memref_slice %arg11[%dma_start3A_336, %dma_start3A_337, %dma_start3A_338] : memref<2x128x80xf32, #tpu.memory_space<vmem>> -> memref<1x128x80xf32, #tpu.memory_space<vmem>>
        %dma_start3A_340 = tpu.memref_squeeze %dma_start3A_339 : memref<1x128x80xf32, #tpu.memory_space<vmem>> -> memref<128x80xf32, #tpu.memory_space<vmem>>
        %dma_start3A_341 = arith.constant 0 : i32
        %dma_start3A_342 = tpu.memref_slice %arg8[%dma_start3A_335, %dma_start3A_341] : memref<2x128xi32, #tpu.memory_space<vmem>> -> memref<1x128xi32, #tpu.memory_space<vmem>>
        %dma_start3A_343 = tpu.memref_squeeze %dma_start3A_342 : memref<1x128xi32, #tpu.memory_space<vmem>> -> memref<128xi32, #tpu.memory_space<vmem>>
        %dma_start3A_344 = arith.constant 0 : i32
        %dma_start3A_345 = arith.constant 0 : i32
        %dma_start3A_346 = tpu.memref_slice %arg5[%dma_start3A_344, %dma_start3A_345] : memref<10112x80xf32, #tpu.memory_space<hbm>> -> memref<10112x80xf32, #tpu.memory_space<hbm>>
        tpu.enqueue_indirect_dma source(%dma_start3A_346 : memref<10112x80xf32, #tpu.memory_space<hbm>>) target(%dma_start3A_340 : memref<128x80xf32, #tpu.memory_space<vmem>>) offsets(%dma_start3A_343 : memref<128xi32, #tpu.memory_space<vmem>>) semaphore(%arg15 : memref<!tpu.dma_semaphore, #tpu.memory_space<semaphore_mem>>)
      } else {
      }
      %dma_wait3A_219 = arith.constant 2 : i32
      %dma_wait3A_220 = arith.constant 0 : i32
      %dma_wait3A_221 = arith.constant 0 : i32
      %dma_wait3A_222 = arith.constant 0 : i32
      %dma_wait3A_223 = tpu.memref_slice %arg10[%dma_wait3A_220, %dma_wait3A_221, %dma_wait3A_222] : memref<2x128x16xf32, #tpu.memory_space<vmem>> -> memref<1x128x16xf32, #tpu.memory_space<vmem>>
      %dma_wait3A_224 = tpu.memref_squeeze %dma_wait3A_223 : memref<1x128x16xf32, #tpu.memory_space<vmem>> -> memref<128x16xf32, #tpu.memory_space<vmem>>
      %dma_wait3A_225 = arith.constant 0 : i32
      %dma_wait3A_226 = tpu.memref_slice %arg9[%dma_wait3A_219, %dma_wait3A_225] : memref<4x128xi32, #tpu.memory_space<vmem>> -> memref<1x128xi32, #tpu.memory_space<vmem>>
      %dma_wait3A_227 = tpu.memref_squeeze %dma_wait3A_226 : memref<1x128xi32, #tpu.memory_space<vmem>> -> memref<128xi32, #tpu.memory_space<vmem>>
      %dma_wait3A_228 = arith.constant 0 : i32
      %dma_wait3A_229 = arith.constant 0 : i32
      %dma_wait3A_230 = tpu.memref_slice %arg4[%dma_wait3A_228, %dma_wait3A_229] : memref<10112x16xf32, #tpu.memory_space<hbm>> -> memref<10112x16xf32, #tpu.memory_space<hbm>>
      tpu.wait_indirect_dma semaphore(%arg14 : memref<!tpu.dma_semaphore, #tpu.memory_space<semaphore_mem>>) src(%dma_wait3A_230 : memref<10112x16xf32, #tpu.memory_space<hbm>>) dst(%dma_wait3A_224 : memref<128x16xf32, #tpu.memory_space<vmem>>)
      %dma_wait3A_231 = arith.constant 0 : i32
      %dma_wait3A_232 = arith.constant 0 : i32
      %dma_wait3A_233 = arith.constant 0 : i32
      %dma_wait3A_234 = arith.constant 0 : i32
      %dma_wait3A_235 = tpu.memref_slice %arg11[%dma_wait3A_232, %dma_wait3A_233, %dma_wait3A_234] : memref<2x128x80xf32, #tpu.memory_space<vmem>> -> memref<1x128x80xf32, #tpu.memory_space<vmem>>
      %dma_wait3A_236 = tpu.memref_squeeze %dma_wait3A_235 : memref<1x128x80xf32, #tpu.memory_space<vmem>> -> memref<128x80xf32, #tpu.memory_space<vmem>>
      %dma_wait3A_237 = arith.constant 0 : i32
      %dma_wait3A_238 = tpu.memref_slice %arg8[%dma_wait3A_231, %dma_wait3A_237] : memref<2x128xi32, #tpu.memory_space<vmem>> -> memref<1x128xi32, #tpu.memory_space<vmem>>
      %dma_wait3A_239 = tpu.memref_squeeze %dma_wait3A_238 : memref<1x128xi32, #tpu.memory_space<vmem>> -> memref<128xi32, #tpu.memory_space<vmem>>
      %dma_wait3A_240 = arith.constant 0 : i32
      %dma_wait3A_241 = arith.constant 0 : i32
      %dma_wait3A_242 = tpu.memref_slice %arg5[%dma_wait3A_240, %dma_wait3A_241] : memref<10112x80xf32, #tpu.memory_space<hbm>> -> memref<10112x80xf32, #tpu.memory_space<hbm>>
      tpu.wait_indirect_dma semaphore(%arg14 : memref<!tpu.dma_semaphore, #tpu.memory_space<semaphore_mem>>) src(%dma_wait3A_242 : memref<10112x80xf32, #tpu.memory_space<hbm>>) dst(%dma_wait3A_236 : memref<128x80xf32, #tpu.memory_space<vmem>>)
      %scan3A_243 = arith.constant 0 : i32
      %scan3A_244 = arith.constant 128 : i32
      %scan3A_245 = arith.addi %scan3A_243, %scan3A_244 : i32
      %scan3A_246 = arith.constant 1 : i32
      scf.for %scan3A_315 = %scan3A_243 to %scan3A_245 step %scan3A_246  : i32 {
        %mul3A_316 = arith.constant 1 : i32
        %mul3A_317 = arith.muli %scan3A_315, %mul3A_316 : i32
        %add3A_318 = arith.constant 0 : i32
        %add3A_319 = arith.addi %add3A_318, %mul3A_317 : i32
        %get3A = arith.constant 0 : i32
        %get3A_320 = arith.index_cast %get3A : i32 to index
        %get3A_321 = arith.index_cast %add3A_319 : i32 to index
        %get3A_322 = arith.constant 0 : index
        %get3A_323 = tpu.vector_load %arg10[%get3A_320, %get3A_321, %get3A_322] {strides = array<i32>} : memref<2x128x16xf32, #tpu.memory_space<vmem>>, vector<1x1x16xf32>,
        %get3A_324 = vector.shape_cast %get3A_323 : vector<1x1x16xf32> to vector<16xf32>
        %get3A_325 = arith.constant 0 : i32
        %get3A_326 = arith.index_cast %get3A_325 : i32 to index
        %get3A_327 = arith.index_cast %add3A_319 : i32 to index
        %get3A_328 = arith.constant 0 : index
        %get3A_329 = tpu.vector_load %arg11[%get3A_326, %get3A_327, %get3A_328] {strides = array<i32>} : memref<2x128x80xf32, #tpu.memory_space<vmem>>, vector<1x1x16xf32>,
        %get3A_330 = vector.shape_cast %get3A_329 : vector<1x1x16xf32> to vector<16xf32>
        %add3A_331 = arith.addf %get3A_324, %get3A_330 : vector<16xf32>
        %ge3A_332 = arith.constant 0.000000e+00 : f32
        %ge3A_333 = vector.broadcast %ge3A_332 : f32 to vector<16xf32>
        %ge3A_334 = arith.cmpf oge, %add3A_331, %ge3A_333 : vector<16xf32>
        %mul3A_335 = arith.constant 2.000000e-01 : f32
        %mul3A_336 = vector.broadcast %mul3A_335 : f32 to vector<16xf32>
        %mul3A_337 = arith.mulf %add3A_331, %mul3A_336 : vector<16xf32>
        %select_n3A = arith.select %ge3A_334, %add3A_331, %mul3A_337 : vector<16xi1>, vector<16xf32>
        %max3A = arith.constant -2.000000e+00 : f32
        %max3A_338 = vector.broadcast %max3A : f32 to vector<16xf32>
        %max3A_339 = arith.maximumf %select_n3A, %max3A_338 : vector<16xf32>
        %min3A = arith.constant 2.000000e+00 : f32
        %min3A_340 = vector.broadcast %min3A : f32 to vector<16xf32>
        %min3A_341 = arith.minimumf %max3A_339, %min3A_340 : vector<16xf32>
        %exp3A = math.exp %min3A_341 : vector<16xf32>
        %swap3A = arith.constant 2 : i32
        %swap3A_342 = arith.index_cast %swap3A : i32 to index
        %swap3A_343 = arith.index_cast %add3A_319 : i32 to index
        %swap3A_344 = arith.constant 0 : index
        %swap3A_345 = tpu.vector_load %arg12[%swap3A_342, %swap3A_343, %swap3A_344] {strides = array<i32>} : memref<4x128x80xf32, #tpu.memory_space<vmem>>, vector<1x1x16xf32>,
        %swap3A_346 = vector.shape_cast %swap3A_345 : vector<1x1x16xf32> to vector<16xf32>
        %swap3A_347 = vector.shape_cast %exp3A : vector<16xf32> to vector<1x1x16xf32>
        tpu.vector_store %arg12[%swap3A_342, %swap3A_343, %swap3A_344], %swap3A_347 {strides = array<i32>} : memref<4x128x80xf32, #tpu.memory_space<vmem>>, vector<1x1x16xf32>,
        %lt3A_348 = arith.constant 0 : i32
        %lt3A_349 = vector.broadcast %lt3A_348 : i32 to vector<16xi32>
        %lt3A_350 = arith.cmpi slt, %shift_right_logical3A_9, %lt3A_349 : vector<16xi32>
        %add3A_351 = arith.constant 16 : i32
        %add3A_352 = vector.broadcast %add3A_351 : i32 to vector<16xi32>
        %add3A_353 = arith.addi %shift_right_logical3A_9, %add3A_352 : vector<16xi32>
        %select_n3A_354 = arith.select %lt3A_350, %add3A_353, %shift_right_logical3A_9 : vector<16xi1>, vector<16xi32>
        %broadcast_in_dim3A = vector.shape_cast %select_n3A_354 : vector<16xi32> to vector<16x1xi32>
        %gather3A = vector.shape_cast %broadcast_in_dim3A : vector<16x1xi32> to vector<16xi32>
        %gather3A_355 = tpu.dynamic_gather %exp3A[%gather3A] in [0] : vector<16xf32>, vector<16xi32> -> vector<16xf32>
        %get3A_356 = arith.constant 0 : i32
        %get3A_357 = arith.index_cast %get3A_356 : i32 to index
        %get3A_358 = arith.index_cast %add3A_319 : i32 to index
        %get3A_359 = arith.constant 16 : index
        %get3A_360 = tpu.vector_load %arg11[%get3A_357, %get3A_358, %get3A_359] {strides = array<i32>} : memref<2x128x80xf32, #tpu.memory_space<vmem>>, vector<1x1x16xf32>,
        %get3A_361 = vector.shape_cast %get3A_360 : vector<1x1x16xf32> to vector<16xf32>
        %mul3A_362 = arith.mulf %gather3A_355, %get3A_361 : vector<16xf32>
        %swap3A_363 = arith.constant 2 : i32
        %swap3A_364 = arith.index_cast %swap3A_363 : i32 to index
        %swap3A_365 = arith.index_cast %add3A_319 : i32 to index
        %swap3A_366 = arith.constant 16 : index
        %swap3A_367 = tpu.vector_load %arg12[%swap3A_364, %swap3A_365, %swap3A_366] {strides = array<i32>} : memref<4x128x80xf32, #tpu.memory_space<vmem>>, vector<1x1x16xf32>,
        %swap3A_368 = vector.shape_cast %swap3A_367 : vector<1x1x16xf32> to vector<16xf32>
        %swap3A_369 = vector.shape_cast %mul3A_362 : vector<16xf32> to vector<1x1x16xf32>
        tpu.vector_store %arg12[%swap3A_364, %swap3A_365, %swap3A_366], %swap3A_369 {strides = array<i32>} : memref<4x128x80xf32, #tpu.memory_space<vmem>>, vector<1x1x16xf32>,
        %lt3A_370 = arith.constant 0 : i32
        %lt3A_371 = vector.broadcast %lt3A_370 : i32 to vector<16xi32>
        %lt3A_372 = arith.cmpi slt, %shift_right_logical3A_15, %lt3A_371 : vector<16xi32>
        %add3A_373 = arith.constant 16 : i32
        %add3A_374 = vector.broadcast %add3A_373 : i32 to vector<16xi32>
        %add3A_375 = arith.addi %shift_right_logical3A_15, %add3A_374 : vector<16xi32>
        %select_n3A_376 = arith.select %lt3A_372, %add3A_375, %shift_right_logical3A_15 : vector<16xi1>, vector<16xi32>
        %broadcast_in_dim3A_377 = vector.shape_cast %select_n3A_376 : vector<16xi32> to vector<16x1xi32>
        %gather3A_378 = vector.shape_cast %broadcast_in_dim3A_377 : vector<16x1xi32> to vector<16xi32>
        %gather3A_379 = tpu.dynamic_gather %exp3A[%gather3A_378] in [0] : vector<16xf32>, vector<16xi32> -> vector<16xf32>
        %get3A_380 = arith.constant 0 : i32
        %get3A_381 = arith.index_cast %get3A_380 : i32 to index
        %get3A_382 = arith.index_cast %add3A_319 : i32 to index
        %get3A_383 = arith.constant 32 : index
        %get3A_384 = tpu.vector_load %arg11[%get3A_381, %get3A_382, %get3A_383] {strides = array<i32>} : memref<2x128x80xf32, #tpu.memory_space<vmem>>, vector<1x1x16xf32>,
        %get3A_385 = vector.shape_cast %get3A_384 : vector<1x1x16xf32> to vector<16xf32>
        %mul3A_386 = arith.mulf %gather3A_379, %get3A_385 : vector<16xf32>
        %swap3A_387 = arith.constant 2 : i32
        %swap3A_388 = arith.index_cast %swap3A_387 : i32 to index
        %swap3A_389 = arith.index_cast %add3A_319 : i32 to index
        %swap3A_390 = arith.constant 32 : index
        %swap3A_391 = tpu.vector_load %arg12[%swap3A_388, %swap3A_389, %swap3A_390] {strides = array<i32>} : memref<4x128x80xf32, #tpu.memory_space<vmem>>, vector<1x1x16xf32>,
        %swap3A_392 = vector.shape_cast %swap3A_391 : vector<1x1x16xf32> to vector<16xf32>
        %swap3A_393 = vector.shape_cast %mul3A_386 : vector<16xf32> to vector<1x1x16xf32>
        tpu.vector_store %arg12[%swap3A_388, %swap3A_389, %swap3A_390], %swap3A_393 {strides = array<i32>} : memref<4x128x80xf32, #tpu.memory_space<vmem>>, vector<1x1x16xf32>,
        %lt3A_394 = arith.constant 0 : i32
        %lt3A_395 = vector.broadcast %lt3A_394 : i32 to vector<16xi32>
        %lt3A_396 = arith.cmpi slt, %shift_right_logical3A_21, %lt3A_395 : vector<16xi32>
        %add3A_397 = arith.constant 16 : i32
        %add3A_398 = vector.broadcast %add3A_397 : i32 to vector<16xi32>
        %add3A_399 = arith.addi %shift_right_logical3A_21, %add3A_398 : vector<16xi32>
        %select_n3A_400 = arith.select %lt3A_396, %add3A_399, %shift_right_logical3A_21 : vector<16xi1>, vector<16xi32>
        %broadcast_in_dim3A_401 = vector.shape_cast %select_n3A_400 : vector<16xi32> to vector<16x1xi32>
        %gather3A_402 = vector.shape_cast %broadcast_in_dim3A_401 : vector<16x1xi32> to vector<16xi32>
        %gather3A_403 = tpu.dynamic_gather %exp3A[%gather3A_402] in [0] : vector<16xf32>, vector<16xi32> -> vector<16xf32>
        %get3A_404 = arith.constant 0 : i32
        %get3A_405 = arith.index_cast %get3A_404 : i32 to index
        %get3A_406 = arith.index_cast %add3A_319 : i32 to index
        %get3A_407 = arith.constant 48 : index
        %get3A_408 = tpu.vector_load %arg11[%get3A_405, %get3A_406, %get3A_407] {strides = array<i32>} : memref<2x128x80xf32, #tpu.memory_space<vmem>>, vector<1x1x16xf32>,
        %get3A_409 = vector.shape_cast %get3A_408 : vector<1x1x16xf32> to vector<16xf32>
        %mul3A_410 = arith.mulf %gather3A_403, %get3A_409 : vector<16xf32>
        %swap3A_411 = arith.constant 2 : i32
        %swap3A_412 = arith.index_cast %swap3A_411 : i32 to index
        %swap3A_413 = arith.index_cast %add3A_319 : i32 to index
        %swap3A_414 = arith.constant 48 : index
        %swap3A_415 = tpu.vector_load %arg12[%swap3A_412, %swap3A_413, %swap3A_414] {strides = array<i32>} : memref<4x128x80xf32, #tpu.memory_space<vmem>>, vector<1x1x16xf32>,
        %swap3A_416 = vector.shape_cast %swap3A_415 : vector<1x1x16xf32> to vector<16xf32>
        %swap3A_417 = vector.shape_cast %mul3A_410 : vector<16xf32> to vector<1x1x16xf32>
        tpu.vector_store %arg12[%swap3A_412, %swap3A_413, %swap3A_414], %swap3A_417 {strides = array<i32>} : memref<4x128x80xf32, #tpu.memory_space<vmem>>, vector<1x1x16xf32>,
        %lt3A_418 = arith.constant 0 : i32
        %lt3A_419 = vector.broadcast %lt3A_418 : i32 to vector<16xi32>
        %lt3A_420 = arith.cmpi slt, %shift_right_logical3A_27, %lt3A_419 : vector<16xi32>
        %add3A_421 = arith.constant 16 : i32
        %add3A_422 = vector.broadcast %add3A_421 : i32 to vector<16xi32>
        %add3A_423 = arith.addi %shift_right_logical3A_27, %add3A_422 : vector<16xi32>
        %select_n3A_424 = arith.select %lt3A_420, %add3A_423, %shift_right_logical3A_27 : vector<16xi1>, vector<16xi32>
        %broadcast_in_dim3A_425 = vector.shape_cast %select_n3A_424 : vector<16xi32> to vector<16x1xi32>
        %gather3A_426 = vector.shape_cast %broadcast_in_dim3A_425 : vector<16x1xi32> to vector<16xi32>
        %gather3A_427 = tpu.dynamic_gather %exp3A[%gather3A_426] in [0] : vector<16xf32>, vector<16xi32> -> vector<16xf32>
        %get3A_428 = arith.constant 0 : i32
        %get3A_429 = arith.index_cast %get3A_428 : i32 to index
        %get3A_430 = arith.index_cast %add3A_319 : i32 to index
        %get3A_431 = arith.constant 64 : index
        %get3A_432 = tpu.vector_load %arg11[%get3A_429, %get3A_430, %get3A_431] {strides = array<i32>} : memref<2x128x80xf32, #tpu.memory_space<vmem>>, vector<1x1x16xf32>,
        %get3A_433 = vector.shape_cast %get3A_432 : vector<1x1x16xf32> to vector<16xf32>
        %mul3A_434 = arith.mulf %gather3A_427, %get3A_433 : vector<16xf32>
        %swap3A_435 = arith.constant 2 : i32
        %swap3A_436 = arith.index_cast %swap3A_435 : i32 to index
        %swap3A_437 = arith.index_cast %add3A_319 : i32 to index
        %swap3A_438 = arith.constant 64 : index
        %swap3A_439 = tpu.vector_load %arg12[%swap3A_436, %swap3A_437, %swap3A_438] {strides = array<i32>} : memref<4x128x80xf32, #tpu.memory_space<vmem>>, vector<1x1x16xf32>,
        %swap3A_440 = vector.shape_cast %swap3A_439 : vector<1x1x16xf32> to vector<16xf32>
        %swap3A_441 = vector.shape_cast %mul3A_434 : vector<16xf32> to vector<1x1x16xf32>
        tpu.vector_store %arg12[%swap3A_436, %swap3A_437, %swap3A_438], %swap3A_441 {strides = array<i32>} : memref<4x128x80xf32, #tpu.memory_space<vmem>>, vector<1x1x16xf32>,
      }
      %scan3A_247 = arith.constant 128 : i32
      %dma_start3A_248 = arith.constant 2 : i32
      %dma_start3A_249 = arith.constant 2 : i32
      %dma_start3A_250 = arith.constant 0 : i32
      %dma_start3A_251 = arith.constant 0 : i32
      %dma_start3A_252 = tpu.memref_slice %arg12[%dma_start3A_248, %dma_start3A_250, %dma_start3A_251] : memref<4x128x80xf32, #tpu.memory_space<vmem>> -> memref<1x128x80xf32, #tpu.memory_space<vmem>>
      %dma_start3A_253 = tpu.memref_squeeze %dma_start3A_252 : memref<1x128x80xf32, #tpu.memory_space<vmem>> -> memref<128x80xf32, #tpu.memory_space<vmem>>
      %dma_start3A_254 = arith.constant 0 : i32
      %dma_start3A_255 = tpu.memref_slice %arg9[%dma_start3A_249, %dma_start3A_254] : memref<4x128xi32, #tpu.memory_space<vmem>> -> memref<1x128xi32, #tpu.memory_space<vmem>>
      %dma_start3A_256 = tpu.memref_squeeze %dma_start3A_255 : memref<1x128xi32, #tpu.memory_space<vmem>> -> memref<128xi32, #tpu.memory_space<vmem>>
      %dma_start3A_257 = arith.constant 0 : i32
      %dma_start3A_258 = arith.constant 0 : i32
      %dma_start3A_259 = tpu.memref_slice %arg13[%dma_start3A_257, %dma_start3A_258] : memref<10112x80xf32, #tpu.memory_space<vmem_shared>> -> memref<10112x80xf32, #tpu.memory_space<vmem_shared>>
      tpu.enqueue_indirect_dma source(%dma_start3A_253 : memref<128x80xf32, #tpu.memory_space<vmem>>) target(%dma_start3A_259 : memref<10112x80xf32, #tpu.memory_space<vmem_shared>>) offsets(%dma_start3A_256 : memref<128xi32, #tpu.memory_space<vmem>>) semaphore(%arg18 : memref<!tpu.dma_semaphore, #tpu.memory_space<semaphore_mem>>) {add = true}
      %add3A_260 = arith.constant 3 : i32
      %add3A_261 = arith.addi %add3A_98, %add3A_260 : i32
      %ge3A_262 = arith.constant 3 : i32
      %ge3A_263 = arith.cmpi sge, %add3A_261, %ge3A_262 : i32
      %convert_element_type3A_264 = arith.extui %ge3A_263 : i1 to i32
      %cond3A_265 = arith.constant 0 : i32
      %cond3A_266 = arith.cmpi ne, %convert_element_type3A_264, %cond3A_265 : i32
      scf.if %cond3A_266 {
        %dma_wait3A_315 = arith.constant 0 : i32
        %dma_wait3A_316 = arith.constant 0 : i32
        %dma_wait3A_317 = arith.constant 0 : i32
        %dma_wait3A_318 = arith.constant 0 : i32
        %dma_wait3A_319 = tpu.memref_slice %arg12[%dma_wait3A_315, %dma_wait3A_317, %dma_wait3A_318] : memref<4x128x80xf32, #tpu.memory_space<vmem>> -> memref<1x128x80xf32, #tpu.memory_space<vmem>>
        %dma_wait3A_320 = tpu.memref_squeeze %dma_wait3A_319 : memref<1x128x80xf32, #tpu.memory_space<vmem>> -> memref<128x80xf32, #tpu.memory_space<vmem>>
        %dma_wait3A_321 = arith.constant 0 : i32
        %dma_wait3A_322 = tpu.memref_slice %arg9[%dma_wait3A_316, %dma_wait3A_321] : memref<4x128xi32, #tpu.memory_space<vmem>> -> memref<1x128xi32, #tpu.memory_space<vmem>>
        %dma_wait3A_323 = tpu.memref_squeeze %dma_wait3A_322 : memref<1x128xi32, #tpu.memory_space<vmem>> -> memref<128xi32, #tpu.memory_space<vmem>>
        %dma_wait3A_324 = arith.constant 0 : i32
        %dma_wait3A_325 = arith.constant 0 : i32
        %dma_wait3A_326 = tpu.memref_slice %arg13[%dma_wait3A_324, %dma_wait3A_325] : memref<10112x80xf32, #tpu.memory_space<vmem_shared>> -> memref<10112x80xf32, #tpu.memory_space<vmem_shared>>
        tpu.wait_indirect_dma semaphore(%arg16 : memref<!tpu.dma_semaphore, #tpu.memory_space<semaphore_mem>>) src(%dma_wait3A_320 : memref<128x80xf32, #tpu.memory_space<vmem>>) dst(%dma_wait3A_326 : memref<10112x80xf32, #tpu.memory_space<vmem_shared>>)
      } else {
      }
      %add3A_267 = arith.constant 1 : i32
      %add3A_268 = arith.addi %add3A_261, %add3A_267 : i32
      %lt3A_269 = arith.constant 40 : i32
      %lt3A_270 = arith.cmpi slt, %add3A_268, %lt3A_269 : i32
      %convert_element_type3A_271 = arith.extui %lt3A_270 : i1 to i32
      %cond3A_272 = arith.constant 0 : i32
      %cond3A_273 = arith.cmpi ne, %convert_element_type3A_271, %cond3A_272 : i32
      scf.if %cond3A_273 {
        %add3A_315 = arith.constant 1 : i32
        %add3A_316 = arith.addi %add3A_261, %add3A_315 : i32
        %mul3A_317 = arith.constant 128 : i32
        %mul3A_318 = arith.muli %add3A_316, %mul3A_317 : i32
        %add3A_319 = arith.addi %mul3A_4, %mul3A_318 : i32
        %multiple_of3A_320 = tpu.assume_multiple %add3A_319, 8 : i32
        %run_scoped3A_321 = arith.constant 0 : i32
        "tpu.region"() ({
          %run_scoped3A_347 = tpu.sem_alloc : memref<!tpu.dma_semaphore, #tpu.memory_space<semaphore_mem>>
          %dma_start3A_348 = arith.constant 0 : i32
          %dma_start3A_349 = tpu.memref_slice %arg9[%run_scoped3A_321, %dma_start3A_348] : memref<4x128xi32, #tpu.memory_space<vmem>> -> memref<1x128xi32, #tpu.memory_space<vmem>>
          %dma_start3A_350 = tpu.memref_squeeze %dma_start3A_349 : memref<1x128xi32, #tpu.memory_space<vmem>> -> memref<128xi32, #tpu.memory_space<vmem>>
          %dma_start3A_351 = tpu.memref_slice %arg2[%multiple_of3A_320] : memref<163840xi32, #tpu.memory_space<hbm>> -> memref<128xi32, #tpu.memory_space<hbm>>
          %dma_start3A_352 = arith.constant 0 : i32
          %dma_start3A_353 = tpu.memref_slice %arg9[%run_scoped3A_321, %dma_start3A_352] : memref<4x128xi32, #tpu.memory_space<vmem>> -> memref<1x128xi32, #tpu.memory_space<vmem>>
          %dma_start3A_354 = tpu.memref_squeeze %dma_start3A_353 : memref<1x128xi32, #tpu.memory_space<vmem>> -> memref<128xi32, #tpu.memory_space<vmem>>
          %dma_start3A_355 = tpu.memref_slice %arg2[%multiple_of3A_320] : memref<163840xi32, #tpu.memory_space<hbm>> -> memref<128xi32, #tpu.memory_space<hbm>>
          tpu.enqueue_dma source(%dma_start3A_355 : memref<128xi32, #tpu.memory_space<hbm>>) target(%dma_start3A_354 : memref<128xi32, #tpu.memory_space<vmem>>) target_semaphore(%run_scoped3A_347 : memref<!tpu.dma_semaphore, #tpu.memory_space<semaphore_mem>>)
          %dma_wait3A_356 = arith.constant 0 : i32
          %dma_wait3A_357 = tpu.memref_slice %arg9[%run_scoped3A_321, %dma_wait3A_356] : memref<4x128xi32, #tpu.memory_space<vmem>> -> memref<1x128xi32, #tpu.memory_space<vmem>>
          %dma_wait3A_358 = tpu.memref_squeeze %dma_wait3A_357 : memref<1x128xi32, #tpu.memory_space<vmem>> -> memref<128xi32, #tpu.memory_space<vmem>>
          %dma_wait3A_359 = tpu.memref_slice %arg2[%multiple_of3A_320] : memref<163840xi32, #tpu.memory_space<hbm>> -> memref<128xi32, #tpu.memory_space<hbm>>
          %dma_wait3A_360 = arith.constant 0 : i32
          %dma_wait3A_361 = tpu.memref_slice %arg9[%run_scoped3A_321, %dma_wait3A_360] : memref<4x128xi32, #tpu.memory_space<vmem>> -> memref<1x128xi32, #tpu.memory_space<vmem>>
          %dma_wait3A_362 = tpu.memref_squeeze %dma_wait3A_361 : memref<1x128xi32, #tpu.memory_space<vmem>> -> memref<128xi32, #tpu.memory_space<vmem>>
          %dma_wait3A_363 = tpu.memref_slice %arg2[%multiple_of3A_320] : memref<163840xi32, #tpu.memory_space<hbm>> -> memref<128xi32, #tpu.memory_space<hbm>>
          tpu.wait_dma2 semaphore(%run_scoped3A_347 : memref<!tpu.dma_semaphore, #tpu.memory_space<semaphore_mem>>) src(%dma_wait3A_363 : memref<128xi32, #tpu.memory_space<hbm>>) dst(%dma_wait3A_362 : memref<128xi32, #tpu.memory_space<vmem>>)
          tpu.yield
        }) : () -> ()
        %run_scoped3A_322 = arith.constant 0 : i32
        "tpu.region"() ({
          %run_scoped3A_347 = tpu.sem_alloc : memref<!tpu.dma_semaphore, #tpu.memory_space<semaphore_mem>>
          %dma_start3A_348 = arith.constant 0 : i32
          %dma_start3A_349 = tpu.memref_slice %arg8[%run_scoped3A_322, %dma_start3A_348] : memref<2x128xi32, #tpu.memory_space<vmem>> -> memref<1x128xi32, #tpu.memory_space<vmem>>
          %dma_start3A_350 = tpu.memref_squeeze %dma_start3A_349 : memref<1x128xi32, #tpu.memory_space<vmem>> -> memref<128xi32, #tpu.memory_space<vmem>>
          %dma_start3A_351 = tpu.memref_slice %arg3[%multiple_of3A_320] : memref<163840xi32, #tpu.memory_space<hbm>> -> memref<128xi32, #tpu.memory_space<hbm>>
          %dma_start3A_352 = arith.constant 0 : i32
          %dma_start3A_353 = tpu.memref_slice %arg8[%run_scoped3A_322, %dma_start3A_352] : memref<2x128xi32, #tpu.memory_space<vmem>> -> memref<1x128xi32, #tpu.memory_space<vmem>>
          %dma_start3A_354 = tpu.memref_squeeze %dma_start3A_353 : memref<1x128xi32, #tpu.memory_space<vmem>> -> memref<128xi32, #tpu.memory_space<vmem>>
          %dma_start3A_355 = tpu.memref_slice %arg3[%multiple_of3A_320] : memref<163840xi32, #tpu.memory_space<hbm>> -> memref<128xi32, #tpu.memory_space<hbm>>
          tpu.enqueue_dma source(%dma_start3A_355 : memref<128xi32, #tpu.memory_space<hbm>>) target(%dma_start3A_354 : memref<128xi32, #tpu.memory_space<vmem>>) target_semaphore(%run_scoped3A_347 : memref<!tpu.dma_semaphore, #tpu.memory_space<semaphore_mem>>)
          %dma_wait3A_356 = arith.constant 0 : i32
          %dma_wait3A_357 = tpu.memref_slice %arg8[%run_scoped3A_322, %dma_wait3A_356] : memref<2x128xi32, #tpu.memory_space<vmem>> -> memref<1x128xi32, #tpu.memory_space<vmem>>
          %dma_wait3A_358 = tpu.memref_squeeze %dma_wait3A_357 : memref<1x128xi32, #tpu.memory_space<vmem>> -> memref<128xi32, #tpu.memory_space<vmem>>
          %dma_wait3A_359 = tpu.memref_slice %arg3[%multiple_of3A_320] : memref<163840xi32, #tpu.memory_space<hbm>> -> memref<128xi32, #tpu.memory_space<hbm>>
          %dma_wait3A_360 = arith.constant 0 : i32
          %dma_wait3A_361 = tpu.memref_slice %arg8[%run_scoped3A_322, %dma_wait3A_360] : memref<2x128xi32, #tpu.memory_space<vmem>> -> memref<1x128xi32, #tpu.memory_space<vmem>>
          %dma_wait3A_362 = tpu.memref_squeeze %dma_wait3A_361 : memref<1x128xi32, #tpu.memory_space<vmem>> -> memref<128xi32, #tpu.memory_space<vmem>>
          %dma_wait3A_363 = tpu.memref_slice %arg3[%multiple_of3A_320] : memref<163840xi32, #tpu.memory_space<hbm>> -> memref<128xi32, #tpu.memory_space<hbm>>
          tpu.wait_dma2 semaphore(%run_scoped3A_347 : memref<!tpu.dma_semaphore, #tpu.memory_space<semaphore_mem>>) src(%dma_wait3A_363 : memref<128xi32, #tpu.memory_space<hbm>>) dst(%dma_wait3A_362 : memref<128xi32, #tpu.memory_space<vmem>>)
          tpu.yield
        }) : () -> ()
        %dma_start3A_323 = arith.constant 0 : i32
        %dma_start3A_324 = arith.constant 0 : i32
        %dma_start3A_325 = arith.constant 0 : i32
        %dma_start3A_326 = arith.constant 0 : i32
        %dma_start3A_327 = tpu.memref_slice %arg10[%dma_start3A_324, %dma_start3A_325, %dma_start3A_326] : memref<2x128x16xf32, #tpu.memory_space<vmem>> -> memref<1x128x16xf32, #tpu.memory_space<vmem>>
        %dma_start3A_328 = tpu.memref_squeeze %dma_start3A_327 : memref<1x128x16xf32, #tpu.memory_space<vmem>> -> memref<128x16xf32, #tpu.memory_space<vmem>>
        %dma_start3A_329 = arith.constant 0 : i32
        %dma_start3A_330 = tpu.memref_slice %arg9[%dma_start3A_323, %dma_start3A_329] : memref<4x128xi32, #tpu.memory_space<vmem>> -> memref<1x128xi32, #tpu.memory_space<vmem>>
        %dma_start3A_331 = tpu.memref_squeeze %dma_start3A_330 : memref<1x128xi32, #tpu.memory_space<vmem>> -> memref<128xi32, #tpu.memory_space<vmem>>
        %dma_start3A_332 = arith.constant 0 : i32
        %dma_start3A_333 = arith.constant 0 : i32
        %dma_start3A_334 = tpu.memref_slice %arg4[%dma_start3A_332, %dma_start3A_333] : memref<10112x16xf32, #tpu.memory_space<hbm>> -> memref<10112x16xf32, #tpu.memory_space<hbm>>
        tpu.enqueue_indirect_dma source(%dma_start3A_334 : memref<10112x16xf32, #tpu.memory_space<hbm>>) target(%dma_start3A_328 : memref<128x16xf32, #tpu.memory_space<vmem>>) offsets(%dma_start3A_331 : memref<128xi32, #tpu.memory_space<vmem>>) semaphore(%arg14 : memref<!tpu.dma_semaphore, #tpu.memory_space<semaphore_mem>>)
        %dma_start3A_335 = arith.constant 0 : i32
        %dma_start3A_336 = arith.constant 0 : i32
        %dma_start3A_337 = arith.constant 0 : i32
        %dma_start3A_338 = arith.constant 0 : i32
        %dma_start3A_339 = tpu.memref_slice %arg11[%dma_start3A_336, %dma_start3A_337, %dma_start3A_338] : memref<2x128x80xf32, #tpu.memory_space<vmem>> -> memref<1x128x80xf32, #tpu.memory_space<vmem>>
        %dma_start3A_340 = tpu.memref_squeeze %dma_start3A_339 : memref<1x128x80xf32, #tpu.memory_space<vmem>> -> memref<128x80xf32, #tpu.memory_space<vmem>>
        %dma_start3A_341 = arith.constant 0 : i32
        %dma_start3A_342 = tpu.memref_slice %arg8[%dma_start3A_335, %dma_start3A_341] : memref<2x128xi32, #tpu.memory_space<vmem>> -> memref<1x128xi32, #tpu.memory_space<vmem>>
        %dma_start3A_343 = tpu.memref_squeeze %dma_start3A_342 : memref<1x128xi32, #tpu.memory_space<vmem>> -> memref<128xi32, #tpu.memory_space<vmem>>
        %dma_start3A_344 = arith.constant 0 : i32
        %dma_start3A_345 = arith.constant 0 : i32
        %dma_start3A_346 = tpu.memref_slice %arg5[%dma_start3A_344, %dma_start3A_345] : memref<10112x80xf32, #tpu.memory_space<hbm>> -> memref<10112x80xf32, #tpu.memory_space<hbm>>
        tpu.enqueue_indirect_dma source(%dma_start3A_346 : memref<10112x80xf32, #tpu.memory_space<hbm>>) target(%dma_start3A_340 : memref<128x80xf32, #tpu.memory_space<vmem>>) offsets(%dma_start3A_343 : memref<128xi32, #tpu.memory_space<vmem>>) semaphore(%arg14 : memref<!tpu.dma_semaphore, #tpu.memory_space<semaphore_mem>>)
      } else {
      }
      %dma_wait3A_274 = arith.constant 3 : i32
      %dma_wait3A_275 = arith.constant 1 : i32
      %dma_wait3A_276 = arith.constant 0 : i32
      %dma_wait3A_277 = arith.constant 0 : i32
      %dma_wait3A_278 = tpu.memref_slice %arg10[%dma_wait3A_275, %dma_wait3A_276, %dma_wait3A_277] : memref<2x128x16xf32, #tpu.memory_space<vmem>> -> memref<1x128x16xf32, #tpu.memory_space<vmem>>
      %dma_wait3A_279 = tpu.memref_squeeze %dma_wait3A_278 : memref<1x128x16xf32, #tpu.memory_space<vmem>> -> memref<128x16xf32, #tpu.memory_space<vmem>>
      %dma_wait3A_280 = arith.constant 0 : i32
      %dma_wait3A_281 = tpu.memref_slice %arg9[%dma_wait3A_274, %dma_wait3A_280] : memref<4x128xi32, #tpu.memory_space<vmem>> -> memref<1x128xi32, #tpu.memory_space<vmem>>
      %dma_wait3A_282 = tpu.memref_squeeze %dma_wait3A_281 : memref<1x128xi32, #tpu.memory_space<vmem>> -> memref<128xi32, #tpu.memory_space<vmem>>
      %dma_wait3A_283 = arith.constant 0 : i32
      %dma_wait3A_284 = arith.constant 0 : i32
      %dma_wait3A_285 = tpu.memref_slice %arg4[%dma_wait3A_283, %dma_wait3A_284] : memref<10112x16xf32, #tpu.memory_space<hbm>> -> memref<10112x16xf32, #tpu.memory_space<hbm>>
      tpu.wait_indirect_dma semaphore(%arg15 : memref<!tpu.dma_semaphore, #tpu.memory_space<semaphore_mem>>) src(%dma_wait3A_285 : memref<10112x16xf32, #tpu.memory_space<hbm>>) dst(%dma_wait3A_279 : memref<128x16xf32, #tpu.memory_space<vmem>>)
      %dma_wait3A_286 = arith.constant 1 : i32
      %dma_wait3A_287 = arith.constant 1 : i32
      %dma_wait3A_288 = arith.constant 0 : i32
      %dma_wait3A_289 = arith.constant 0 : i32
      %dma_wait3A_290 = tpu.memref_slice %arg11[%dma_wait3A_287, %dma_wait3A_288, %dma_wait3A_289] : memref<2x128x80xf32, #tpu.memory_space<vmem>> -> memref<1x128x80xf32, #tpu.memory_space<vmem>>
      %dma_wait3A_291 = tpu.memref_squeeze %dma_wait3A_290 : memref<1x128x80xf32, #tpu.memory_space<vmem>> -> memref<128x80xf32, #tpu.memory_space<vmem>>
      %dma_wait3A_292 = arith.constant 0 : i32
      %dma_wait3A_293 = tpu.memref_slice %arg8[%dma_wait3A_286, %dma_wait3A_292] : memref<2x128xi32, #tpu.memory_space<vmem>> -> memref<1x128xi32, #tpu.memory_space<vmem>>
      %dma_wait3A_294 = tpu.memref_squeeze %dma_wait3A_293 : memref<1x128xi32, #tpu.memory_space<vmem>> -> memref<128xi32, #tpu.memory_space<vmem>>
      %dma_wait3A_295 = arith.constant 0 : i32
      %dma_wait3A_296 = arith.constant 0 : i32
      %dma_wait3A_297 = tpu.memref_slice %arg5[%dma_wait3A_295, %dma_wait3A_296] : memref<10112x80xf32, #tpu.memory_space<hbm>> -> memref<10112x80xf32, #tpu.memory_space<hbm>>
      tpu.wait_indirect_dma semaphore(%arg15 : memref<!tpu.dma_semaphore, #tpu.memory_space<semaphore_mem>>) src(%dma_wait3A_297 : memref<10112x80xf32, #tpu.memory_space<hbm>>) dst(%dma_wait3A_291 : memref<128x80xf32, #tpu.memory_space<vmem>>)
      %scan3A_298 = arith.constant 0 : i32
      %scan3A_299 = arith.constant 128 : i32
      %scan3A_300 = arith.addi %scan3A_298, %scan3A_299 : i32
      %scan3A_301 = arith.constant 1 : i32
      scf.for %scan3A_315 = %scan3A_298 to %scan3A_300 step %scan3A_301  : i32 {
        %mul3A_316 = arith.constant 1 : i32
        %mul3A_317 = arith.muli %scan3A_315, %mul3A_316 : i32
        %add3A_318 = arith.constant 0 : i32
        %add3A_319 = arith.addi %add3A_318, %mul3A_317 : i32
        %get3A = arith.constant 1 : i32
        %get3A_320 = arith.index_cast %get3A : i32 to index
        %get3A_321 = arith.index_cast %add3A_319 : i32 to index
        %get3A_322 = arith.constant 0 : index
        %get3A_323 = tpu.vector_load %arg10[%get3A_320, %get3A_321, %get3A_322] {strides = array<i32>} : memref<2x128x16xf32, #tpu.memory_space<vmem>>, vector<1x1x16xf32>,
        %get3A_324 = vector.shape_cast %get3A_323 : vector<1x1x16xf32> to vector<16xf32>
        %get3A_325 = arith.constant 1 : i32
        %get3A_326 = arith.index_cast %get3A_325 : i32 to index
        %get3A_327 = arith.index_cast %add3A_319 : i32 to index
        %get3A_328 = arith.constant 0 : index
        %get3A_329 = tpu.vector_load %arg11[%get3A_326, %get3A_327, %get3A_328] {strides = array<i32>} : memref<2x128x80xf32, #tpu.memory_space<vmem>>, vector<1x1x16xf32>,
        %get3A_330 = vector.shape_cast %get3A_329 : vector<1x1x16xf32> to vector<16xf32>
        %add3A_331 = arith.addf %get3A_324, %get3A_330 : vector<16xf32>
        %ge3A_332 = arith.constant 0.000000e+00 : f32
        %ge3A_333 = vector.broadcast %ge3A_332 : f32 to vector<16xf32>
        %ge3A_334 = arith.cmpf oge, %add3A_331, %ge3A_333 : vector<16xf32>
        %mul3A_335 = arith.constant 2.000000e-01 : f32
        %mul3A_336 = vector.broadcast %mul3A_335 : f32 to vector<16xf32>
        %mul3A_337 = arith.mulf %add3A_331, %mul3A_336 : vector<16xf32>
        %select_n3A = arith.select %ge3A_334, %add3A_331, %mul3A_337 : vector<16xi1>, vector<16xf32>
        %max3A = arith.constant -2.000000e+00 : f32
        %max3A_338 = vector.broadcast %max3A : f32 to vector<16xf32>
        %max3A_339 = arith.maximumf %select_n3A, %max3A_338 : vector<16xf32>
        %min3A = arith.constant 2.000000e+00 : f32
        %min3A_340 = vector.broadcast %min3A : f32 to vector<16xf32>
        %min3A_341 = arith.minimumf %max3A_339, %min3A_340 : vector<16xf32>
        %exp3A = math.exp %min3A_341 : vector<16xf32>
        %swap3A = arith.constant 3 : i32
        %swap3A_342 = arith.index_cast %swap3A : i32 to index
        %swap3A_343 = arith.index_cast %add3A_319 : i32 to index
        %swap3A_344 = arith.constant 0 : index
        %swap3A_345 = tpu.vector_load %arg12[%swap3A_342, %swap3A_343, %swap3A_344] {strides = array<i32>} : memref<4x128x80xf32, #tpu.memory_space<vmem>>, vector<1x1x16xf32>,
        %swap3A_346 = vector.shape_cast %swap3A_345 : vector<1x1x16xf32> to vector<16xf32>
        %swap3A_347 = vector.shape_cast %exp3A : vector<16xf32> to vector<1x1x16xf32>
        tpu.vector_store %arg12[%swap3A_342, %swap3A_343, %swap3A_344], %swap3A_347 {strides = array<i32>} : memref<4x128x80xf32, #tpu.memory_space<vmem>>, vector<1x1x16xf32>,
        %lt3A_348 = arith.constant 0 : i32
        %lt3A_349 = vector.broadcast %lt3A_348 : i32 to vector<16xi32>
        %lt3A_350 = arith.cmpi slt, %shift_right_logical3A_9, %lt3A_349 : vector<16xi32>
        %add3A_351 = arith.constant 16 : i32
        %add3A_352 = vector.broadcast %add3A_351 : i32 to vector<16xi32>
        %add3A_353 = arith.addi %shift_right_logical3A_9, %add3A_352 : vector<16xi32>
        %select_n3A_354 = arith.select %lt3A_350, %add3A_353, %shift_right_logical3A_9 : vector<16xi1>, vector<16xi32>
        %broadcast_in_dim3A = vector.shape_cast %select_n3A_354 : vector<16xi32> to vector<16x1xi32>
        %gather3A = vector.shape_cast %broadcast_in_dim3A : vector<16x1xi32> to vector<16xi32>
        %gather3A_355 = tpu.dynamic_gather %exp3A[%gather3A] in [0] : vector<16xf32>, vector<16xi32> -> vector<16xf32>
        %get3A_356 = arith.constant 1 : i32
        %get3A_357 = arith.index_cast %get3A_356 : i32 to index
        %get3A_358 = arith.index_cast %add3A_319 : i32 to index
        %get3A_359 = arith.constant 16 : index
        %get3A_360 = tpu.vector_load %arg11[%get3A_357, %get3A_358, %get3A_359] {strides = array<i32>} : memref<2x128x80xf32, #tpu.memory_space<vmem>>, vector<1x1x16xf32>,
        %get3A_361 = vector.shape_cast %get3A_360 : vector<1x1x16xf32> to vector<16xf32>
        %mul3A_362 = arith.mulf %gather3A_355, %get3A_361 : vector<16xf32>
        %swap3A_363 = arith.constant 3 : i32
        %swap3A_364 = arith.index_cast %swap3A_363 : i32 to index
        %swap3A_365 = arith.index_cast %add3A_319 : i32 to index
        %swap3A_366 = arith.constant 16 : index
        %swap3A_367 = tpu.vector_load %arg12[%swap3A_364, %swap3A_365, %swap3A_366] {strides = array<i32>} : memref<4x128x80xf32, #tpu.memory_space<vmem>>, vector<1x1x16xf32>,
        %swap3A_368 = vector.shape_cast %swap3A_367 : vector<1x1x16xf32> to vector<16xf32>
        %swap3A_369 = vector.shape_cast %mul3A_362 : vector<16xf32> to vector<1x1x16xf32>
        tpu.vector_store %arg12[%swap3A_364, %swap3A_365, %swap3A_366], %swap3A_369 {strides = array<i32>} : memref<4x128x80xf32, #tpu.memory_space<vmem>>, vector<1x1x16xf32>,
        %lt3A_370 = arith.constant 0 : i32
        %lt3A_371 = vector.broadcast %lt3A_370 : i32 to vector<16xi32>
        %lt3A_372 = arith.cmpi slt, %shift_right_logical3A_15, %lt3A_371 : vector<16xi32>
        %add3A_373 = arith.constant 16 : i32
        %add3A_374 = vector.broadcast %add3A_373 : i32 to vector<16xi32>
        %add3A_375 = arith.addi %shift_right_logical3A_15, %add3A_374 : vector<16xi32>
        %select_n3A_376 = arith.select %lt3A_372, %add3A_375, %shift_right_logical3A_15 : vector<16xi1>, vector<16xi32>
        %broadcast_in_dim3A_377 = vector.shape_cast %select_n3A_376 : vector<16xi32> to vector<16x1xi32>
        %gather3A_378 = vector.shape_cast %broadcast_in_dim3A_377 : vector<16x1xi32> to vector<16xi32>
        %gather3A_379 = tpu.dynamic_gather %exp3A[%gather3A_378] in [0] : vector<16xf32>, vector<16xi32> -> vector<16xf32>
        %get3A_380 = arith.constant 1 : i32
        %get3A_381 = arith.index_cast %get3A_380 : i32 to index
        %get3A_382 = arith.index_cast %add3A_319 : i32 to index
        %get3A_383 = arith.constant 32 : index
        %get3A_384 = tpu.vector_load %arg11[%get3A_381, %get3A_382, %get3A_383] {strides = array<i32>} : memref<2x128x80xf32, #tpu.memory_space<vmem>>, vector<1x1x16xf32>,
        %get3A_385 = vector.shape_cast %get3A_384 : vector<1x1x16xf32> to vector<16xf32>
        %mul3A_386 = arith.mulf %gather3A_379, %get3A_385 : vector<16xf32>
        %swap3A_387 = arith.constant 3 : i32
        %swap3A_388 = arith.index_cast %swap3A_387 : i32 to index
        %swap3A_389 = arith.index_cast %add3A_319 : i32 to index
        %swap3A_390 = arith.constant 32 : index
        %swap3A_391 = tpu.vector_load %arg12[%swap3A_388, %swap3A_389, %swap3A_390] {strides = array<i32>} : memref<4x128x80xf32, #tpu.memory_space<vmem>>, vector<1x1x16xf32>,
        %swap3A_392 = vector.shape_cast %swap3A_391 : vector<1x1x16xf32> to vector<16xf32>
        %swap3A_393 = vector.shape_cast %mul3A_386 : vector<16xf32> to vector<1x1x16xf32>
        tpu.vector_store %arg12[%swap3A_388, %swap3A_389, %swap3A_390], %swap3A_393 {strides = array<i32>} : memref<4x128x80xf32, #tpu.memory_space<vmem>>, vector<1x1x16xf32>,
        %lt3A_394 = arith.constant 0 : i32
        %lt3A_395 = vector.broadcast %lt3A_394 : i32 to vector<16xi32>
        %lt3A_396 = arith.cmpi slt, %shift_right_logical3A_21, %lt3A_395 : vector<16xi32>
        %add3A_397 = arith.constant 16 : i32
        %add3A_398 = vector.broadcast %add3A_397 : i32 to vector<16xi32>
        %add3A_399 = arith.addi %shift_right_logical3A_21, %add3A_398 : vector<16xi32>
        %select_n3A_400 = arith.select %lt3A_396, %add3A_399, %shift_right_logical3A_21 : vector<16xi1>, vector<16xi32>
        %broadcast_in_dim3A_401 = vector.shape_cast %select_n3A_400 : vector<16xi32> to vector<16x1xi32>
        %gather3A_402 = vector.shape_cast %broadcast_in_dim3A_401 : vector<16x1xi32> to vector<16xi32>
        %gather3A_403 = tpu.dynamic_gather %exp3A[%gather3A_402] in [0] : vector<16xf32>, vector<16xi32> -> vector<16xf32>
        %get3A_404 = arith.constant 1 : i32
        %get3A_405 = arith.index_cast %get3A_404 : i32 to index
        %get3A_406 = arith.index_cast %add3A_319 : i32 to index
        %get3A_407 = arith.constant 48 : index
        %get3A_408 = tpu.vector_load %arg11[%get3A_405, %get3A_406, %get3A_407] {strides = array<i32>} : memref<2x128x80xf32, #tpu.memory_space<vmem>>, vector<1x1x16xf32>,
        %get3A_409 = vector.shape_cast %get3A_408 : vector<1x1x16xf32> to vector<16xf32>
        %mul3A_410 = arith.mulf %gather3A_403, %get3A_409 : vector<16xf32>
        %swap3A_411 = arith.constant 3 : i32
        %swap3A_412 = arith.index_cast %swap3A_411 : i32 to index
        %swap3A_413 = arith.index_cast %add3A_319 : i32 to index
        %swap3A_414 = arith.constant 48 : index
        %swap3A_415 = tpu.vector_load %arg12[%swap3A_412, %swap3A_413, %swap3A_414] {strides = array<i32>} : memref<4x128x80xf32, #tpu.memory_space<vmem>>, vector<1x1x16xf32>,
        %swap3A_416 = vector.shape_cast %swap3A_415 : vector<1x1x16xf32> to vector<16xf32>
        %swap3A_417 = vector.shape_cast %mul3A_410 : vector<16xf32> to vector<1x1x16xf32>
        tpu.vector_store %arg12[%swap3A_412, %swap3A_413, %swap3A_414], %swap3A_417 {strides = array<i32>} : memref<4x128x80xf32, #tpu.memory_space<vmem>>, vector<1x1x16xf32>,
        %lt3A_418 = arith.constant 0 : i32
        %lt3A_419 = vector.broadcast %lt3A_418 : i32 to vector<16xi32>
        %lt3A_420 = arith.cmpi slt, %shift_right_logical3A_27, %lt3A_419 : vector<16xi32>
        %add3A_421 = arith.constant 16 : i32
        %add3A_422 = vector.broadcast %add3A_421 : i32 to vector<16xi32>
        %add3A_423 = arith.addi %shift_right_logical3A_27, %add3A_422 : vector<16xi32>
        %select_n3A_424 = arith.select %lt3A_420, %add3A_423, %shift_right_logical3A_27 : vector<16xi1>, vector<16xi32>
        %broadcast_in_dim3A_425 = vector.shape_cast %select_n3A_424 : vector<16xi32> to vector<16x1xi32>
        %gather3A_426 = vector.shape_cast %broadcast_in_dim3A_425 : vector<16x1xi32> to vector<16xi32>
        %gather3A_427 = tpu.dynamic_gather %exp3A[%gather3A_426] in [0] : vector<16xf32>, vector<16xi32> -> vector<16xf32>
        %get3A_428 = arith.constant 1 : i32
        %get3A_429 = arith.index_cast %get3A_428 : i32 to index
        %get3A_430 = arith.index_cast %add3A_319 : i32 to index
        %get3A_431 = arith.constant 64 : index
        %get3A_432 = tpu.vector_load %arg11[%get3A_429, %get3A_430, %get3A_431] {strides = array<i32>} : memref<2x128x80xf32, #tpu.memory_space<vmem>>, vector<1x1x16xf32>,
        %get3A_433 = vector.shape_cast %get3A_432 : vector<1x1x16xf32> to vector<16xf32>
        %mul3A_434 = arith.mulf %gather3A_427, %get3A_433 : vector<16xf32>
        %swap3A_435 = arith.constant 3 : i32
        %swap3A_436 = arith.index_cast %swap3A_435 : i32 to index
        %swap3A_437 = arith.index_cast %add3A_319 : i32 to index
        %swap3A_438 = arith.constant 64 : index
        %swap3A_439 = tpu.vector_load %arg12[%swap3A_436, %swap3A_437, %swap3A_438] {strides = array<i32>} : memref<4x128x80xf32, #tpu.memory_space<vmem>>, vector<1x1x16xf32>,
        %swap3A_440 = vector.shape_cast %swap3A_439 : vector<1x1x16xf32> to vector<16xf32>
        %swap3A_441 = vector.shape_cast %mul3A_434 : vector<16xf32> to vector<1x1x16xf32>
        tpu.vector_store %arg12[%swap3A_436, %swap3A_437, %swap3A_438], %swap3A_441 {strides = array<i32>} : memref<4x128x80xf32, #tpu.memory_space<vmem>>, vector<1x1x16xf32>,
      }
      %scan3A_302 = arith.constant 128 : i32
      %dma_start3A_303 = arith.constant 3 : i32
      %dma_start3A_304 = arith.constant 3 : i32
      %dma_start3A_305 = arith.constant 0 : i32
      %dma_start3A_306 = arith.constant 0 : i32
      %dma_start3A_307 = tpu.memref_slice %arg12[%dma_start3A_303, %dma_start3A_305, %dma_start3A_306] : memref<4x128x80xf32, #tpu.memory_space<vmem>> -> memref<1x128x80xf32, #tpu.memory_space<vmem>>
      %dma_start3A_308 = tpu.memref_squeeze %dma_start3A_307 : memref<1x128x80xf32, #tpu.memory_space<vmem>> -> memref<128x80xf32, #tpu.memory_space<vmem>>
      %dma_start3A_309 = arith.constant 0 : i32
      %dma_start3A_310 = tpu.memref_slice %arg9[%dma_start3A_304, %dma_start3A_309] : memref<4x128xi32, #tpu.memory_space<vmem>> -> memref<1x128xi32, #tpu.memory_space<vmem>>
      %dma_start3A_311 = tpu.memref_squeeze %dma_start3A_310 : memref<1x128xi32, #tpu.memory_space<vmem>> -> memref<128xi32, #tpu.memory_space<vmem>>
      %dma_start3A_312 = arith.constant 0 : i32
      %dma_start3A_313 = arith.constant 0 : i32
      %dma_start3A_314 = tpu.memref_slice %arg13[%dma_start3A_312, %dma_start3A_313] : memref<10112x80xf32, #tpu.memory_space<vmem_shared>> -> memref<10112x80xf32, #tpu.memory_space<vmem_shared>>
      tpu.enqueue_indirect_dma source(%dma_start3A_308 : memref<128x80xf32, #tpu.memory_space<vmem>>) target(%dma_start3A_314 : memref<10112x80xf32, #tpu.memory_space<vmem_shared>>) offsets(%dma_start3A_311 : memref<128xi32, #tpu.memory_space<vmem>>) semaphore(%arg19 : memref<!tpu.dma_semaphore, #tpu.memory_space<semaphore_mem>>) {add = true}
    }
    %scan3A_57 = arith.constant 10 : i32
    %dma_wait3A = arith.constant 1 : i32
    %dma_wait3A_58 = arith.constant 1 : i32
    %dma_wait3A_59 = arith.constant 0 : i32
    %dma_wait3A_60 = arith.constant 0 : i32
    %dma_wait3A_61 = tpu.memref_slice %arg12[%dma_wait3A, %dma_wait3A_59, %dma_wait3A_60] : memref<4x128x80xf32, #tpu.memory_space<vmem>> -> memref<1x128x80xf32, #tpu.memory_space<vmem>>
    %dma_wait3A_62 = tpu.memref_squeeze %dma_wait3A_61 : memref<1x128x80xf32, #tpu.memory_space<vmem>> -> memref<128x80xf32, #tpu.memory_space<vmem>>
    %dma_wait3A_63 = arith.constant 0 : i32
    %dma_wait3A_64 = tpu.memref_slice %arg9[%dma_wait3A_58, %dma_wait3A_63] : memref<4x128xi32, #tpu.memory_space<vmem>> -> memref<1x128xi32, #tpu.memory_space<vmem>>
    %dma_wait3A_65 = tpu.memref_squeeze %dma_wait3A_64 : memref<1x128xi32, #tpu.memory_space<vmem>> -> memref<128xi32, #tpu.memory_space<vmem>>
    %dma_wait3A_66 = arith.constant 0 : i32
    %dma_wait3A_67 = arith.constant 0 : i32
    %dma_wait3A_68 = tpu.memref_slice %arg13[%dma_wait3A_66, %dma_wait3A_67] : memref<10112x80xf32, #tpu.memory_space<vmem_shared>> -> memref<10112x80xf32, #tpu.memory_space<vmem_shared>>
    tpu.wait_indirect_dma semaphore(%arg17 : memref<!tpu.dma_semaphore, #tpu.memory_space<semaphore_mem>>) src(%dma_wait3A_62 : memref<128x80xf32, #tpu.memory_space<vmem>>) dst(%dma_wait3A_68 : memref<10112x80xf32, #tpu.memory_space<vmem_shared>>)
    %dma_wait3A_69 = arith.constant 2 : i32
    %dma_wait3A_70 = arith.constant 2 : i32
    %dma_wait3A_71 = arith.constant 0 : i32
    %dma_wait3A_72 = arith.constant 0 : i32
    %dma_wait3A_73 = tpu.memref_slice %arg12[%dma_wait3A_69, %dma_wait3A_71, %dma_wait3A_72] : memref<4x128x80xf32, #tpu.memory_space<vmem>> -> memref<1x128x80xf32, #tpu.memory_space<vmem>>
    %dma_wait3A_74 = tpu.memref_squeeze %dma_wait3A_73 : memref<1x128x80xf32, #tpu.memory_space<vmem>> -> memref<128x80xf32, #tpu.memory_space<vmem>>
    %dma_wait3A_75 = arith.constant 0 : i32
    %dma_wait3A_76 = tpu.memref_slice %arg9[%dma_wait3A_70, %dma_wait3A_75] : memref<4x128xi32, #tpu.memory_space<vmem>> -> memref<1x128xi32, #tpu.memory_space<vmem>>
    %dma_wait3A_77 = tpu.memref_squeeze %dma_wait3A_76 : memref<1x128xi32, #tpu.memory_space<vmem>> -> memref<128xi32, #tpu.memory_space<vmem>>
    %dma_wait3A_78 = arith.constant 0 : i32
    %dma_wait3A_79 = arith.constant 0 : i32
    %dma_wait3A_80 = tpu.memref_slice %arg13[%dma_wait3A_78, %dma_wait3A_79] : memref<10112x80xf32, #tpu.memory_space<vmem_shared>> -> memref<10112x80xf32, #tpu.memory_space<vmem_shared>>
    tpu.wait_indirect_dma semaphore(%arg18 : memref<!tpu.dma_semaphore, #tpu.memory_space<semaphore_mem>>) src(%dma_wait3A_74 : memref<128x80xf32, #tpu.memory_space<vmem>>) dst(%dma_wait3A_80 : memref<10112x80xf32, #tpu.memory_space<vmem_shared>>)
    %dma_wait3A_81 = arith.constant 3 : i32
    %dma_wait3A_82 = arith.constant 3 : i32
    %dma_wait3A_83 = arith.constant 0 : i32
    %dma_wait3A_84 = arith.constant 0 : i32
    %dma_wait3A_85 = tpu.memref_slice %arg12[%dma_wait3A_81, %dma_wait3A_83, %dma_wait3A_84] : memref<4x128x80xf32, #tpu.memory_space<vmem>> -> memref<1x128x80xf32, #tpu.memory_space<vmem>>
    %dma_wait3A_86 = tpu.memref_squeeze %dma_wait3A_85 : memref<1x128x80xf32, #tpu.memory_space<vmem>> -> memref<128x80xf32, #tpu.memory_space<vmem>>
    %dma_wait3A_87 = arith.constant 0 : i32
    %dma_wait3A_88 = tpu.memref_slice %arg9[%dma_wait3A_82, %dma_wait3A_87] : memref<4x128xi32, #tpu.memory_space<vmem>> -> memref<1x128xi32, #tpu.memory_space<vmem>>
    %dma_wait3A_89 = tpu.memref_squeeze %dma_wait3A_88 : memref<1x128xi32, #tpu.memory_space<vmem>> -> memref<128xi32, #tpu.memory_space<vmem>>
    %dma_wait3A_90 = arith.constant 0 : i32
    %dma_wait3A_91 = arith.constant 0 : i32
    %dma_wait3A_92 = tpu.memref_slice %arg13[%dma_wait3A_90, %dma_wait3A_91] : memref<10112x80xf32, #tpu.memory_space<vmem_shared>> -> memref<10112x80xf32, #tpu.memory_space<vmem_shared>>
    tpu.wait_indirect_dma semaphore(%arg19 : memref<!tpu.dma_semaphore, #tpu.memory_space<semaphore_mem>>) src(%dma_wait3A_86 : memref<128x80xf32, #tpu.memory_space<vmem>>) dst(%dma_wait3A_92 : memref<10112x80xf32, #tpu.memory_space<vmem_shared>>)
    %barrier3A_93 = arith.constant 0 : index
    tpu.barrier barrier_id(%barrier3A_93)
    "tpu.region"() ({
      %run_scoped3A_94 = tpu.sem_alloc : memref<!tpu.dma_semaphore, #tpu.memory_space<semaphore_mem>>
      %dma_start3A_95 = arith.constant 0 : i32
      %dma_start3A_96 = tpu.memref_slice %arg7[%arg0, %mul3A_0, %dma_start3A_95] : memref<2x10112x80xf32, #tpu.memory_space<hbm>> -> memref<1x632x80xf32, #tpu.memory_space<hbm>>
      %dma_start3A_97 = tpu.memref_squeeze %dma_start3A_96 : memref<1x632x80xf32, #tpu.memory_space<hbm>> -> memref<632x80xf32, #tpu.memory_space<hbm>>
      %dma_start3A_98 = arith.constant 0 : i32
      %dma_start3A_99 = tpu.memref_slice %arg13[%mul3A_0, %dma_start3A_98] : memref<10112x80xf32, #tpu.memory_space<vmem_shared>> -> memref<632x80xf32, #tpu.memory_space<vmem_shared>>
      tpu.enqueue_dma source(%dma_start3A_99 : memref<632x80xf32, #tpu.memory_space<vmem_shared>>) target(%dma_start3A_97 : memref<632x80xf32, #tpu.memory_space<hbm>>) target_semaphore(%run_scoped3A_94 : memref<!tpu.dma_semaphore, #tpu.memory_space<semaphore_mem>>)
      %dma_wait3A_100 = arith.constant 0 : i32
      %dma_wait3A_101 = tpu.memref_slice %arg7[%arg0, %mul3A_0, %dma_wait3A_100] : memref<2x10112x80xf32, #tpu.memory_space<hbm>> -> memref<1x632x80xf32, #tpu.memory_space<hbm>>
      %dma_wait3A_102 = tpu.memref_squeeze %dma_wait3A_101 : memref<1x632x80xf32, #tpu.memory_space<hbm>> -> memref<632x80xf32, #tpu.memory_space<hbm>>
      %dma_wait3A_103 = arith.constant 0 : i32
      %dma_wait3A_104 = tpu.memref_slice %arg13[%mul3A_0, %dma_wait3A_103] : memref<10112x80xf32, #tpu.memory_space<vmem_shared>> -> memref<632x80xf32, #tpu.memory_space<vmem_shared>>
      tpu.wait_dma2 semaphore(%run_scoped3A_94 : memref<!tpu.dma_semaphore, #tpu.memory_space<semaphore_mem>>) src(%dma_wait3A_104 : memref<632x80xf32, #tpu.memory_space<vmem_shared>>) dst(%dma_wait3A_102 : memref<632x80xf32, #tpu.memory_space<hbm>>)
      tpu.yield
    }) : () -> ()
    return
  }
}

#map = affine_map<(d0, d1) -> (0)>
#map1 = affine_map<(d0, d1) -> (0, 0)>
#map2 = affine_map<(d0, d1) -> (0, 0, 0)>
module attributes {stable_mosaic.version = 14 : i64} {
  func.func @_sc_edge_body(%arg0: i32, %arg1: i32, %arg2: memref<163840xi32, #tpu.memory_space<hbm>>, %arg3: memref<163840xi32, #tpu.memory_space<hbm>>, %arg4: memref<10112x16xf32, #tpu.memory_space<hbm>>, %arg5: memref<10112x80xf32, #tpu.memory_space<hbm>>, %arg6: memref<10112x80xf32, #tpu.memory_space<hbm>>, %arg7: memref<2x10112x80xf32, #tpu.memory_space<hbm>>, %arg8: memref<2x128xi32, #tpu.memory_space<vmem>>, %arg9: memref<4x128xi32, #tpu.memory_space<vmem>>, %arg10: memref<2x128x16xf32, #tpu.memory_space<vmem>>, %arg11: memref<2x128x80xf32, #tpu.memory_space<vmem>>, %arg12: memref<4x128x80xf32, #tpu.memory_space<vmem>>, %arg13: memref<10112x80xf32, #tpu.memory_space<vmem_shared>>, %arg14: memref<!tpu.dma_semaphore, #tpu.memory_space<semaphore_mem>>, %arg15: memref<!tpu.dma_semaphore, #tpu.memory_space<semaphore_mem>>, %arg16: memref<!tpu.dma_semaphore, #tpu.memory_space<semaphore_mem>>, %arg17: memref<!tpu.dma_semaphore, #tpu.memory_space<semaphore_mem>>, %arg18: memref<!tpu.dma_semaphore, #tpu.memory_space<semaphore_mem>>, %arg19: memref<!tpu.dma_semaphore, #tpu.memory_space<semaphore_mem>>) attributes {dimension_semantics = [#tpu.dimension_semantics<core_parallel>, #tpu.dimension_semantics<subcore_parallel>], iteration_bounds = array<i64: 2, 16>, scalar_prefetch = 0 : i64, scratch_operands = 12 : i64, tpu.core_type = #tpu.core_type<sc_vector_subcore>, window_params = [{transform_indices = #map}, {transform_indices = #map}, {transform_indices = #map1}, {transform_indices = #map1}, {transform_indices = #map1}, {transform_indices = #map2}]} {
    %mul3A = arith.constant 632 : i32
    %mul3A_0 = arith.muli %arg1, %mul3A : i32
    %mul3A_1 = arith.constant 16 : i32
    %mul3A_2 = arith.muli %arg0, %mul3A_1 : i32
    %add3A = arith.addi %mul3A_2, %arg1 : i32
    %mul3A_3 = arith.constant 5120 : i32
    %mul3A_4 = arith.muli %add3A, %mul3A_3 : i32
    %iota3A = tpu.iota {dimensions = array<i32: 0>} : vector<16xi32>
    %add3A_5 = arith.constant 0 : i32
    %add3A_6 = vector.broadcast %add3A_5 : i32 to vector<16xi32>
    %add3A_7 = arith.addi %iota3A, %add3A_6 : vector<16xi32>
    %shift_right_logical3A = arith.constant 6 : i32
    %shift_right_logical3A_8 = vector.broadcast %shift_right_logical3A : i32 to vector<16xi32>
    %shift_right_logical3A_9 = arith.shrui %add3A_7, %shift_right_logical3A_8 : vector<16xi32>
    %add3A_10 = arith.constant 16 : i32
    %add3A_11 = vector.broadcast %add3A_10 : i32 to vector<16xi32>
    %add3A_12 = arith.addi %iota3A, %add3A_11 : vector<16xi32>
    %shift_right_logical3A_13 = arith.constant 6 : i32
    %shift_right_logical3A_14 = vector.broadcast %shift_right_logical3A_13 : i32 to vector<16xi32>
    %shift_right_logical3A_15 = arith.shrui %add3A_12, %shift_right_logical3A_14 : vector<16xi32>
    %add3A_16 = arith.constant 32 : i32
    %add3A_17 = vector.broadcast %add3A_16 : i32 to vector<16xi32>
    %add3A_18 = arith.addi %iota3A, %add3A_17 : vector<16xi32>
    %shift_right_logical3A_19 = arith.constant 6 : i32
    %shift_right_logical3A_20 = vector.broadcast %shift_right_logical3A_19 : i32 to vector<16xi32>
    %shift_right_logical3A_21 = arith.shrui %add3A_18, %shift_right_logical3A_20 : vector<16xi32>
    %add3A_22 = arith.constant 48 : i32
    %add3A_23 = vector.broadcast %add3A_22 : i32 to vector<16xi32>
    %add3A_24 = arith.addi %iota3A, %add3A_23 : vector<16xi32>
    %shift_right_logical3A_25 = arith.constant 6 : i32
    %shift_right_logical3A_26 = vector.broadcast %shift_right_logical3A_25 : i32 to vector<16xi32>
    %shift_right_logical3A_27 = arith.shrui %add3A_24, %shift_right_logical3A_26 : vector<16xi32>
    %add3A_28 = arith.constant 0 : i32
    %add3A_29 = arith.addi %mul3A_4, %add3A_28 : i32
    %multiple_of3A = tpu.assume_multiple %add3A_29, 8 : i32
    %run_scoped3A = arith.constant 0 : i32
    "tpu.region"() ({
      %run_scoped3A_94 = tpu.sem_alloc : memref<!tpu.dma_semaphore, #tpu.memory_space<semaphore_mem>>
      %dma_start3A_95 = arith.constant 0 : i32
      %dma_start3A_96 = tpu.memref_slice %arg9[%run_scoped3A, %dma_start3A_95] : memref<4x128xi32, #tpu.memory_space<vmem>> -> memref<1x128xi32, #tpu.memory_space<vmem>>
      %dma_start3A_97 = tpu.memref_squeeze %dma_start3A_96 : memref<1x128xi32, #tpu.memory_space<vmem>> -> memref<128xi32, #tpu.memory_space<vmem>>
      %dma_start3A_98 = tpu.memref_slice %arg2[%multiple_of3A] : memref<163840xi32, #tpu.memory_space<hbm>> -> memref<128xi32, #tpu.memory_space<hbm>>
      %dma_start3A_99 = arith.constant 0 : i32
      %dma_start3A_100 = tpu.memref_slice %arg9[%run_scoped3A, %dma_start3A_99] : memref<4x128xi32, #tpu.memory_space<vmem>> -> memref<1x128xi32, #tpu.memory_space<vmem>>
      %dma_start3A_101 = tpu.memref_squeeze %dma_start3A_100 : memref<1x128xi32, #tpu.memory_space<vmem>> -> memref<128xi32, #tpu.memory_space<vmem>>
      %dma_start3A_102 = tpu.memref_slice %arg2[%multiple_of3A] : memref<163840xi32, #tpu.memory_space<hbm>> -> memref<128xi32, #tpu.memory_space<hbm>>
      tpu.enqueue_dma source(%dma_start3A_102 : memref<128xi32, #tpu.memory_space<hbm>>) target(%dma_start3A_101 : memref<128xi32, #tpu.memory_space<vmem>>) target_semaphore(%run_scoped3A_94 : memref<!tpu.dma_semaphore, #tpu.memory_space<semaphore_mem>>)
      %dma_wait3A_103 = arith.constant 0 : i32
      %dma_wait3A_104 = tpu.memref_slice %arg9[%run_scoped3A, %dma_wait3A_103] : memref<4x128xi32, #tpu.memory_space<vmem>> -> memref<1x128xi32, #tpu.memory_space<vmem>>
      %dma_wait3A_105 = tpu.memref_squeeze %dma_wait3A_104 : memref<1x128xi32, #tpu.memory_space<vmem>> -> memref<128xi32, #tpu.memory_space<vmem>>
      %dma_wait3A_106 = tpu.memref_slice %arg2[%multiple_of3A] : memref<163840xi32, #tpu.memory_space<hbm>> -> memref<128xi32, #tpu.memory_space<hbm>>
      %dma_wait3A_107 = arith.constant 0 : i32
      %dma_wait3A_108 = tpu.memref_slice %arg9[%run_scoped3A, %dma_wait3A_107] : memref<4x128xi32, #tpu.memory_space<vmem>> -> memref<1x128xi32, #tpu.memory_space<vmem>>
      %dma_wait3A_109 = tpu.memref_squeeze %dma_wait3A_108 : memref<1x128xi32, #tpu.memory_space<vmem>> -> memref<128xi32, #tpu.memory_space<vmem>>
      %dma_wait3A_110 = tpu.memref_slice %arg2[%multiple_of3A] : memref<163840xi32, #tpu.memory_space<hbm>> -> memref<128xi32, #tpu.memory_space<hbm>>
      tpu.wait_dma2 semaphore(%run_scoped3A_94 : memref<!tpu.dma_semaphore, #tpu.memory_space<semaphore_mem>>) src(%dma_wait3A_110 : memref<128xi32, #tpu.memory_space<hbm>>) dst(%dma_wait3A_109 : memref<128xi32, #tpu.memory_space<vmem>>)
      tpu.yield
    }) : () -> ()
    %run_scoped3A_30 = arith.constant 0 : i32
    "tpu.region"() ({
      %run_scoped3A_94 = tpu.sem_alloc : memref<!tpu.dma_semaphore, #tpu.memory_space<semaphore_mem>>
      %dma_start3A_95 = arith.constant 0 : i32
      %dma_start3A_96 = tpu.memref_slice %arg8[%run_scoped3A_30, %dma_start3A_95] : memref<2x128xi32, #tpu.memory_space<vmem>> -> memref<1x128xi32, #tpu.memory_space<vmem>>
      %dma_start3A_97 = tpu.memref_squeeze %dma_start3A_96 : memref<1x128xi32, #tpu.memory_space<vmem>> -> memref<128xi32, #tpu.memory_space<vmem>>
      %dma_start3A_98 = tpu.memref_slice %arg3[%multiple_of3A] : memref<163840xi32, #tpu.memory_space<hbm>> -> memref<128xi32, #tpu.memory_space<hbm>>
      %dma_start3A_99 = arith.constant 0 : i32
      %dma_start3A_100 = tpu.memref_slice %arg8[%run_scoped3A_30, %dma_start3A_99] : memref<2x128xi32, #tpu.memory_space<vmem>> -> memref<1x128xi32, #tpu.memory_space<vmem>>
      %dma_start3A_101 = tpu.memref_squeeze %dma_start3A_100 : memref<1x128xi32, #tpu.memory_space<vmem>> -> memref<128xi32, #tpu.memory_space<vmem>>
      %dma_start3A_102 = tpu.memref_slice %arg3[%multiple_of3A] : memref<163840xi32, #tpu.memory_space<hbm>> -> memref<128xi32, #tpu.memory_space<hbm>>
      tpu.enqueue_dma source(%dma_start3A_102 : memref<128xi32, #tpu.memory_space<hbm>>) target(%dma_start3A_101 : memref<128xi32, #tpu.memory_space<vmem>>) target_semaphore(%run_scoped3A_94 : memref<!tpu.dma_semaphore, #tpu.memory_space<semaphore_mem>>)
      %dma_wait3A_103 = arith.constant 0 : i32
      %dma_wait3A_104 = tpu.memref_slice %arg8[%run_scoped3A_30, %dma_wait3A_103] : memref<2x128xi32, #tpu.memory_space<vmem>> -> memref<1x128xi32, #tpu.memory_space<vmem>>
      %dma_wait3A_105 = tpu.memref_squeeze %dma_wait3A_104 : memref<1x128xi32, #tpu.memory_space<vmem>> -> memref<128xi32, #tpu.memory_space<vmem>>
      %dma_wait3A_106 = tpu.memref_slice %arg3[%multiple_of3A] : memref<163840xi32, #tpu.memory_space<hbm>> -> memref<128xi32, #tpu.memory_space<hbm>>
      %dma_wait3A_107 = arith.constant 0 : i32
      %dma_wait3A_108 = tpu.memref_slice %arg8[%run_scoped3A_30, %dma_wait3A_107] : memref<2x128xi32, #tpu.memory_space<vmem>> -> memref<1x128xi32, #tpu.memory_space<vmem>>
      %dma_wait3A_109 = tpu.memref_squeeze %dma_wait3A_108 : memref<1x128xi32, #tpu.memory_space<vmem>> -> memref<128xi32, #tpu.memory_space<vmem>>
      %dma_wait3A_110 = tpu.memref_slice %arg3[%multiple_of3A] : memref<163840xi32, #tpu.memory_space<hbm>> -> memref<128xi32, #tpu.memory_space<hbm>>
      tpu.wait_dma2 semaphore(%run_scoped3A_94 : memref<!tpu.dma_semaphore, #tpu.memory_space<semaphore_mem>>) src(%dma_wait3A_110 : memref<128xi32, #tpu.memory_space<hbm>>) dst(%dma_wait3A_109 : memref<128xi32, #tpu.memory_space<vmem>>)
      tpu.yield
    }) : () -> ()
    %dma_start3A = arith.constant 0 : i32
    %dma_start3A_31 = arith.constant 0 : i32
    %dma_start3A_32 = arith.constant 0 : i32
    %dma_start3A_33 = arith.constant 0 : i32
    %dma_start3A_34 = tpu.memref_slice %arg10[%dma_start3A_31, %dma_start3A_32, %dma_start3A_33] : memref<2x128x16xf32, #tpu.memory_space<vmem>> -> memref<1x128x16xf32, #tpu.memory_space<vmem>>
    %dma_start3A_35 = tpu.memref_squeeze %dma_start3A_34 : memref<1x128x16xf32, #tpu.memory_space<vmem>> -> memref<128x16xf32, #tpu.memory_space<vmem>>
    %dma_start3A_36 = arith.constant 0 : i32
    %dma_start3A_37 = tpu.memref_slice %arg9[%dma_start3A, %dma_start3A_36] : memref<4x128xi32, #tpu.memory_space<vmem>> -> memref<1x128xi32, #tpu.memory_space<vmem>>
    %dma_start3A_38 = tpu.memref_squeeze %dma_start3A_37 : memref<1x128xi32, #tpu.memory_space<vmem>> -> memref<128xi32, #tpu.memory_space<vmem>>
    %dma_start3A_39 = arith.constant 0 : i32
    %dma_start3A_40 = arith.constant 0 : i32
    %dma_start3A_41 = tpu.memref_slice %arg4[%dma_start3A_39, %dma_start3A_40] : memref<10112x16xf32, #tpu.memory_space<hbm>> -> memref<10112x16xf32, #tpu.memory_space<hbm>>
    tpu.enqueue_indirect_dma source(%dma_start3A_41 : memref<10112x16xf32, #tpu.memory_space<hbm>>) target(%dma_start3A_35 : memref<128x16xf32, #tpu.memory_space<vmem>>) offsets(%dma_start3A_38 : memref<128xi32, #tpu.memory_space<vmem>>) semaphore(%arg14 : memref<!tpu.dma_semaphore, #tpu.memory_space<semaphore_mem>>)
    %dma_start3A_42 = arith.constant 0 : i32
    %dma_start3A_43 = arith.constant 0 : i32
    %dma_start3A_44 = arith.constant 0 : i32
    %dma_start3A_45 = arith.constant 0 : i32
    %dma_start3A_46 = tpu.memref_slice %arg11[%dma_start3A_43, %dma_start3A_44, %dma_start3A_45] : memref<2x128x80xf32, #tpu.memory_space<vmem>> -> memref<1x128x80xf32, #tpu.memory_space<vmem>>
    %dma_start3A_47 = tpu.memref_squeeze %dma_start3A_46 : memref<1x128x80xf32, #tpu.memory_space<vmem>> -> memref<128x80xf32, #tpu.memory_space<vmem>>
    %dma_start3A_48 = arith.constant 0 : i32
    %dma_start3A_49 = tpu.memref_slice %arg8[%dma_start3A_42, %dma_start3A_48] : memref<2x128xi32, #tpu.memory_space<vmem>> -> memref<1x128xi32, #tpu.memory_space<vmem>>
    %dma_start3A_50 = tpu.memref_squeeze %dma_start3A_49 : memref<1x128xi32, #tpu.memory_space<vmem>> -> memref<128xi32, #tpu.memory_space<vmem>>
    %dma_start3A_51 = arith.constant 0 : i32
    %dma_start3A_52 = arith.constant 0 : i32
    %dma_start3A_53 = tpu.memref_slice %arg5[%dma_start3A_51, %dma_start3A_52] : memref<10112x80xf32, #tpu.memory_space<hbm>> -> memref<10112x80xf32, #tpu.memory_space<hbm>>
    tpu.enqueue_indirect_dma source(%dma_start3A_53 : memref<10112x80xf32, #tpu.memory_space<hbm>>) target(%dma_start3A_47 : memref<128x80xf32, #tpu.memory_space<vmem>>) offsets(%dma_start3A_50 : memref<128xi32, #tpu.memory_space<vmem>>) semaphore(%arg14 : memref<!tpu.dma_semaphore, #tpu.memory_space<semaphore_mem>>)
    "tpu.region"() ({
      %run_scoped3A_94 = tpu.sem_alloc : memref<!tpu.dma_semaphore, #tpu.memory_space<semaphore_mem>>
      %dma_start3A_95 = arith.constant 0 : i32
      %dma_start3A_96 = tpu.memref_slice %arg13[%mul3A_0, %dma_start3A_95] : memref<10112x80xf32, #tpu.memory_space<vmem_shared>> -> memref<632x80xf32, #tpu.memory_space<vmem_shared>>
      %dma_start3A_97 = arith.constant 0 : i32
      %dma_start3A_98 = tpu.memref_slice %arg6[%mul3A_0, %dma_start3A_97] : memref<10112x80xf32, #tpu.memory_space<hbm>> -> memref<632x80xf32, #tpu.memory_space<hbm>>
      tpu.enqueue_dma source(%dma_start3A_98 : memref<632x80xf32, #tpu.memory_space<hbm>>) target(%dma_start3A_96 : memref<632x80xf32, #tpu.memory_space<vmem_shared>>) target_semaphore(%run_scoped3A_94 : memref<!tpu.dma_semaphore, #tpu.memory_space<semaphore_mem>>)
      %dma_wait3A_99 = arith.constant 0 : i32
      %dma_wait3A_100 = tpu.memref_slice %arg13[%mul3A_0, %dma_wait3A_99] : memref<10112x80xf32, #tpu.memory_space<vmem_shared>> -> memref<632x80xf32, #tpu.memory_space<vmem_shared>>
      %dma_wait3A_101 = arith.constant 0 : i32
      %dma_wait3A_102 = tpu.memref_slice %arg6[%mul3A_0, %dma_wait3A_101] : memref<10112x80xf32, #tpu.memory_space<hbm>> -> memref<632x80xf32, #tpu.memory_space<hbm>>
      tpu.wait_dma2 semaphore(%run_scoped3A_94 : memref<!tpu.dma_semaphore, #tpu.memory_space<semaphore_mem>>) src(%dma_wait3A_102 : memref<632x80xf32, #tpu.memory_space<hbm>>) dst(%dma_wait3A_100 : memref<632x80xf32, #tpu.memory_space<vmem_shared>>)
      tpu.yield
    }) : () -> ()
    %barrier3A = arith.constant 0 : index
    tpu.barrier barrier_id(%barrier3A)
    %scan3A = arith.constant 0 : i32
    %scan3A_54 = arith.constant 10 : i32
    %scan3A_55 = arith.addi %scan3A, %scan3A_54 : i32
    %scan3A_56 = arith.constant 1 : i32
    scf.for %scan3A_94 = %scan3A to %scan3A_55 step %scan3A_56  : i32 {
      %mul3A_95 = arith.constant 4 : i32
      %mul3A_96 = arith.muli %scan3A_94, %mul3A_95 : i32
      %add3A_97 = arith.constant 0 : i32
      %add3A_98 = arith.addi %add3A_97, %mul3A_96 : i32
      %add3A_99 = arith.constant 0 : i32
      %add3A_100 = arith.addi %add3A_98, %add3A_99 : i32
      %ge3A = arith.constant 3 : i32
      %ge3A_101 = arith.cmpi sge, %add3A_100, %ge3A : i32
      %convert_element_type3A = arith.extui %ge3A_101 : i1 to i32
      %cond3A = arith.constant 0 : i32
      %cond3A_102 = arith.cmpi ne, %convert_element_type3A, %cond3A : i32
      scf.if %cond3A_102 {
        %dma_wait3A_315 = arith.constant 1 : i32
        %dma_wait3A_316 = arith.constant 1 : i32
        %dma_wait3A_317 = arith.constant 0 : i32
        %dma_wait3A_318 = arith.constant 0 : i32
        %dma_wait3A_319 = tpu.memref_slice %arg12[%dma_wait3A_315, %dma_wait3A_317, %dma_wait3A_318] : memref<4x128x80xf32, #tpu.memory_space<vmem>> -> memref<1x128x80xf32, #tpu.memory_space<vmem>>
        %dma_wait3A_320 = tpu.memref_squeeze %dma_wait3A_319 : memref<1x128x80xf32, #tpu.memory_space<vmem>> -> memref<128x80xf32, #tpu.memory_space<vmem>>
        %dma_wait3A_321 = arith.constant 0 : i32
        %dma_wait3A_322 = tpu.memref_slice %arg9[%dma_wait3A_316, %dma_wait3A_321] : memref<4x128xi32, #tpu.memory_space<vmem>> -> memref<1x128xi32, #tpu.memory_space<vmem>>
        %dma_wait3A_323 = tpu.memref_squeeze %dma_wait3A_322 : memref<1x128xi32, #tpu.memory_space<vmem>> -> memref<128xi32, #tpu.memory_space<vmem>>
        %dma_wait3A_324 = arith.constant 0 : i32
        %dma_wait3A_325 = arith.constant 0 : i32
        %dma_wait3A_326 = tpu.memref_slice %arg13[%dma_wait3A_324, %dma_wait3A_325] : memref<10112x80xf32, #tpu.memory_space<vmem_shared>> -> memref<10112x80xf32, #tpu.memory_space<vmem_shared>>
        tpu.wait_indirect_dma semaphore(%arg17 : memref<!tpu.dma_semaphore, #tpu.memory_space<semaphore_mem>>) src(%dma_wait3A_320 : memref<128x80xf32, #tpu.memory_space<vmem>>) dst(%dma_wait3A_326 : memref<10112x80xf32, #tpu.memory_space<vmem_shared>>)
      } else {
      }
      %add3A_103 = arith.constant 1 : i32
      %add3A_104 = arith.addi %add3A_100, %add3A_103 : i32
      %lt3A = arith.constant 40 : i32
      %lt3A_105 = arith.cmpi slt, %add3A_104, %lt3A : i32
      %convert_element_type3A_106 = arith.extui %lt3A_105 : i1 to i32
      %cond3A_107 = arith.constant 0 : i32
      %cond3A_108 = arith.cmpi ne, %convert_element_type3A_106, %cond3A_107 : i32
      scf.if %cond3A_108 {
        %add3A_315 = arith.constant 1 : i32
        %add3A_316 = arith.addi %add3A_100, %add3A_315 : i32
        %mul3A_317 = arith.constant 128 : i32
        %mul3A_318 = arith.muli %add3A_316, %mul3A_317 : i32
        %add3A_319 = arith.addi %mul3A_4, %mul3A_318 : i32
        %multiple_of3A_320 = tpu.assume_multiple %add3A_319, 8 : i32
        %run_scoped3A_321 = arith.constant 1 : i32
        "tpu.region"() ({
          %run_scoped3A_347 = tpu.sem_alloc : memref<!tpu.dma_semaphore, #tpu.memory_space<semaphore_mem>>
          %dma_start3A_348 = arith.constant 0 : i32
          %dma_start3A_349 = tpu.memref_slice %arg9[%run_scoped3A_321, %dma_start3A_348] : memref<4x128xi32, #tpu.memory_space<vmem>> -> memref<1x128xi32, #tpu.memory_space<vmem>>
          %dma_start3A_350 = tpu.memref_squeeze %dma_start3A_349 : memref<1x128xi32, #tpu.memory_space<vmem>> -> memref<128xi32, #tpu.memory_space<vmem>>
          %dma_start3A_351 = tpu.memref_slice %arg2[%multiple_of3A_320] : memref<163840xi32, #tpu.memory_space<hbm>> -> memref<128xi32, #tpu.memory_space<hbm>>
          %dma_start3A_352 = arith.constant 0 : i32
          %dma_start3A_353 = tpu.memref_slice %arg9[%run_scoped3A_321, %dma_start3A_352] : memref<4x128xi32, #tpu.memory_space<vmem>> -> memref<1x128xi32, #tpu.memory_space<vmem>>
          %dma_start3A_354 = tpu.memref_squeeze %dma_start3A_353 : memref<1x128xi32, #tpu.memory_space<vmem>> -> memref<128xi32, #tpu.memory_space<vmem>>
          %dma_start3A_355 = tpu.memref_slice %arg2[%multiple_of3A_320] : memref<163840xi32, #tpu.memory_space<hbm>> -> memref<128xi32, #tpu.memory_space<hbm>>
          tpu.enqueue_dma source(%dma_start3A_355 : memref<128xi32, #tpu.memory_space<hbm>>) target(%dma_start3A_354 : memref<128xi32, #tpu.memory_space<vmem>>) target_semaphore(%run_scoped3A_347 : memref<!tpu.dma_semaphore, #tpu.memory_space<semaphore_mem>>)
          %dma_wait3A_356 = arith.constant 0 : i32
          %dma_wait3A_357 = tpu.memref_slice %arg9[%run_scoped3A_321, %dma_wait3A_356] : memref<4x128xi32, #tpu.memory_space<vmem>> -> memref<1x128xi32, #tpu.memory_space<vmem>>
          %dma_wait3A_358 = tpu.memref_squeeze %dma_wait3A_357 : memref<1x128xi32, #tpu.memory_space<vmem>> -> memref<128xi32, #tpu.memory_space<vmem>>
          %dma_wait3A_359 = tpu.memref_slice %arg2[%multiple_of3A_320] : memref<163840xi32, #tpu.memory_space<hbm>> -> memref<128xi32, #tpu.memory_space<hbm>>
          %dma_wait3A_360 = arith.constant 0 : i32
          %dma_wait3A_361 = tpu.memref_slice %arg9[%run_scoped3A_321, %dma_wait3A_360] : memref<4x128xi32, #tpu.memory_space<vmem>> -> memref<1x128xi32, #tpu.memory_space<vmem>>
          %dma_wait3A_362 = tpu.memref_squeeze %dma_wait3A_361 : memref<1x128xi32, #tpu.memory_space<vmem>> -> memref<128xi32, #tpu.memory_space<vmem>>
          %dma_wait3A_363 = tpu.memref_slice %arg2[%multiple_of3A_320] : memref<163840xi32, #tpu.memory_space<hbm>> -> memref<128xi32, #tpu.memory_space<hbm>>
          tpu.wait_dma2 semaphore(%run_scoped3A_347 : memref<!tpu.dma_semaphore, #tpu.memory_space<semaphore_mem>>) src(%dma_wait3A_363 : memref<128xi32, #tpu.memory_space<hbm>>) dst(%dma_wait3A_362 : memref<128xi32, #tpu.memory_space<vmem>>)
          tpu.yield
        }) : () -> ()
        %run_scoped3A_322 = arith.constant 1 : i32
        "tpu.region"() ({
          %run_scoped3A_347 = tpu.sem_alloc : memref<!tpu.dma_semaphore, #tpu.memory_space<semaphore_mem>>
          %dma_start3A_348 = arith.constant 0 : i32
          %dma_start3A_349 = tpu.memref_slice %arg8[%run_scoped3A_322, %dma_start3A_348] : memref<2x128xi32, #tpu.memory_space<vmem>> -> memref<1x128xi32, #tpu.memory_space<vmem>>
          %dma_start3A_350 = tpu.memref_squeeze %dma_start3A_349 : memref<1x128xi32, #tpu.memory_space<vmem>> -> memref<128xi32, #tpu.memory_space<vmem>>
          %dma_start3A_351 = tpu.memref_slice %arg3[%multiple_of3A_320] : memref<163840xi32, #tpu.memory_space<hbm>> -> memref<128xi32, #tpu.memory_space<hbm>>
          %dma_start3A_352 = arith.constant 0 : i32
          %dma_start3A_353 = tpu.memref_slice %arg8[%run_scoped3A_322, %dma_start3A_352] : memref<2x128xi32, #tpu.memory_space<vmem>> -> memref<1x128xi32, #tpu.memory_space<vmem>>
          %dma_start3A_354 = tpu.memref_squeeze %dma_start3A_353 : memref<1x128xi32, #tpu.memory_space<vmem>> -> memref<128xi32, #tpu.memory_space<vmem>>
          %dma_start3A_355 = tpu.memref_slice %arg3[%multiple_of3A_320] : memref<163840xi32, #tpu.memory_space<hbm>> -> memref<128xi32, #tpu.memory_space<hbm>>
          tpu.enqueue_dma source(%dma_start3A_355 : memref<128xi32, #tpu.memory_space<hbm>>) target(%dma_start3A_354 : memref<128xi32, #tpu.memory_space<vmem>>) target_semaphore(%run_scoped3A_347 : memref<!tpu.dma_semaphore, #tpu.memory_space<semaphore_mem>>)
          %dma_wait3A_356 = arith.constant 0 : i32
          %dma_wait3A_357 = tpu.memref_slice %arg8[%run_scoped3A_322, %dma_wait3A_356] : memref<2x128xi32, #tpu.memory_space<vmem>> -> memref<1x128xi32, #tpu.memory_space<vmem>>
          %dma_wait3A_358 = tpu.memref_squeeze %dma_wait3A_357 : memref<1x128xi32, #tpu.memory_space<vmem>> -> memref<128xi32, #tpu.memory_space<vmem>>
          %dma_wait3A_359 = tpu.memref_slice %arg3[%multiple_of3A_320] : memref<163840xi32, #tpu.memory_space<hbm>> -> memref<128xi32, #tpu.memory_space<hbm>>
          %dma_wait3A_360 = arith.constant 0 : i32
          %dma_wait3A_361 = tpu.memref_slice %arg8[%run_scoped3A_322, %dma_wait3A_360] : memref<2x128xi32, #tpu.memory_space<vmem>> -> memref<1x128xi32, #tpu.memory_space<vmem>>
          %dma_wait3A_362 = tpu.memref_squeeze %dma_wait3A_361 : memref<1x128xi32, #tpu.memory_space<vmem>> -> memref<128xi32, #tpu.memory_space<vmem>>
          %dma_wait3A_363 = tpu.memref_slice %arg3[%multiple_of3A_320] : memref<163840xi32, #tpu.memory_space<hbm>> -> memref<128xi32, #tpu.memory_space<hbm>>
          tpu.wait_dma2 semaphore(%run_scoped3A_347 : memref<!tpu.dma_semaphore, #tpu.memory_space<semaphore_mem>>) src(%dma_wait3A_363 : memref<128xi32, #tpu.memory_space<hbm>>) dst(%dma_wait3A_362 : memref<128xi32, #tpu.memory_space<vmem>>)
          tpu.yield
        }) : () -> ()
        %dma_start3A_323 = arith.constant 1 : i32
        %dma_start3A_324 = arith.constant 1 : i32
        %dma_start3A_325 = arith.constant 0 : i32
        %dma_start3A_326 = arith.constant 0 : i32
        %dma_start3A_327 = tpu.memref_slice %arg10[%dma_start3A_324, %dma_start3A_325, %dma_start3A_326] : memref<2x128x16xf32, #tpu.memory_space<vmem>> -> memref<1x128x16xf32, #tpu.memory_space<vmem>>
        %dma_start3A_328 = tpu.memref_squeeze %dma_start3A_327 : memref<1x128x16xf32, #tpu.memory_space<vmem>> -> memref<128x16xf32, #tpu.memory_space<vmem>>
        %dma_start3A_329 = arith.constant 0 : i32
        %dma_start3A_330 = tpu.memref_slice %arg9[%dma_start3A_323, %dma_start3A_329] : memref<4x128xi32, #tpu.memory_space<vmem>> -> memref<1x128xi32, #tpu.memory_space<vmem>>
        %dma_start3A_331 = tpu.memref_squeeze %dma_start3A_330 : memref<1x128xi32, #tpu.memory_space<vmem>> -> memref<128xi32, #tpu.memory_space<vmem>>
        %dma_start3A_332 = arith.constant 0 : i32
        %dma_start3A_333 = arith.constant 0 : i32
        %dma_start3A_334 = tpu.memref_slice %arg4[%dma_start3A_332, %dma_start3A_333] : memref<10112x16xf32, #tpu.memory_space<hbm>> -> memref<10112x16xf32, #tpu.memory_space<hbm>>
        tpu.enqueue_indirect_dma source(%dma_start3A_334 : memref<10112x16xf32, #tpu.memory_space<hbm>>) target(%dma_start3A_328 : memref<128x16xf32, #tpu.memory_space<vmem>>) offsets(%dma_start3A_331 : memref<128xi32, #tpu.memory_space<vmem>>) semaphore(%arg15 : memref<!tpu.dma_semaphore, #tpu.memory_space<semaphore_mem>>)
        %dma_start3A_335 = arith.constant 1 : i32
        %dma_start3A_336 = arith.constant 1 : i32
        %dma_start3A_337 = arith.constant 0 : i32
        %dma_start3A_338 = arith.constant 0 : i32
        %dma_start3A_339 = tpu.memref_slice %arg11[%dma_start3A_336, %dma_start3A_337, %dma_start3A_338] : memref<2x128x80xf32, #tpu.memory_space<vmem>> -> memref<1x128x80xf32, #tpu.memory_space<vmem>>
        %dma_start3A_340 = tpu.memref_squeeze %dma_start3A_339 : memref<1x128x80xf32, #tpu.memory_space<vmem>> -> memref<128x80xf32, #tpu.memory_space<vmem>>
        %dma_start3A_341 = arith.constant 0 : i32
        %dma_start3A_342 = tpu.memref_slice %arg8[%dma_start3A_335, %dma_start3A_341] : memref<2x128xi32, #tpu.memory_space<vmem>> -> memref<1x128xi32, #tpu.memory_space<vmem>>
        %dma_start3A_343 = tpu.memref_squeeze %dma_start3A_342 : memref<1x128xi32, #tpu.memory_space<vmem>> -> memref<128xi32, #tpu.memory_space<vmem>>
        %dma_start3A_344 = arith.constant 0 : i32
        %dma_start3A_345 = arith.constant 0 : i32
        %dma_start3A_346 = tpu.memref_slice %arg5[%dma_start3A_344, %dma_start3A_345] : memref<10112x80xf32, #tpu.memory_space<hbm>> -> memref<10112x80xf32, #tpu.memory_space<hbm>>
        tpu.enqueue_indirect_dma source(%dma_start3A_346 : memref<10112x80xf32, #tpu.memory_space<hbm>>) target(%dma_start3A_340 : memref<128x80xf32, #tpu.memory_space<vmem>>) offsets(%dma_start3A_343 : memref<128xi32, #tpu.memory_space<vmem>>) semaphore(%arg15 : memref<!tpu.dma_semaphore, #tpu.memory_space<semaphore_mem>>)
      } else {
      }
      %dma_wait3A_109 = arith.constant 0 : i32
      %dma_wait3A_110 = arith.constant 0 : i32
      %dma_wait3A_111 = arith.constant 0 : i32
      %dma_wait3A_112 = arith.constant 0 : i32
      %dma_wait3A_113 = tpu.memref_slice %arg10[%dma_wait3A_110, %dma_wait3A_111, %dma_wait3A_112] : memref<2x128x16xf32, #tpu.memory_space<vmem>> -> memref<1x128x16xf32, #tpu.memory_space<vmem>>
      %dma_wait3A_114 = tpu.memref_squeeze %dma_wait3A_113 : memref<1x128x16xf32, #tpu.memory_space<vmem>> -> memref<128x16xf32, #tpu.memory_space<vmem>>
      %dma_wait3A_115 = arith.constant 0 : i32
      %dma_wait3A_116 = tpu.memref_slice %arg9[%dma_wait3A_109, %dma_wait3A_115] : memref<4x128xi32, #tpu.memory_space<vmem>> -> memref<1x128xi32, #tpu.memory_space<vmem>>
      %dma_wait3A_117 = tpu.memref_squeeze %dma_wait3A_116 : memref<1x128xi32, #tpu.memory_space<vmem>> -> memref<128xi32, #tpu.memory_space<vmem>>
      %dma_wait3A_118 = arith.constant 0 : i32
      %dma_wait3A_119 = arith.constant 0 : i32
      %dma_wait3A_120 = tpu.memref_slice %arg4[%dma_wait3A_118, %dma_wait3A_119] : memref<10112x16xf32, #tpu.memory_space<hbm>> -> memref<10112x16xf32, #tpu.memory_space<hbm>>
      tpu.wait_indirect_dma semaphore(%arg14 : memref<!tpu.dma_semaphore, #tpu.memory_space<semaphore_mem>>) src(%dma_wait3A_120 : memref<10112x16xf32, #tpu.memory_space<hbm>>) dst(%dma_wait3A_114 : memref<128x16xf32, #tpu.memory_space<vmem>>)
      %dma_wait3A_121 = arith.constant 0 : i32
      %dma_wait3A_122 = arith.constant 0 : i32
      %dma_wait3A_123 = arith.constant 0 : i32
      %dma_wait3A_124 = arith.constant 0 : i32
      %dma_wait3A_125 = tpu.memref_slice %arg11[%dma_wait3A_122, %dma_wait3A_123, %dma_wait3A_124] : memref<2x128x80xf32, #tpu.memory_space<vmem>> -> memref<1x128x80xf32, #tpu.memory_space<vmem>>
      %dma_wait3A_126 = tpu.memref_squeeze %dma_wait3A_125 : memref<1x128x80xf32, #tpu.memory_space<vmem>> -> memref<128x80xf32, #tpu.memory_space<vmem>>
      %dma_wait3A_127 = arith.constant 0 : i32
      %dma_wait3A_128 = tpu.memref_slice %arg8[%dma_wait3A_121, %dma_wait3A_127] : memref<2x128xi32, #tpu.memory_space<vmem>> -> memref<1x128xi32, #tpu.memory_space<vmem>>
      %dma_wait3A_129 = tpu.memref_squeeze %dma_wait3A_128 : memref<1x128xi32, #tpu.memory_space<vmem>> -> memref<128xi32, #tpu.memory_space<vmem>>
      %dma_wait3A_130 = arith.constant 0 : i32
      %dma_wait3A_131 = arith.constant 0 : i32
      %dma_wait3A_132 = tpu.memref_slice %arg5[%dma_wait3A_130, %dma_wait3A_131] : memref<10112x80xf32, #tpu.memory_space<hbm>> -> memref<10112x80xf32, #tpu.memory_space<hbm>>
      tpu.wait_indirect_dma semaphore(%arg14 : memref<!tpu.dma_semaphore, #tpu.memory_space<semaphore_mem>>) src(%dma_wait3A_132 : memref<10112x80xf32, #tpu.memory_space<hbm>>) dst(%dma_wait3A_126 : memref<128x80xf32, #tpu.memory_space<vmem>>)
      %scan3A_133 = arith.constant 0 : i32
      %scan3A_134 = arith.constant 128 : i32
      %scan3A_135 = arith.addi %scan3A_133, %scan3A_134 : i32
      %scan3A_136 = arith.constant 1 : i32
      scf.for %scan3A_315 = %scan3A_133 to %scan3A_135 step %scan3A_136  : i32 {
        %mul3A_316 = arith.constant 1 : i32
        %mul3A_317 = arith.muli %scan3A_315, %mul3A_316 : i32
        %add3A_318 = arith.constant 0 : i32
        %add3A_319 = arith.addi %add3A_318, %mul3A_317 : i32
        %get3A = arith.constant 0 : i32
        %get3A_320 = arith.index_cast %get3A : i32 to index
        %get3A_321 = arith.index_cast %add3A_319 : i32 to index
        %get3A_322 = arith.constant 0 : index
        %get3A_323 = tpu.vector_load %arg10[%get3A_320, %get3A_321, %get3A_322] {strides = array<i32>} : memref<2x128x16xf32, #tpu.memory_space<vmem>>, vector<1x1x16xf32>,
        %get3A_324 = vector.shape_cast %get3A_323 : vector<1x1x16xf32> to vector<16xf32>
        %get3A_325 = arith.constant 0 : i32
        %get3A_326 = arith.index_cast %get3A_325 : i32 to index
        %get3A_327 = arith.index_cast %add3A_319 : i32 to index
        %get3A_328 = arith.constant 0 : index
        %get3A_329 = tpu.vector_load %arg11[%get3A_326, %get3A_327, %get3A_328] {strides = array<i32>} : memref<2x128x80xf32, #tpu.memory_space<vmem>>, vector<1x1x16xf32>,
        %get3A_330 = vector.shape_cast %get3A_329 : vector<1x1x16xf32> to vector<16xf32>
        %add3A_331 = arith.addf %get3A_324, %get3A_330 : vector<16xf32>
        %ge3A_332 = arith.constant 0.000000e+00 : f32
        %ge3A_333 = vector.broadcast %ge3A_332 : f32 to vector<16xf32>
        %ge3A_334 = arith.cmpf oge, %add3A_331, %ge3A_333 : vector<16xf32>
        %mul3A_335 = arith.constant 2.000000e-01 : f32
        %mul3A_336 = vector.broadcast %mul3A_335 : f32 to vector<16xf32>
        %mul3A_337 = arith.mulf %add3A_331, %mul3A_336 : vector<16xf32>
        %select_n3A = arith.select %ge3A_334, %add3A_331, %mul3A_337 : vector<16xi1>, vector<16xf32>
        %max3A = arith.constant -2.000000e+00 : f32
        %max3A_338 = vector.broadcast %max3A : f32 to vector<16xf32>
        %max3A_339 = arith.maximumf %select_n3A, %max3A_338 : vector<16xf32>
        %min3A = arith.constant 2.000000e+00 : f32
        %min3A_340 = vector.broadcast %min3A : f32 to vector<16xf32>
        %min3A_341 = arith.minimumf %max3A_339, %min3A_340 : vector<16xf32>
        %exp3A = math.exp %min3A_341 : vector<16xf32>
        %swap3A = arith.constant 0 : i32
        %swap3A_342 = arith.index_cast %swap3A : i32 to index
        %swap3A_343 = arith.index_cast %add3A_319 : i32 to index
        %swap3A_344 = arith.constant 0 : index
        %swap3A_345 = tpu.vector_load %arg12[%swap3A_342, %swap3A_343, %swap3A_344] {strides = array<i32>} : memref<4x128x80xf32, #tpu.memory_space<vmem>>, vector<1x1x16xf32>,
        %swap3A_346 = vector.shape_cast %swap3A_345 : vector<1x1x16xf32> to vector<16xf32>
        %swap3A_347 = vector.shape_cast %exp3A : vector<16xf32> to vector<1x1x16xf32>
        tpu.vector_store %arg12[%swap3A_342, %swap3A_343, %swap3A_344], %swap3A_347 {strides = array<i32>} : memref<4x128x80xf32, #tpu.memory_space<vmem>>, vector<1x1x16xf32>,
        %lt3A_348 = arith.constant 0 : i32
        %lt3A_349 = vector.broadcast %lt3A_348 : i32 to vector<16xi32>
        %lt3A_350 = arith.cmpi slt, %shift_right_logical3A_9, %lt3A_349 : vector<16xi32>
        %add3A_351 = arith.constant 16 : i32
        %add3A_352 = vector.broadcast %add3A_351 : i32 to vector<16xi32>
        %add3A_353 = arith.addi %shift_right_logical3A_9, %add3A_352 : vector<16xi32>
        %select_n3A_354 = arith.select %lt3A_350, %add3A_353, %shift_right_logical3A_9 : vector<16xi1>, vector<16xi32>
        %broadcast_in_dim3A = vector.shape_cast %select_n3A_354 : vector<16xi32> to vector<16x1xi32>
        %gather3A = vector.shape_cast %broadcast_in_dim3A : vector<16x1xi32> to vector<16xi32>
        %gather3A_355 = tpu.dynamic_gather %exp3A[%gather3A] in [0] : vector<16xf32>, vector<16xi32> -> vector<16xf32>
        %get3A_356 = arith.constant 0 : i32
        %get3A_357 = arith.index_cast %get3A_356 : i32 to index
        %get3A_358 = arith.index_cast %add3A_319 : i32 to index
        %get3A_359 = arith.constant 16 : index
        %get3A_360 = tpu.vector_load %arg11[%get3A_357, %get3A_358, %get3A_359] {strides = array<i32>} : memref<2x128x80xf32, #tpu.memory_space<vmem>>, vector<1x1x16xf32>,
        %get3A_361 = vector.shape_cast %get3A_360 : vector<1x1x16xf32> to vector<16xf32>
        %mul3A_362 = arith.mulf %gather3A_355, %get3A_361 : vector<16xf32>
        %swap3A_363 = arith.constant 0 : i32
        %swap3A_364 = arith.index_cast %swap3A_363 : i32 to index
        %swap3A_365 = arith.index_cast %add3A_319 : i32 to index
        %swap3A_366 = arith.constant 16 : index
        %swap3A_367 = tpu.vector_load %arg12[%swap3A_364, %swap3A_365, %swap3A_366] {strides = array<i32>} : memref<4x128x80xf32, #tpu.memory_space<vmem>>, vector<1x1x16xf32>,
        %swap3A_368 = vector.shape_cast %swap3A_367 : vector<1x1x16xf32> to vector<16xf32>
        %swap3A_369 = vector.shape_cast %mul3A_362 : vector<16xf32> to vector<1x1x16xf32>
        tpu.vector_store %arg12[%swap3A_364, %swap3A_365, %swap3A_366], %swap3A_369 {strides = array<i32>} : memref<4x128x80xf32, #tpu.memory_space<vmem>>, vector<1x1x16xf32>,
        %lt3A_370 = arith.constant 0 : i32
        %lt3A_371 = vector.broadcast %lt3A_370 : i32 to vector<16xi32>
        %lt3A_372 = arith.cmpi slt, %shift_right_logical3A_15, %lt3A_371 : vector<16xi32>
        %add3A_373 = arith.constant 16 : i32
        %add3A_374 = vector.broadcast %add3A_373 : i32 to vector<16xi32>
        %add3A_375 = arith.addi %shift_right_logical3A_15, %add3A_374 : vector<16xi32>
        %select_n3A_376 = arith.select %lt3A_372, %add3A_375, %shift_right_logical3A_15 : vector<16xi1>, vector<16xi32>
        %broadcast_in_dim3A_377 = vector.shape_cast %select_n3A_376 : vector<16xi32> to vector<16x1xi32>
        %gather3A_378 = vector.shape_cast %broadcast_in_dim3A_377 : vector<16x1xi32> to vector<16xi32>
        %gather3A_379 = tpu.dynamic_gather %exp3A[%gather3A_378] in [0] : vector<16xf32>, vector<16xi32> -> vector<16xf32>
        %get3A_380 = arith.constant 0 : i32
        %get3A_381 = arith.index_cast %get3A_380 : i32 to index
        %get3A_382 = arith.index_cast %add3A_319 : i32 to index
        %get3A_383 = arith.constant 32 : index
        %get3A_384 = tpu.vector_load %arg11[%get3A_381, %get3A_382, %get3A_383] {strides = array<i32>} : memref<2x128x80xf32, #tpu.memory_space<vmem>>, vector<1x1x16xf32>,
        %get3A_385 = vector.shape_cast %get3A_384 : vector<1x1x16xf32> to vector<16xf32>
        %mul3A_386 = arith.mulf %gather3A_379, %get3A_385 : vector<16xf32>
        %swap3A_387 = arith.constant 0 : i32
        %swap3A_388 = arith.index_cast %swap3A_387 : i32 to index
        %swap3A_389 = arith.index_cast %add3A_319 : i32 to index
        %swap3A_390 = arith.constant 32 : index
        %swap3A_391 = tpu.vector_load %arg12[%swap3A_388, %swap3A_389, %swap3A_390] {strides = array<i32>} : memref<4x128x80xf32, #tpu.memory_space<vmem>>, vector<1x1x16xf32>,
        %swap3A_392 = vector.shape_cast %swap3A_391 : vector<1x1x16xf32> to vector<16xf32>
        %swap3A_393 = vector.shape_cast %mul3A_386 : vector<16xf32> to vector<1x1x16xf32>
        tpu.vector_store %arg12[%swap3A_388, %swap3A_389, %swap3A_390], %swap3A_393 {strides = array<i32>} : memref<4x128x80xf32, #tpu.memory_space<vmem>>, vector<1x1x16xf32>,
        %lt3A_394 = arith.constant 0 : i32
        %lt3A_395 = vector.broadcast %lt3A_394 : i32 to vector<16xi32>
        %lt3A_396 = arith.cmpi slt, %shift_right_logical3A_21, %lt3A_395 : vector<16xi32>
        %add3A_397 = arith.constant 16 : i32
        %add3A_398 = vector.broadcast %add3A_397 : i32 to vector<16xi32>
        %add3A_399 = arith.addi %shift_right_logical3A_21, %add3A_398 : vector<16xi32>
        %select_n3A_400 = arith.select %lt3A_396, %add3A_399, %shift_right_logical3A_21 : vector<16xi1>, vector<16xi32>
        %broadcast_in_dim3A_401 = vector.shape_cast %select_n3A_400 : vector<16xi32> to vector<16x1xi32>
        %gather3A_402 = vector.shape_cast %broadcast_in_dim3A_401 : vector<16x1xi32> to vector<16xi32>
        %gather3A_403 = tpu.dynamic_gather %exp3A[%gather3A_402] in [0] : vector<16xf32>, vector<16xi32> -> vector<16xf32>
        %get3A_404 = arith.constant 0 : i32
        %get3A_405 = arith.index_cast %get3A_404 : i32 to index
        %get3A_406 = arith.index_cast %add3A_319 : i32 to index
        %get3A_407 = arith.constant 48 : index
        %get3A_408 = tpu.vector_load %arg11[%get3A_405, %get3A_406, %get3A_407] {strides = array<i32>} : memref<2x128x80xf32, #tpu.memory_space<vmem>>, vector<1x1x16xf32>,
        %get3A_409 = vector.shape_cast %get3A_408 : vector<1x1x16xf32> to vector<16xf32>
        %mul3A_410 = arith.mulf %gather3A_403, %get3A_409 : vector<16xf32>
        %swap3A_411 = arith.constant 0 : i32
        %swap3A_412 = arith.index_cast %swap3A_411 : i32 to index
        %swap3A_413 = arith.index_cast %add3A_319 : i32 to index
        %swap3A_414 = arith.constant 48 : index
        %swap3A_415 = tpu.vector_load %arg12[%swap3A_412, %swap3A_413, %swap3A_414] {strides = array<i32>} : memref<4x128x80xf32, #tpu.memory_space<vmem>>, vector<1x1x16xf32>,
        %swap3A_416 = vector.shape_cast %swap3A_415 : vector<1x1x16xf32> to vector<16xf32>
        %swap3A_417 = vector.shape_cast %mul3A_410 : vector<16xf32> to vector<1x1x16xf32>
        tpu.vector_store %arg12[%swap3A_412, %swap3A_413, %swap3A_414], %swap3A_417 {strides = array<i32>} : memref<4x128x80xf32, #tpu.memory_space<vmem>>, vector<1x1x16xf32>,
        %lt3A_418 = arith.constant 0 : i32
        %lt3A_419 = vector.broadcast %lt3A_418 : i32 to vector<16xi32>
        %lt3A_420 = arith.cmpi slt, %shift_right_logical3A_27, %lt3A_419 : vector<16xi32>
        %add3A_421 = arith.constant 16 : i32
        %add3A_422 = vector.broadcast %add3A_421 : i32 to vector<16xi32>
        %add3A_423 = arith.addi %shift_right_logical3A_27, %add3A_422 : vector<16xi32>
        %select_n3A_424 = arith.select %lt3A_420, %add3A_423, %shift_right_logical3A_27 : vector<16xi1>, vector<16xi32>
        %broadcast_in_dim3A_425 = vector.shape_cast %select_n3A_424 : vector<16xi32> to vector<16x1xi32>
        %gather3A_426 = vector.shape_cast %broadcast_in_dim3A_425 : vector<16x1xi32> to vector<16xi32>
        %gather3A_427 = tpu.dynamic_gather %exp3A[%gather3A_426] in [0] : vector<16xf32>, vector<16xi32> -> vector<16xf32>
        %get3A_428 = arith.constant 0 : i32
        %get3A_429 = arith.index_cast %get3A_428 : i32 to index
        %get3A_430 = arith.index_cast %add3A_319 : i32 to index
        %get3A_431 = arith.constant 64 : index
        %get3A_432 = tpu.vector_load %arg11[%get3A_429, %get3A_430, %get3A_431] {strides = array<i32>} : memref<2x128x80xf32, #tpu.memory_space<vmem>>, vector<1x1x16xf32>,
        %get3A_433 = vector.shape_cast %get3A_432 : vector<1x1x16xf32> to vector<16xf32>
        %mul3A_434 = arith.mulf %gather3A_427, %get3A_433 : vector<16xf32>
        %swap3A_435 = arith.constant 0 : i32
        %swap3A_436 = arith.index_cast %swap3A_435 : i32 to index
        %swap3A_437 = arith.index_cast %add3A_319 : i32 to index
        %swap3A_438 = arith.constant 64 : index
        %swap3A_439 = tpu.vector_load %arg12[%swap3A_436, %swap3A_437, %swap3A_438] {strides = array<i32>} : memref<4x128x80xf32, #tpu.memory_space<vmem>>, vector<1x1x16xf32>,
        %swap3A_440 = vector.shape_cast %swap3A_439 : vector<1x1x16xf32> to vector<16xf32>
        %swap3A_441 = vector.shape_cast %mul3A_434 : vector<16xf32> to vector<1x1x16xf32>
        tpu.vector_store %arg12[%swap3A_436, %swap3A_437, %swap3A_438], %swap3A_441 {strides = array<i32>} : memref<4x128x80xf32, #tpu.memory_space<vmem>>, vector<1x1x16xf32>,
      }
      %scan3A_137 = arith.constant 128 : i32
      %dma_start3A_138 = arith.constant 0 : i32
      %dma_start3A_139 = arith.constant 0 : i32
      %dma_start3A_140 = arith.constant 0 : i32
      %dma_start3A_141 = arith.constant 0 : i32
      %dma_start3A_142 = tpu.memref_slice %arg12[%dma_start3A_138, %dma_start3A_140, %dma_start3A_141] : memref<4x128x80xf32, #tpu.memory_space<vmem>> -> memref<1x128x80xf32, #tpu.memory_space<vmem>>
      %dma_start3A_143 = tpu.memref_squeeze %dma_start3A_142 : memref<1x128x80xf32, #tpu.memory_space<vmem>> -> memref<128x80xf32, #tpu.memory_space<vmem>>
      %dma_start3A_144 = arith.constant 0 : i32
      %dma_start3A_145 = tpu.memref_slice %arg9[%dma_start3A_139, %dma_start3A_144] : memref<4x128xi32, #tpu.memory_space<vmem>> -> memref<1x128xi32, #tpu.memory_space<vmem>>
      %dma_start3A_146 = tpu.memref_squeeze %dma_start3A_145 : memref<1x128xi32, #tpu.memory_space<vmem>> -> memref<128xi32, #tpu.memory_space<vmem>>
      %dma_start3A_147 = arith.constant 0 : i32
      %dma_start3A_148 = arith.constant 0 : i32
      %dma_start3A_149 = tpu.memref_slice %arg13[%dma_start3A_147, %dma_start3A_148] : memref<10112x80xf32, #tpu.memory_space<vmem_shared>> -> memref<10112x80xf32, #tpu.memory_space<vmem_shared>>
      tpu.enqueue_indirect_dma source(%dma_start3A_143 : memref<128x80xf32, #tpu.memory_space<vmem>>) target(%dma_start3A_149 : memref<10112x80xf32, #tpu.memory_space<vmem_shared>>) offsets(%dma_start3A_146 : memref<128xi32, #tpu.memory_space<vmem>>) semaphore(%arg16 : memref<!tpu.dma_semaphore, #tpu.memory_space<semaphore_mem>>) {add = true}
      %add3A_150 = arith.constant 1 : i32
      %add3A_151 = arith.addi %add3A_98, %add3A_150 : i32
      %ge3A_152 = arith.constant 3 : i32
      %ge3A_153 = arith.cmpi sge, %add3A_151, %ge3A_152 : i32
      %convert_element_type3A_154 = arith.extui %ge3A_153 : i1 to i32
      %cond3A_155 = arith.constant 0 : i32
      %cond3A_156 = arith.cmpi ne, %convert_element_type3A_154, %cond3A_155 : i32
      scf.if %cond3A_156 {
        %dma_wait3A_315 = arith.constant 2 : i32
        %dma_wait3A_316 = arith.constant 2 : i32
        %dma_wait3A_317 = arith.constant 0 : i32
        %dma_wait3A_318 = arith.constant 0 : i32
        %dma_wait3A_319 = tpu.memref_slice %arg12[%dma_wait3A_315, %dma_wait3A_317, %dma_wait3A_318] : memref<4x128x80xf32, #tpu.memory_space<vmem>> -> memref<1x128x80xf32, #tpu.memory_space<vmem>>
        %dma_wait3A_320 = tpu.memref_squeeze %dma_wait3A_319 : memref<1x128x80xf32, #tpu.memory_space<vmem>> -> memref<128x80xf32, #tpu.memory_space<vmem>>
        %dma_wait3A_321 = arith.constant 0 : i32
        %dma_wait3A_322 = tpu.memref_slice %arg9[%dma_wait3A_316, %dma_wait3A_321] : memref<4x128xi32, #tpu.memory_space<vmem>> -> memref<1x128xi32, #tpu.memory_space<vmem>>
        %dma_wait3A_323 = tpu.memref_squeeze %dma_wait3A_322 : memref<1x128xi32, #tpu.memory_space<vmem>> -> memref<128xi32, #tpu.memory_space<vmem>>
        %dma_wait3A_324 = arith.constant 0 : i32
        %dma_wait3A_325 = arith.constant 0 : i32
        %dma_wait3A_326 = tpu.memref_slice %arg13[%dma_wait3A_324, %dma_wait3A_325] : memref<10112x80xf32, #tpu.memory_space<vmem_shared>> -> memref<10112x80xf32, #tpu.memory_space<vmem_shared>>
        tpu.wait_indirect_dma semaphore(%arg18 : memref<!tpu.dma_semaphore, #tpu.memory_space<semaphore_mem>>) src(%dma_wait3A_320 : memref<128x80xf32, #tpu.memory_space<vmem>>) dst(%dma_wait3A_326 : memref<10112x80xf32, #tpu.memory_space<vmem_shared>>)
      } else {
      }
      %add3A_157 = arith.constant 1 : i32
      %add3A_158 = arith.addi %add3A_151, %add3A_157 : i32
      %lt3A_159 = arith.constant 40 : i32
      %lt3A_160 = arith.cmpi slt, %add3A_158, %lt3A_159 : i32
      %convert_element_type3A_161 = arith.extui %lt3A_160 : i1 to i32
      %cond3A_162 = arith.constant 0 : i32
      %cond3A_163 = arith.cmpi ne, %convert_element_type3A_161, %cond3A_162 : i32
      scf.if %cond3A_163 {
        %add3A_315 = arith.constant 1 : i32
        %add3A_316 = arith.addi %add3A_151, %add3A_315 : i32
        %mul3A_317 = arith.constant 128 : i32
        %mul3A_318 = arith.muli %add3A_316, %mul3A_317 : i32
        %add3A_319 = arith.addi %mul3A_4, %mul3A_318 : i32
        %multiple_of3A_320 = tpu.assume_multiple %add3A_319, 8 : i32
        %run_scoped3A_321 = arith.constant 2 : i32
        "tpu.region"() ({
          %run_scoped3A_347 = tpu.sem_alloc : memref<!tpu.dma_semaphore, #tpu.memory_space<semaphore_mem>>
          %dma_start3A_348 = arith.constant 0 : i32
          %dma_start3A_349 = tpu.memref_slice %arg9[%run_scoped3A_321, %dma_start3A_348] : memref<4x128xi32, #tpu.memory_space<vmem>> -> memref<1x128xi32, #tpu.memory_space<vmem>>
          %dma_start3A_350 = tpu.memref_squeeze %dma_start3A_349 : memref<1x128xi32, #tpu.memory_space<vmem>> -> memref<128xi32, #tpu.memory_space<vmem>>
          %dma_start3A_351 = tpu.memref_slice %arg2[%multiple_of3A_320] : memref<163840xi32, #tpu.memory_space<hbm>> -> memref<128xi32, #tpu.memory_space<hbm>>
          %dma_start3A_352 = arith.constant 0 : i32
          %dma_start3A_353 = tpu.memref_slice %arg9[%run_scoped3A_321, %dma_start3A_352] : memref<4x128xi32, #tpu.memory_space<vmem>> -> memref<1x128xi32, #tpu.memory_space<vmem>>
          %dma_start3A_354 = tpu.memref_squeeze %dma_start3A_353 : memref<1x128xi32, #tpu.memory_space<vmem>> -> memref<128xi32, #tpu.memory_space<vmem>>
          %dma_start3A_355 = tpu.memref_slice %arg2[%multiple_of3A_320] : memref<163840xi32, #tpu.memory_space<hbm>> -> memref<128xi32, #tpu.memory_space<hbm>>
          tpu.enqueue_dma source(%dma_start3A_355 : memref<128xi32, #tpu.memory_space<hbm>>) target(%dma_start3A_354 : memref<128xi32, #tpu.memory_space<vmem>>) target_semaphore(%run_scoped3A_347 : memref<!tpu.dma_semaphore, #tpu.memory_space<semaphore_mem>>)
          %dma_wait3A_356 = arith.constant 0 : i32
          %dma_wait3A_357 = tpu.memref_slice %arg9[%run_scoped3A_321, %dma_wait3A_356] : memref<4x128xi32, #tpu.memory_space<vmem>> -> memref<1x128xi32, #tpu.memory_space<vmem>>
          %dma_wait3A_358 = tpu.memref_squeeze %dma_wait3A_357 : memref<1x128xi32, #tpu.memory_space<vmem>> -> memref<128xi32, #tpu.memory_space<vmem>>
          %dma_wait3A_359 = tpu.memref_slice %arg2[%multiple_of3A_320] : memref<163840xi32, #tpu.memory_space<hbm>> -> memref<128xi32, #tpu.memory_space<hbm>>
          %dma_wait3A_360 = arith.constant 0 : i32
          %dma_wait3A_361 = tpu.memref_slice %arg9[%run_scoped3A_321, %dma_wait3A_360] : memref<4x128xi32, #tpu.memory_space<vmem>> -> memref<1x128xi32, #tpu.memory_space<vmem>>
          %dma_wait3A_362 = tpu.memref_squeeze %dma_wait3A_361 : memref<1x128xi32, #tpu.memory_space<vmem>> -> memref<128xi32, #tpu.memory_space<vmem>>
          %dma_wait3A_363 = tpu.memref_slice %arg2[%multiple_of3A_320] : memref<163840xi32, #tpu.memory_space<hbm>> -> memref<128xi32, #tpu.memory_space<hbm>>
          tpu.wait_dma2 semaphore(%run_scoped3A_347 : memref<!tpu.dma_semaphore, #tpu.memory_space<semaphore_mem>>) src(%dma_wait3A_363 : memref<128xi32, #tpu.memory_space<hbm>>) dst(%dma_wait3A_362 : memref<128xi32, #tpu.memory_space<vmem>>)
          tpu.yield
        }) : () -> ()
        %run_scoped3A_322 = arith.constant 0 : i32
        "tpu.region"() ({
          %run_scoped3A_347 = tpu.sem_alloc : memref<!tpu.dma_semaphore, #tpu.memory_space<semaphore_mem>>
          %dma_start3A_348 = arith.constant 0 : i32
          %dma_start3A_349 = tpu.memref_slice %arg8[%run_scoped3A_322, %dma_start3A_348] : memref<2x128xi32, #tpu.memory_space<vmem>> -> memref<1x128xi32, #tpu.memory_space<vmem>>
          %dma_start3A_350 = tpu.memref_squeeze %dma_start3A_349 : memref<1x128xi32, #tpu.memory_space<vmem>> -> memref<128xi32, #tpu.memory_space<vmem>>
          %dma_start3A_351 = tpu.memref_slice %arg3[%multiple_of3A_320] : memref<163840xi32, #tpu.memory_space<hbm>> -> memref<128xi32, #tpu.memory_space<hbm>>
          %dma_start3A_352 = arith.constant 0 : i32
          %dma_start3A_353 = tpu.memref_slice %arg8[%run_scoped3A_322, %dma_start3A_352] : memref<2x128xi32, #tpu.memory_space<vmem>> -> memref<1x128xi32, #tpu.memory_space<vmem>>
          %dma_start3A_354 = tpu.memref_squeeze %dma_start3A_353 : memref<1x128xi32, #tpu.memory_space<vmem>> -> memref<128xi32, #tpu.memory_space<vmem>>
          %dma_start3A_355 = tpu.memref_slice %arg3[%multiple_of3A_320] : memref<163840xi32, #tpu.memory_space<hbm>> -> memref<128xi32, #tpu.memory_space<hbm>>
          tpu.enqueue_dma source(%dma_start3A_355 : memref<128xi32, #tpu.memory_space<hbm>>) target(%dma_start3A_354 : memref<128xi32, #tpu.memory_space<vmem>>) target_semaphore(%run_scoped3A_347 : memref<!tpu.dma_semaphore, #tpu.memory_space<semaphore_mem>>)
          %dma_wait3A_356 = arith.constant 0 : i32
          %dma_wait3A_357 = tpu.memref_slice %arg8[%run_scoped3A_322, %dma_wait3A_356] : memref<2x128xi32, #tpu.memory_space<vmem>> -> memref<1x128xi32, #tpu.memory_space<vmem>>
          %dma_wait3A_358 = tpu.memref_squeeze %dma_wait3A_357 : memref<1x128xi32, #tpu.memory_space<vmem>> -> memref<128xi32, #tpu.memory_space<vmem>>
          %dma_wait3A_359 = tpu.memref_slice %arg3[%multiple_of3A_320] : memref<163840xi32, #tpu.memory_space<hbm>> -> memref<128xi32, #tpu.memory_space<hbm>>
          %dma_wait3A_360 = arith.constant 0 : i32
          %dma_wait3A_361 = tpu.memref_slice %arg8[%run_scoped3A_322, %dma_wait3A_360] : memref<2x128xi32, #tpu.memory_space<vmem>> -> memref<1x128xi32, #tpu.memory_space<vmem>>
          %dma_wait3A_362 = tpu.memref_squeeze %dma_wait3A_361 : memref<1x128xi32, #tpu.memory_space<vmem>> -> memref<128xi32, #tpu.memory_space<vmem>>
          %dma_wait3A_363 = tpu.memref_slice %arg3[%multiple_of3A_320] : memref<163840xi32, #tpu.memory_space<hbm>> -> memref<128xi32, #tpu.memory_space<hbm>>
          tpu.wait_dma2 semaphore(%run_scoped3A_347 : memref<!tpu.dma_semaphore, #tpu.memory_space<semaphore_mem>>) src(%dma_wait3A_363 : memref<128xi32, #tpu.memory_space<hbm>>) dst(%dma_wait3A_362 : memref<128xi32, #tpu.memory_space<vmem>>)
          tpu.yield
        }) : () -> ()
        %dma_start3A_323 = arith.constant 2 : i32
        %dma_start3A_324 = arith.constant 0 : i32
        %dma_start3A_325 = arith.constant 0 : i32
        %dma_start3A_326 = arith.constant 0 : i32
        %dma_start3A_327 = tpu.memref_slice %arg10[%dma_start3A_324, %dma_start3A_325, %dma_start3A_326] : memref<2x128x16xf32, #tpu.memory_space<vmem>> -> memref<1x128x16xf32, #tpu.memory_space<vmem>>
        %dma_start3A_328 = tpu.memref_squeeze %dma_start3A_327 : memref<1x128x16xf32, #tpu.memory_space<vmem>> -> memref<128x16xf32, #tpu.memory_space<vmem>>
        %dma_start3A_329 = arith.constant 0 : i32
        %dma_start3A_330 = tpu.memref_slice %arg9[%dma_start3A_323, %dma_start3A_329] : memref<4x128xi32, #tpu.memory_space<vmem>> -> memref<1x128xi32, #tpu.memory_space<vmem>>
        %dma_start3A_331 = tpu.memref_squeeze %dma_start3A_330 : memref<1x128xi32, #tpu.memory_space<vmem>> -> memref<128xi32, #tpu.memory_space<vmem>>
        %dma_start3A_332 = arith.constant 0 : i32
        %dma_start3A_333 = arith.constant 0 : i32
        %dma_start3A_334 = tpu.memref_slice %arg4[%dma_start3A_332, %dma_start3A_333] : memref<10112x16xf32, #tpu.memory_space<hbm>> -> memref<10112x16xf32, #tpu.memory_space<hbm>>
        tpu.enqueue_indirect_dma source(%dma_start3A_334 : memref<10112x16xf32, #tpu.memory_space<hbm>>) target(%dma_start3A_328 : memref<128x16xf32, #tpu.memory_space<vmem>>) offsets(%dma_start3A_331 : memref<128xi32, #tpu.memory_space<vmem>>) semaphore(%arg14 : memref<!tpu.dma_semaphore, #tpu.memory_space<semaphore_mem>>)
        %dma_start3A_335 = arith.constant 0 : i32
        %dma_start3A_336 = arith.constant 0 : i32
        %dma_start3A_337 = arith.constant 0 : i32
        %dma_start3A_338 = arith.constant 0 : i32
        %dma_start3A_339 = tpu.memref_slice %arg11[%dma_start3A_336, %dma_start3A_337, %dma_start3A_338] : memref<2x128x80xf32, #tpu.memory_space<vmem>> -> memref<1x128x80xf32, #tpu.memory_space<vmem>>
        %dma_start3A_340 = tpu.memref_squeeze %dma_start3A_339 : memref<1x128x80xf32, #tpu.memory_space<vmem>> -> memref<128x80xf32, #tpu.memory_space<vmem>>
        %dma_start3A_341 = arith.constant 0 : i32
        %dma_start3A_342 = tpu.memref_slice %arg8[%dma_start3A_335, %dma_start3A_341] : memref<2x128xi32, #tpu.memory_space<vmem>> -> memref<1x128xi32, #tpu.memory_space<vmem>>
        %dma_start3A_343 = tpu.memref_squeeze %dma_start3A_342 : memref<1x128xi32, #tpu.memory_space<vmem>> -> memref<128xi32, #tpu.memory_space<vmem>>
        %dma_start3A_344 = arith.constant 0 : i32
        %dma_start3A_345 = arith.constant 0 : i32
        %dma_start3A_346 = tpu.memref_slice %arg5[%dma_start3A_344, %dma_start3A_345] : memref<10112x80xf32, #tpu.memory_space<hbm>> -> memref<10112x80xf32, #tpu.memory_space<hbm>>
        tpu.enqueue_indirect_dma source(%dma_start3A_346 : memref<10112x80xf32, #tpu.memory_space<hbm>>) target(%dma_start3A_340 : memref<128x80xf32, #tpu.memory_space<vmem>>) offsets(%dma_start3A_343 : memref<128xi32, #tpu.memory_space<vmem>>) semaphore(%arg14 : memref<!tpu.dma_semaphore, #tpu.memory_space<semaphore_mem>>)
      } else {
      }
      %dma_wait3A_164 = arith.constant 1 : i32
      %dma_wait3A_165 = arith.constant 1 : i32
      %dma_wait3A_166 = arith.constant 0 : i32
      %dma_wait3A_167 = arith.constant 0 : i32
      %dma_wait3A_168 = tpu.memref_slice %arg10[%dma_wait3A_165, %dma_wait3A_166, %dma_wait3A_167] : memref<2x128x16xf32, #tpu.memory_space<vmem>> -> memref<1x128x16xf32, #tpu.memory_space<vmem>>
      %dma_wait3A_169 = tpu.memref_squeeze %dma_wait3A_168 : memref<1x128x16xf32, #tpu.memory_space<vmem>> -> memref<128x16xf32, #tpu.memory_space<vmem>>
      %dma_wait3A_170 = arith.constant 0 : i32
      %dma_wait3A_171 = tpu.memref_slice %arg9[%dma_wait3A_164, %dma_wait3A_170] : memref<4x128xi32, #tpu.memory_space<vmem>> -> memref<1x128xi32, #tpu.memory_space<vmem>>
      %dma_wait3A_172 = tpu.memref_squeeze %dma_wait3A_171 : memref<1x128xi32, #tpu.memory_space<vmem>> -> memref<128xi32, #tpu.memory_space<vmem>>
      %dma_wait3A_173 = arith.constant 0 : i32
      %dma_wait3A_174 = arith.constant 0 : i32
      %dma_wait3A_175 = tpu.memref_slice %arg4[%dma_wait3A_173, %dma_wait3A_174] : memref<10112x16xf32, #tpu.memory_space<hbm>> -> memref<10112x16xf32, #tpu.memory_space<hbm>>
      tpu.wait_indirect_dma semaphore(%arg15 : memref<!tpu.dma_semaphore, #tpu.memory_space<semaphore_mem>>) src(%dma_wait3A_175 : memref<10112x16xf32, #tpu.memory_space<hbm>>) dst(%dma_wait3A_169 : memref<128x16xf32, #tpu.memory_space<vmem>>)
      %dma_wait3A_176 = arith.constant 1 : i32
      %dma_wait3A_177 = arith.constant 1 : i32
      %dma_wait3A_178 = arith.constant 0 : i32
      %dma_wait3A_179 = arith.constant 0 : i32
      %dma_wait3A_180 = tpu.memref_slice %arg11[%dma_wait3A_177, %dma_wait3A_178, %dma_wait3A_179] : memref<2x128x80xf32, #tpu.memory_space<vmem>> -> memref<1x128x80xf32, #tpu.memory_space<vmem>>
      %dma_wait3A_181 = tpu.memref_squeeze %dma_wait3A_180 : memref<1x128x80xf32, #tpu.memory_space<vmem>> -> memref<128x80xf32, #tpu.memory_space<vmem>>
      %dma_wait3A_182 = arith.constant 0 : i32
      %dma_wait3A_183 = tpu.memref_slice %arg8[%dma_wait3A_176, %dma_wait3A_182] : memref<2x128xi32, #tpu.memory_space<vmem>> -> memref<1x128xi32, #tpu.memory_space<vmem>>
      %dma_wait3A_184 = tpu.memref_squeeze %dma_wait3A_183 : memref<1x128xi32, #tpu.memory_space<vmem>> -> memref<128xi32, #tpu.memory_space<vmem>>
      %dma_wait3A_185 = arith.constant 0 : i32
      %dma_wait3A_186 = arith.constant 0 : i32
      %dma_wait3A_187 = tpu.memref_slice %arg5[%dma_wait3A_185, %dma_wait3A_186] : memref<10112x80xf32, #tpu.memory_space<hbm>> -> memref<10112x80xf32, #tpu.memory_space<hbm>>
      tpu.wait_indirect_dma semaphore(%arg15 : memref<!tpu.dma_semaphore, #tpu.memory_space<semaphore_mem>>) src(%dma_wait3A_187 : memref<10112x80xf32, #tpu.memory_space<hbm>>) dst(%dma_wait3A_181 : memref<128x80xf32, #tpu.memory_space<vmem>>)
      %scan3A_188 = arith.constant 0 : i32
      %scan3A_189 = arith.constant 128 : i32
      %scan3A_190 = arith.addi %scan3A_188, %scan3A_189 : i32
      %scan3A_191 = arith.constant 1 : i32
      scf.for %scan3A_315 = %scan3A_188 to %scan3A_190 step %scan3A_191  : i32 {
        %mul3A_316 = arith.constant 1 : i32
        %mul3A_317 = arith.muli %scan3A_315, %mul3A_316 : i32
        %add3A_318 = arith.constant 0 : i32
        %add3A_319 = arith.addi %add3A_318, %mul3A_317 : i32
        %get3A = arith.constant 1 : i32
        %get3A_320 = arith.index_cast %get3A : i32 to index
        %get3A_321 = arith.index_cast %add3A_319 : i32 to index
        %get3A_322 = arith.constant 0 : index
        %get3A_323 = tpu.vector_load %arg10[%get3A_320, %get3A_321, %get3A_322] {strides = array<i32>} : memref<2x128x16xf32, #tpu.memory_space<vmem>>, vector<1x1x16xf32>,
        %get3A_324 = vector.shape_cast %get3A_323 : vector<1x1x16xf32> to vector<16xf32>
        %get3A_325 = arith.constant 1 : i32
        %get3A_326 = arith.index_cast %get3A_325 : i32 to index
        %get3A_327 = arith.index_cast %add3A_319 : i32 to index
        %get3A_328 = arith.constant 0 : index
        %get3A_329 = tpu.vector_load %arg11[%get3A_326, %get3A_327, %get3A_328] {strides = array<i32>} : memref<2x128x80xf32, #tpu.memory_space<vmem>>, vector<1x1x16xf32>,
        %get3A_330 = vector.shape_cast %get3A_329 : vector<1x1x16xf32> to vector<16xf32>
        %add3A_331 = arith.addf %get3A_324, %get3A_330 : vector<16xf32>
        %ge3A_332 = arith.constant 0.000000e+00 : f32
        %ge3A_333 = vector.broadcast %ge3A_332 : f32 to vector<16xf32>
        %ge3A_334 = arith.cmpf oge, %add3A_331, %ge3A_333 : vector<16xf32>
        %mul3A_335 = arith.constant 2.000000e-01 : f32
        %mul3A_336 = vector.broadcast %mul3A_335 : f32 to vector<16xf32>
        %mul3A_337 = arith.mulf %add3A_331, %mul3A_336 : vector<16xf32>
        %select_n3A = arith.select %ge3A_334, %add3A_331, %mul3A_337 : vector<16xi1>, vector<16xf32>
        %max3A = arith.constant -2.000000e+00 : f32
        %max3A_338 = vector.broadcast %max3A : f32 to vector<16xf32>
        %max3A_339 = arith.maximumf %select_n3A, %max3A_338 : vector<16xf32>
        %min3A = arith.constant 2.000000e+00 : f32
        %min3A_340 = vector.broadcast %min3A : f32 to vector<16xf32>
        %min3A_341 = arith.minimumf %max3A_339, %min3A_340 : vector<16xf32>
        %exp3A = math.exp %min3A_341 : vector<16xf32>
        %swap3A = arith.constant 1 : i32
        %swap3A_342 = arith.index_cast %swap3A : i32 to index
        %swap3A_343 = arith.index_cast %add3A_319 : i32 to index
        %swap3A_344 = arith.constant 0 : index
        %swap3A_345 = tpu.vector_load %arg12[%swap3A_342, %swap3A_343, %swap3A_344] {strides = array<i32>} : memref<4x128x80xf32, #tpu.memory_space<vmem>>, vector<1x1x16xf32>,
        %swap3A_346 = vector.shape_cast %swap3A_345 : vector<1x1x16xf32> to vector<16xf32>
        %swap3A_347 = vector.shape_cast %exp3A : vector<16xf32> to vector<1x1x16xf32>
        tpu.vector_store %arg12[%swap3A_342, %swap3A_343, %swap3A_344], %swap3A_347 {strides = array<i32>} : memref<4x128x80xf32, #tpu.memory_space<vmem>>, vector<1x1x16xf32>,
        %lt3A_348 = arith.constant 0 : i32
        %lt3A_349 = vector.broadcast %lt3A_348 : i32 to vector<16xi32>
        %lt3A_350 = arith.cmpi slt, %shift_right_logical3A_9, %lt3A_349 : vector<16xi32>
        %add3A_351 = arith.constant 16 : i32
        %add3A_352 = vector.broadcast %add3A_351 : i32 to vector<16xi32>
        %add3A_353 = arith.addi %shift_right_logical3A_9, %add3A_352 : vector<16xi32>
        %select_n3A_354 = arith.select %lt3A_350, %add3A_353, %shift_right_logical3A_9 : vector<16xi1>, vector<16xi32>
        %broadcast_in_dim3A = vector.shape_cast %select_n3A_354 : vector<16xi32> to vector<16x1xi32>
        %gather3A = vector.shape_cast %broadcast_in_dim3A : vector<16x1xi32> to vector<16xi32>
        %gather3A_355 = tpu.dynamic_gather %exp3A[%gather3A] in [0] : vector<16xf32>, vector<16xi32> -> vector<16xf32>
        %get3A_356 = arith.constant 1 : i32
        %get3A_357 = arith.index_cast %get3A_356 : i32 to index
        %get3A_358 = arith.index_cast %add3A_319 : i32 to index
        %get3A_359 = arith.constant 16 : index
        %get3A_360 = tpu.vector_load %arg11[%get3A_357, %get3A_358, %get3A_359] {strides = array<i32>} : memref<2x128x80xf32, #tpu.memory_space<vmem>>, vector<1x1x16xf32>,
        %get3A_361 = vector.shape_cast %get3A_360 : vector<1x1x16xf32> to vector<16xf32>
        %mul3A_362 = arith.mulf %gather3A_355, %get3A_361 : vector<16xf32>
        %swap3A_363 = arith.constant 1 : i32
        %swap3A_364 = arith.index_cast %swap3A_363 : i32 to index
        %swap3A_365 = arith.index_cast %add3A_319 : i32 to index
        %swap3A_366 = arith.constant 16 : index
        %swap3A_367 = tpu.vector_load %arg12[%swap3A_364, %swap3A_365, %swap3A_366] {strides = array<i32>} : memref<4x128x80xf32, #tpu.memory_space<vmem>>, vector<1x1x16xf32>,
        %swap3A_368 = vector.shape_cast %swap3A_367 : vector<1x1x16xf32> to vector<16xf32>
        %swap3A_369 = vector.shape_cast %mul3A_362 : vector<16xf32> to vector<1x1x16xf32>
        tpu.vector_store %arg12[%swap3A_364, %swap3A_365, %swap3A_366], %swap3A_369 {strides = array<i32>} : memref<4x128x80xf32, #tpu.memory_space<vmem>>, vector<1x1x16xf32>,
        %lt3A_370 = arith.constant 0 : i32
        %lt3A_371 = vector.broadcast %lt3A_370 : i32 to vector<16xi32>
        %lt3A_372 = arith.cmpi slt, %shift_right_logical3A_15, %lt3A_371 : vector<16xi32>
        %add3A_373 = arith.constant 16 : i32
        %add3A_374 = vector.broadcast %add3A_373 : i32 to vector<16xi32>
        %add3A_375 = arith.addi %shift_right_logical3A_15, %add3A_374 : vector<16xi32>
        %select_n3A_376 = arith.select %lt3A_372, %add3A_375, %shift_right_logical3A_15 : vector<16xi1>, vector<16xi32>
        %broadcast_in_dim3A_377 = vector.shape_cast %select_n3A_376 : vector<16xi32> to vector<16x1xi32>
        %gather3A_378 = vector.shape_cast %broadcast_in_dim3A_377 : vector<16x1xi32> to vector<16xi32>
        %gather3A_379 = tpu.dynamic_gather %exp3A[%gather3A_378] in [0] : vector<16xf32>, vector<16xi32> -> vector<16xf32>
        %get3A_380 = arith.constant 1 : i32
        %get3A_381 = arith.index_cast %get3A_380 : i32 to index
        %get3A_382 = arith.index_cast %add3A_319 : i32 to index
        %get3A_383 = arith.constant 32 : index
        %get3A_384 = tpu.vector_load %arg11[%get3A_381, %get3A_382, %get3A_383] {strides = array<i32>} : memref<2x128x80xf32, #tpu.memory_space<vmem>>, vector<1x1x16xf32>,
        %get3A_385 = vector.shape_cast %get3A_384 : vector<1x1x16xf32> to vector<16xf32>
        %mul3A_386 = arith.mulf %gather3A_379, %get3A_385 : vector<16xf32>
        %swap3A_387 = arith.constant 1 : i32
        %swap3A_388 = arith.index_cast %swap3A_387 : i32 to index
        %swap3A_389 = arith.index_cast %add3A_319 : i32 to index
        %swap3A_390 = arith.constant 32 : index
        %swap3A_391 = tpu.vector_load %arg12[%swap3A_388, %swap3A_389, %swap3A_390] {strides = array<i32>} : memref<4x128x80xf32, #tpu.memory_space<vmem>>, vector<1x1x16xf32>,
        %swap3A_392 = vector.shape_cast %swap3A_391 : vector<1x1x16xf32> to vector<16xf32>
        %swap3A_393 = vector.shape_cast %mul3A_386 : vector<16xf32> to vector<1x1x16xf32>
        tpu.vector_store %arg12[%swap3A_388, %swap3A_389, %swap3A_390], %swap3A_393 {strides = array<i32>} : memref<4x128x80xf32, #tpu.memory_space<vmem>>, vector<1x1x16xf32>,
        %lt3A_394 = arith.constant 0 : i32
        %lt3A_395 = vector.broadcast %lt3A_394 : i32 to vector<16xi32>
        %lt3A_396 = arith.cmpi slt, %shift_right_logical3A_21, %lt3A_395 : vector<16xi32>
        %add3A_397 = arith.constant 16 : i32
        %add3A_398 = vector.broadcast %add3A_397 : i32 to vector<16xi32>
        %add3A_399 = arith.addi %shift_right_logical3A_21, %add3A_398 : vector<16xi32>
        %select_n3A_400 = arith.select %lt3A_396, %add3A_399, %shift_right_logical3A_21 : vector<16xi1>, vector<16xi32>
        %broadcast_in_dim3A_401 = vector.shape_cast %select_n3A_400 : vector<16xi32> to vector<16x1xi32>
        %gather3A_402 = vector.shape_cast %broadcast_in_dim3A_401 : vector<16x1xi32> to vector<16xi32>
        %gather3A_403 = tpu.dynamic_gather %exp3A[%gather3A_402] in [0] : vector<16xf32>, vector<16xi32> -> vector<16xf32>
        %get3A_404 = arith.constant 1 : i32
        %get3A_405 = arith.index_cast %get3A_404 : i32 to index
        %get3A_406 = arith.index_cast %add3A_319 : i32 to index
        %get3A_407 = arith.constant 48 : index
        %get3A_408 = tpu.vector_load %arg11[%get3A_405, %get3A_406, %get3A_407] {strides = array<i32>} : memref<2x128x80xf32, #tpu.memory_space<vmem>>, vector<1x1x16xf32>,
        %get3A_409 = vector.shape_cast %get3A_408 : vector<1x1x16xf32> to vector<16xf32>
        %mul3A_410 = arith.mulf %gather3A_403, %get3A_409 : vector<16xf32>
        %swap3A_411 = arith.constant 1 : i32
        %swap3A_412 = arith.index_cast %swap3A_411 : i32 to index
        %swap3A_413 = arith.index_cast %add3A_319 : i32 to index
        %swap3A_414 = arith.constant 48 : index
        %swap3A_415 = tpu.vector_load %arg12[%swap3A_412, %swap3A_413, %swap3A_414] {strides = array<i32>} : memref<4x128x80xf32, #tpu.memory_space<vmem>>, vector<1x1x16xf32>,
        %swap3A_416 = vector.shape_cast %swap3A_415 : vector<1x1x16xf32> to vector<16xf32>
        %swap3A_417 = vector.shape_cast %mul3A_410 : vector<16xf32> to vector<1x1x16xf32>
        tpu.vector_store %arg12[%swap3A_412, %swap3A_413, %swap3A_414], %swap3A_417 {strides = array<i32>} : memref<4x128x80xf32, #tpu.memory_space<vmem>>, vector<1x1x16xf32>,
        %lt3A_418 = arith.constant 0 : i32
        %lt3A_419 = vector.broadcast %lt3A_418 : i32 to vector<16xi32>
        %lt3A_420 = arith.cmpi slt, %shift_right_logical3A_27, %lt3A_419 : vector<16xi32>
        %add3A_421 = arith.constant 16 : i32
        %add3A_422 = vector.broadcast %add3A_421 : i32 to vector<16xi32>
        %add3A_423 = arith.addi %shift_right_logical3A_27, %add3A_422 : vector<16xi32>
        %select_n3A_424 = arith.select %lt3A_420, %add3A_423, %shift_right_logical3A_27 : vector<16xi1>, vector<16xi32>
        %broadcast_in_dim3A_425 = vector.shape_cast %select_n3A_424 : vector<16xi32> to vector<16x1xi32>
        %gather3A_426 = vector.shape_cast %broadcast_in_dim3A_425 : vector<16x1xi32> to vector<16xi32>
        %gather3A_427 = tpu.dynamic_gather %exp3A[%gather3A_426] in [0] : vector<16xf32>, vector<16xi32> -> vector<16xf32>
        %get3A_428 = arith.constant 1 : i32
        %get3A_429 = arith.index_cast %get3A_428 : i32 to index
        %get3A_430 = arith.index_cast %add3A_319 : i32 to index
        %get3A_431 = arith.constant 64 : index
        %get3A_432 = tpu.vector_load %arg11[%get3A_429, %get3A_430, %get3A_431] {strides = array<i32>} : memref<2x128x80xf32, #tpu.memory_space<vmem>>, vector<1x1x16xf32>,
        %get3A_433 = vector.shape_cast %get3A_432 : vector<1x1x16xf32> to vector<16xf32>
        %mul3A_434 = arith.mulf %gather3A_427, %get3A_433 : vector<16xf32>
        %swap3A_435 = arith.constant 1 : i32
        %swap3A_436 = arith.index_cast %swap3A_435 : i32 to index
        %swap3A_437 = arith.index_cast %add3A_319 : i32 to index
        %swap3A_438 = arith.constant 64 : index
        %swap3A_439 = tpu.vector_load %arg12[%swap3A_436, %swap3A_437, %swap3A_438] {strides = array<i32>} : memref<4x128x80xf32, #tpu.memory_space<vmem>>, vector<1x1x16xf32>,
        %swap3A_440 = vector.shape_cast %swap3A_439 : vector<1x1x16xf32> to vector<16xf32>
        %swap3A_441 = vector.shape_cast %mul3A_434 : vector<16xf32> to vector<1x1x16xf32>
        tpu.vector_store %arg12[%swap3A_436, %swap3A_437, %swap3A_438], %swap3A_441 {strides = array<i32>} : memref<4x128x80xf32, #tpu.memory_space<vmem>>, vector<1x1x16xf32>,
      }
      %scan3A_192 = arith.constant 128 : i32
      %dma_start3A_193 = arith.constant 1 : i32
      %dma_start3A_194 = arith.constant 1 : i32
      %dma_start3A_195 = arith.constant 0 : i32
      %dma_start3A_196 = arith.constant 0 : i32
      %dma_start3A_197 = tpu.memref_slice %arg12[%dma_start3A_193, %dma_start3A_195, %dma_start3A_196] : memref<4x128x80xf32, #tpu.memory_space<vmem>> -> memref<1x128x80xf32, #tpu.memory_space<vmem>>
      %dma_start3A_198 = tpu.memref_squeeze %dma_start3A_197 : memref<1x128x80xf32, #tpu.memory_space<vmem>> -> memref<128x80xf32, #tpu.memory_space<vmem>>
      %dma_start3A_199 = arith.constant 0 : i32
      %dma_start3A_200 = tpu.memref_slice %arg9[%dma_start3A_194, %dma_start3A_199] : memref<4x128xi32, #tpu.memory_space<vmem>> -> memref<1x128xi32, #tpu.memory_space<vmem>>
      %dma_start3A_201 = tpu.memref_squeeze %dma_start3A_200 : memref<1x128xi32, #tpu.memory_space<vmem>> -> memref<128xi32, #tpu.memory_space<vmem>>
      %dma_start3A_202 = arith.constant 0 : i32
      %dma_start3A_203 = arith.constant 0 : i32
      %dma_start3A_204 = tpu.memref_slice %arg13[%dma_start3A_202, %dma_start3A_203] : memref<10112x80xf32, #tpu.memory_space<vmem_shared>> -> memref<10112x80xf32, #tpu.memory_space<vmem_shared>>
      tpu.enqueue_indirect_dma source(%dma_start3A_198 : memref<128x80xf32, #tpu.memory_space<vmem>>) target(%dma_start3A_204 : memref<10112x80xf32, #tpu.memory_space<vmem_shared>>) offsets(%dma_start3A_201 : memref<128xi32, #tpu.memory_space<vmem>>) semaphore(%arg17 : memref<!tpu.dma_semaphore, #tpu.memory_space<semaphore_mem>>) {add = true}
      %add3A_205 = arith.constant 2 : i32
      %add3A_206 = arith.addi %add3A_98, %add3A_205 : i32
      %ge3A_207 = arith.constant 3 : i32
      %ge3A_208 = arith.cmpi sge, %add3A_206, %ge3A_207 : i32
      %convert_element_type3A_209 = arith.extui %ge3A_208 : i1 to i32
      %cond3A_210 = arith.constant 0 : i32
      %cond3A_211 = arith.cmpi ne, %convert_element_type3A_209, %cond3A_210 : i32
      scf.if %cond3A_211 {
        %dma_wait3A_315 = arith.constant 3 : i32
        %dma_wait3A_316 = arith.constant 3 : i32
        %dma_wait3A_317 = arith.constant 0 : i32
        %dma_wait3A_318 = arith.constant 0 : i32
        %dma_wait3A_319 = tpu.memref_slice %arg12[%dma_wait3A_315, %dma_wait3A_317, %dma_wait3A_318] : memref<4x128x80xf32, #tpu.memory_space<vmem>> -> memref<1x128x80xf32, #tpu.memory_space<vmem>>
        %dma_wait3A_320 = tpu.memref_squeeze %dma_wait3A_319 : memref<1x128x80xf32, #tpu.memory_space<vmem>> -> memref<128x80xf32, #tpu.memory_space<vmem>>
        %dma_wait3A_321 = arith.constant 0 : i32
        %dma_wait3A_322 = tpu.memref_slice %arg9[%dma_wait3A_316, %dma_wait3A_321] : memref<4x128xi32, #tpu.memory_space<vmem>> -> memref<1x128xi32, #tpu.memory_space<vmem>>
        %dma_wait3A_323 = tpu.memref_squeeze %dma_wait3A_322 : memref<1x128xi32, #tpu.memory_space<vmem>> -> memref<128xi32, #tpu.memory_space<vmem>>
        %dma_wait3A_324 = arith.constant 0 : i32
        %dma_wait3A_325 = arith.constant 0 : i32
        %dma_wait3A_326 = tpu.memref_slice %arg13[%dma_wait3A_324, %dma_wait3A_325] : memref<10112x80xf32, #tpu.memory_space<vmem_shared>> -> memref<10112x80xf32, #tpu.memory_space<vmem_shared>>
        tpu.wait_indirect_dma semaphore(%arg19 : memref<!tpu.dma_semaphore, #tpu.memory_space<semaphore_mem>>) src(%dma_wait3A_320 : memref<128x80xf32, #tpu.memory_space<vmem>>) dst(%dma_wait3A_326 : memref<10112x80xf32, #tpu.memory_space<vmem_shared>>)
      } else {
      }
      %add3A_212 = arith.constant 1 : i32
      %add3A_213 = arith.addi %add3A_206, %add3A_212 : i32
      %lt3A_214 = arith.constant 40 : i32
      %lt3A_215 = arith.cmpi slt, %add3A_213, %lt3A_214 : i32
      %convert_element_type3A_216 = arith.extui %lt3A_215 : i1 to i32
      %cond3A_217 = arith.constant 0 : i32
      %cond3A_218 = arith.cmpi ne, %convert_element_type3A_216, %cond3A_217 : i32
      scf.if %cond3A_218 {
        %add3A_315 = arith.constant 1 : i32
        %add3A_316 = arith.addi %add3A_206, %add3A_315 : i32
        %mul3A_317 = arith.constant 128 : i32
        %mul3A_318 = arith.muli %add3A_316, %mul3A_317 : i32
        %add3A_319 = arith.addi %mul3A_4, %mul3A_318 : i32
        %multiple_of3A_320 = tpu.assume_multiple %add3A_319, 8 : i32
        %run_scoped3A_321 = arith.constant 3 : i32
        "tpu.region"() ({
          %run_scoped3A_347 = tpu.sem_alloc : memref<!tpu.dma_semaphore, #tpu.memory_space<semaphore_mem>>
          %dma_start3A_348 = arith.constant 0 : i32
          %dma_start3A_349 = tpu.memref_slice %arg9[%run_scoped3A_321, %dma_start3A_348] : memref<4x128xi32, #tpu.memory_space<vmem>> -> memref<1x128xi32, #tpu.memory_space<vmem>>
          %dma_start3A_350 = tpu.memref_squeeze %dma_start3A_349 : memref<1x128xi32, #tpu.memory_space<vmem>> -> memref<128xi32, #tpu.memory_space<vmem>>
          %dma_start3A_351 = tpu.memref_slice %arg2[%multiple_of3A_320] : memref<163840xi32, #tpu.memory_space<hbm>> -> memref<128xi32, #tpu.memory_space<hbm>>
          %dma_start3A_352 = arith.constant 0 : i32
          %dma_start3A_353 = tpu.memref_slice %arg9[%run_scoped3A_321, %dma_start3A_352] : memref<4x128xi32, #tpu.memory_space<vmem>> -> memref<1x128xi32, #tpu.memory_space<vmem>>
          %dma_start3A_354 = tpu.memref_squeeze %dma_start3A_353 : memref<1x128xi32, #tpu.memory_space<vmem>> -> memref<128xi32, #tpu.memory_space<vmem>>
          %dma_start3A_355 = tpu.memref_slice %arg2[%multiple_of3A_320] : memref<163840xi32, #tpu.memory_space<hbm>> -> memref<128xi32, #tpu.memory_space<hbm>>
          tpu.enqueue_dma source(%dma_start3A_355 : memref<128xi32, #tpu.memory_space<hbm>>) target(%dma_start3A_354 : memref<128xi32, #tpu.memory_space<vmem>>) target_semaphore(%run_scoped3A_347 : memref<!tpu.dma_semaphore, #tpu.memory_space<semaphore_mem>>)
          %dma_wait3A_356 = arith.constant 0 : i32
          %dma_wait3A_357 = tpu.memref_slice %arg9[%run_scoped3A_321, %dma_wait3A_356] : memref<4x128xi32, #tpu.memory_space<vmem>> -> memref<1x128xi32, #tpu.memory_space<vmem>>
          %dma_wait3A_358 = tpu.memref_squeeze %dma_wait3A_357 : memref<1x128xi32, #tpu.memory_space<vmem>> -> memref<128xi32, #tpu.memory_space<vmem>>
          %dma_wait3A_359 = tpu.memref_slice %arg2[%multiple_of3A_320] : memref<163840xi32, #tpu.memory_space<hbm>> -> memref<128xi32, #tpu.memory_space<hbm>>
          %dma_wait3A_360 = arith.constant 0 : i32
          %dma_wait3A_361 = tpu.memref_slice %arg9[%run_scoped3A_321, %dma_wait3A_360] : memref<4x128xi32, #tpu.memory_space<vmem>> -> memref<1x128xi32, #tpu.memory_space<vmem>>
          %dma_wait3A_362 = tpu.memref_squeeze %dma_wait3A_361 : memref<1x128xi32, #tpu.memory_space<vmem>> -> memref<128xi32, #tpu.memory_space<vmem>>
          %dma_wait3A_363 = tpu.memref_slice %arg2[%multiple_of3A_320] : memref<163840xi32, #tpu.memory_space<hbm>> -> memref<128xi32, #tpu.memory_space<hbm>>
          tpu.wait_dma2 semaphore(%run_scoped3A_347 : memref<!tpu.dma_semaphore, #tpu.memory_space<semaphore_mem>>) src(%dma_wait3A_363 : memref<128xi32, #tpu.memory_space<hbm>>) dst(%dma_wait3A_362 : memref<128xi32, #tpu.memory_space<vmem>>)
          tpu.yield
        }) : () -> ()
        %run_scoped3A_322 = arith.constant 1 : i32
        "tpu.region"() ({
          %run_scoped3A_347 = tpu.sem_alloc : memref<!tpu.dma_semaphore, #tpu.memory_space<semaphore_mem>>
          %dma_start3A_348 = arith.constant 0 : i32
          %dma_start3A_349 = tpu.memref_slice %arg8[%run_scoped3A_322, %dma_start3A_348] : memref<2x128xi32, #tpu.memory_space<vmem>> -> memref<1x128xi32, #tpu.memory_space<vmem>>
          %dma_start3A_350 = tpu.memref_squeeze %dma_start3A_349 : memref<1x128xi32, #tpu.memory_space<vmem>> -> memref<128xi32, #tpu.memory_space<vmem>>
          %dma_start3A_351 = tpu.memref_slice %arg3[%multiple_of3A_320] : memref<163840xi32, #tpu.memory_space<hbm>> -> memref<128xi32, #tpu.memory_space<hbm>>
          %dma_start3A_352 = arith.constant 0 : i32
          %dma_start3A_353 = tpu.memref_slice %arg8[%run_scoped3A_322, %dma_start3A_352] : memref<2x128xi32, #tpu.memory_space<vmem>> -> memref<1x128xi32, #tpu.memory_space<vmem>>
          %dma_start3A_354 = tpu.memref_squeeze %dma_start3A_353 : memref<1x128xi32, #tpu.memory_space<vmem>> -> memref<128xi32, #tpu.memory_space<vmem>>
          %dma_start3A_355 = tpu.memref_slice %arg3[%multiple_of3A_320] : memref<163840xi32, #tpu.memory_space<hbm>> -> memref<128xi32, #tpu.memory_space<hbm>>
          tpu.enqueue_dma source(%dma_start3A_355 : memref<128xi32, #tpu.memory_space<hbm>>) target(%dma_start3A_354 : memref<128xi32, #tpu.memory_space<vmem>>) target_semaphore(%run_scoped3A_347 : memref<!tpu.dma_semaphore, #tpu.memory_space<semaphore_mem>>)
          %dma_wait3A_356 = arith.constant 0 : i32
          %dma_wait3A_357 = tpu.memref_slice %arg8[%run_scoped3A_322, %dma_wait3A_356] : memref<2x128xi32, #tpu.memory_space<vmem>> -> memref<1x128xi32, #tpu.memory_space<vmem>>
          %dma_wait3A_358 = tpu.memref_squeeze %dma_wait3A_357 : memref<1x128xi32, #tpu.memory_space<vmem>> -> memref<128xi32, #tpu.memory_space<vmem>>
          %dma_wait3A_359 = tpu.memref_slice %arg3[%multiple_of3A_320] : memref<163840xi32, #tpu.memory_space<hbm>> -> memref<128xi32, #tpu.memory_space<hbm>>
          %dma_wait3A_360 = arith.constant 0 : i32
          %dma_wait3A_361 = tpu.memref_slice %arg8[%run_scoped3A_322, %dma_wait3A_360] : memref<2x128xi32, #tpu.memory_space<vmem>> -> memref<1x128xi32, #tpu.memory_space<vmem>>
          %dma_wait3A_362 = tpu.memref_squeeze %dma_wait3A_361 : memref<1x128xi32, #tpu.memory_space<vmem>> -> memref<128xi32, #tpu.memory_space<vmem>>
          %dma_wait3A_363 = tpu.memref_slice %arg3[%multiple_of3A_320] : memref<163840xi32, #tpu.memory_space<hbm>> -> memref<128xi32, #tpu.memory_space<hbm>>
          tpu.wait_dma2 semaphore(%run_scoped3A_347 : memref<!tpu.dma_semaphore, #tpu.memory_space<semaphore_mem>>) src(%dma_wait3A_363 : memref<128xi32, #tpu.memory_space<hbm>>) dst(%dma_wait3A_362 : memref<128xi32, #tpu.memory_space<vmem>>)
          tpu.yield
        }) : () -> ()
        %dma_start3A_323 = arith.constant 3 : i32
        %dma_start3A_324 = arith.constant 1 : i32
        %dma_start3A_325 = arith.constant 0 : i32
        %dma_start3A_326 = arith.constant 0 : i32
        %dma_start3A_327 = tpu.memref_slice %arg10[%dma_start3A_324, %dma_start3A_325, %dma_start3A_326] : memref<2x128x16xf32, #tpu.memory_space<vmem>> -> memref<1x128x16xf32, #tpu.memory_space<vmem>>
        %dma_start3A_328 = tpu.memref_squeeze %dma_start3A_327 : memref<1x128x16xf32, #tpu.memory_space<vmem>> -> memref<128x16xf32, #tpu.memory_space<vmem>>
        %dma_start3A_329 = arith.constant 0 : i32
        %dma_start3A_330 = tpu.memref_slice %arg9[%dma_start3A_323, %dma_start3A_329] : memref<4x128xi32, #tpu.memory_space<vmem>> -> memref<1x128xi32, #tpu.memory_space<vmem>>
        %dma_start3A_331 = tpu.memref_squeeze %dma_start3A_330 : memref<1x128xi32, #tpu.memory_space<vmem>> -> memref<128xi32, #tpu.memory_space<vmem>>
        %dma_start3A_332 = arith.constant 0 : i32
        %dma_start3A_333 = arith.constant 0 : i32
        %dma_start3A_334 = tpu.memref_slice %arg4[%dma_start3A_332, %dma_start3A_333] : memref<10112x16xf32, #tpu.memory_space<hbm>> -> memref<10112x16xf32, #tpu.memory_space<hbm>>
        tpu.enqueue_indirect_dma source(%dma_start3A_334 : memref<10112x16xf32, #tpu.memory_space<hbm>>) target(%dma_start3A_328 : memref<128x16xf32, #tpu.memory_space<vmem>>) offsets(%dma_start3A_331 : memref<128xi32, #tpu.memory_space<vmem>>) semaphore(%arg15 : memref<!tpu.dma_semaphore, #tpu.memory_space<semaphore_mem>>)
        %dma_start3A_335 = arith.constant 1 : i32
        %dma_start3A_336 = arith.constant 1 : i32
        %dma_start3A_337 = arith.constant 0 : i32
        %dma_start3A_338 = arith.constant 0 : i32
        %dma_start3A_339 = tpu.memref_slice %arg11[%dma_start3A_336, %dma_start3A_337, %dma_start3A_338] : memref<2x128x80xf32, #tpu.memory_space<vmem>> -> memref<1x128x80xf32, #tpu.memory_space<vmem>>
        %dma_start3A_340 = tpu.memref_squeeze %dma_start3A_339 : memref<1x128x80xf32, #tpu.memory_space<vmem>> -> memref<128x80xf32, #tpu.memory_space<vmem>>
        %dma_start3A_341 = arith.constant 0 : i32
        %dma_start3A_342 = tpu.memref_slice %arg8[%dma_start3A_335, %dma_start3A_341] : memref<2x128xi32, #tpu.memory_space<vmem>> -> memref<1x128xi32, #tpu.memory_space<vmem>>
        %dma_start3A_343 = tpu.memref_squeeze %dma_start3A_342 : memref<1x128xi32, #tpu.memory_space<vmem>> -> memref<128xi32, #tpu.memory_space<vmem>>
        %dma_start3A_344 = arith.constant 0 : i32
        %dma_start3A_345 = arith.constant 0 : i32
        %dma_start3A_346 = tpu.memref_slice %arg5[%dma_start3A_344, %dma_start3A_345] : memref<10112x80xf32, #tpu.memory_space<hbm>> -> memref<10112x80xf32, #tpu.memory_space<hbm>>
        tpu.enqueue_indirect_dma source(%dma_start3A_346 : memref<10112x80xf32, #tpu.memory_space<hbm>>) target(%dma_start3A_340 : memref<128x80xf32, #tpu.memory_space<vmem>>) offsets(%dma_start3A_343 : memref<128xi32, #tpu.memory_space<vmem>>) semaphore(%arg15 : memref<!tpu.dma_semaphore, #tpu.memory_space<semaphore_mem>>)
      } else {
      }
      %dma_wait3A_219 = arith.constant 2 : i32
      %dma_wait3A_220 = arith.constant 0 : i32
      %dma_wait3A_221 = arith.constant 0 : i32
      %dma_wait3A_222 = arith.constant 0 : i32
      %dma_wait3A_223 = tpu.memref_slice %arg10[%dma_wait3A_220, %dma_wait3A_221, %dma_wait3A_222] : memref<2x128x16xf32, #tpu.memory_space<vmem>> -> memref<1x128x16xf32, #tpu.memory_space<vmem>>
      %dma_wait3A_224 = tpu.memref_squeeze %dma_wait3A_223 : memref<1x128x16xf32, #tpu.memory_space<vmem>> -> memref<128x16xf32, #tpu.memory_space<vmem>>
      %dma_wait3A_225 = arith.constant 0 : i32
      %dma_wait3A_226 = tpu.memref_slice %arg9[%dma_wait3A_219, %dma_wait3A_225] : memref<4x128xi32, #tpu.memory_space<vmem>> -> memref<1x128xi32, #tpu.memory_space<vmem>>
      %dma_wait3A_227 = tpu.memref_squeeze %dma_wait3A_226 : memref<1x128xi32, #tpu.memory_space<vmem>> -> memref<128xi32, #tpu.memory_space<vmem>>
      %dma_wait3A_228 = arith.constant 0 : i32
      %dma_wait3A_229 = arith.constant 0 : i32
      %dma_wait3A_230 = tpu.memref_slice %arg4[%dma_wait3A_228, %dma_wait3A_229] : memref<10112x16xf32, #tpu.memory_space<hbm>> -> memref<10112x16xf32, #tpu.memory_space<hbm>>
      tpu.wait_indirect_dma semaphore(%arg14 : memref<!tpu.dma_semaphore, #tpu.memory_space<semaphore_mem>>) src(%dma_wait3A_230 : memref<10112x16xf32, #tpu.memory_space<hbm>>) dst(%dma_wait3A_224 : memref<128x16xf32, #tpu.memory_space<vmem>>)
      %dma_wait3A_231 = arith.constant 0 : i32
      %dma_wait3A_232 = arith.constant 0 : i32
      %dma_wait3A_233 = arith.constant 0 : i32
      %dma_wait3A_234 = arith.constant 0 : i32
      %dma_wait3A_235 = tpu.memref_slice %arg11[%dma_wait3A_232, %dma_wait3A_233, %dma_wait3A_234] : memref<2x128x80xf32, #tpu.memory_space<vmem>> -> memref<1x128x80xf32, #tpu.memory_space<vmem>>
      %dma_wait3A_236 = tpu.memref_squeeze %dma_wait3A_235 : memref<1x128x80xf32, #tpu.memory_space<vmem>> -> memref<128x80xf32, #tpu.memory_space<vmem>>
      %dma_wait3A_237 = arith.constant 0 : i32
      %dma_wait3A_238 = tpu.memref_slice %arg8[%dma_wait3A_231, %dma_wait3A_237] : memref<2x128xi32, #tpu.memory_space<vmem>> -> memref<1x128xi32, #tpu.memory_space<vmem>>
      %dma_wait3A_239 = tpu.memref_squeeze %dma_wait3A_238 : memref<1x128xi32, #tpu.memory_space<vmem>> -> memref<128xi32, #tpu.memory_space<vmem>>
      %dma_wait3A_240 = arith.constant 0 : i32
      %dma_wait3A_241 = arith.constant 0 : i32
      %dma_wait3A_242 = tpu.memref_slice %arg5[%dma_wait3A_240, %dma_wait3A_241] : memref<10112x80xf32, #tpu.memory_space<hbm>> -> memref<10112x80xf32, #tpu.memory_space<hbm>>
      tpu.wait_indirect_dma semaphore(%arg14 : memref<!tpu.dma_semaphore, #tpu.memory_space<semaphore_mem>>) src(%dma_wait3A_242 : memref<10112x80xf32, #tpu.memory_space<hbm>>) dst(%dma_wait3A_236 : memref<128x80xf32, #tpu.memory_space<vmem>>)
      %scan3A_243 = arith.constant 0 : i32
      %scan3A_244 = arith.constant 128 : i32
      %scan3A_245 = arith.addi %scan3A_243, %scan3A_244 : i32
      %scan3A_246 = arith.constant 1 : i32
      scf.for %scan3A_315 = %scan3A_243 to %scan3A_245 step %scan3A_246  : i32 {
        %mul3A_316 = arith.constant 1 : i32
        %mul3A_317 = arith.muli %scan3A_315, %mul3A_316 : i32
        %add3A_318 = arith.constant 0 : i32
        %add3A_319 = arith.addi %add3A_318, %mul3A_317 : i32
        %get3A = arith.constant 0 : i32
        %get3A_320 = arith.index_cast %get3A : i32 to index
        %get3A_321 = arith.index_cast %add3A_319 : i32 to index
        %get3A_322 = arith.constant 0 : index
        %get3A_323 = tpu.vector_load %arg10[%get3A_320, %get3A_321, %get3A_322] {strides = array<i32>} : memref<2x128x16xf32, #tpu.memory_space<vmem>>, vector<1x1x16xf32>,
        %get3A_324 = vector.shape_cast %get3A_323 : vector<1x1x16xf32> to vector<16xf32>
        %get3A_325 = arith.constant 0 : i32
        %get3A_326 = arith.index_cast %get3A_325 : i32 to index
        %get3A_327 = arith.index_cast %add3A_319 : i32 to index
        %get3A_328 = arith.constant 0 : index
        %get3A_329 = tpu.vector_load %arg11[%get3A_326, %get3A_327, %get3A_328] {strides = array<i32>} : memref<2x128x80xf32, #tpu.memory_space<vmem>>, vector<1x1x16xf32>,
        %get3A_330 = vector.shape_cast %get3A_329 : vector<1x1x16xf32> to vector<16xf32>
        %add3A_331 = arith.addf %get3A_324, %get3A_330 : vector<16xf32>
        %ge3A_332 = arith.constant 0.000000e+00 : f32
        %ge3A_333 = vector.broadcast %ge3A_332 : f32 to vector<16xf32>
        %ge3A_334 = arith.cmpf oge, %add3A_331, %ge3A_333 : vector<16xf32>
        %mul3A_335 = arith.constant 2.000000e-01 : f32
        %mul3A_336 = vector.broadcast %mul3A_335 : f32 to vector<16xf32>
        %mul3A_337 = arith.mulf %add3A_331, %mul3A_336 : vector<16xf32>
        %select_n3A = arith.select %ge3A_334, %add3A_331, %mul3A_337 : vector<16xi1>, vector<16xf32>
        %max3A = arith.constant -2.000000e+00 : f32
        %max3A_338 = vector.broadcast %max3A : f32 to vector<16xf32>
        %max3A_339 = arith.maximumf %select_n3A, %max3A_338 : vector<16xf32>
        %min3A = arith.constant 2.000000e+00 : f32
        %min3A_340 = vector.broadcast %min3A : f32 to vector<16xf32>
        %min3A_341 = arith.minimumf %max3A_339, %min3A_340 : vector<16xf32>
        %exp3A = math.exp %min3A_341 : vector<16xf32>
        %swap3A = arith.constant 2 : i32
        %swap3A_342 = arith.index_cast %swap3A : i32 to index
        %swap3A_343 = arith.index_cast %add3A_319 : i32 to index
        %swap3A_344 = arith.constant 0 : index
        %swap3A_345 = tpu.vector_load %arg12[%swap3A_342, %swap3A_343, %swap3A_344] {strides = array<i32>} : memref<4x128x80xf32, #tpu.memory_space<vmem>>, vector<1x1x16xf32>,
        %swap3A_346 = vector.shape_cast %swap3A_345 : vector<1x1x16xf32> to vector<16xf32>
        %swap3A_347 = vector.shape_cast %exp3A : vector<16xf32> to vector<1x1x16xf32>
        tpu.vector_store %arg12[%swap3A_342, %swap3A_343, %swap3A_344], %swap3A_347 {strides = array<i32>} : memref<4x128x80xf32, #tpu.memory_space<vmem>>, vector<1x1x16xf32>,
        %lt3A_348 = arith.constant 0 : i32
        %lt3A_349 = vector.broadcast %lt3A_348 : i32 to vector<16xi32>
        %lt3A_350 = arith.cmpi slt, %shift_right_logical3A_9, %lt3A_349 : vector<16xi32>
        %add3A_351 = arith.constant 16 : i32
        %add3A_352 = vector.broadcast %add3A_351 : i32 to vector<16xi32>
        %add3A_353 = arith.addi %shift_right_logical3A_9, %add3A_352 : vector<16xi32>
        %select_n3A_354 = arith.select %lt3A_350, %add3A_353, %shift_right_logical3A_9 : vector<16xi1>, vector<16xi32>
        %broadcast_in_dim3A = vector.shape_cast %select_n3A_354 : vector<16xi32> to vector<16x1xi32>
        %gather3A = vector.shape_cast %broadcast_in_dim3A : vector<16x1xi32> to vector<16xi32>
        %gather3A_355 = tpu.dynamic_gather %exp3A[%gather3A] in [0] : vector<16xf32>, vector<16xi32> -> vector<16xf32>
        %get3A_356 = arith.constant 0 : i32
        %get3A_357 = arith.index_cast %get3A_356 : i32 to index
        %get3A_358 = arith.index_cast %add3A_319 : i32 to index
        %get3A_359 = arith.constant 16 : index
        %get3A_360 = tpu.vector_load %arg11[%get3A_357, %get3A_358, %get3A_359] {strides = array<i32>} : memref<2x128x80xf32, #tpu.memory_space<vmem>>, vector<1x1x16xf32>,
        %get3A_361 = vector.shape_cast %get3A_360 : vector<1x1x16xf32> to vector<16xf32>
        %mul3A_362 = arith.mulf %gather3A_355, %get3A_361 : vector<16xf32>
        %swap3A_363 = arith.constant 2 : i32
        %swap3A_364 = arith.index_cast %swap3A_363 : i32 to index
        %swap3A_365 = arith.index_cast %add3A_319 : i32 to index
        %swap3A_366 = arith.constant 16 : index
        %swap3A_367 = tpu.vector_load %arg12[%swap3A_364, %swap3A_365, %swap3A_366] {strides = array<i32>} : memref<4x128x80xf32, #tpu.memory_space<vmem>>, vector<1x1x16xf32>,
        %swap3A_368 = vector.shape_cast %swap3A_367 : vector<1x1x16xf32> to vector<16xf32>
        %swap3A_369 = vector.shape_cast %mul3A_362 : vector<16xf32> to vector<1x1x16xf32>
        tpu.vector_store %arg12[%swap3A_364, %swap3A_365, %swap3A_366], %swap3A_369 {strides = array<i32>} : memref<4x128x80xf32, #tpu.memory_space<vmem>>, vector<1x1x16xf32>,
        %lt3A_370 = arith.constant 0 : i32
        %lt3A_371 = vector.broadcast %lt3A_370 : i32 to vector<16xi32>
        %lt3A_372 = arith.cmpi slt, %shift_right_logical3A_15, %lt3A_371 : vector<16xi32>
        %add3A_373 = arith.constant 16 : i32
        %add3A_374 = vector.broadcast %add3A_373 : i32 to vector<16xi32>
        %add3A_375 = arith.addi %shift_right_logical3A_15, %add3A_374 : vector<16xi32>
        %select_n3A_376 = arith.select %lt3A_372, %add3A_375, %shift_right_logical3A_15 : vector<16xi1>, vector<16xi32>
        %broadcast_in_dim3A_377 = vector.shape_cast %select_n3A_376 : vector<16xi32> to vector<16x1xi32>
        %gather3A_378 = vector.shape_cast %broadcast_in_dim3A_377 : vector<16x1xi32> to vector<16xi32>
        %gather3A_379 = tpu.dynamic_gather %exp3A[%gather3A_378] in [0] : vector<16xf32>, vector<16xi32> -> vector<16xf32>
        %get3A_380 = arith.constant 0 : i32
        %get3A_381 = arith.index_cast %get3A_380 : i32 to index
        %get3A_382 = arith.index_cast %add3A_319 : i32 to index
        %get3A_383 = arith.constant 32 : index
        %get3A_384 = tpu.vector_load %arg11[%get3A_381, %get3A_382, %get3A_383] {strides = array<i32>} : memref<2x128x80xf32, #tpu.memory_space<vmem>>, vector<1x1x16xf32>,
        %get3A_385 = vector.shape_cast %get3A_384 : vector<1x1x16xf32> to vector<16xf32>
        %mul3A_386 = arith.mulf %gather3A_379, %get3A_385 : vector<16xf32>
        %swap3A_387 = arith.constant 2 : i32
        %swap3A_388 = arith.index_cast %swap3A_387 : i32 to index
        %swap3A_389 = arith.index_cast %add3A_319 : i32 to index
        %swap3A_390 = arith.constant 32 : index
        %swap3A_391 = tpu.vector_load %arg12[%swap3A_388, %swap3A_389, %swap3A_390] {strides = array<i32>} : memref<4x128x80xf32, #tpu.memory_space<vmem>>, vector<1x1x16xf32>,
        %swap3A_392 = vector.shape_cast %swap3A_391 : vector<1x1x16xf32> to vector<16xf32>
        %swap3A_393 = vector.shape_cast %mul3A_386 : vector<16xf32> to vector<1x1x16xf32>
        tpu.vector_store %arg12[%swap3A_388, %swap3A_389, %swap3A_390], %swap3A_393 {strides = array<i32>} : memref<4x128x80xf32, #tpu.memory_space<vmem>>, vector<1x1x16xf32>,
        %lt3A_394 = arith.constant 0 : i32
        %lt3A_395 = vector.broadcast %lt3A_394 : i32 to vector<16xi32>
        %lt3A_396 = arith.cmpi slt, %shift_right_logical3A_21, %lt3A_395 : vector<16xi32>
        %add3A_397 = arith.constant 16 : i32
        %add3A_398 = vector.broadcast %add3A_397 : i32 to vector<16xi32>
        %add3A_399 = arith.addi %shift_right_logical3A_21, %add3A_398 : vector<16xi32>
        %select_n3A_400 = arith.select %lt3A_396, %add3A_399, %shift_right_logical3A_21 : vector<16xi1>, vector<16xi32>
        %broadcast_in_dim3A_401 = vector.shape_cast %select_n3A_400 : vector<16xi32> to vector<16x1xi32>
        %gather3A_402 = vector.shape_cast %broadcast_in_dim3A_401 : vector<16x1xi32> to vector<16xi32>
        %gather3A_403 = tpu.dynamic_gather %exp3A[%gather3A_402] in [0] : vector<16xf32>, vector<16xi32> -> vector<16xf32>
        %get3A_404 = arith.constant 0 : i32
        %get3A_405 = arith.index_cast %get3A_404 : i32 to index
        %get3A_406 = arith.index_cast %add3A_319 : i32 to index
        %get3A_407 = arith.constant 48 : index
        %get3A_408 = tpu.vector_load %arg11[%get3A_405, %get3A_406, %get3A_407] {strides = array<i32>} : memref<2x128x80xf32, #tpu.memory_space<vmem>>, vector<1x1x16xf32>,
        %get3A_409 = vector.shape_cast %get3A_408 : vector<1x1x16xf32> to vector<16xf32>
        %mul3A_410 = arith.mulf %gather3A_403, %get3A_409 : vector<16xf32>
        %swap3A_411 = arith.constant 2 : i32
        %swap3A_412 = arith.index_cast %swap3A_411 : i32 to index
        %swap3A_413 = arith.index_cast %add3A_319 : i32 to index
        %swap3A_414 = arith.constant 48 : index
        %swap3A_415 = tpu.vector_load %arg12[%swap3A_412, %swap3A_413, %swap3A_414] {strides = array<i32>} : memref<4x128x80xf32, #tpu.memory_space<vmem>>, vector<1x1x16xf32>,
        %swap3A_416 = vector.shape_cast %swap3A_415 : vector<1x1x16xf32> to vector<16xf32>
        %swap3A_417 = vector.shape_cast %mul3A_410 : vector<16xf32> to vector<1x1x16xf32>
        tpu.vector_store %arg12[%swap3A_412, %swap3A_413, %swap3A_414], %swap3A_417 {strides = array<i32>} : memref<4x128x80xf32, #tpu.memory_space<vmem>>, vector<1x1x16xf32>,
        %lt3A_418 = arith.constant 0 : i32
        %lt3A_419 = vector.broadcast %lt3A_418 : i32 to vector<16xi32>
        %lt3A_420 = arith.cmpi slt, %shift_right_logical3A_27, %lt3A_419 : vector<16xi32>
        %add3A_421 = arith.constant 16 : i32
        %add3A_422 = vector.broadcast %add3A_421 : i32 to vector<16xi32>
        %add3A_423 = arith.addi %shift_right_logical3A_27, %add3A_422 : vector<16xi32>
        %select_n3A_424 = arith.select %lt3A_420, %add3A_423, %shift_right_logical3A_27 : vector<16xi1>, vector<16xi32>
        %broadcast_in_dim3A_425 = vector.shape_cast %select_n3A_424 : vector<16xi32> to vector<16x1xi32>
        %gather3A_426 = vector.shape_cast %broadcast_in_dim3A_425 : vector<16x1xi32> to vector<16xi32>
        %gather3A_427 = tpu.dynamic_gather %exp3A[%gather3A_426] in [0] : vector<16xf32>, vector<16xi32> -> vector<16xf32>
        %get3A_428 = arith.constant 0 : i32
        %get3A_429 = arith.index_cast %get3A_428 : i32 to index
        %get3A_430 = arith.index_cast %add3A_319 : i32 to index
        %get3A_431 = arith.constant 64 : index
        %get3A_432 = tpu.vector_load %arg11[%get3A_429, %get3A_430, %get3A_431] {strides = array<i32>} : memref<2x128x80xf32, #tpu.memory_space<vmem>>, vector<1x1x16xf32>,
        %get3A_433 = vector.shape_cast %get3A_432 : vector<1x1x16xf32> to vector<16xf32>
        %mul3A_434 = arith.mulf %gather3A_427, %get3A_433 : vector<16xf32>
        %swap3A_435 = arith.constant 2 : i32
        %swap3A_436 = arith.index_cast %swap3A_435 : i32 to index
        %swap3A_437 = arith.index_cast %add3A_319 : i32 to index
        %swap3A_438 = arith.constant 64 : index
        %swap3A_439 = tpu.vector_load %arg12[%swap3A_436, %swap3A_437, %swap3A_438] {strides = array<i32>} : memref<4x128x80xf32, #tpu.memory_space<vmem>>, vector<1x1x16xf32>,
        %swap3A_440 = vector.shape_cast %swap3A_439 : vector<1x1x16xf32> to vector<16xf32>
        %swap3A_441 = vector.shape_cast %mul3A_434 : vector<16xf32> to vector<1x1x16xf32>
        tpu.vector_store %arg12[%swap3A_436, %swap3A_437, %swap3A_438], %swap3A_441 {strides = array<i32>} : memref<4x128x80xf32, #tpu.memory_space<vmem>>, vector<1x1x16xf32>,
      }
      %scan3A_247 = arith.constant 128 : i32
      %dma_start3A_248 = arith.constant 2 : i32
      %dma_start3A_249 = arith.constant 2 : i32
      %dma_start3A_250 = arith.constant 0 : i32
      %dma_start3A_251 = arith.constant 0 : i32
      %dma_start3A_252 = tpu.memref_slice %arg12[%dma_start3A_248, %dma_start3A_250, %dma_start3A_251] : memref<4x128x80xf32, #tpu.memory_space<vmem>> -> memref<1x128x80xf32, #tpu.memory_space<vmem>>
      %dma_start3A_253 = tpu.memref_squeeze %dma_start3A_252 : memref<1x128x80xf32, #tpu.memory_space<vmem>> -> memref<128x80xf32, #tpu.memory_space<vmem>>
      %dma_start3A_254 = arith.constant 0 : i32
      %dma_start3A_255 = tpu.memref_slice %arg9[%dma_start3A_249, %dma_start3A_254] : memref<4x128xi32, #tpu.memory_space<vmem>> -> memref<1x128xi32, #tpu.memory_space<vmem>>
      %dma_start3A_256 = tpu.memref_squeeze %dma_start3A_255 : memref<1x128xi32, #tpu.memory_space<vmem>> -> memref<128xi32, #tpu.memory_space<vmem>>
      %dma_start3A_257 = arith.constant 0 : i32
      %dma_start3A_258 = arith.constant 0 : i32
      %dma_start3A_259 = tpu.memref_slice %arg13[%dma_start3A_257, %dma_start3A_258] : memref<10112x80xf32, #tpu.memory_space<vmem_shared>> -> memref<10112x80xf32, #tpu.memory_space<vmem_shared>>
      tpu.enqueue_indirect_dma source(%dma_start3A_253 : memref<128x80xf32, #tpu.memory_space<vmem>>) target(%dma_start3A_259 : memref<10112x80xf32, #tpu.memory_space<vmem_shared>>) offsets(%dma_start3A_256 : memref<128xi32, #tpu.memory_space<vmem>>) semaphore(%arg18 : memref<!tpu.dma_semaphore, #tpu.memory_space<semaphore_mem>>) {add = true}
      %add3A_260 = arith.constant 3 : i32
      %add3A_261 = arith.addi %add3A_98, %add3A_260 : i32
      %ge3A_262 = arith.constant 3 : i32
      %ge3A_263 = arith.cmpi sge, %add3A_261, %ge3A_262 : i32
      %convert_element_type3A_264 = arith.extui %ge3A_263 : i1 to i32
      %cond3A_265 = arith.constant 0 : i32
      %cond3A_266 = arith.cmpi ne, %convert_element_type3A_264, %cond3A_265 : i32
      scf.if %cond3A_266 {
        %dma_wait3A_315 = arith.constant 0 : i32
        %dma_wait3A_316 = arith.constant 0 : i32
        %dma_wait3A_317 = arith.constant 0 : i32
        %dma_wait3A_318 = arith.constant 0 : i32
        %dma_wait3A_319 = tpu.memref_slice %arg12[%dma_wait3A_315, %dma_wait3A_317, %dma_wait3A_318] : memref<4x128x80xf32, #tpu.memory_space<vmem>> -> memref<1x128x80xf32, #tpu.memory_space<vmem>>
        %dma_wait3A_320 = tpu.memref_squeeze %dma_wait3A_319 : memref<1x128x80xf32, #tpu.memory_space<vmem>> -> memref<128x80xf32, #tpu.memory_space<vmem>>
        %dma_wait3A_321 = arith.constant 0 : i32
        %dma_wait3A_322 = tpu.memref_slice %arg9[%dma_wait3A_316, %dma_wait3A_321] : memref<4x128xi32, #tpu.memory_space<vmem>> -> memref<1x128xi32, #tpu.memory_space<vmem>>
        %dma_wait3A_323 = tpu.memref_squeeze %dma_wait3A_322 : memref<1x128xi32, #tpu.memory_space<vmem>> -> memref<128xi32, #tpu.memory_space<vmem>>
        %dma_wait3A_324 = arith.constant 0 : i32
        %dma_wait3A_325 = arith.constant 0 : i32
        %dma_wait3A_326 = tpu.memref_slice %arg13[%dma_wait3A_324, %dma_wait3A_325] : memref<10112x80xf32, #tpu.memory_space<vmem_shared>> -> memref<10112x80xf32, #tpu.memory_space<vmem_shared>>
        tpu.wait_indirect_dma semaphore(%arg16 : memref<!tpu.dma_semaphore, #tpu.memory_space<semaphore_mem>>) src(%dma_wait3A_320 : memref<128x80xf32, #tpu.memory_space<vmem>>) dst(%dma_wait3A_326 : memref<10112x80xf32, #tpu.memory_space<vmem_shared>>)
      } else {
      }
      %add3A_267 = arith.constant 1 : i32
      %add3A_268 = arith.addi %add3A_261, %add3A_267 : i32
      %lt3A_269 = arith.constant 40 : i32
      %lt3A_270 = arith.cmpi slt, %add3A_268, %lt3A_269 : i32
      %convert_element_type3A_271 = arith.extui %lt3A_270 : i1 to i32
      %cond3A_272 = arith.constant 0 : i32
      %cond3A_273 = arith.cmpi ne, %convert_element_type3A_271, %cond3A_272 : i32
      scf.if %cond3A_273 {
        %add3A_315 = arith.constant 1 : i32
        %add3A_316 = arith.addi %add3A_261, %add3A_315 : i32
        %mul3A_317 = arith.constant 128 : i32
        %mul3A_318 = arith.muli %add3A_316, %mul3A_317 : i32
        %add3A_319 = arith.addi %mul3A_4, %mul3A_318 : i32
        %multiple_of3A_320 = tpu.assume_multiple %add3A_319, 8 : i32
        %run_scoped3A_321 = arith.constant 0 : i32
        "tpu.region"() ({
          %run_scoped3A_347 = tpu.sem_alloc : memref<!tpu.dma_semaphore, #tpu.memory_space<semaphore_mem>>
          %dma_start3A_348 = arith.constant 0 : i32
          %dma_start3A_349 = tpu.memref_slice %arg9[%run_scoped3A_321, %dma_start3A_348] : memref<4x128xi32, #tpu.memory_space<vmem>> -> memref<1x128xi32, #tpu.memory_space<vmem>>
          %dma_start3A_350 = tpu.memref_squeeze %dma_start3A_349 : memref<1x128xi32, #tpu.memory_space<vmem>> -> memref<128xi32, #tpu.memory_space<vmem>>
          %dma_start3A_351 = tpu.memref_slice %arg2[%multiple_of3A_320] : memref<163840xi32, #tpu.memory_space<hbm>> -> memref<128xi32, #tpu.memory_space<hbm>>
          %dma_start3A_352 = arith.constant 0 : i32
          %dma_start3A_353 = tpu.memref_slice %arg9[%run_scoped3A_321, %dma_start3A_352] : memref<4x128xi32, #tpu.memory_space<vmem>> -> memref<1x128xi32, #tpu.memory_space<vmem>>
          %dma_start3A_354 = tpu.memref_squeeze %dma_start3A_353 : memref<1x128xi32, #tpu.memory_space<vmem>> -> memref<128xi32, #tpu.memory_space<vmem>>
          %dma_start3A_355 = tpu.memref_slice %arg2[%multiple_of3A_320] : memref<163840xi32, #tpu.memory_space<hbm>> -> memref<128xi32, #tpu.memory_space<hbm>>
          tpu.enqueue_dma source(%dma_start3A_355 : memref<128xi32, #tpu.memory_space<hbm>>) target(%dma_start3A_354 : memref<128xi32, #tpu.memory_space<vmem>>) target_semaphore(%run_scoped3A_347 : memref<!tpu.dma_semaphore, #tpu.memory_space<semaphore_mem>>)
          %dma_wait3A_356 = arith.constant 0 : i32
          %dma_wait3A_357 = tpu.memref_slice %arg9[%run_scoped3A_321, %dma_wait3A_356] : memref<4x128xi32, #tpu.memory_space<vmem>> -> memref<1x128xi32, #tpu.memory_space<vmem>>
          %dma_wait3A_358 = tpu.memref_squeeze %dma_wait3A_357 : memref<1x128xi32, #tpu.memory_space<vmem>> -> memref<128xi32, #tpu.memory_space<vmem>>
          %dma_wait3A_359 = tpu.memref_slice %arg2[%multiple_of3A_320] : memref<163840xi32, #tpu.memory_space<hbm>> -> memref<128xi32, #tpu.memory_space<hbm>>
          %dma_wait3A_360 = arith.constant 0 : i32
          %dma_wait3A_361 = tpu.memref_slice %arg9[%run_scoped3A_321, %dma_wait3A_360] : memref<4x128xi32, #tpu.memory_space<vmem>> -> memref<1x128xi32, #tpu.memory_space<vmem>>
          %dma_wait3A_362 = tpu.memref_squeeze %dma_wait3A_361 : memref<1x128xi32, #tpu.memory_space<vmem>> -> memref<128xi32, #tpu.memory_space<vmem>>
          %dma_wait3A_363 = tpu.memref_slice %arg2[%multiple_of3A_320] : memref<163840xi32, #tpu.memory_space<hbm>> -> memref<128xi32, #tpu.memory_space<hbm>>
          tpu.wait_dma2 semaphore(%run_scoped3A_347 : memref<!tpu.dma_semaphore, #tpu.memory_space<semaphore_mem>>) src(%dma_wait3A_363 : memref<128xi32, #tpu.memory_space<hbm>>) dst(%dma_wait3A_362 : memref<128xi32, #tpu.memory_space<vmem>>)
          tpu.yield
        }) : () -> ()
        %run_scoped3A_322 = arith.constant 0 : i32
        "tpu.region"() ({
          %run_scoped3A_347 = tpu.sem_alloc : memref<!tpu.dma_semaphore, #tpu.memory_space<semaphore_mem>>
          %dma_start3A_348 = arith.constant 0 : i32
          %dma_start3A_349 = tpu.memref_slice %arg8[%run_scoped3A_322, %dma_start3A_348] : memref<2x128xi32, #tpu.memory_space<vmem>> -> memref<1x128xi32, #tpu.memory_space<vmem>>
          %dma_start3A_350 = tpu.memref_squeeze %dma_start3A_349 : memref<1x128xi32, #tpu.memory_space<vmem>> -> memref<128xi32, #tpu.memory_space<vmem>>
          %dma_start3A_351 = tpu.memref_slice %arg3[%multiple_of3A_320] : memref<163840xi32, #tpu.memory_space<hbm>> -> memref<128xi32, #tpu.memory_space<hbm>>
          %dma_start3A_352 = arith.constant 0 : i32
          %dma_start3A_353 = tpu.memref_slice %arg8[%run_scoped3A_322, %dma_start3A_352] : memref<2x128xi32, #tpu.memory_space<vmem>> -> memref<1x128xi32, #tpu.memory_space<vmem>>
          %dma_start3A_354 = tpu.memref_squeeze %dma_start3A_353 : memref<1x128xi32, #tpu.memory_space<vmem>> -> memref<128xi32, #tpu.memory_space<vmem>>
          %dma_start3A_355 = tpu.memref_slice %arg3[%multiple_of3A_320] : memref<163840xi32, #tpu.memory_space<hbm>> -> memref<128xi32, #tpu.memory_space<hbm>>
          tpu.enqueue_dma source(%dma_start3A_355 : memref<128xi32, #tpu.memory_space<hbm>>) target(%dma_start3A_354 : memref<128xi32, #tpu.memory_space<vmem>>) target_semaphore(%run_scoped3A_347 : memref<!tpu.dma_semaphore, #tpu.memory_space<semaphore_mem>>)
          %dma_wait3A_356 = arith.constant 0 : i32
          %dma_wait3A_357 = tpu.memref_slice %arg8[%run_scoped3A_322, %dma_wait3A_356] : memref<2x128xi32, #tpu.memory_space<vmem>> -> memref<1x128xi32, #tpu.memory_space<vmem>>
          %dma_wait3A_358 = tpu.memref_squeeze %dma_wait3A_357 : memref<1x128xi32, #tpu.memory_space<vmem>> -> memref<128xi32, #tpu.memory_space<vmem>>
          %dma_wait3A_359 = tpu.memref_slice %arg3[%multiple_of3A_320] : memref<163840xi32, #tpu.memory_space<hbm>> -> memref<128xi32, #tpu.memory_space<hbm>>
          %dma_wait3A_360 = arith.constant 0 : i32
          %dma_wait3A_361 = tpu.memref_slice %arg8[%run_scoped3A_322, %dma_wait3A_360] : memref<2x128xi32, #tpu.memory_space<vmem>> -> memref<1x128xi32, #tpu.memory_space<vmem>>
          %dma_wait3A_362 = tpu.memref_squeeze %dma_wait3A_361 : memref<1x128xi32, #tpu.memory_space<vmem>> -> memref<128xi32, #tpu.memory_space<vmem>>
          %dma_wait3A_363 = tpu.memref_slice %arg3[%multiple_of3A_320] : memref<163840xi32, #tpu.memory_space<hbm>> -> memref<128xi32, #tpu.memory_space<hbm>>
          tpu.wait_dma2 semaphore(%run_scoped3A_347 : memref<!tpu.dma_semaphore, #tpu.memory_space<semaphore_mem>>) src(%dma_wait3A_363 : memref<128xi32, #tpu.memory_space<hbm>>) dst(%dma_wait3A_362 : memref<128xi32, #tpu.memory_space<vmem>>)
          tpu.yield
        }) : () -> ()
        %dma_start3A_323 = arith.constant 0 : i32
        %dma_start3A_324 = arith.constant 0 : i32
        %dma_start3A_325 = arith.constant 0 : i32
        %dma_start3A_326 = arith.constant 0 : i32
        %dma_start3A_327 = tpu.memref_slice %arg10[%dma_start3A_324, %dma_start3A_325, %dma_start3A_326] : memref<2x128x16xf32, #tpu.memory_space<vmem>> -> memref<1x128x16xf32, #tpu.memory_space<vmem>>
        %dma_start3A_328 = tpu.memref_squeeze %dma_start3A_327 : memref<1x128x16xf32, #tpu.memory_space<vmem>> -> memref<128x16xf32, #tpu.memory_space<vmem>>
        %dma_start3A_329 = arith.constant 0 : i32
        %dma_start3A_330 = tpu.memref_slice %arg9[%dma_start3A_323, %dma_start3A_329] : memref<4x128xi32, #tpu.memory_space<vmem>> -> memref<1x128xi32, #tpu.memory_space<vmem>>
        %dma_start3A_331 = tpu.memref_squeeze %dma_start3A_330 : memref<1x128xi32, #tpu.memory_space<vmem>> -> memref<128xi32, #tpu.memory_space<vmem>>
        %dma_start3A_332 = arith.constant 0 : i32
        %dma_start3A_333 = arith.constant 0 : i32
        %dma_start3A_334 = tpu.memref_slice %arg4[%dma_start3A_332, %dma_start3A_333] : memref<10112x16xf32, #tpu.memory_space<hbm>> -> memref<10112x16xf32, #tpu.memory_space<hbm>>
        tpu.enqueue_indirect_dma source(%dma_start3A_334 : memref<10112x16xf32, #tpu.memory_space<hbm>>) target(%dma_start3A_328 : memref<128x16xf32, #tpu.memory_space<vmem>>) offsets(%dma_start3A_331 : memref<128xi32, #tpu.memory_space<vmem>>) semaphore(%arg14 : memref<!tpu.dma_semaphore, #tpu.memory_space<semaphore_mem>>)
        %dma_start3A_335 = arith.constant 0 : i32
        %dma_start3A_336 = arith.constant 0 : i32
        %dma_start3A_337 = arith.constant 0 : i32
        %dma_start3A_338 = arith.constant 0 : i32
        %dma_start3A_339 = tpu.memref_slice %arg11[%dma_start3A_336, %dma_start3A_337, %dma_start3A_338] : memref<2x128x80xf32, #tpu.memory_space<vmem>> -> memref<1x128x80xf32, #tpu.memory_space<vmem>>
        %dma_start3A_340 = tpu.memref_squeeze %dma_start3A_339 : memref<1x128x80xf32, #tpu.memory_space<vmem>> -> memref<128x80xf32, #tpu.memory_space<vmem>>
        %dma_start3A_341 = arith.constant 0 : i32
        %dma_start3A_342 = tpu.memref_slice %arg8[%dma_start3A_335, %dma_start3A_341] : memref<2x128xi32, #tpu.memory_space<vmem>> -> memref<1x128xi32, #tpu.memory_space<vmem>>
        %dma_start3A_343 = tpu.memref_squeeze %dma_start3A_342 : memref<1x128xi32, #tpu.memory_space<vmem>> -> memref<128xi32, #tpu.memory_space<vmem>>
        %dma_start3A_344 = arith.constant 0 : i32
        %dma_start3A_345 = arith.constant 0 : i32
        %dma_start3A_346 = tpu.memref_slice %arg5[%dma_start3A_344, %dma_start3A_345] : memref<10112x80xf32, #tpu.memory_space<hbm>> -> memref<10112x80xf32, #tpu.memory_space<hbm>>
        tpu.enqueue_indirect_dma source(%dma_start3A_346 : memref<10112x80xf32, #tpu.memory_space<hbm>>) target(%dma_start3A_340 : memref<128x80xf32, #tpu.memory_space<vmem>>) offsets(%dma_start3A_343 : memref<128xi32, #tpu.memory_space<vmem>>) semaphore(%arg14 : memref<!tpu.dma_semaphore, #tpu.memory_space<semaphore_mem>>)
      } else {
      }
      %dma_wait3A_274 = arith.constant 3 : i32
      %dma_wait3A_275 = arith.constant 1 : i32
      %dma_wait3A_276 = arith.constant 0 : i32
      %dma_wait3A_277 = arith.constant 0 : i32
      %dma_wait3A_278 = tpu.memref_slice %arg10[%dma_wait3A_275, %dma_wait3A_276, %dma_wait3A_277] : memref<2x128x16xf32, #tpu.memory_space<vmem>> -> memref<1x128x16xf32, #tpu.memory_space<vmem>>
      %dma_wait3A_279 = tpu.memref_squeeze %dma_wait3A_278 : memref<1x128x16xf32, #tpu.memory_space<vmem>> -> memref<128x16xf32, #tpu.memory_space<vmem>>
      %dma_wait3A_280 = arith.constant 0 : i32
      %dma_wait3A_281 = tpu.memref_slice %arg9[%dma_wait3A_274, %dma_wait3A_280] : memref<4x128xi32, #tpu.memory_space<vmem>> -> memref<1x128xi32, #tpu.memory_space<vmem>>
      %dma_wait3A_282 = tpu.memref_squeeze %dma_wait3A_281 : memref<1x128xi32, #tpu.memory_space<vmem>> -> memref<128xi32, #tpu.memory_space<vmem>>
      %dma_wait3A_283 = arith.constant 0 : i32
      %dma_wait3A_284 = arith.constant 0 : i32
      %dma_wait3A_285 = tpu.memref_slice %arg4[%dma_wait3A_283, %dma_wait3A_284] : memref<10112x16xf32, #tpu.memory_space<hbm>> -> memref<10112x16xf32, #tpu.memory_space<hbm>>
      tpu.wait_indirect_dma semaphore(%arg15 : memref<!tpu.dma_semaphore, #tpu.memory_space<semaphore_mem>>) src(%dma_wait3A_285 : memref<10112x16xf32, #tpu.memory_space<hbm>>) dst(%dma_wait3A_279 : memref<128x16xf32, #tpu.memory_space<vmem>>)
      %dma_wait3A_286 = arith.constant 1 : i32
      %dma_wait3A_287 = arith.constant 1 : i32
      %dma_wait3A_288 = arith.constant 0 : i32
      %dma_wait3A_289 = arith.constant 0 : i32
      %dma_wait3A_290 = tpu.memref_slice %arg11[%dma_wait3A_287, %dma_wait3A_288, %dma_wait3A_289] : memref<2x128x80xf32, #tpu.memory_space<vmem>> -> memref<1x128x80xf32, #tpu.memory_space<vmem>>
      %dma_wait3A_291 = tpu.memref_squeeze %dma_wait3A_290 : memref<1x128x80xf32, #tpu.memory_space<vmem>> -> memref<128x80xf32, #tpu.memory_space<vmem>>
      %dma_wait3A_292 = arith.constant 0 : i32
      %dma_wait3A_293 = tpu.memref_slice %arg8[%dma_wait3A_286, %dma_wait3A_292] : memref<2x128xi32, #tpu.memory_space<vmem>> -> memref<1x128xi32, #tpu.memory_space<vmem>>
      %dma_wait3A_294 = tpu.memref_squeeze %dma_wait3A_293 : memref<1x128xi32, #tpu.memory_space<vmem>> -> memref<128xi32, #tpu.memory_space<vmem>>
      %dma_wait3A_295 = arith.constant 0 : i32
      %dma_wait3A_296 = arith.constant 0 : i32
      %dma_wait3A_297 = tpu.memref_slice %arg5[%dma_wait3A_295, %dma_wait3A_296] : memref<10112x80xf32, #tpu.memory_space<hbm>> -> memref<10112x80xf32, #tpu.memory_space<hbm>>
      tpu.wait_indirect_dma semaphore(%arg15 : memref<!tpu.dma_semaphore, #tpu.memory_space<semaphore_mem>>) src(%dma_wait3A_297 : memref<10112x80xf32, #tpu.memory_space<hbm>>) dst(%dma_wait3A_291 : memref<128x80xf32, #tpu.memory_space<vmem>>)
      %scan3A_298 = arith.constant 0 : i32
      %scan3A_299 = arith.constant 128 : i32
      %scan3A_300 = arith.addi %scan3A_298, %scan3A_299 : i32
      %scan3A_301 = arith.constant 1 : i32
      scf.for %scan3A_315 = %scan3A_298 to %scan3A_300 step %scan3A_301  : i32 {
        %mul3A_316 = arith.constant 1 : i32
        %mul3A_317 = arith.muli %scan3A_315, %mul3A_316 : i32
        %add3A_318 = arith.constant 0 : i32
        %add3A_319 = arith.addi %add3A_318, %mul3A_317 : i32
        %get3A = arith.constant 1 : i32
        %get3A_320 = arith.index_cast %get3A : i32 to index
        %get3A_321 = arith.index_cast %add3A_319 : i32 to index
        %get3A_322 = arith.constant 0 : index
        %get3A_323 = tpu.vector_load %arg10[%get3A_320, %get3A_321, %get3A_322] {strides = array<i32>} : memref<2x128x16xf32, #tpu.memory_space<vmem>>, vector<1x1x16xf32>,
        %get3A_324 = vector.shape_cast %get3A_323 : vector<1x1x16xf32> to vector<16xf32>
        %get3A_325 = arith.constant 1 : i32
        %get3A_326 = arith.index_cast %get3A_325 : i32 to index
        %get3A_327 = arith.index_cast %add3A_319 : i32 to index
        %get3A_328 = arith.constant 0 : index
        %get3A_329 = tpu.vector_load %arg11[%get3A_326, %get3A_327, %get3A_328] {strides = array<i32>} : memref<2x128x80xf32, #tpu.memory_space<vmem>>, vector<1x1x16xf32>,
        %get3A_330 = vector.shape_cast %get3A_329 : vector<1x1x16xf32> to vector<16xf32>
        %add3A_331 = arith.addf %get3A_324, %get3A_330 : vector<16xf32>
        %ge3A_332 = arith.constant 0.000000e+00 : f32
        %ge3A_333 = vector.broadcast %ge3A_332 : f32 to vector<16xf32>
        %ge3A_334 = arith.cmpf oge, %add3A_331, %ge3A_333 : vector<16xf32>
        %mul3A_335 = arith.constant 2.000000e-01 : f32
        %mul3A_336 = vector.broadcast %mul3A_335 : f32 to vector<16xf32>
        %mul3A_337 = arith.mulf %add3A_331, %mul3A_336 : vector<16xf32>
        %select_n3A = arith.select %ge3A_334, %add3A_331, %mul3A_337 : vector<16xi1>, vector<16xf32>
        %max3A = arith.constant -2.000000e+00 : f32
        %max3A_338 = vector.broadcast %max3A : f32 to vector<16xf32>
        %max3A_339 = arith.maximumf %select_n3A, %max3A_338 : vector<16xf32>
        %min3A = arith.constant 2.000000e+00 : f32
        %min3A_340 = vector.broadcast %min3A : f32 to vector<16xf32>
        %min3A_341 = arith.minimumf %max3A_339, %min3A_340 : vector<16xf32>
        %exp3A = math.exp %min3A_341 : vector<16xf32>
        %swap3A = arith.constant 3 : i32
        %swap3A_342 = arith.index_cast %swap3A : i32 to index
        %swap3A_343 = arith.index_cast %add3A_319 : i32 to index
        %swap3A_344 = arith.constant 0 : index
        %swap3A_345 = tpu.vector_load %arg12[%swap3A_342, %swap3A_343, %swap3A_344] {strides = array<i32>} : memref<4x128x80xf32, #tpu.memory_space<vmem>>, vector<1x1x16xf32>,
        %swap3A_346 = vector.shape_cast %swap3A_345 : vector<1x1x16xf32> to vector<16xf32>
        %swap3A_347 = vector.shape_cast %exp3A : vector<16xf32> to vector<1x1x16xf32>
        tpu.vector_store %arg12[%swap3A_342, %swap3A_343, %swap3A_344], %swap3A_347 {strides = array<i32>} : memref<4x128x80xf32, #tpu.memory_space<vmem>>, vector<1x1x16xf32>,
        %lt3A_348 = arith.constant 0 : i32
        %lt3A_349 = vector.broadcast %lt3A_348 : i32 to vector<16xi32>
        %lt3A_350 = arith.cmpi slt, %shift_right_logical3A_9, %lt3A_349 : vector<16xi32>
        %add3A_351 = arith.constant 16 : i32
        %add3A_352 = vector.broadcast %add3A_351 : i32 to vector<16xi32>
        %add3A_353 = arith.addi %shift_right_logical3A_9, %add3A_352 : vector<16xi32>
        %select_n3A_354 = arith.select %lt3A_350, %add3A_353, %shift_right_logical3A_9 : vector<16xi1>, vector<16xi32>
        %broadcast_in_dim3A = vector.shape_cast %select_n3A_354 : vector<16xi32> to vector<16x1xi32>
        %gather3A = vector.shape_cast %broadcast_in_dim3A : vector<16x1xi32> to vector<16xi32>
        %gather3A_355 = tpu.dynamic_gather %exp3A[%gather3A] in [0] : vector<16xf32>, vector<16xi32> -> vector<16xf32>
        %get3A_356 = arith.constant 1 : i32
        %get3A_357 = arith.index_cast %get3A_356 : i32 to index
        %get3A_358 = arith.index_cast %add3A_319 : i32 to index
        %get3A_359 = arith.constant 16 : index
        %get3A_360 = tpu.vector_load %arg11[%get3A_357, %get3A_358, %get3A_359] {strides = array<i32>} : memref<2x128x80xf32, #tpu.memory_space<vmem>>, vector<1x1x16xf32>,
        %get3A_361 = vector.shape_cast %get3A_360 : vector<1x1x16xf32> to vector<16xf32>
        %mul3A_362 = arith.mulf %gather3A_355, %get3A_361 : vector<16xf32>
        %swap3A_363 = arith.constant 3 : i32
        %swap3A_364 = arith.index_cast %swap3A_363 : i32 to index
        %swap3A_365 = arith.index_cast %add3A_319 : i32 to index
        %swap3A_366 = arith.constant 16 : index
        %swap3A_367 = tpu.vector_load %arg12[%swap3A_364, %swap3A_365, %swap3A_366] {strides = array<i32>} : memref<4x128x80xf32, #tpu.memory_space<vmem>>, vector<1x1x16xf32>,
        %swap3A_368 = vector.shape_cast %swap3A_367 : vector<1x1x16xf32> to vector<16xf32>
        %swap3A_369 = vector.shape_cast %mul3A_362 : vector<16xf32> to vector<1x1x16xf32>
        tpu.vector_store %arg12[%swap3A_364, %swap3A_365, %swap3A_366], %swap3A_369 {strides = array<i32>} : memref<4x128x80xf32, #tpu.memory_space<vmem>>, vector<1x1x16xf32>,
        %lt3A_370 = arith.constant 0 : i32
        %lt3A_371 = vector.broadcast %lt3A_370 : i32 to vector<16xi32>
        %lt3A_372 = arith.cmpi slt, %shift_right_logical3A_15, %lt3A_371 : vector<16xi32>
        %add3A_373 = arith.constant 16 : i32
        %add3A_374 = vector.broadcast %add3A_373 : i32 to vector<16xi32>
        %add3A_375 = arith.addi %shift_right_logical3A_15, %add3A_374 : vector<16xi32>
        %select_n3A_376 = arith.select %lt3A_372, %add3A_375, %shift_right_logical3A_15 : vector<16xi1>, vector<16xi32>
        %broadcast_in_dim3A_377 = vector.shape_cast %select_n3A_376 : vector<16xi32> to vector<16x1xi32>
        %gather3A_378 = vector.shape_cast %broadcast_in_dim3A_377 : vector<16x1xi32> to vector<16xi32>
        %gather3A_379 = tpu.dynamic_gather %exp3A[%gather3A_378] in [0] : vector<16xf32>, vector<16xi32> -> vector<16xf32>
        %get3A_380 = arith.constant 1 : i32
        %get3A_381 = arith.index_cast %get3A_380 : i32 to index
        %get3A_382 = arith.index_cast %add3A_319 : i32 to index
        %get3A_383 = arith.constant 32 : index
        %get3A_384 = tpu.vector_load %arg11[%get3A_381, %get3A_382, %get3A_383] {strides = array<i32>} : memref<2x128x80xf32, #tpu.memory_space<vmem>>, vector<1x1x16xf32>,
        %get3A_385 = vector.shape_cast %get3A_384 : vector<1x1x16xf32> to vector<16xf32>
        %mul3A_386 = arith.mulf %gather3A_379, %get3A_385 : vector<16xf32>
        %swap3A_387 = arith.constant 3 : i32
        %swap3A_388 = arith.index_cast %swap3A_387 : i32 to index
        %swap3A_389 = arith.index_cast %add3A_319 : i32 to index
        %swap3A_390 = arith.constant 32 : index
        %swap3A_391 = tpu.vector_load %arg12[%swap3A_388, %swap3A_389, %swap3A_390] {strides = array<i32>} : memref<4x128x80xf32, #tpu.memory_space<vmem>>, vector<1x1x16xf32>,
        %swap3A_392 = vector.shape_cast %swap3A_391 : vector<1x1x16xf32> to vector<16xf32>
        %swap3A_393 = vector.shape_cast %mul3A_386 : vector<16xf32> to vector<1x1x16xf32>
        tpu.vector_store %arg12[%swap3A_388, %swap3A_389, %swap3A_390], %swap3A_393 {strides = array<i32>} : memref<4x128x80xf32, #tpu.memory_space<vmem>>, vector<1x1x16xf32>,
        %lt3A_394 = arith.constant 0 : i32
        %lt3A_395 = vector.broadcast %lt3A_394 : i32 to vector<16xi32>
        %lt3A_396 = arith.cmpi slt, %shift_right_logical3A_21, %lt3A_395 : vector<16xi32>
        %add3A_397 = arith.constant 16 : i32
        %add3A_398 = vector.broadcast %add3A_397 : i32 to vector<16xi32>
        %add3A_399 = arith.addi %shift_right_logical3A_21, %add3A_398 : vector<16xi32>
        %select_n3A_400 = arith.select %lt3A_396, %add3A_399, %shift_right_logical3A_21 : vector<16xi1>, vector<16xi32>
        %broadcast_in_dim3A_401 = vector.shape_cast %select_n3A_400 : vector<16xi32> to vector<16x1xi32>
        %gather3A_402 = vector.shape_cast %broadcast_in_dim3A_401 : vector<16x1xi32> to vector<16xi32>
        %gather3A_403 = tpu.dynamic_gather %exp3A[%gather3A_402] in [0] : vector<16xf32>, vector<16xi32> -> vector<16xf32>
        %get3A_404 = arith.constant 1 : i32
        %get3A_405 = arith.index_cast %get3A_404 : i32 to index
        %get3A_406 = arith.index_cast %add3A_319 : i32 to index
        %get3A_407 = arith.constant 48 : index
        %get3A_408 = tpu.vector_load %arg11[%get3A_405, %get3A_406, %get3A_407] {strides = array<i32>} : memref<2x128x80xf32, #tpu.memory_space<vmem>>, vector<1x1x16xf32>,
        %get3A_409 = vector.shape_cast %get3A_408 : vector<1x1x16xf32> to vector<16xf32>
        %mul3A_410 = arith.mulf %gather3A_403, %get3A_409 : vector<16xf32>
        %swap3A_411 = arith.constant 3 : i32
        %swap3A_412 = arith.index_cast %swap3A_411 : i32 to index
        %swap3A_413 = arith.index_cast %add3A_319 : i32 to index
        %swap3A_414 = arith.constant 48 : index
        %swap3A_415 = tpu.vector_load %arg12[%swap3A_412, %swap3A_413, %swap3A_414] {strides = array<i32>} : memref<4x128x80xf32, #tpu.memory_space<vmem>>, vector<1x1x16xf32>,
        %swap3A_416 = vector.shape_cast %swap3A_415 : vector<1x1x16xf32> to vector<16xf32>
        %swap3A_417 = vector.shape_cast %mul3A_410 : vector<16xf32> to vector<1x1x16xf32>
        tpu.vector_store %arg12[%swap3A_412, %swap3A_413, %swap3A_414], %swap3A_417 {strides = array<i32>} : memref<4x128x80xf32, #tpu.memory_space<vmem>>, vector<1x1x16xf32>,
        %lt3A_418 = arith.constant 0 : i32
        %lt3A_419 = vector.broadcast %lt3A_418 : i32 to vector<16xi32>
        %lt3A_420 = arith.cmpi slt, %shift_right_logical3A_27, %lt3A_419 : vector<16xi32>
        %add3A_421 = arith.constant 16 : i32
        %add3A_422 = vector.broadcast %add3A_421 : i32 to vector<16xi32>
        %add3A_423 = arith.addi %shift_right_logical3A_27, %add3A_422 : vector<16xi32>
        %select_n3A_424 = arith.select %lt3A_420, %add3A_423, %shift_right_logical3A_27 : vector<16xi1>, vector<16xi32>
        %broadcast_in_dim3A_425 = vector.shape_cast %select_n3A_424 : vector<16xi32> to vector<16x1xi32>
        %gather3A_426 = vector.shape_cast %broadcast_in_dim3A_425 : vector<16x1xi32> to vector<16xi32>
        %gather3A_427 = tpu.dynamic_gather %exp3A[%gather3A_426] in [0] : vector<16xf32>, vector<16xi32> -> vector<16xf32>
        %get3A_428 = arith.constant 1 : i32
        %get3A_429 = arith.index_cast %get3A_428 : i32 to index
        %get3A_430 = arith.index_cast %add3A_319 : i32 to index
        %get3A_431 = arith.constant 64 : index
        %get3A_432 = tpu.vector_load %arg11[%get3A_429, %get3A_430, %get3A_431] {strides = array<i32>} : memref<2x128x80xf32, #tpu.memory_space<vmem>>, vector<1x1x16xf32>,
        %get3A_433 = vector.shape_cast %get3A_432 : vector<1x1x16xf32> to vector<16xf32>
        %mul3A_434 = arith.mulf %gather3A_427, %get3A_433 : vector<16xf32>
        %swap3A_435 = arith.constant 3 : i32
        %swap3A_436 = arith.index_cast %swap3A_435 : i32 to index
        %swap3A_437 = arith.index_cast %add3A_319 : i32 to index
        %swap3A_438 = arith.constant 64 : index
        %swap3A_439 = tpu.vector_load %arg12[%swap3A_436, %swap3A_437, %swap3A_438] {strides = array<i32>} : memref<4x128x80xf32, #tpu.memory_space<vmem>>, vector<1x1x16xf32>,
        %swap3A_440 = vector.shape_cast %swap3A_439 : vector<1x1x16xf32> to vector<16xf32>
        %swap3A_441 = vector.shape_cast %mul3A_434 : vector<16xf32> to vector<1x1x16xf32>
        tpu.vector_store %arg12[%swap3A_436, %swap3A_437, %swap3A_438], %swap3A_441 {strides = array<i32>} : memref<4x128x80xf32, #tpu.memory_space<vmem>>, vector<1x1x16xf32>,
      }
      %scan3A_302 = arith.constant 128 : i32
      %dma_start3A_303 = arith.constant 3 : i32
      %dma_start3A_304 = arith.constant 3 : i32
      %dma_start3A_305 = arith.constant 0 : i32
      %dma_start3A_306 = arith.constant 0 : i32
      %dma_start3A_307 = tpu.memref_slice %arg12[%dma_start3A_303, %dma_start3A_305, %dma_start3A_306] : memref<4x128x80xf32, #tpu.memory_space<vmem>> -> memref<1x128x80xf32, #tpu.memory_space<vmem>>
      %dma_start3A_308 = tpu.memref_squeeze %dma_start3A_307 : memref<1x128x80xf32, #tpu.memory_space<vmem>> -> memref<128x80xf32, #tpu.memory_space<vmem>>
      %dma_start3A_309 = arith.constant 0 : i32
      %dma_start3A_310 = tpu.memref_slice %arg9[%dma_start3A_304, %dma_start3A_309] : memref<4x128xi32, #tpu.memory_space<vmem>> -> memref<1x128xi32, #tpu.memory_space<vmem>>
      %dma_start3A_311 = tpu.memref_squeeze %dma_start3A_310 : memref<1x128xi32, #tpu.memory_space<vmem>> -> memref<128xi32, #tpu.memory_space<vmem>>
      %dma_start3A_312 = arith.constant 0 : i32
      %dma_start3A_313 = arith.constant 0 : i32
      %dma_start3A_314 = tpu.memref_slice %arg13[%dma_start3A_312, %dma_start3A_313] : memref<10112x80xf32, #tpu.memory_space<vmem_shared>> -> memref<10112x80xf32, #tpu.memory_space<vmem_shared>>
      tpu.enqueue_indirect_dma source(%dma_start3A_308 : memref<128x80xf32, #tpu.memory_space<vmem>>) target(%dma_start3A_314 : memref<10112x80xf32, #tpu.memory_space<vmem_shared>>) offsets(%dma_start3A_311 : memref<128xi32, #tpu.memory_space<vmem>>) semaphore(%arg19 : memref<!tpu.dma_semaphore, #tpu.memory_space<semaphore_mem>>) {add = true}
    }
    %scan3A_57 = arith.constant 10 : i32
    %dma_wait3A = arith.constant 1 : i32
    %dma_wait3A_58 = arith.constant 1 : i32
    %dma_wait3A_59 = arith.constant 0 : i32
    %dma_wait3A_60 = arith.constant 0 : i32
    %dma_wait3A_61 = tpu.memref_slice %arg12[%dma_wait3A, %dma_wait3A_59, %dma_wait3A_60] : memref<4x128x80xf32, #tpu.memory_space<vmem>> -> memref<1x128x80xf32, #tpu.memory_space<vmem>>
    %dma_wait3A_62 = tpu.memref_squeeze %dma_wait3A_61 : memref<1x128x80xf32, #tpu.memory_space<vmem>> -> memref<128x80xf32, #tpu.memory_space<vmem>>
    %dma_wait3A_63 = arith.constant 0 : i32
    %dma_wait3A_64 = tpu.memref_slice %arg9[%dma_wait3A_58, %dma_wait3A_63] : memref<4x128xi32, #tpu.memory_space<vmem>> -> memref<1x128xi32, #tpu.memory_space<vmem>>
    %dma_wait3A_65 = tpu.memref_squeeze %dma_wait3A_64 : memref<1x128xi32, #tpu.memory_space<vmem>> -> memref<128xi32, #tpu.memory_space<vmem>>
    %dma_wait3A_66 = arith.constant 0 : i32
    %dma_wait3A_67 = arith.constant 0 : i32
    %dma_wait3A_68 = tpu.memref_slice %arg13[%dma_wait3A_66, %dma_wait3A_67] : memref<10112x80xf32, #tpu.memory_space<vmem_shared>> -> memref<10112x80xf32, #tpu.memory_space<vmem_shared>>
    tpu.wait_indirect_dma semaphore(%arg17 : memref<!tpu.dma_semaphore, #tpu.memory_space<semaphore_mem>>) src(%dma_wait3A_62 : memref<128x80xf32, #tpu.memory_space<vmem>>) dst(%dma_wait3A_68 : memref<10112x80xf32, #tpu.memory_space<vmem_shared>>)
    %dma_wait3A_69 = arith.constant 2 : i32
    %dma_wait3A_70 = arith.constant 2 : i32
    %dma_wait3A_71 = arith.constant 0 : i32
    %dma_wait3A_72 = arith.constant 0 : i32
    %dma_wait3A_73 = tpu.memref_slice %arg12[%dma_wait3A_69, %dma_wait3A_71, %dma_wait3A_72] : memref<4x128x80xf32, #tpu.memory_space<vmem>> -> memref<1x128x80xf32, #tpu.memory_space<vmem>>
    %dma_wait3A_74 = tpu.memref_squeeze %dma_wait3A_73 : memref<1x128x80xf32, #tpu.memory_space<vmem>> -> memref<128x80xf32, #tpu.memory_space<vmem>>
    %dma_wait3A_75 = arith.constant 0 : i32
    %dma_wait3A_76 = tpu.memref_slice %arg9[%dma_wait3A_70, %dma_wait3A_75] : memref<4x128xi32, #tpu.memory_space<vmem>> -> memref<1x128xi32, #tpu.memory_space<vmem>>
    %dma_wait3A_77 = tpu.memref_squeeze %dma_wait3A_76 : memref<1x128xi32, #tpu.memory_space<vmem>> -> memref<128xi32, #tpu.memory_space<vmem>>
    %dma_wait3A_78 = arith.constant 0 : i32
    %dma_wait3A_79 = arith.constant 0 : i32
    %dma_wait3A_80 = tpu.memref_slice %arg13[%dma_wait3A_78, %dma_wait3A_79] : memref<10112x80xf32, #tpu.memory_space<vmem_shared>> -> memref<10112x80xf32, #tpu.memory_space<vmem_shared>>
    tpu.wait_indirect_dma semaphore(%arg18 : memref<!tpu.dma_semaphore, #tpu.memory_space<semaphore_mem>>) src(%dma_wait3A_74 : memref<128x80xf32, #tpu.memory_space<vmem>>) dst(%dma_wait3A_80 : memref<10112x80xf32, #tpu.memory_space<vmem_shared>>)
    %dma_wait3A_81 = arith.constant 3 : i32
    %dma_wait3A_82 = arith.constant 3 : i32
    %dma_wait3A_83 = arith.constant 0 : i32
    %dma_wait3A_84 = arith.constant 0 : i32
    %dma_wait3A_85 = tpu.memref_slice %arg12[%dma_wait3A_81, %dma_wait3A_83, %dma_wait3A_84] : memref<4x128x80xf32, #tpu.memory_space<vmem>> -> memref<1x128x80xf32, #tpu.memory_space<vmem>>
    %dma_wait3A_86 = tpu.memref_squeeze %dma_wait3A_85 : memref<1x128x80xf32, #tpu.memory_space<vmem>> -> memref<128x80xf32, #tpu.memory_space<vmem>>
    %dma_wait3A_87 = arith.constant 0 : i32
    %dma_wait3A_88 = tpu.memref_slice %arg9[%dma_wait3A_82, %dma_wait3A_87] : memref<4x128xi32, #tpu.memory_space<vmem>> -> memref<1x128xi32, #tpu.memory_space<vmem>>
    %dma_wait3A_89 = tpu.memref_squeeze %dma_wait3A_88 : memref<1x128xi32, #tpu.memory_space<vmem>> -> memref<128xi32, #tpu.memory_space<vmem>>
    %dma_wait3A_90 = arith.constant 0 : i32
    %dma_wait3A_91 = arith.constant 0 : i32
    %dma_wait3A_92 = tpu.memref_slice %arg13[%dma_wait3A_90, %dma_wait3A_91] : memref<10112x80xf32, #tpu.memory_space<vmem_shared>> -> memref<10112x80xf32, #tpu.memory_space<vmem_shared>>
    tpu.wait_indirect_dma semaphore(%arg19 : memref<!tpu.dma_semaphore, #tpu.memory_space<semaphore_mem>>) src(%dma_wait3A_86 : memref<128x80xf32, #tpu.memory_space<vmem>>) dst(%dma_wait3A_92 : memref<10112x80xf32, #tpu.memory_space<vmem_shared>>)
    %barrier3A_93 = arith.constant 0 : index
    tpu.barrier barrier_id(%barrier3A_93)
    "tpu.region"() ({
      %run_scoped3A_94 = tpu.sem_alloc : memref<!tpu.dma_semaphore, #tpu.memory_space<semaphore_mem>>
      %dma_start3A_95 = arith.constant 0 : i32
      %dma_start3A_96 = tpu.memref_slice %arg7[%arg0, %mul3A_0, %dma_start3A_95] : memref<2x10112x80xf32, #tpu.memory_space<hbm>> -> memref<1x632x80xf32, #tpu.memory_space<hbm>>
      %dma_start3A_97 = tpu.memref_squeeze %dma_start3A_96 : memref<1x632x80xf32, #tpu.memory_space<hbm>> -> memref<632x80xf32, #tpu.memory_space<hbm>>
      %dma_start3A_98 = arith.constant 0 : i32
      %dma_start3A_99 = tpu.memref_slice %arg13[%mul3A_0, %dma_start3A_98] : memref<10112x80xf32, #tpu.memory_space<vmem_shared>> -> memref<632x80xf32, #tpu.memory_space<vmem_shared>>
      tpu.enqueue_dma source(%dma_start3A_99 : memref<632x80xf32, #tpu.memory_space<vmem_shared>>) target(%dma_start3A_97 : memref<632x80xf32, #tpu.memory_space<hbm>>) target_semaphore(%run_scoped3A_94 : memref<!tpu.dma_semaphore, #tpu.memory_space<semaphore_mem>>)
      %dma_wait3A_100 = arith.constant 0 : i32
      %dma_wait3A_101 = tpu.memref_slice %arg7[%arg0, %mul3A_0, %dma_wait3A_100] : memref<2x10112x80xf32, #tpu.memory_space<hbm>> -> memref<1x632x80xf32, #tpu.memory_space<hbm>>
      %dma_wait3A_102 = tpu.memref_squeeze %dma_wait3A_101 : memref<1x632x80xf32, #tpu.memory_space<hbm>> -> memref<632x80xf32, #tpu.memory_space<hbm>>
      %dma_wait3A_103 = arith.constant 0 : i32
      %dma_wait3A_104 = tpu.memref_slice %arg13[%mul3A_0, %dma_wait3A_103] : memref<10112x80xf32, #tpu.memory_space<vmem_shared>> -> memref<632x80xf32, #tpu.memory_space<vmem_shared>>
      tpu.wait_dma2 semaphore(%run_scoped3A_94 : memref<!tpu.dma_semaphore, #tpu.memory_space<semaphore_mem>>) src(%dma_wait3A_104 : memref<632x80xf32, #tpu.memory_space<vmem_shared>>) dst(%dma_wait3A_102 : memref<632x80xf32, #tpu.memory_space<hbm>>)
      tpu.yield
    }) : () -> ()
    return
  }
}

module attributes {stable_mosaic.version = 14 : i64} {
  func.func @_tc_transform_body(%arg0: memref<10000x256xf32, #tpu.memory_space<vmem>>, %arg1: memref<256x64xf32, #tpu.memory_space<vmem>>, %arg2: memref<64x80xf32, #tpu.memory_space<vmem>>, %arg3: memref<64x16xf32, #tpu.memory_space<vmem>>, %arg4: memref<10112x80xf32, #tpu.memory_space<vmem>>, %arg5: memref<10112x16xf32, #tpu.memory_space<vmem>>) attributes {dimension_semantics = [], scalar_prefetch = 0 : i64, scratch_operands = 0 : i64, tpu.core_type = #tpu.core_type<tc>} {
    %get3A = arith.constant 0 : index
    %get3A_0 = arith.constant 0 : index
    %get3A_1 = vector.load %arg0[%get3A, %get3A_0] : memref<10000x256xf32, #tpu.memory_space<vmem>>, vector<10000x256xf32>
    %get3A_2 = arith.constant 0 : index
    %get3A_3 = arith.constant 0 : index
    %get3A_4 = vector.load %arg1[%get3A_2, %get3A_3] : memref<256x64xf32, #tpu.memory_space<vmem>>, vector<256x64xf32>
    %dot_general3A = arith.constant dense<0.000000e+00> : vector<10000x64xf32>
    %dot_general3A_5 = tpu.matmul %get3A_1, %get3A_4, %dot_general3A {dimension_numbers = #tpu.dot_dimension_numbers<[1], [0], [0], [1], [0, 0, 1, 1], [], []>, transpose_lhs_hint = false} : vector<10000x256xf32>, vector<256x64xf32>, vector<10000x64xf32> -> vector<10000x64xf32>
    %get3A_6 = arith.constant 0 : index
    %get3A_7 = arith.constant 0 : index
    %get3A_8 = vector.load %arg2[%get3A_6, %get3A_7] : memref<64x80xf32, #tpu.memory_space<vmem>>, vector<64x80xf32>
    %dot_general3A_9 = arith.constant dense<0.000000e+00> : vector<10000x80xf32>
    %dot_general3A_10 = tpu.matmul %dot_general3A_5, %get3A_8, %dot_general3A_9 {dimension_numbers = #tpu.dot_dimension_numbers<[1], [0], [0], [1], [0, 0, 1, 1], [], []>, transpose_lhs_hint = false} : vector<10000x64xf32>, vector<64x80xf32>, vector<10000x80xf32> -> vector<10000x80xf32>
    %swap3A = arith.constant 0 : index
    %swap3A_11 = arith.constant 0 : index
    %swap3A_12 = vector.load %arg4[%swap3A, %swap3A_11] : memref<10112x80xf32, #tpu.memory_space<vmem>>, vector<10000x80xf32>
    tpu.vector_store %arg4[%swap3A, %swap3A_11], %dot_general3A_10 {strides = array<i32>} : memref<10112x80xf32, #tpu.memory_space<vmem>>, vector<10000x80xf32>,
    %broadcast_in_dim3A = arith.constant 0.000000e+00 : f32
    %broadcast_in_dim3A_13 = vector.broadcast %broadcast_in_dim3A : f32 to vector<112x80xf32>
    %swap3A_14 = arith.constant 10000 : index
    %swap3A_15 = arith.constant 0 : index
    %swap3A_16 = vector.load %arg4[%swap3A_14, %swap3A_15] : memref<10112x80xf32, #tpu.memory_space<vmem>>, vector<112x80xf32>
    tpu.vector_store %arg4[%swap3A_14, %swap3A_15], %broadcast_in_dim3A_13 {strides = array<i32>} : memref<10112x80xf32, #tpu.memory_space<vmem>>, vector<112x80xf32>,
    %get3A_17 = arith.constant 0 : index
    %get3A_18 = arith.constant 0 : index
    %get3A_19 = vector.load %arg3[%get3A_17, %get3A_18] : memref<64x16xf32, #tpu.memory_space<vmem>>, vector<64x16xf32>
    %dot_general3A_20 = arith.constant dense<0.000000e+00> : vector<10000x16xf32>
    %dot_general3A_21 = tpu.matmul %dot_general3A_5, %get3A_19, %dot_general3A_20 {dimension_numbers = #tpu.dot_dimension_numbers<[1], [0], [0], [1], [0, 0, 1, 1], [], []>, transpose_lhs_hint = false} : vector<10000x64xf32>, vector<64x16xf32>, vector<10000x16xf32> -> vector<10000x16xf32>
    %swap3A_22 = arith.constant 0 : index
    %swap3A_23 = arith.constant 0 : index
    %swap3A_24 = vector.load %arg5[%swap3A_22, %swap3A_23] : memref<10112x16xf32, #tpu.memory_space<vmem>>, vector<10000x16xf32>
    tpu.vector_store %arg5[%swap3A_22, %swap3A_23], %dot_general3A_21 {strides = array<i32>} : memref<10112x16xf32, #tpu.memory_space<vmem>>, vector<10000x16xf32>,
    %broadcast_in_dim3A_25 = arith.constant 0.000000e+00 : f32
    %broadcast_in_dim3A_26 = vector.broadcast %broadcast_in_dim3A_25 : f32 to vector<112x16xf32>
    %swap3A_27 = arith.constant 10000 : index
    %swap3A_28 = arith.constant 0 : index
    %swap3A_29 = vector.load %arg5[%swap3A_27, %swap3A_28] : memref<10112x16xf32, #tpu.memory_space<vmem>>, vector<112x16xf32>
    tpu.vector_store %arg5[%swap3A_27, %swap3A_28], %broadcast_in_dim3A_26 {strides = array<i32>} : memref<10112x16xf32, #tpu.memory_space<vmem>>, vector<112x16xf32>,
    return
  }
}

module attributes {stable_mosaic.version = 14 : i64} {
  func.func @_tc_mid_body(%arg0: memref<2x10112x80xf32, #tpu.memory_space<vmem>>, %arg1: memref<64x64xf32, #tpu.memory_space<vmem>>, %arg2: memref<64x80xf32, #tpu.memory_space<vmem>>, %arg3: memref<64x16xf32, #tpu.memory_space<vmem>>, %arg4: memref<8x64xf32, #tpu.memory_space<vmem>>, %arg5: memref<10112x80xf32, #tpu.memory_space<vmem>>, %arg6: memref<10112x16xf32, #tpu.memory_space<vmem>>) attributes {dimension_semantics = [], scalar_prefetch = 0 : i64, scratch_operands = 0 : i64, tpu.core_type = #tpu.core_type<tc>} {
    %get3A = arith.constant 0 : index
    %get3A_0 = arith.constant 0 : index
    %get3A_1 = arith.constant 0 : index
    %get3A_2 = vector.load %arg0[%get3A, %get3A_0, %get3A_1] : memref<2x10112x80xf32, #tpu.memory_space<vmem>>, vector<1x10112x80xf32>
    %get3A_3 = vector.shape_cast %get3A_2 : vector<1x10112x80xf32> to vector<10112x80xf32>
    %get3A_4 = arith.constant 1 : index
    %get3A_5 = arith.constant 0 : index
    %get3A_6 = arith.constant 0 : index
    %get3A_7 = vector.load %arg0[%get3A_4, %get3A_5, %get3A_6] : memref<2x10112x80xf32, #tpu.memory_space<vmem>>, vector<1x10112x80xf32>
    %get3A_8 = vector.shape_cast %get3A_7 : vector<1x10112x80xf32> to vector<10112x80xf32>
    %add3A = arith.addf %get3A_3, %get3A_8 : vector<10112x80xf32>
    %slice3A = vector.extract_strided_slice %add3A {offsets = [0, 16], sizes = [10112, 64], strides = [1, 1]} : vector<10112x80xf32> to vector<10112x64xf32>
    %slice3A_9 = vector.extract_strided_slice %add3A {offsets = [0, 0], sizes = [10112, 8], strides = [1, 1]} : vector<10112x80xf32> to vector<10112x8xf32>
    %get3A_10 = arith.constant 0 : index
    %get3A_11 = arith.constant 0 : index
    %get3A_12 = vector.load %arg4[%get3A_10, %get3A_11] : memref<8x64xf32, #tpu.memory_space<vmem>>, vector<8x64xf32>
    %dot_general3A = arith.constant dense<0.000000e+00> : vector<10112x64xf32>
    %dot_general3A_13 = tpu.matmul %slice3A_9, %get3A_12, %dot_general3A {dimension_numbers = #tpu.dot_dimension_numbers<[1], [0], [0], [1], [0, 0, 1, 1], [], []>, transpose_lhs_hint = false} : vector<10112x8xf32>, vector<8x64xf32>, vector<10112x64xf32> -> vector<10112x64xf32>
    %max3A = arith.constant 9.99999968E-21 : f32
    %max3A_14 = vector.broadcast %max3A : f32 to vector<10112x64xf32>
    %max3A_15 = arith.maximumf %dot_general3A_13, %max3A_14 : vector<10112x64xf32>
    %div3A = arith.divf %slice3A, %max3A_15 : vector<10112x64xf32>
    %max3A_16 = arith.constant 0.000000e+00 : f32
    %max3A_17 = vector.broadcast %max3A_16 : f32 to vector<10112x64xf32>
    %max3A_18 = arith.maximumf %div3A, %max3A_17 : vector<10112x64xf32>
    %get3A_19 = arith.constant 0 : index
    %get3A_20 = arith.constant 0 : index
    %get3A_21 = vector.load %arg1[%get3A_19, %get3A_20] : memref<64x64xf32, #tpu.memory_space<vmem>>, vector<64x64xf32>
    %dot_general3A_22 = arith.constant dense<0.000000e+00> : vector<10112x64xf32>
    %dot_general3A_23 = tpu.matmul %max3A_18, %get3A_21, %dot_general3A_22 {dimension_numbers = #tpu.dot_dimension_numbers<[1], [0], [0], [1], [0, 0, 1, 1], [], []>, transpose_lhs_hint = false} : vector<10112x64xf32>, vector<64x64xf32>, vector<10112x64xf32> -> vector<10112x64xf32>
    %get3A_24 = arith.constant 0 : index
    %get3A_25 = arith.constant 0 : index
    %get3A_26 = vector.load %arg2[%get3A_24, %get3A_25] : memref<64x80xf32, #tpu.memory_space<vmem>>, vector<64x80xf32>
    %dot_general3A_27 = arith.constant dense<0.000000e+00> : vector<10112x80xf32>
    %dot_general3A_28 = tpu.matmul %dot_general3A_23, %get3A_26, %dot_general3A_27 {dimension_numbers = #tpu.dot_dimension_numbers<[1], [0], [0], [1], [0, 0, 1, 1], [], []>, transpose_lhs_hint = false} : vector<10112x64xf32>, vector<64x80xf32>, vector<10112x80xf32> -> vector<10112x80xf32>
    %swap3A = arith.constant 0 : index
    %swap3A_29 = arith.constant 0 : index
    %swap3A_30 = vector.load %arg5[%swap3A, %swap3A_29] : memref<10112x80xf32, #tpu.memory_space<vmem>>, vector<10112x80xf32>
    tpu.vector_store %arg5[%swap3A, %swap3A_29], %dot_general3A_28 {strides = array<i32>} : memref<10112x80xf32, #tpu.memory_space<vmem>>, vector<10112x80xf32>,
    %get3A_31 = arith.constant 0 : index
    %get3A_32 = arith.constant 0 : index
    %get3A_33 = vector.load %arg3[%get3A_31, %get3A_32] : memref<64x16xf32, #tpu.memory_space<vmem>>, vector<64x16xf32>
    %dot_general3A_34 = arith.constant dense<0.000000e+00> : vector<10112x16xf32>
    %dot_general3A_35 = tpu.matmul %dot_general3A_23, %get3A_33, %dot_general3A_34 {dimension_numbers = #tpu.dot_dimension_numbers<[1], [0], [0], [1], [0, 0, 1, 1], [], []>, transpose_lhs_hint = false} : vector<10112x64xf32>, vector<64x16xf32>, vector<10112x16xf32> -> vector<10112x16xf32>
    %swap3A_36 = arith.constant 0 : index
    %swap3A_37 = arith.constant 0 : index
    %swap3A_38 = vector.load %arg6[%swap3A_36, %swap3A_37] : memref<10112x16xf32, #tpu.memory_space<vmem>>, vector<10112x16xf32>
    tpu.vector_store %arg6[%swap3A_36, %swap3A_37], %dot_general3A_35 {strides = array<i32>} : memref<10112x16xf32, #tpu.memory_space<vmem>>, vector<10112x16xf32>,
    return
  }
}

module attributes {stable_mosaic.version = 14 : i64} {
  func.func @_tc_final_body(%arg0: memref<2x10112x80xf32, #tpu.memory_space<vmem>>, %arg1: memref<10000x64xf32, #tpu.memory_space<vmem>>) attributes {dimension_semantics = [], scalar_prefetch = 0 : i64, scratch_operands = 0 : i64, tpu.core_type = #tpu.core_type<tc>} {
    %get3A = arith.constant 0 : index
    %get3A_0 = arith.constant 0 : index
    %get3A_1 = arith.constant 0 : index
    %get3A_2 = vector.load %arg0[%get3A, %get3A_0, %get3A_1] : memref<2x10112x80xf32, #tpu.memory_space<vmem>>, vector<1x10112x80xf32>
    %get3A_3 = vector.shape_cast %get3A_2 : vector<1x10112x80xf32> to vector<10112x80xf32>
    %slice3A = vector.extract_strided_slice %get3A_3 {offsets = [0, 0], sizes = [10000, 80], strides = [1, 1]} : vector<10112x80xf32> to vector<10000x80xf32>
    %get3A_4 = arith.constant 1 : index
    %get3A_5 = arith.constant 0 : index
    %get3A_6 = arith.constant 0 : index
    %get3A_7 = vector.load %arg0[%get3A_4, %get3A_5, %get3A_6] : memref<2x10112x80xf32, #tpu.memory_space<vmem>>, vector<1x10112x80xf32>
    %get3A_8 = vector.shape_cast %get3A_7 : vector<1x10112x80xf32> to vector<10112x80xf32>
    %slice3A_9 = vector.extract_strided_slice %get3A_8 {offsets = [0, 0], sizes = [10000, 80], strides = [1, 1]} : vector<10112x80xf32> to vector<10000x80xf32>
    %add3A = arith.addf %slice3A, %slice3A_9 : vector<10000x80xf32>
    %slice3A_10 = vector.extract_strided_slice %add3A {offsets = [0, 16], sizes = [10000, 64], strides = [1, 1]} : vector<10000x80xf32> to vector<10000x64xf32>
    %slice3A_11 = vector.extract_strided_slice %add3A {offsets = [0, 0], sizes = [10000, 1], strides = [1, 1]} : vector<10000x80xf32> to vector<10000x1xf32>
    %max3A = arith.constant 9.99999968E-21 : f32
    %max3A_12 = vector.broadcast %max3A : f32 to vector<10000x1xf32>
    %max3A_13 = arith.maximumf %slice3A_11, %max3A_12 : vector<10000x1xf32>
    %div3A = vector.broadcast %max3A_13 : vector<10000x1xf32> to vector<10000x64xf32>
    %div3A_14 = arith.divf %slice3A_10, %div3A : vector<10000x64xf32>
    %max3A_15 = arith.constant 0.000000e+00 : f32
    %max3A_16 = vector.broadcast %max3A_15 : f32 to vector<10000x64xf32>
    %max3A_17 = arith.maximumf %div3A_14, %max3A_16 : vector<10000x64xf32>
    %swap3A = arith.constant 0 : index
    %swap3A_18 = arith.constant 0 : index
    %swap3A_19 = vector.load %arg1[%swap3A, %swap3A_18] : memref<10000x64xf32, #tpu.memory_space<vmem>>, vector<10000x64xf32>
    tpu.vector_store %arg1[%swap3A, %swap3A_18], %max3A_17 {strides = array<i32>} : memref<10000x64xf32, #tpu.memory_space<vmem>>, vector<10000x64xf32>,
    return
  }
}

</mosaic_0001>

<sc_bundles>
// kernel: kernel.10.cloned.1.call-start
scs
__scs_entry_jumppad:
0x0: {  	(pc) =	sbr.rel $0x88, $3  }
0x1: {  	(tag) =	ssettag $0x0;
	lr =	simm.s32 $0x1  }
0x2: {  	[smem:$0x3F9B] =	sst lr;
	_ =	strace $0xD0000000  }
0x3: {  	_ = 	snop  }
0x4: {  	_ = 	snop  }
0x5: {  	_ = 	snop  }
0x6: {  	_ = 	snop  }
0x7: {  	_ = 	snop  }
__scs_overlays_trampoline_lowered:
0x8: {  	[smem:$0x3FAA] =	sst s0  }
0x9: {  	[smem:$0x3FAB] =	sst s1  }
0xa: {  	[smem:$0x3FAC] =	sst s2  }
0xb: {  	[smem:$0x3FAD] =	sst s3  }
0xc: {  	[smem:$0x3FAE] =	sst s4  }
0xd: {  	[smem:$0x3FAF] =	sst s5  }
0xe: {  	[smem:$0x3FB0] =	sst s6  }
0xf: {  	[smem:$0x3FB1] =	sst s7  }
0x10: {  	[smem:$0x3FB2] =	sst s8  }
0x11: {  	[smem:$0x3FB3] =	sst s9;
	s0 =	simm.s32 @!p0 $0x0  }
0x12: {  	s1 =	sld [smem:$0x3F99];
	s0 =	simm.s32 @p0 $0x1  }
0x13: {  	[smem:$0x3FB4] =	sst s0;
	s0 =	simm.s32 @!p1 $0x0  }
0x14: {  	s2 =	sld [smem:$0x3F98];
	s0 =	simm.s32 @p1 $0x1  }
0x15: {  	[smem:$0x3FB5] =	sst s0;
	s0 =	simm.s32 @!p2 $0x0  }
0x16: {  	s3 =	sld [smem:$0x3FDB];
	s0 =	simm.s32 @p2 $0x1  }
0x17: {  	s4 =	simm.s32 $0x1BF5;
	[smem:$0x3FB7] =	sst s0  }
0x18: {  	s0 =	sld [smem:$0x3F9A];
	_ =	swait.ge [sflag:s4], $0x0  }
0x19: {  	s7 =	sld [smem:$0x3F9B]  }
0x1a: {  	s8 =	sadd.s32 $0xFFFFE003, lr  }
0x1b: {  	s9 =	sadd.s32 $0xFFFFFEF7, lr;
	s5 =	simm.s32 $0xFFFFFFFF;
	p2 =	slt.u32 s8, $0xFFFFF086  }
0x1c: {  	p1 =	slt.u32 s9, $0xF7A;
	s5 =	simm.s32 @!p2 $0x0  }
0x1d: {  	s5 =	simm.s32 @p1 $0x1;
	p0 =	seq.s32 s7, s2  }
0x1e: {  	s7 =	smul.u32 @!p0 $0xF7A, s2;
	p2 =	seq.s32 @!p0 s5, $0x0  }
0x1f: {  	s9 =	smul.u32 $0xF7A, s1;
	s8 =	simm.s32 @!p0 $0x1BF5;
	p2 =	por !p2, p0  }
0x20: {  	[sflag:s8] =	ssyncset.s32 @!p0 $0xFFFFF086;
	s6 =	sadd.s32 @!p0 s3, s7;
	s7 =	simm.s32 @!p0 $0x108  }
0x21: {  	s3 =	sadd.s32 s3, s9;
	s6 =	sadd.s32 @!p0 $0x88, s6;
	s7 =	simm.s32 @p2 $0x1082  }
0x22: {  	[simem:s7], [sflag:s8] =	dma.local @!p0 [hbm:s6], $0xF7A  }
0x23: {  	s9 =	sor.u32 $0xD0000000, s2;
	s6 =	simm.s32 $0x108;
	_ =	swait.ge @!p0 [sflag:s8], $0x0  }
0x24: {  	s3 =	sadd.s32 $0x88, s3;
	s6 =	simm.s32 @!p1 $0x1082;
	[sflag:s4] =	ssyncset.s32 $0xFFFFF086  }
0x25: {  	[simem:s6], [sflag:s4] =	dma.local [hbm:s3], $0xF7A  }
0x26: {  	[smem:$0x3F9B] =	sst s1;
	(tag) =	ssettag s2;
	_ =	strace s9  }
0x27: {  	s1 =	sld [smem:$0x3FAB]  }
0x28: {  	s2 =	sld [smem:$0x3FAC]  }
0x29: {  	s4 =	sld [smem:$0x3FAE]  }
0x2a: {  	p0 =	seq.s32 s5, $0x0;
	s5 =	sld [smem:$0x3FAF]  }
0x2b: {  	s6 =	sld [smem:$0x3FB0]  }
0x2c: {  	s7 =	sld [smem:$0x3FB1]  }
0x2d: {  	s3 =	simm.s32 $0x108;
	s8 =	sld [smem:$0x3FB2]  }
0x2e: {  	s3 =	simm.s32 @!p0 $0x1082;
	s9 =	sld [smem:$0x3FB3]  }
0x2f: {  	lr =	sadd.s32 s0, s3;
	s0 =	sld [smem:$0x3FAA]  }
0x30: {  	s3 =	sld [smem:$0x3FAD]  }
0x31: {  	[smem:$0x3FB6] =	sst s10  }
0x32: {  	s10 =	sld [smem:$0x3FB4];
	_ =	sdelay $0x3  }
0x33: {  	p0 =	seq.s32 s10, $0x1;
	s10 =	sld [smem:$0x3FB6];
	_ =	sdelay $0x3  }
0x34: {  	[smem:$0x3FB6] =	sst s10  }
0x35: {  	s10 =	sld [smem:$0x3FB5];
	_ =	sdelay $0x3  }
0x36: {  	p1 =	seq.s32 s10, $0x1;
	s10 =	sld [smem:$0x3FB6];
	_ =	sdelay $0x3  }
0x37: {  	[smem:$0x3FB6] =	sst s10  }
0x38: {  	s10 =	sld [smem:$0x3FB7]  }
0x39: {  	_ = 	snop;
	(pc) =	sbr.ind lr, $3  }
0x3a: {  	_ = 	snop  }
0x3b: {  	_ = 	snop  }
0x3c: {  	p2 =	seq.s32 s10, $0x1;
	s10 =	sld [smem:$0x3FB6]  }
0x3d: {  	_ =	shalt  }
0x3e: {  	_ =	shalt  }
0x3f: {  	_ =	shalt  }
0x40: {  	_ =	shalt  }
0x41: {  	_ =	shalt  }
0x42: {  	_ =	shalt  }
0x43: {  	_ =	shalt  }
0x44: {  	_ =	shalt  }
0x45: {  	_ =	shalt  }
0x46: {  	_ =	shalt  }
0x47: {  	_ =	shalt  }
0x48: {  	_ =	shalt  }
0x49: {  	_ =	shalt  }
0x4a: {  	_ =	shalt  }
0x4b: {  	_ =	shalt  }
0x4c: {  	_ =	shalt  }
0x4d: {  	_ =	shalt  }
0x4e: {  	_ =	shalt  }
0x4f: {  	_ =	shalt  }
0x50: {  	_ =	shalt  }
0x51: {  	_ =	shalt  }
0x52: {  	_ =	shalt  }
0x53: {  	_ =	shalt  }
0x54: {  	_ =	shalt  }
0x55: {  	_ =	shalt  }
0x56: {  	_ =	shalt  }
0x57: {  	_ =	shalt  }
0x58: {  	_ =	shalt  }
0x59: {  	_ =	shalt  }
0x5a: {  	_ =	shalt  }
0x5b: {  	_ =	shalt  }
0x5c: {  	_ =	shalt  }
0x5d: {  	_ =	shalt  }
0x5e: {  	_ =	shalt  }
0x5f: {  	_ =	shalt  }
0x60: {  	_ =	shalt  }
0x61: {  	_ =	shalt  }
0x62: {  	_ =	shalt  }
0x63: {  	_ =	shalt  }
0x64: {  	_ =	shalt  }
0x65: {  	_ =	shalt  }
0x66: {  	_ =	shalt  }
0x67: {  	_ =	shalt  }
0x68: {  	_ =	shalt  }
0x69: {  	_ =	shalt  }
0x6a: {  	_ =	shalt  }
0x6b: {  	_ =	shalt  }
0x6c: {  	_ =	shalt  }
0x6d: {  	_ =	shalt  }
0x6e: {  	_ =	shalt  }
0x6f: {  	_ =	shalt  }
0x70: {  	_ =	shalt  }
0x71: {  	_ =	shalt  }
0x72: {  	_ =	shalt  }
0x73: {  	_ =	shalt  }
0x74: {  	_ =	shalt  }
0x75: {  	_ =	shalt  }
0x76: {  	_ =	shalt  }
0x77: {  	_ =	shalt  }
0x78: {  	_ =	shalt  }
0x79: {  	_ =	shalt  }
0x7a: {  	_ =	shalt  }
0x7b: {  	_ =	shalt  }
0x7c: {  	_ =	shalt  }
0x7d: {  	_ =	shalt  }
0x7e: {  	_ =	shalt  }
0x7f: {  	_ =	shalt  }
0x80: {  	_ =	shalt  }
0x81: {  	_ =	shalt  }
0x82: {  	_ =	shalt  }
0x83: {  	_ =	shalt  }
0x84: {  	_ =	shalt  }
0x85: {  	_ =	shalt  }
0x86: {  	_ =	shalt  }
0x87: {  	_ =	shalt  }
.Lfunc_end0:
.L_simem_size_0:
called_computation.1_lowered:
.L_overlay_start_0:
0x88: {  	s2 =	sld [smem:$0x3FD9]  }
0x89: {  	s3 =	sld [smem:$0x3FFE];
	_ =	sdelay $0x1  }
0x8a: {  	s1 =	srdreg.scid  }
0x8b: {  	s0 =	sand.u32 $0x1, s1  }
0x8c: {  	s17 =	sshll.u32 s0, $0xA;
	s2 =	sadd.s32 s3, s2  }
0x8d: {  	s2 =	sadd.s32 s2, s17  }
0x8e: {  	[smem:$0x3FC2] =	sst s2  }
0x8f: {  	_ = 	snop  }
0x90: {  	s2 =	sld [smem:$0x3FD0];
	(tm) =	ssettm $0x1  }
0x91: {  	s18 =	sld [smem:$0x3FFB];
	_ =	sdelay $0x3  }
0x92: {  	_ =	strace s18  }
0x93: {  	s3 =	sld [smem:$0x3FFC];
	_ =	sdelay $0x3  }
0x94: {  	_ =	strace s3  }
0x95: {  	s3 =	sld [smem:$0x3FFD];
	_ =	sdelay $0x3  }
0x96: {  	_ =	strace s3  }
0x97: {  	_ =	strace $0x8FFFFFFF  }
0x98: {  	s19 =	sld [smem:$0x3FDB];
	_ =	sdelay $0x1  }
0x99: {  	s4 =	simm.s32 $_scs_section_size  }
0x9a: {  	s5 =	simm.s32 $_size__tile_overlayer_lowered;
	s6 =	simm.s32 $_tile_overlayer_lowered  }
0x9b: {  	s22 =	simm.s32 $0x1BFF;
	s21 =	sshll.u32 s6, $0x1;
	s3 =	sadd.s32 s4, s19  }
0x9c: {  	s7 =	simm.s32 $0x0;
	s20 =	sshll.u32 s5, $0x1;
	s5 =	sadd.s32 s21, s3  }
0x9d: {  	[timem:s7], [sflag:s22] =	dma.local [hbm:s5], s20  }
0x9e: {  	_ =	swait.ge [sflag:s22], s20  }
0x9f: {  	s4 =	ssub.s32 $0x0, s20;
	[sflag:s22] =	ssyncset.done $0x0  }
0xa0: {  	[sflag:s22] =	ssyncadd.s32 s4;
	_ =	sdelay $0x1  }
0xa1: {  	s23 =	simm.s32 $0x1B8B  }
0xa2: {  	_ =	swait.ge [sflag:s23], $0x1  }
0xa3: {  	[sflag:s23] =	ssyncset.done $0x0  }
0xa4: {  	s25 =	simm.s32 $0x1B8E;
	s24 =	sld [smem:$0x3FFE];
	[sflag:s23] =	ssyncadd.s32 $0xFFFFFFFF  }
0xa5: {  	s26 =	simm.s32 $execute0_lowered;
	[smem:$0x3FD2] =	sst s25  }
0xa6: {  	s5 =	sshll.u32 s26, $0x1;
	_ =	strace $0x80000049;
	[dreg:$0x1] =	wrdreg $0xFFFFFFFF  }
0xa7: {  	s28 =	simm.s32 $_size_execute0_lowered;
	s3 =	sadd.s32 s3, s5;
	[dreg:$0x0] =	wrdreg $0x0  }
0xa8: {  	s5 =	sshll.u32 s28, $0x1;
	[dreg:$0x2] =	wrdreg s3  }
0xa9: {  	[dreg:$0x3] =	wrdreg s5  }
0xaa: {  	[dreg:$0x4] =	wrdreg $0xC0  }
0xab: {  	_ =	task [dreg:s7], $0x5FFFF  }
0xac: {  	[dreg:$0x1] =	wrdreg $0xFFFFFFFF  }
0xad: {  	[dreg:$0x0] =	wrdreg $0x60  }
0xae: {  	[dreg:$0x2] =	wrdreg s2  }
0xaf: {  	[dreg:$0x3] =	wrdreg s24  }
0xb0: {  	[dreg:$0x4] =	wrdreg $0x103000  }
0xb1: {  	[dreg:$0x5] =	wrdreg $0x9  }
0xb2: {  	_ =	task.clear_ibuf [dreg:s7], $0x6FFFF;
	_ =	strace $0x90000049  }
0xb3: {  	s29 =	simm.s32 $0x9;
	_ =	strace $0x8000004B  }
0xb4: {  	_ =	swait.ge [sflag:s29], $0x1  }
0xb5: {  	[sflag:s29] =	ssyncadd.s32 $0xFFFFFFFF  }
0xb6: {  	_ =	strace $0x9000004B  }
0xb7: {  	_ =	sfence  }
0xb8: {  	s30 =	sld [smem:$0x0];
	_ =	sdelay $0x2  }
0xb9: {  	s31 =	sshll.u32 s1, $0xD;
	s1 =	sshrl.u32 s1, $0x2  }
0xba: {  	s3 =	sand.u32 $0x4000, s31;
	s1 =	sadd.s32 s1, s30  }
0xbb: {  	s0 =	sor.u32 s3, s0;
	s1 =	sshll.u32 s1, $0x11  }
0xbc: {  	s0 =	sor.u32 s1, s0  }
0xbd: {  	s0 =	sadd.s32 $0x8F2B, s0  }
0xbe: {  	[sflag:s0] =	ssyncadd.remote.s32 $0x1  }
0xbf: {  	_ =	sfence.sel $0xFFFF  }
0xc0: {  	[dreg:$0x0] =	wrdreg $0xFFFFFFFF;
	(pc) =	sbr.abs _section_cstart, $3  }
0xc1: {  	[dreg:$0x1] =	wrdreg $0xFFFFFFFF  }
0xc2: {  	_ =	task.clear_ibuf [dreg:s7], $0x2FFFF;
	_ =	strace $0x9FFFFFFF  }
0xc3: {  	(tm) =	ssettm $0x7FFFFFFF  }
tec
execute0_lowered:
.L_overlay_start_1:
0x0: {  	(tag) =	ssettag $0x1  }
0x1: {  	s1 =	rddreg [dreg:$0x0]  }
0x2: {  	s0 =	rddreg [dreg:$0x1]  }
0x3: {  	s2 =	rddreg [dreg:$0x2]  }
0x4: {  	s3 =	simm.s32 $0x0;
	s22 =	srdreg.scid;
	s15 =	stileid.u32  }
0x5: {  	s17 =	simm.s32 $0x100;
	s18 =	simm.s32 $0x7;
	s19 =	simm.s32 $0x80  }
0x6: {  	s20 =	simm.s32 $0x300;
	s21 =	simm.s32 $0x1300;
	s28 =	simm.s32 $0x1  }
0x7: {  	s30 =	simm.s32 $0x200;
	s31 =	simm.s32 $0x2;
	[smem:$0x7FF] =	sst s3  }
0x8: {  	s3 =	sand.u32 $0x1, s22;
	s5 =	sadd.s32 $0x1000, s0;
	s4 =	smul.u32 $0xC580, s15  }
0x9: {  	s6 =	sadd.s32 $0x6000, s0;
	s29 =	sshll.u32 s15, $0x6;
	_ =	strace $0x8000004A  }
0xa: {  	s7 =	sshll.u32 s3, $0x4;
	s8 =	smul.u32 $0xC5800, s3;
	s3 =	ssub.s32 $0x2, s3  }
0xb: {  	s16 =	sor.u32 $0x1C07, s29;
	s9 =	sor.u32 s15, s7;
	s7 =	sadd.s32 $0xB000, s0  }
0xc: {  	s10 =	sshrl.u32 s4, $0x3;
	s11 =	sshrl.u32 s3, $0x1;
	s15 =	simm.s32 $0x0  }
0xd: {  	[dreg:$0x9] =	wrdreg s16;
	s9 =	smul.u32 $0x1400, s9;
	s10 =	sadd.s32 s10, s0  }
0xe: {  	s8 =	sadd.s32 s4, s8;
	s3 =	ssub.s32 s3, s11;
	s4 =	sadd.s32 s4, s2  }
0xf: {  	s8 =	sshrl.u32 s8, $0x3;
	s25 =	sadd.s32 $0x23C00, s10;
	s26 =	smax.u32 s3, $0x1  }
0x10: {  	s22 =	sshrl.u32 s4, $0x3;
	s3 =	simm.s32 $0x280;
	s10 =	simm.s32 $0xDB00  }
0x11: {  	s12 =	sshrl.u32 s9, $0x3;
	s0 =	sadd.s32 s8, s0;
	[dreg:$0x6] =	wrdreg s25  }
0x12: {  	s11 =	sor.u32 $0x80, s9;
	s13 =	sor.u32 $0x180, s9;
	s14 =	sor.u32 $0x200, s9  }
0x13: {  	[dreg:$0x8] =	wrdreg s26;
	s25 =	simm.s32 $0xB00;
	s26 =	simm.s32 $0x3B00  }
0x14: {  	s8 =	simm.s32 $0xB300;
	[dreg:$0xa] =	wrdreg s22;
	s23 =	sadd.s32 s1, s12  }
0x15: {  	s24 =	sadd.s32 s5, s12;
	s12 =	sor.u32 $0x100, s9;
	[dreg:$0x4] =	wrdreg s23  }
0x16: {  	s0 =	sadd.s32 $0x3C800, s0;
	s9 =	simm.s32 $0x3;
	[dreg:$0x5] =	wrdreg s24  }
0x17: {  	v0 =	vimm.s32 $0x0;
	[dreg:$0x7] =	wrdreg s0;
	s24 =	simm.s32 $0x180;
	s0 =	simm.s32 $0x8B00  }
.LBB2_1:
0x18: {  	[dreg:$0xb] =	wrdreg s15  }
0x19: {  	s4 =	simm.s32 $0x0;
	s29 =	rddreg [dreg:$0x4]  }
0x1a: {  	[tilespmem:s17], [sflag:$0x7] =	stream.linear.gather [hbm4b:s29+s4], $0x80, $0x38;
	[tilespmem:$0x1C880] =	vst v63  }
0x1b: {  	_ =	swait.ge [sflag:s18], $0x80  }
0x1c: {  	[sflag:s18] =	ssyncset.done $0x0  }
0x1d: {  	s23 =	rddreg [dreg:$0x5];
	[sflag:s18] =	ssyncadd.s32 $0xFFFFFF80  }
0x1e: {  	[tilespmem:s4], [sflag:$0x7] =	stream.linear.gather [hbm4b:s23+s4], $0x80, $0x38;
	[tilespmem:$0x1C880] =	vst v63  }
0x1f: {  	_ =	swait.ge [sflag:s18], $0x80  }
0x20: {  	[sflag:s18] =	ssyncset.done $0x0  }
0x21: {  	[sflag:s18] =	ssyncadd.s32 $0xFFFFFF80  }
0x22: {  	[tilespmem:s20], [sflag:$0x1] =	stream.indirect.gather [hbm4b:s6+s19], $0x10, s17, s19, $0xb8;
	[tilespmem:$0x1C880] =	vst v63  }
0x23: {  	s29 =	rddreg [dreg:$0x6]  }
0x24: {  	[tilespmem:s21], [sflag:$0x1] =	stream.indirect.gather [hbm4b:s7+s19], $0x50, s4, s19, $0xb8;
	[tilespmem:$0x1C880] =	vst v63  }
0x25: {  	[spmem:s22], [sflag:s16] =	dma.local [hbm:s29], $0x18B0  }
0x26: {  	_ =	swait.ge [sflag:s18], $0x18B0  }
0x27: {  	[sflag:s18] =	ssyncset.done $0x0  }
0x28: {  	[sflag:s18] =	ssyncadd.s32 $0xFFFFE750  }
0x29: {  	s16 =	simm.s32 $0x0;
	[bflag:$0x0] =	sbarrier.arrive $0xFFFF  }
.LBB2_2:
0x2a: {  	p0 =	seq.s32 s16, $0x0  }
0x2b: {  	s4 =	sshll.u32 s16, $0x9;
	s15 =	simm.s32 @!p0 $0x4  }
0x2c: {  	s22 =	sadd.s32 s4, s11;
	_ =	swait.ge @!p0 [sflag:s15], $0x2800  }
0x2d: {  	s22 =	sshrl.u32 s22, $0x3;
	[sflag:s15] =	ssyncset.done @!p0 $0x0  }
0x2e: {  	s23 =	simm.s32 $0x0;
	s29 =	sadd.s32 s1, s22;
	[sflag:s15] =	ssyncadd.s32 @!p0 $0xFFFFD800  }
0x2f: {  	[tilespmem:s24], [sflag:$0x7] =	stream.linear.gather [hbm4b:s29+s23], $0x80, $0x38;
	[tilespmem:$0x1C880] =	vst v63  }
0x30: {  	_ =	swait.ge [sflag:s18], $0x80  }
0x31: {  	[sflag:s18] =	ssyncset.done $0x0  }
0x32: {  	s29 =	sadd.s32 s5, s22;
	[sflag:s18] =	ssyncadd.s32 $0xFFFFFF80  }
0x33: {  	[tilespmem:s19], [sflag:$0x7] =	stream.linear.gather [hbm4b:s29+s23], $0x80, $0x38;
	[tilespmem:$0x1C880] =	vst v63  }
0x34: {  	_ =	swait.ge [sflag:s18], $0x80  }
0x35: {  	[sflag:s18] =	ssyncset.done $0x0  }
0x36: {  	[sflag:s18] =	ssyncadd.s32 $0xFFFFFF80  }
0x37: {  	[tilespmem:s25], [sflag:$0x2] =	stream.indirect.gather [hbm4b:s6+s19], $0x10, s24, s19, $0xb8;
	[tilespmem:$0x1C880] =	vst v63  }
0x38: {  	_ = 	snop  }
0x39: {  	[tilespmem:s26], [sflag:$0x2] =	stream.indirect.gather [hbm4b:s7+s19], $0x50, s19, s19, $0xb8;
	[tilespmem:$0x1C880] =	vst v63  }
0x3a: {  	_ =	swait.ge [sflag:s28], $0x800  }
0x3b: {  	[sflag:s28] =	ssyncset.done $0x0  }
0x3c: {  	[sflag:s28] =	ssyncadd.s32 $0xFFFFF800  }
0x3d: {  	_ =	swait.ge [sflag:s28], $0x2800  }
0x3e: {  	[sflag:s28] =	ssyncset.done $0x0  }
0x3f: {  	s22 =	simm.s32 $0x0;
	[sflag:s28] =	ssyncadd.s32 $0xFFFFD800  }
0x40: {  	s15 =	simm.s32 $0x140;
	s23 =	simm.s32 $0x300;
	v1 =	vld [tilespmem:s22+$0x1300]  }
.LBB2_3:
0x41: {  	p1 =	sne.s32 s15, $0x9EC0;
	v2 =	vld [tilespmem:s23+$0x0];
	_ =	sdelay $0x4  }
0x42: {  	v1 =	vadd.f32 v1, v2;
	_ =	sdelay $0x1  }
0x43: {  	v2 =	vmul.f32 $2.000000030e-01, v1  }
0x44: {  	vm0 =	vge.f32 v1, $0.0e+00  }
0x45: {  	v1 =	vsel vm0, v1, v2  }
0x46: {  	v1 =	vmax.f32 v1, $-2.000000000e+00  }
0x47: {  	v1 =	vmin.f32 v1, $2.000000000e+00  }
0x48: {  	v1 =	vmul.f32 $1.442695020e+00, v1;
	_ =	sdelay $0x1  }
0x49: {  	(erf) = vpow2.f32 v1;
	_ =	sdelay $0x4  }
0x4a: {  	v1 =	vld [tilespmem:s22+$0x1310]  }
0x4b: {  	v2 =	vld [tilespmem:s22+$0x1320]  }
0x4c: {  	v3 =	vld [tilespmem:s22+$0x1330]  }
0x4d: {  	v4 =	vld [tilespmem:s22+$0x1340]  }
0x4e: {  	v5 =	vpop (erf)  }
0x4f: {  	[tilespmem:s22+$0x6300] =	vst v5;
	v5 =	vperm.xlane v5, v0;
	_ =	sdelay $0x1  }
0x50: {  	v1 =	vmul.f32 v1, v5;
	v2 =	vmul.f32 v2, v5  }
.Ltmp0:
0x51: {  	v3 =	vmul.f32 v3, v5;
	v4 =	vmul.f32 v4, v5;
	(pc) =	sbr.rel @p1 .LBB2_3-.Ltmp0, $4  }
0x52: {  	[tilespmem:s22+$0x6310] =	vst v1  }
0x53: {  	[tilespmem:s22+$0x6320] =	vst v2  }
0x54: {  	s29 =	sshra.s32 s15, $0x2;
	[tilespmem:s22+$0x6330] =	vst v3  }
0x55: {  	s15 =	sadd.s32 $0x140, s15;
	s23 =	sadd.s32 $0x10, s23;
	v1 =	vld [tilespmem:s29+$0x1300];
	[tilespmem:s22+$0x6340] =	vst v4;
	s22 =	smov.u32 s29  }
0x56: {  	v2 =	vld [tilespmem:s23+$0x0];
	_ =	sdelay $0x4  }
0x57: {  	v1 =	vadd.f32 v1, v2;
	_ =	sdelay $0x1  }
0x58: {  	v2 =	vmul.f32 $2.000000030e-01, v1  }
0x59: {  	vm0 =	vge.f32 v1, $0.0e+00  }
0x5a: {  	v1 =	vsel vm0, v1, v2  }
0x5b: {  	v1 =	vmax.f32 v1, $-2.000000000e+00  }
0x5c: {  	v1 =	vmin.f32 v1, $2.000000000e+00  }
0x5d: {  	v1 =	vmul.f32 $1.442695020e+00, v1;
	_ =	sdelay $0x1  }
0x5e: {  	(erf) = vpow2.f32 v1;
	_ =	sdelay $0x6  }
0x5f: {  	v1 =	vld [tilespmem:s22+$0x1310]  }
0x60: {  	v2 =	vld [tilespmem:s22+$0x1320]  }
0x61: {  	v3 =	vld [tilespmem:s22+$0x1330];
	v4 =	vpop (erf)  }
0x62: {  	v5 =	vld [tilespmem:s22+$0x1340];
	v6 =	vperm.xlane v4, v0;
	_ =	sdelay $0x1  }
0x63: {  	v1 =	vmul.f32 v1, v6  }
0x64: {  	[tilespmem:s22+$0x6300] =	vst v4;
	v2 =	vmul.f32 v2, v6  }
0x65: {  	v3 =	vmul.f32 v3, v6;
	[tilespmem:s22+$0x6310] =	vst v1  }
0x66: {  	v1 =	vmul.f32 v5, v6;
	[tilespmem:s22+$0x6320] =	vst v2  }
0x67: {  	[tilespmem:s22+$0x6330] =	vst v3  }
0x68: {  	s15 =	simm.s32 $0x6300;
	[tilespmem:s22+$0x6340] =	vst v1  }
0x69: {  	[spmem:s2] =	stream.indirect.scatter.add.f32 [tilespmem:s15], [sflag:$0x3], $0x50, s17, s19, $0xb8;
	[tilespmem:$0x1C880] =	vst v63  }
0x6a: {  	s15 =	simm.s32 @!p0 $0x5  }
0x6b: {  	s23 =	sadd.s32 s4, s12;
	_ =	swait.ge @!p0 [sflag:s15], $0x2800  }
0x6c: {  	s22 =	sshrl.u32 s23, $0x3;
	[sflag:s15] =	ssyncset.done @!p0 $0x0  }
0x6d: {  	s23 =	simm.s32 $0x0;
	s29 =	sadd.s32 s1, s22;
	[sflag:s15] =	ssyncadd.s32 @!p0 $0xFFFFD800  }
0x6e: {  	[tilespmem:s30], [sflag:$0x7] =	stream.linear.gather [hbm4b:s29+s23], $0x80, $0x38;
	[tilespmem:$0x1C880] =	vst v63  }
0x6f: {  	_ =	swait.ge [sflag:s18], $0x80  }
0x70: {  	[sflag:s18] =	ssyncset.done $0x0  }
0x71: {  	s29 =	sadd.s32 s5, s22;
	[sflag:s18] =	ssyncadd.s32 $0xFFFFFF80  }
0x72: {  	[tilespmem:s23], [sflag:$0x7] =	stream.linear.gather [hbm4b:s29+s23], $0x80, $0x38;
	[tilespmem:$0x1C880] =	vst v63  }
0x73: {  	_ =	swait.ge [sflag:s18], $0x80  }
0x74: {  	[sflag:s18] =	ssyncset.done $0x0  }
0x75: {  	[sflag:s18] =	ssyncadd.s32 $0xFFFFFF80  }
0x76: {  	[tilespmem:s20], [sflag:$0x1] =	stream.indirect.gather [hbm4b:s6+s19], $0x10, s30, s19, $0xb8;
	[tilespmem:$0x1C880] =	vst v63  }
0x77: {  	_ = 	snop  }
0x78: {  	[tilespmem:s21], [sflag:$0x1] =	stream.indirect.gather [hbm4b:s7+s19], $0x50, s23, s19, $0xb8;
	[tilespmem:$0x1C880] =	vst v63  }
0x79: {  	_ =	swait.ge [sflag:s31], $0x800  }
0x7a: {  	[sflag:s31] =	ssyncset.done $0x0  }
0x7b: {  	[sflag:s31] =	ssyncadd.s32 $0xFFFFF800  }
0x7c: {  	_ =	swait.ge [sflag:s31], $0x2800  }
0x7d: {  	[sflag:s31] =	ssyncset.done $0x0  }
0x7e: {  	s22 =	simm.s32 $0x0;
	[sflag:s31] =	ssyncadd.s32 $0xFFFFD800  }
0x7f: {  	s15 =	simm.s32 $0x140;
	s23 =	simm.s32 $0xB00;
	v1 =	vld [tilespmem:s22+$0x3B00]  }
.LBB2_5:
0x80: {  	p1 =	sne.s32 s15, $0x9EC0;
	v2 =	vld [tilespmem:s23+$0x0];
	_ =	sdelay $0x4  }
0x81: {  	v1 =	vadd.f32 v1, v2;
	_ =	sdelay $0x1  }
0x82: {  	v2 =	vmul.f32 $2.000000030e-01, v1  }
0x83: {  	vm0 =	vge.f32 v1, $0.0e+00  }
0x84: {  	v1 =	vsel vm0, v1, v2  }
0x85: {  	v1 =	vmax.f32 v1, $-2.000000000e+00  }
0x86: {  	v1 =	vmin.f32 v1, $2.000000000e+00  }
0x87: {  	v1 =	vmul.f32 $1.442695020e+00, v1;
	_ =	sdelay $0x1  }
0x88: {  	(erf) = vpow2.f32 v1;
	_ =	sdelay $0x4  }
0x89: {  	v1 =	vld [tilespmem:s22+$0x3B10]  }
0x8a: {  	v2 =	vld [tilespmem:s22+$0x3B20]  }
0x8b: {  	v3 =	vld [tilespmem:s22+$0x3B30]  }
0x8c: {  	v4 =	vld [tilespmem:s22+$0x3B40]  }
0x8d: {  	v5 =	vpop (erf)  }
0x8e: {  	[tilespmem:s22+$0x8B00] =	vst v5;
	v5 =	vperm.xlane v5, v0;
	_ =	sdelay $0x1  }
0x8f: {  	v1 =	vmul.f32 v1, v5;
	v2 =	vmul.f32 v2, v5  }
.Ltmp1:
0x90: {  	v3 =	vmul.f32 v3, v5;
	v4 =	vmul.f32 v4, v5;
	(pc) =	sbr.rel @p1 .LBB2_5-.Ltmp1, $4  }
0x91: {  	[tilespmem:s22+$0x8B10] =	vst v1  }
0x92: {  	[tilespmem:s22+$0x8B20] =	vst v2  }
0x93: {  	s29 =	sshra.s32 s15, $0x2;
	[tilespmem:s22+$0x8B30] =	vst v3  }
0x94: {  	s15 =	sadd.s32 $0x140, s15;
	s23 =	sadd.s32 $0x10, s23;
	v1 =	vld [tilespmem:s29+$0x3B00];
	[tilespmem:s22+$0x8B40] =	vst v4;
	s22 =	smov.u32 s29  }
0x95: {  	v2 =	vld [tilespmem:s23+$0x0];
	_ =	sdelay $0x4  }
0x96: {  	v1 =	vadd.f32 v1, v2;
	_ =	sdelay $0x1  }
0x97: {  	v2 =	vmul.f32 $2.000000030e-01, v1  }
0x98: {  	vm0 =	vge.f32 v1, $0.0e+00  }
0x99: {  	v1 =	vsel vm0, v1, v2  }
0x9a: {  	v1 =	vmax.f32 v1, $-2.000000000e+00  }
0x9b: {  	v1 =	vmin.f32 v1, $2.000000000e+00  }
0x9c: {  	v1 =	vmul.f32 $1.442695020e+00, v1;
	_ =	sdelay $0x1  }
0x9d: {  	(erf) = vpow2.f32 v1;
	_ =	sdelay $0x6  }
0x9e: {  	v1 =	vld [tilespmem:s22+$0x3B10]  }
0x9f: {  	v2 =	vld [tilespmem:s22+$0x3B20]  }
0xa0: {  	v3 =	vld [tilespmem:s22+$0x3B30];
	v4 =	vpop (erf)  }
0xa1: {  	v5 =	vld [tilespmem:s22+$0x3B40];
	v6 =	vperm.xlane v4, v0;
	_ =	sdelay $0x1  }
0xa2: {  	v1 =	vmul.f32 v1, v6  }
0xa3: {  	[tilespmem:s22+$0x8B00] =	vst v4;
	v2 =	vmul.f32 v2, v6  }
0xa4: {  	v3 =	vmul.f32 v3, v6;
	[tilespmem:s22+$0x8B10] =	vst v1  }
0xa5: {  	v1 =	vmul.f32 v5, v6;
	[tilespmem:s22+$0x8B20] =	vst v2  }
0xa6: {  	[tilespmem:s22+$0x8B30] =	vst v3  }
0xa7: {  	s15 =	simm.s32 @!p0 $0x6;
	[tilespmem:s22+$0x8B40] =	vst v1  }
0xa8: {  	[spmem:s2] =	stream.indirect.scatter.add.f32 [tilespmem:s0], [sflag:$0x4], $0x50, s24, s19, $0xb8;
	[tilespmem:$0x1C880] =	vst v63  }
0xa9: {  	s23 =	sadd.s32 s4, s13;
	_ =	swait.ge @!p0 [sflag:s15], $0x2800  }
0xaa: {  	s22 =	sshrl.u32 s23, $0x3;
	[sflag:s15] =	ssyncset.done @!p0 $0x0  }
0xab: {  	s23 =	simm.s32 $0x0;
	s29 =	sadd.s32 s1, s22;
	[sflag:s15] =	ssyncadd.s32 @!p0 $0xFFFFD800  }
0xac: {  	[tilespmem:s3], [sflag:$0x7] =	stream.linear.gather [hbm4b:s29+s23], $0x80, $0x38;
	[tilespmem:$0x1C880] =	vst v63  }
0xad: {  	_ =	swait.ge [sflag:s18], $0x80  }
0xae: {  	[sflag:s18] =	ssyncset.done $0x0  }
0xaf: {  	s29 =	sadd.s32 s5, s22;
	[sflag:s18] =	ssyncadd.s32 $0xFFFFFF80  }
0xb0: {  	[tilespmem:s19], [sflag:$0x7] =	stream.linear.gather [hbm4b:s29+s23], $0x80, $0x38;
	[tilespmem:$0x1C880] =	vst v63  }
0xb1: {  	_ =	swait.ge [sflag:s18], $0x80  }
0xb2: {  	[sflag:s18] =	ssyncset.done $0x0  }
0xb3: {  	[sflag:s18] =	ssyncadd.s32 $0xFFFFFF80  }
0xb4: {  	[tilespmem:s25], [sflag:$0x2] =	stream.indirect.gather [hbm4b:s6+s19], $0x10, s3, s19, $0xb8;
	[tilespmem:$0x1C880] =	vst v63  }
0xb5: {  	_ = 	snop  }
0xb6: {  	[tilespmem:s26], [sflag:$0x2] =	stream.indirect.gather [hbm4b:s7+s19], $0x50, s19, s19, $0xb8;
	[tilespmem:$0x1C880] =	vst v63  }
0xb7: {  	_ =	swait.ge [sflag:s28], $0x800  }
0xb8: {  	[sflag:s28] =	ssyncset.done $0x0  }
0xb9: {  	[sflag:s28] =	ssyncadd.s32 $0xFFFFF800  }
0xba: {  	_ =	swait.ge [sflag:s28], $0x2800  }
0xbb: {  	[sflag:s28] =	ssyncset.done $0x0  }
0xbc: {  	s22 =	simm.s32 $0x0;
	[sflag:s28] =	ssyncadd.s32 $0xFFFFD800  }
0xbd: {  	s15 =	simm.s32 $0x140;
	s23 =	simm.s32 $0x300;
	v1 =	vld [tilespmem:s22+$0x1300]  }
.LBB2_7:
0xbe: {  	p0 =	sne.s32 s15, $0x9EC0;
	v2 =	vld [tilespmem:s23+$0x0];
	_ =	sdelay $0x4  }
0xbf: {  	v1 =	vadd.f32 v1, v2;
	_ =	sdelay $0x1  }
0xc0: {  	v2 =	vmul.f32 $2.000000030e-01, v1  }
0xc1: {  	vm0 =	vge.f32 v1, $0.0e+00  }
0xc2: {  	v1 =	vsel vm0, v1, v2  }
0xc3: {  	v1 =	vmax.f32 v1, $-2.000000000e+00  }
0xc4: {  	v1 =	vmin.f32 v1, $2.000000000e+00  }
0xc5: {  	v1 =	vmul.f32 $1.442695020e+00, v1;
	_ =	sdelay $0x1  }
0xc6: {  	(erf) = vpow2.f32 v1;
	_ =	sdelay $0x4  }
0xc7: {  	v1 =	vld [tilespmem:s22+$0x1310]  }
0xc8: {  	v2 =	vld [tilespmem:s22+$0x1320]  }
0xc9: {  	v3 =	vld [tilespmem:s22+$0x1330]  }
0xca: {  	v4 =	vld [tilespmem:s22+$0x1340]  }
0xcb: {  	v5 =	vpop (erf)  }
0xcc: {  	[tilespmem:s22+$0xB300] =	vst v5;
	v5 =	vperm.xlane v5, v0;
	_ =	sdelay $0x1  }
0xcd: {  	v1 =	vmul.f32 v1, v5;
	v2 =	vmul.f32 v2, v5  }
.Ltmp2:
0xce: {  	v3 =	vmul.f32 v3, v5;
	v4 =	vmul.f32 v4, v5;
	(pc) =	sbr.rel @p0 .LBB2_7-.Ltmp2, $4  }
0xcf: {  	[tilespmem:s22+$0xB310] =	vst v1  }
0xd0: {  	[tilespmem:s22+$0xB320] =	vst v2  }
0xd1: {  	s29 =	sshra.s32 s15, $0x2;
	[tilespmem:s22+$0xB330] =	vst v3  }
0xd2: {  	s15 =	sadd.s32 $0x140, s15;
	s23 =	sadd.s32 $0x10, s23;
	v1 =	vld [tilespmem:s29+$0x1300];
	[tilespmem:s22+$0xB340] =	vst v4;
	s22 =	smov.u32 s29  }
0xd3: {  	v2 =	vld [tilespmem:s23+$0x0];
	_ =	sdelay $0x4  }
0xd4: {  	v1 =	vadd.f32 v1, v2;
	_ =	sdelay $0x1  }
0xd5: {  	v2 =	vmul.f32 $2.000000030e-01, v1  }
0xd6: {  	vm0 =	vge.f32 v1, $0.0e+00  }
0xd7: {  	v1 =	vsel vm0, v1, v2  }
0xd8: {  	v1 =	vmax.f32 v1, $-2.000000000e+00  }
0xd9: {  	v1 =	vmin.f32 v1, $2.000000000e+00  }
0xda: {  	v1 =	vmul.f32 $1.442695020e+00, v1;
	_ =	sdelay $0x1  }
0xdb: {  	(erf) = vpow2.f32 v1;
	_ =	sdelay $0x6  }
0xdc: {  	v1 =	vld [tilespmem:s22+$0x1310]  }
0xdd: {  	v2 =	vld [tilespmem:s22+$0x1320]  }
0xde: {  	v3 =	vld [tilespmem:s22+$0x1330];
	v4 =	vpop (erf)  }
0xdf: {  	v5 =	vld [tilespmem:s22+$0x1340];
	v6 =	vperm.xlane v4, v0;
	_ =	sdelay $0x1  }
0xe0: {  	v1 =	vmul.f32 v1, v6  }
0xe1: {  	[tilespmem:s22+$0xB300] =	vst v4;
	v2 =	vmul.f32 v2, v6  }
0xe2: {  	v3 =	vmul.f32 v3, v6;
	[tilespmem:s22+$0xB310] =	vst v1  }
0xe3: {  	v1 =	vmul.f32 v5, v6;
	[tilespmem:s22+$0xB320] =	vst v2  }
0xe4: {  	[tilespmem:s22+$0xB330] =	vst v3  }
0xe5: {  	p0 =	seq.s32 s16, $0x9;
	[tilespmem:s22+$0xB340] =	vst v1  }
0xe6: {  	[spmem:s2] =	stream.indirect.scatter.add.f32 [tilespmem:s8], [sflag:$0x5], $0x50, s30, s19, $0xb8;
	[tilespmem:$0x1C880] =	vst v63  }
0xe7: {  	s4 =	sadd.s32 @!p0 s4, s14;
	_ =	swait.ge [sflag:s9], $0x2800  }
0xe8: {  	s23 =	simm.s32 @!p0 $0x100;
	s4 =	sshrl.u32 @!p0 s4, $0x3;
	[sflag:s9] =	ssyncset.done $0x0  }
0xe9: {  	s15 =	sadd.s32 @!p0 s1, s4;
	s22 =	simm.s32 @!p0 $0x0;
	[sflag:s9] =	ssyncadd.s32 $0xFFFFD800  }
0xea: {  	[tilespmem:s23], [sflag:$0x7] =	stream.linear.gather @!p0 [hbm4b:s15+s22], $0x80, $0x38;
	[tilespmem:$0x1C880] =	vst v63  }
0xeb: {  	s15 =	simm.s32 @!p0 $0x7  }
0xec: {  	_ =	swait.ge @!p0 [sflag:s15], $0x80  }
0xed: {  	[sflag:s15] =	ssyncset.done @!p0 $0x0  }
0xee: {  	s4 =	sadd.s32 @!p0 s5, s4;
	[sflag:s15] =	ssyncadd.s32 @!p0 $0xFFFFFF80  }
0xef: {  	[tilespmem:s22], [sflag:$0x7] =	stream.linear.gather @!p0 [hbm4b:s4+s22], $0x80, $0x38;
	[tilespmem:$0x1C880] =	vst v63  }
0xf0: {  	_ =	swait.ge @!p0 [sflag:s15], $0x80  }
0xf1: {  	[sflag:s15] =	ssyncset.done @!p0 $0x0  }
0xf2: {  	s4 =	simm.s32 @!p0 $0x80;
	[sflag:s15] =	ssyncadd.s32 @!p0 $0xFFFFFF80;
	s15 =	simm.s32 @!p0 $0x300  }
0xf3: {  	[tilespmem:s15], [sflag:$0x1] =	stream.indirect.gather @!p0 [hbm4b:s6+s4], $0x10, s23, s4, $0xb8;
	[tilespmem:$0x1C880] =	vst v63  }
0xf4: {  	s15 =	simm.s32 @!p0 $0x1300  }
0xf5: {  	[tilespmem:s15], [sflag:$0x1] =	stream.indirect.gather @!p0 [hbm4b:s7+s4], $0x50, s22, s4, $0xb8;
	[tilespmem:$0x1C880] =	vst v63  }
0xf6: {  	_ =	swait.ge [sflag:s31], $0x800  }
0xf7: {  	[sflag:s31] =	ssyncset.done $0x0  }
0xf8: {  	[sflag:s31] =	ssyncadd.s32 $0xFFFFF800  }
0xf9: {  	_ =	swait.ge [sflag:s31], $0x2800  }
0xfa: {  	[sflag:s31] =	ssyncset.done $0x0  }
0xfb: {  	s4 =	simm.s32 $0x0;
	[sflag:s31] =	ssyncadd.s32 $0xFFFFD800  }
0xfc: {  	s22 =	simm.s32 $0xB00;
	s15 =	simm.s32 $0x140;
	v1 =	vld [tilespmem:s4+$0x3B00]  }
.LBB2_9:
0xfd: {  	p0 =	sne.s32 s15, $0x9EC0;
	v2 =	vld [tilespmem:s22+$0x0];
	_ =	sdelay $0x4  }
0xfe: {  	v1 =	vadd.f32 v1, v2;
	_ =	sdelay $0x1  }
0xff: {  	v2 =	vmul.f32 $2.000000030e-01, v1  }
0x100: {  	vm0 =	vge.f32 v1, $0.0e+00  }
0x101: {  	v1 =	vsel vm0, v1, v2  }
0x102: {  	v1 =	vmax.f32 v1, $-2.000000000e+00  }
0x103: {  	v1 =	vmin.f32 v1, $2.000000000e+00  }
0x104: {  	v1 =	vmul.f32 $1.442695020e+00, v1;
	_ =	sdelay $0x1  }
0x105: {  	(erf) = vpow2.f32 v1;
	_ =	sdelay $0x4  }
0x106: {  	v1 =	vld [tilespmem:s4+$0x3B10]  }
0x107: {  	v2 =	vld [tilespmem:s4+$0x3B20]  }
0x108: {  	v3 =	vld [tilespmem:s4+$0x3B30]  }
0x109: {  	v4 =	vld [tilespmem:s4+$0x3B40]  }
0x10a: {  	v5 =	vpop (erf)  }
0x10b: {  	[tilespmem:s4+$0xDB00] =	vst v5;
	v5 =	vperm.xlane v5, v0;
	_ =	sdelay $0x1  }
0x10c: {  	v1 =	vmul.f32 v1, v5;
	v2 =	vmul.f32 v2, v5  }
.Ltmp3:
0x10d: {  	v3 =	vmul.f32 v3, v5;
	v4 =	vmul.f32 v4, v5;
	(pc) =	sbr.rel @p0 .LBB2_9-.Ltmp3, $4  }
0x10e: {  	[tilespmem:s4+$0xDB10] =	vst v1  }
0x10f: {  	[tilespmem:s4+$0xDB20] =	vst v2  }
0x110: {  	s23 =	sshra.s32 s15, $0x2;
	[tilespmem:s4+$0xDB30] =	vst v3  }
0x111: {  	s15 =	sadd.s32 $0x140, s15;
	s22 =	sadd.s32 $0x10, s22;
	v1 =	vld [tilespmem:s23+$0x3B00];
	[tilespmem:s4+$0xDB40] =	vst v4;
	s4 =	smov.u32 s23  }
0x112: {  	v2 =	vld [tilespmem:s22+$0x0];
	_ =	sdelay $0x4  }
0x113: {  	v1 =	vadd.f32 v1, v2;
	_ =	sdelay $0x1  }
0x114: {  	v2 =	vmul.f32 $2.000000030e-01, v1  }
0x115: {  	vm0 =	vge.f32 v1, $0.0e+00  }
0x116: {  	v1 =	vsel vm0, v1, v2  }
0x117: {  	v1 =	vmax.f32 v1, $-2.000000000e+00  }
0x118: {  	v1 =	vmin.f32 v1, $2.000000000e+00  }
0x119: {  	v1 =	vmul.f32 $1.442695020e+00, v1;
	_ =	sdelay $0x1  }
0x11a: {  	(erf) = vpow2.f32 v1;
	_ =	sdelay $0x6  }
0x11b: {  	v1 =	vld [tilespmem:s4+$0x3B10]  }
0x11c: {  	v2 =	vld [tilespmem:s4+$0x3B20]  }
0x11d: {  	v3 =	vld [tilespmem:s4+$0x3B30];
	v4 =	vpop (erf)  }
0x11e: {  	v5 =	vld [tilespmem:s4+$0x3B40];
	v6 =	vperm.xlane v4, v0;
	_ =	sdelay $0x1  }
0x11f: {  	s16 =	sadd.s32 $0x1, s16;
	v1 =	vmul.f32 v1, v6  }
0x120: {  	p0 =	sne.s32 s16, $0xA;
	[tilespmem:s4+$0xDB00] =	vst v4;
	v2 =	vmul.f32 v2, v6  }
.Ltmp4:
0x121: {  	v3 =	vmul.f32 v3, v6;
	[tilespmem:s4+$0xDB10] =	vst v1;
	(pc) =	sbr.rel @p0 .LBB2_2-.Ltmp4, $4  }
0x122: {  	v1 =	vmul.f32 v5, v6;
	[tilespmem:s4+$0xDB20] =	vst v2  }
0x123: {  	[tilespmem:s4+$0xDB30] =	vst v3  }
0x124: {  	[tilespmem:s4+$0xDB40] =	vst v1  }
0x125: {  	[spmem:s2] =	stream.indirect.scatter.add.f32 [tilespmem:s10], [sflag:$0x6], $0x50, s3, s19, $0xb8;
	[tilespmem:$0x1C880] =	vst v63  }
0x126: {  	s4 =	simm.s32 $0x4  }
0x127: {  	_ =	swait.ge [sflag:s4], $0x2800  }
0x128: {  	[sflag:s4] =	ssyncset.done $0x0  }
0x129: {  	s16 =	simm.s32 $0x5;
	[sflag:s4] =	ssyncadd.s32 $0xFFFFD800  }
0x12a: {  	_ =	swait.ge [sflag:s16], $0x2800  }
0x12b: {  	[sflag:s16] =	ssyncset.done $0x0  }
0x12c: {  	s22 =	simm.s32 $0x6;
	[sflag:s16] =	ssyncadd.s32 $0xFFFFD800  }
0x12d: {  	_ =	swait.ge [sflag:s22], $0x2800  }
0x12e: {  	[sflag:s22] =	ssyncset.done $0x0  }
0x12f: {  	[sflag:s22] =	ssyncadd.s32 $0xFFFFD800  }
0x130: {  	[bflag:$0x0] =	sbarrier.arrive $0xFFFF  }
0x131: {  	s23 =	rddreg [dreg:$0x7]  }
0x132: {  	s16 =	rddreg [dreg:$0x9]  }
0x133: {  	s22 =	rddreg [dreg:$0xa]  }
0x134: {  	[hbm:s23], [sflag:s16] =	dma.local [spmem:s22], $0x18B0  }
0x135: {  	_ =	swait.ge [sflag:s18], $0x18B0  }
0x136: {  	s15 =	rddreg [dreg:$0xb]  }
0x137: {  	s29 =	rddreg [dreg:$0x8];
	s15 =	sadd.s32 $0x1, s15  }
0x138: {  	p0 =	sne.s32 s15, s29  }
.Ltmp5:
0x139: {  	_ = 	snop;
	(pc) =	sbr.rel @p0 .LBB2_1-.Ltmp5, $3  }
0x13a: {  	_ =	sdelay $0x1  }
0x13b: {  	[sflag:s18] =	ssyncset.done $0x0  }
0x13c: {  	[sflag:s18] =	ssyncadd.s32 $0xFFFFE750  }
0x13d: {  	_ =	sfence.sel $0x180000  }
0x13e: {  	[bflag:$0x0] =	sbarrier.arrive $0xFFFF  }
0x13f: {  	_ =	strace $0x9000004A  }
0x140: {  	s0 =	stileid.u32;
	[bflag:$0x2] =	sbarrier.arrive $0xFFFF  }
0x141: {  	p0 =	sne.s32 s0, $0x0;
	s0 =	rddreg [dreg:$0x3]  }
0x142: {  	s0 =	sadd.s32 @!p0 $0x100000, s0  }
0x143: {  	[sflag:s0] =	ssyncadd.tile.s32 @!p0 $0x1;
	_ =	shalt  }
.Lfunc_end2:
_tile_overlayer_lowered:
.L_overlay_start_2:
0x144: {  	(tag) =	ssettag $0x2  }
0x145: {  	s0 =	rddreg [dreg:$0x0];
	s2 =	stileid.u32  }
0x146: {  	s1 =	rddreg [dreg:$0x1];
	p0 =	sne.s32 s2, $0x0  }
0x147: {  	s3 =	rddreg [dreg:$0x2];
	[bflag:$0x3] =	sbarrier.arrive $0xFFFF;
	s2 =	simm.s32 @!p0 $0x1C07  }
0x148: {  	[timem:s3], [sflag:s2] =	dma.local @!p0 [hbm:s0], s1  }
0x149: {  	s0 =	simm.s32 @!p0 $0x7  }
0x14a: {  	_ =	swait.ge @!p0 [sflag:s0], s1  }
0x14b: {  	s1 =	ssub.s32 @!p0 $0x0, s1;
	[sflag:s0] =	ssyncset.done @!p0 $0x0  }
0x14c: {  	[sflag:s0] =	ssyncadd.s32 @!p0 s1  }
0x14d: {  	[bflag:$0x3] =	sbarrier.arrive $0xFFFF  }
0x14e: {  	_ =	shalt  }

// kernel: kernel.7.cloned.1.call-start
scs
__scs_entry_jumppad:
0x0: {  	(pc) =	sbr.rel $0x88, $3  }
0x1: {  	(tag) =	ssettag $0x0;
	lr =	simm.s32 $0x1  }
0x2: {  	[smem:$0x3F9B] =	sst lr;
	_ =	strace $0xD0000000  }
0x3: {  	_ = 	snop  }
0x4: {  	_ = 	snop  }
0x5: {  	_ = 	snop  }
0x6: {  	_ = 	snop  }
0x7: {  	_ = 	snop  }
__scs_overlays_trampoline_lowered:
0x8: {  	[smem:$0x3FAA] =	sst s0  }
0x9: {  	[smem:$0x3FAB] =	sst s1  }
0xa: {  	[smem:$0x3FAC] =	sst s2  }
0xb: {  	[smem:$0x3FAD] =	sst s3  }
0xc: {  	[smem:$0x3FAE] =	sst s4  }
0xd: {  	[smem:$0x3FAF] =	sst s5  }
0xe: {  	[smem:$0x3FB0] =	sst s6  }
0xf: {  	[smem:$0x3FB1] =	sst s7  }
0x10: {  	[smem:$0x3FB2] =	sst s8  }
0x11: {  	[smem:$0x3FB3] =	sst s9;
	s0 =	simm.s32 @!p0 $0x0  }
0x12: {  	s1 =	sld [smem:$0x3F99];
	s0 =	simm.s32 @p0 $0x1  }
0x13: {  	[smem:$0x3FB4] =	sst s0;
	s0 =	simm.s32 @!p1 $0x0  }
0x14: {  	s2 =	sld [smem:$0x3F98];
	s0 =	simm.s32 @p1 $0x1  }
0x15: {  	[smem:$0x3FB5] =	sst s0;
	s0 =	simm.s32 @!p2 $0x0  }
0x16: {  	s3 =	sld [smem:$0x3FDB];
	s0 =	simm.s32 @p2 $0x1  }
0x17: {  	s4 =	simm.s32 $0x1BF5;
	[smem:$0x3FB7] =	sst s0  }
0x18: {  	s0 =	sld [smem:$0x3F9A];
	_ =	swait.ge [sflag:s4], $0x0  }
0x19: {  	s7 =	sld [smem:$0x3F9B]  }
0x1a: {  	s8 =	sadd.s32 $0xFFFFE003, lr  }
0x1b: {  	s9 =	sadd.s32 $0xFFFFFEF7, lr;
	s5 =	simm.s32 $0xFFFFFFFF;
	p2 =	slt.u32 s8, $0xFFFFF086  }
0x1c: {  	p1 =	slt.u32 s9, $0xF7A;
	s5 =	simm.s32 @!p2 $0x0  }
0x1d: {  	s5 =	simm.s32 @p1 $0x1;
	p0 =	seq.s32 s7, s2  }
0x1e: {  	s7 =	smul.u32 @!p0 $0xF7A, s2;
	p2 =	seq.s32 @!p0 s5, $0x0  }
0x1f: {  	s9 =	smul.u32 $0xF7A, s1;
	s8 =	simm.s32 @!p0 $0x1BF5;
	p2 =	por !p2, p0  }
0x20: {  	[sflag:s8] =	ssyncset.s32 @!p0 $0xFFFFF086;
	s6 =	sadd.s32 @!p0 s3, s7;
	s7 =	simm.s32 @!p0 $0x108  }
0x21: {  	s3 =	sadd.s32 s3, s9;
	s6 =	sadd.s32 @!p0 $0x88, s6;
	s7 =	simm.s32 @p2 $0x1082  }
0x22: {  	[simem:s7], [sflag:s8] =	dma.local @!p0 [hbm:s6], $0xF7A  }
0x23: {  	s9 =	sor.u32 $0xD0000000, s2;
	s6 =	simm.s32 $0x108;
	_ =	swait.ge @!p0 [sflag:s8], $0x0  }
0x24: {  	s3 =	sadd.s32 $0x88, s3;
	s6 =	simm.s32 @!p1 $0x1082;
	[sflag:s4] =	ssyncset.s32 $0xFFFFF086  }
0x25: {  	[simem:s6], [sflag:s4] =	dma.local [hbm:s3], $0xF7A  }
0x26: {  	[smem:$0x3F9B] =	sst s1;
	(tag) =	ssettag s2;
	_ =	strace s9  }
0x27: {  	s1 =	sld [smem:$0x3FAB]  }
0x28: {  	s2 =	sld [smem:$0x3FAC]  }
0x29: {  	s4 =	sld [smem:$0x3FAE]  }
0x2a: {  	p0 =	seq.s32 s5, $0x0;
	s5 =	sld [smem:$0x3FAF]  }
0x2b: {  	s6 =	sld [smem:$0x3FB0]  }
0x2c: {  	s7 =	sld [smem:$0x3FB1]  }
0x2d: {  	s3 =	simm.s32 $0x108;
	s8 =	sld [smem:$0x3FB2]  }
0x2e: {  	s3 =	simm.s32 @!p0 $0x1082;
	s9 =	sld [smem:$0x3FB3]  }
0x2f: {  	lr =	sadd.s32 s0, s3;
	s0 =	sld [smem:$0x3FAA]  }
0x30: {  	s3 =	sld [smem:$0x3FAD]  }
0x31: {  	[smem:$0x3FB6] =	sst s10  }
0x32: {  	s10 =	sld [smem:$0x3FB4];
	_ =	sdelay $0x3  }
0x33: {  	p0 =	seq.s32 s10, $0x1;
	s10 =	sld [smem:$0x3FB6];
	_ =	sdelay $0x3  }
0x34: {  	[smem:$0x3FB6] =	sst s10  }
0x35: {  	s10 =	sld [smem:$0x3FB5];
	_ =	sdelay $0x3  }
0x36: {  	p1 =	seq.s32 s10, $0x1;
	s10 =	sld [smem:$0x3FB6];
	_ =	sdelay $0x3  }
0x37: {  	[smem:$0x3FB6] =	sst s10  }
0x38: {  	s10 =	sld [smem:$0x3FB7]  }
0x39: {  	_ = 	snop;
	(pc) =	sbr.ind lr, $3  }
0x3a: {  	_ = 	snop  }
0x3b: {  	_ = 	snop  }
0x3c: {  	p2 =	seq.s32 s10, $0x1;
	s10 =	sld [smem:$0x3FB6]  }
0x3d: {  	_ =	shalt  }
0x3e: {  	_ =	shalt  }
0x3f: {  	_ =	shalt  }
0x40: {  	_ =	shalt  }
0x41: {  	_ =	shalt  }
0x42: {  	_ =	shalt  }
0x43: {  	_ =	shalt  }
0x44: {  	_ =	shalt  }
0x45: {  	_ =	shalt  }
0x46: {  	_ =	shalt  }
0x47: {  	_ =	shalt  }
0x48: {  	_ =	shalt  }
0x49: {  	_ =	shalt  }
0x4a: {  	_ =	shalt  }
0x4b: {  	_ =	shalt  }
0x4c: {  	_ =	shalt  }
0x4d: {  	_ =	shalt  }
0x4e: {  	_ =	shalt  }
0x4f: {  	_ =	shalt  }
0x50: {  	_ =	shalt  }
0x51: {  	_ =	shalt  }
0x52: {  	_ =	shalt  }
0x53: {  	_ =	shalt  }
0x54: {  	_ =	shalt  }
0x55: {  	_ =	shalt  }
0x56: {  	_ =	shalt  }
0x57: {  	_ =	shalt  }
0x58: {  	_ =	shalt  }
0x59: {  	_ =	shalt  }
0x5a: {  	_ =	shalt  }
0x5b: {  	_ =	shalt  }
0x5c: {  	_ =	shalt  }
0x5d: {  	_ =	shalt  }
0x5e: {  	_ =	shalt  }
0x5f: {  	_ =	shalt  }
0x60: {  	_ =	shalt  }
0x61: {  	_ =	shalt  }
0x62: {  	_ =	shalt  }
0x63: {  	_ =	shalt  }
0x64: {  	_ =	shalt  }
0x65: {  	_ =	shalt  }
0x66: {  	_ =	shalt  }
0x67: {  	_ =	shalt  }
0x68: {  	_ =	shalt  }
0x69: {  	_ =	shalt  }
0x6a: {  	_ =	shalt  }
0x6b: {  	_ =	shalt  }
0x6c: {  	_ =	shalt  }
0x6d: {  	_ =	shalt  }
0x6e: {  	_ =	shalt  }
0x6f: {  	_ =	shalt  }
0x70: {  	_ =	shalt  }
0x71: {  	_ =	shalt  }
0x72: {  	_ =	shalt  }
0x73: {  	_ =	shalt  }
0x74: {  	_ =	shalt  }
0x75: {  	_ =	shalt  }
0x76: {  	_ =	shalt  }
0x77: {  	_ =	shalt  }
0x78: {  	_ =	shalt  }
0x79: {  	_ =	shalt  }
0x7a: {  	_ =	shalt  }
0x7b: {  	_ =	shalt  }
0x7c: {  	_ =	shalt  }
0x7d: {  	_ =	shalt  }
0x7e: {  	_ =	shalt  }
0x7f: {  	_ =	shalt  }
0x80: {  	_ =	shalt  }
0x81: {  	_ =	shalt  }
0x82: {  	_ =	shalt  }
0x83: {  	_ =	shalt  }
0x84: {  	_ =	shalt  }
0x85: {  	_ =	shalt  }
0x86: {  	_ =	shalt  }
0x87: {  	_ =	shalt  }
.Lfunc_end0:
.L_simem_size_0:
called_computation_lowered:
.L_overlay_start_0:
0x88: {  	s2 =	sld [smem:$0x3FD9]  }
0x89: {  	s3 =	sld [smem:$0x3FFE];
	_ =	sdelay $0x1  }
0x8a: {  	s1 =	srdreg.scid  }
0x8b: {  	s0 =	sand.u32 $0x1, s1  }
0x8c: {  	s17 =	sshll.u32 s0, $0xA;
	s2 =	sadd.s32 s3, s2  }
0x8d: {  	s2 =	sadd.s32 s2, s17  }
0x8e: {  	[smem:$0x3FC2] =	sst s2  }
0x8f: {  	_ = 	snop  }
0x90: {  	s2 =	sld [smem:$0x3FD0];
	(tm) =	ssettm $0x1  }
0x91: {  	s18 =	sld [smem:$0x3FFB];
	_ =	sdelay $0x3  }
0x92: {  	_ =	strace s18  }
0x93: {  	s3 =	sld [smem:$0x3FFC];
	_ =	sdelay $0x3  }
0x94: {  	_ =	strace s3  }
0x95: {  	s3 =	sld [smem:$0x3FFD];
	_ =	sdelay $0x3  }
0x96: {  	_ =	strace s3  }
0x97: {  	_ =	strace $0x8FFFFFFF  }
0x98: {  	s19 =	sld [smem:$0x3FDB];
	_ =	sdelay $0x1  }
0x99: {  	s4 =	simm.s32 $_scs_section_size  }
0x9a: {  	s5 =	simm.s32 $_size__tile_overlayer_lowered;
	s6 =	simm.s32 $_tile_overlayer_lowered  }
0x9b: {  	s22 =	simm.s32 $0x1BFF;
	s21 =	sshll.u32 s6, $0x1;
	s3 =	sadd.s32 s4, s19  }
0x9c: {  	s7 =	simm.s32 $0x0;
	s20 =	sshll.u32 s5, $0x1;
	s5 =	sadd.s32 s21, s3  }
0x9d: {  	[timem:s7], [sflag:s22] =	dma.local [hbm:s5], s20  }
0x9e: {  	_ =	swait.ge [sflag:s22], s20  }
0x9f: {  	s4 =	ssub.s32 $0x0, s20;
	[sflag:s22] =	ssyncset.done $0x0  }
0xa0: {  	[sflag:s22] =	ssyncadd.s32 s4;
	_ =	sdelay $0x1  }
0xa1: {  	s23 =	simm.s32 $0x1B8B  }
0xa2: {  	_ =	swait.ge [sflag:s23], $0x1  }
0xa3: {  	[sflag:s23] =	ssyncset.done $0x0  }
0xa4: {  	s25 =	simm.s32 $0x1B8E;
	s24 =	sld [smem:$0x3FFE];
	[sflag:s23] =	ssyncadd.s32 $0xFFFFFFFF  }
0xa5: {  	s26 =	simm.s32 $execute0_lowered;
	[smem:$0x3FD2] =	sst s25  }
0xa6: {  	s5 =	sshll.u32 s26, $0x1;
	_ =	strace $0x80000046;
	[dreg:$0x1] =	wrdreg $0xFFFFFFFF  }
0xa7: {  	s28 =	simm.s32 $_size_execute0_lowered;
	s3 =	sadd.s32 s3, s5;
	[dreg:$0x0] =	wrdreg $0x0  }
0xa8: {  	s5 =	sshll.u32 s28, $0x1;
	[dreg:$0x2] =	wrdreg s3  }
0xa9: {  	[dreg:$0x3] =	wrdreg s5  }
0xaa: {  	[dreg:$0x4] =	wrdreg $0xC0  }
0xab: {  	_ =	task [dreg:s7], $0x5FFFF  }
0xac: {  	[dreg:$0x1] =	wrdreg $0xFFFFFFFF  }
0xad: {  	[dreg:$0x0] =	wrdreg $0x60  }
0xae: {  	[dreg:$0x2] =	wrdreg s2  }
0xaf: {  	[dreg:$0x3] =	wrdreg s24  }
0xb0: {  	[dreg:$0x4] =	wrdreg $0x103000  }
0xb1: {  	[dreg:$0x5] =	wrdreg $0x9  }
0xb2: {  	_ =	task.clear_ibuf [dreg:s7], $0x6FFFF;
	_ =	strace $0x90000046  }
0xb3: {  	s29 =	simm.s32 $0x9;
	_ =	strace $0x80000048  }
0xb4: {  	_ =	swait.ge [sflag:s29], $0x1  }
0xb5: {  	[sflag:s29] =	ssyncadd.s32 $0xFFFFFFFF  }
0xb6: {  	_ =	strace $0x90000048  }
0xb7: {  	_ =	sfence  }
0xb8: {  	s30 =	sld [smem:$0x0];
	_ =	sdelay $0x2  }
0xb9: {  	s31 =	sshll.u32 s1, $0xD;
	s1 =	sshrl.u32 s1, $0x2  }
0xba: {  	s3 =	sand.u32 $0x4000, s31;
	s1 =	sadd.s32 s1, s30  }
0xbb: {  	s0 =	sor.u32 s3, s0;
	s1 =	sshll.u32 s1, $0x11  }
0xbc: {  	s0 =	sor.u32 s1, s0  }
0xbd: {  	s0 =	sadd.s32 $0x8F2B, s0  }
0xbe: {  	[sflag:s0] =	ssyncadd.remote.s32 $0x1  }
0xbf: {  	_ =	sfence.sel $0xFFFF  }
0xc0: {  	[dreg:$0x0] =	wrdreg $0xFFFFFFFF;
	(pc) =	sbr.abs _section_cstart, $3  }
0xc1: {  	[dreg:$0x1] =	wrdreg $0xFFFFFFFF  }
0xc2: {  	_ =	task.clear_ibuf [dreg:s7], $0x2FFFF;
	_ =	strace $0x9FFFFFFF  }
0xc3: {  	(tm) =	ssettm $0x7FFFFFFF  }
tec
execute0_lowered:
.L_overlay_start_1:
0x0: {  	(tag) =	ssettag $0x1  }
0x1: {  	s1 =	rddreg [dreg:$0x0]  }
0x2: {  	s0 =	rddreg [dreg:$0x1]  }
0x3: {  	s2 =	rddreg [dreg:$0x2]  }
0x4: {  	s3 =	simm.s32 $0x0;
	s22 =	srdreg.scid;
	s15 =	stileid.u32  }
0x5: {  	s17 =	simm.s32 $0x100;
	s18 =	simm.s32 $0x7;
	s19 =	simm.s32 $0x80  }
0x6: {  	s20 =	simm.s32 $0x300;
	s21 =	simm.s32 $0x1300;
	s28 =	simm.s32 $0x1  }
0x7: {  	s30 =	simm.s32 $0x200;
	s31 =	simm.s32 $0x2;
	[smem:$0x7FF] =	sst s3  }
0x8: {  	s3 =	sand.u32 $0x1, s22;
	s5 =	sadd.s32 $0x1000, s0;
	s4 =	smul.u32 $0xC580, s15  }
0x9: {  	s6 =	sadd.s32 $0x6000, s0;
	s29 =	sshll.u32 s15, $0x6;
	_ =	strace $0x80000047  }
0xa: {  	s7 =	sshll.u32 s3, $0x4;
	s8 =	smul.u32 $0xC5800, s3;
	s3 =	ssub.s32 $0x2, s3  }
0xb: {  	s16 =	sor.u32 $0x1C07, s29;
	s9 =	sor.u32 s15, s7;
	s7 =	sadd.s32 $0xB000, s0  }
0xc: {  	s10 =	sshrl.u32 s4, $0x3;
	s11 =	sshrl.u32 s3, $0x1;
	s15 =	simm.s32 $0x0  }
0xd: {  	[dreg:$0x9] =	wrdreg s16;
	s9 =	smul.u32 $0x1400, s9;
	s10 =	sadd.s32 s10, s0  }
0xe: {  	s8 =	sadd.s32 s4, s8;
	s3 =	ssub.s32 s3, s11;
	s4 =	sadd.s32 s4, s2  }
0xf: {  	s8 =	sshrl.u32 s8, $0x3;
	s25 =	sadd.s32 $0x23C00, s10;
	s26 =	smax.u32 s3, $0x1  }
0x10: {  	s22 =	sshrl.u32 s4, $0x3;
	s3 =	simm.s32 $0x280;
	s10 =	simm.s32 $0xDB00  }
0x11: {  	s12 =	sshrl.u32 s9, $0x3;
	s0 =	sadd.s32 s8, s0;
	[dreg:$0x6] =	wrdreg s25  }
0x12: {  	s11 =	sor.u32 $0x80, s9;
	s13 =	sor.u32 $0x180, s9;
	s14 =	sor.u32 $0x200, s9  }
0x13: {  	[dreg:$0x8] =	wrdreg s26;
	s25 =	simm.s32 $0xB00;
	s26 =	simm.s32 $0x3B00  }
0x14: {  	s8 =	simm.s32 $0xB300;
	[dreg:$0xa] =	wrdreg s22;
	s23 =	sadd.s32 s1, s12  }
0x15: {  	v0 =	vlaneseq.u32;
	s24 =	sadd.s32 s5, s12;
	s12 =	sor.u32 $0x100, s9;
	[dreg:$0x4] =	wrdreg s23  }
0x16: {  	v0 =	vshrl.u32 v0, $0x3;
	s0 =	sadd.s32 $0x3C800, s0;
	s9 =	simm.s32 $0x3;
	[dreg:$0x5] =	wrdreg s24  }
0x17: {  	v1 =	vor.u32 $0x2, v0;
	v2 =	vor.u32 $0x4, v0;
	v3 =	vor.u32 $0x6, v0;
	[dreg:$0x7] =	wrdreg s0;
	s24 =	simm.s32 $0x180;
	s0 =	simm.s32 $0x8B00  }
.LBB2_1:
0x18: {  	[dreg:$0xb] =	wrdreg s15  }
0x19: {  	s4 =	simm.s32 $0x0;
	s29 =	rddreg [dreg:$0x4]  }
0x1a: {  	[tilespmem:s17], [sflag:$0x7] =	stream.linear.gather [hbm4b:s29+s4], $0x80, $0x38;
	[tilespmem:$0x1C880] =	vst v63  }
0x1b: {  	_ =	swait.ge [sflag:s18], $0x80  }
0x1c: {  	[sflag:s18] =	ssyncset.done $0x0  }
0x1d: {  	s23 =	rddreg [dreg:$0x5];
	[sflag:s18] =	ssyncadd.s32 $0xFFFFFF80  }
0x1e: {  	[tilespmem:s4], [sflag:$0x7] =	stream.linear.gather [hbm4b:s23+s4], $0x80, $0x38;
	[tilespmem:$0x1C880] =	vst v63  }
0x1f: {  	_ =	swait.ge [sflag:s18], $0x80  }
0x20: {  	[sflag:s18] =	ssyncset.done $0x0  }
0x21: {  	[sflag:s18] =	ssyncadd.s32 $0xFFFFFF80  }
0x22: {  	[tilespmem:s20], [sflag:$0x1] =	stream.indirect.gather [hbm4b:s6+s19], $0x10, s17, s19, $0xb8;
	[tilespmem:$0x1C880] =	vst v63  }
0x23: {  	s29 =	rddreg [dreg:$0x6]  }
0x24: {  	[tilespmem:s21], [sflag:$0x1] =	stream.indirect.gather [hbm4b:s7+s19], $0x50, s4, s19, $0xb8;
	[tilespmem:$0x1C880] =	vst v63  }
0x25: {  	[spmem:s22], [sflag:s16] =	dma.local [hbm:s29], $0x18B0  }
0x26: {  	_ =	swait.ge [sflag:s18], $0x18B0  }
0x27: {  	[sflag:s18] =	ssyncset.done $0x0  }
0x28: {  	[sflag:s18] =	ssyncadd.s32 $0xFFFFE750  }
0x29: {  	s16 =	simm.s32 $0x0;
	[bflag:$0x0] =	sbarrier.arrive $0xFFFF  }
.LBB2_2:
0x2a: {  	p0 =	seq.s32 s16, $0x0  }
0x2b: {  	s4 =	sshll.u32 s16, $0x9;
	s15 =	simm.s32 @!p0 $0x4  }
0x2c: {  	s22 =	sadd.s32 s4, s11;
	_ =	swait.ge @!p0 [sflag:s15], $0x2800  }
0x2d: {  	s22 =	sshrl.u32 s22, $0x3;
	[sflag:s15] =	ssyncset.done @!p0 $0x0  }
0x2e: {  	s23 =	simm.s32 $0x0;
	s29 =	sadd.s32 s1, s22;
	[sflag:s15] =	ssyncadd.s32 @!p0 $0xFFFFD800  }
0x2f: {  	[tilespmem:s24], [sflag:$0x7] =	stream.linear.gather [hbm4b:s29+s23], $0x80, $0x38;
	[tilespmem:$0x1C880] =	vst v63  }
0x30: {  	_ =	swait.ge [sflag:s18], $0x80  }
0x31: {  	[sflag:s18] =	ssyncset.done $0x0  }
0x32: {  	s29 =	sadd.s32 s5, s22;
	[sflag:s18] =	ssyncadd.s32 $0xFFFFFF80  }
0x33: {  	[tilespmem:s19], [sflag:$0x7] =	stream.linear.gather [hbm4b:s29+s23], $0x80, $0x38;
	[tilespmem:$0x1C880] =	vst v63  }
0x34: {  	_ =	swait.ge [sflag:s18], $0x80  }
0x35: {  	[sflag:s18] =	ssyncset.done $0x0  }
0x36: {  	[sflag:s18] =	ssyncadd.s32 $0xFFFFFF80  }
0x37: {  	[tilespmem:s25], [sflag:$0x2] =	stream.indirect.gather [hbm4b:s6+s19], $0x10, s24, s19, $0xb8;
	[tilespmem:$0x1C880] =	vst v63  }
0x38: {  	_ = 	snop  }
0x39: {  	[tilespmem:s26], [sflag:$0x2] =	stream.indirect.gather [hbm4b:s7+s19], $0x50, s19, s19, $0xb8;
	[tilespmem:$0x1C880] =	vst v63  }
0x3a: {  	_ =	swait.ge [sflag:s28], $0x800  }
0x3b: {  	[sflag:s28] =	ssyncset.done $0x0  }
0x3c: {  	[sflag:s28] =	ssyncadd.s32 $0xFFFFF800  }
0x3d: {  	_ =	swait.ge [sflag:s28], $0x2800  }
0x3e: {  	[sflag:s28] =	ssyncset.done $0x0  }
0x3f: {  	s22 =	simm.s32 $0x0;
	[sflag:s28] =	ssyncadd.s32 $0xFFFFD800  }
0x40: {  	s15 =	simm.s32 $0x140;
	s23 =	simm.s32 $0x300;
	v4 =	vld [tilespmem:s22+$0x1300]  }
.LBB2_3:
0x41: {  	p1 =	sne.s32 s15, $0x9EC0;
	v5 =	vld [tilespmem:s23+$0x0];
	_ =	sdelay $0x4  }
0x42: {  	v4 =	vadd.f32 v4, v5;
	_ =	sdelay $0x1  }
0x43: {  	v5 =	vmul.f32 $2.000000030e-01, v4  }
0x44: {  	vm0 =	vge.f32 v4, $0.0e+00  }
0x45: {  	v4 =	vsel vm0, v4, v5  }
0x46: {  	v4 =	vmax.f32 v4, $-2.000000000e+00  }
0x47: {  	v4 =	vmin.f32 v4, $2.000000000e+00  }
0x48: {  	v4 =	vmul.f32 $1.442695020e+00, v4;
	_ =	sdelay $0x1  }
0x49: {  	(erf) = vpow2.f32 v4;
	_ =	sdelay $0x4  }
0x4a: {  	v4 =	vld [tilespmem:s22+$0x1310]  }
0x4b: {  	v5 =	vld [tilespmem:s22+$0x1320]  }
0x4c: {  	v6 =	vld [tilespmem:s22+$0x1330]  }
0x4d: {  	v7 =	vld [tilespmem:s22+$0x1340]  }
0x4e: {  	v8 =	vpop (erf)  }
0x4f: {  	[tilespmem:s22+$0x6300] =	vst v8;
	v9 =	vperm.xlane v8, v0;
	v10 =	vperm.xlane v8, v1  }
0x50: {  	v11 =	vperm.xlane v8, v2;
	v8 =	vperm.xlane v8, v3  }
0x51: {  	v4 =	vmul.f32 v4, v9;
	v5 =	vmul.f32 v5, v10  }
.Ltmp0:
0x52: {  	v6 =	vmul.f32 v6, v11;
	v7 =	vmul.f32 v7, v8;
	(pc) =	sbr.rel @p1 .LBB2_3-.Ltmp0, $4  }
0x53: {  	[tilespmem:s22+$0x6310] =	vst v4  }
0x54: {  	[tilespmem:s22+$0x6320] =	vst v5  }
0x55: {  	s29 =	sshra.s32 s15, $0x2;
	[tilespmem:s22+$0x6330] =	vst v6  }
0x56: {  	s15 =	sadd.s32 $0x140, s15;
	s23 =	sadd.s32 $0x10, s23;
	v4 =	vld [tilespmem:s29+$0x1300];
	[tilespmem:s22+$0x6340] =	vst v7;
	s22 =	smov.u32 s29  }
0x57: {  	v5 =	vld [tilespmem:s23+$0x0];
	_ =	sdelay $0x4  }
0x58: {  	v4 =	vadd.f32 v4, v5;
	_ =	sdelay $0x1  }
0x59: {  	v5 =	vmul.f32 $2.000000030e-01, v4  }
0x5a: {  	vm0 =	vge.f32 v4, $0.0e+00  }
0x5b: {  	v4 =	vsel vm0, v4, v5  }
0x5c: {  	v4 =	vmax.f32 v4, $-2.000000000e+00  }
0x5d: {  	v4 =	vmin.f32 v4, $2.000000000e+00  }
0x5e: {  	v4 =	vmul.f32 $1.442695020e+00, v4;
	_ =	sdelay $0x1  }
0x5f: {  	(erf) = vpow2.f32 v4;
	_ =	sdelay $0x6  }
0x60: {  	v4 =	vld [tilespmem:s22+$0x1310]  }
0x61: {  	v5 =	vld [tilespmem:s22+$0x1320]  }
0x62: {  	v6 =	vld [tilespmem:s22+$0x1330];
	v7 =	vpop (erf)  }
0x63: {  	v8 =	vld [tilespmem:s22+$0x1340];
	v9 =	vperm.xlane v7, v0  }
0x64: {  	v10 =	vperm.xlane v7, v1  }
0x65: {  	v11 =	vperm.xlane v7, v2;
	v4 =	vmul.f32 v4, v9  }
0x66: {  	[tilespmem:s22+$0x6300] =	vst v7;
	v7 =	vperm.xlane v7, v3;
	v5 =	vmul.f32 v5, v10  }
0x67: {  	v6 =	vmul.f32 v6, v11;
	[tilespmem:s22+$0x6310] =	vst v4  }
0x68: {  	v4 =	vmul.f32 v8, v7;
	[tilespmem:s22+$0x6320] =	vst v5  }
0x69: {  	[tilespmem:s22+$0x6330] =	vst v6  }
0x6a: {  	s15 =	simm.s32 $0x6300;
	[tilespmem:s22+$0x6340] =	vst v4  }
0x6b: {  	[spmem:s2] =	stream.indirect.scatter.add.f32 [tilespmem:s15], [sflag:$0x3], $0x50, s17, s19, $0xb8;
	[tilespmem:$0x1C880] =	vst v63  }
0x6c: {  	s15 =	simm.s32 @!p0 $0x5  }
0x6d: {  	s23 =	sadd.s32 s4, s12;
	_ =	swait.ge @!p0 [sflag:s15], $0x2800  }
0x6e: {  	s22 =	sshrl.u32 s23, $0x3;
	[sflag:s15] =	ssyncset.done @!p0 $0x0  }
0x6f: {  	s23 =	simm.s32 $0x0;
	s29 =	sadd.s32 s1, s22;
	[sflag:s15] =	ssyncadd.s32 @!p0 $0xFFFFD800  }
0x70: {  	[tilespmem:s30], [sflag:$0x7] =	stream.linear.gather [hbm4b:s29+s23], $0x80, $0x38;
	[tilespmem:$0x1C880] =	vst v63  }
0x71: {  	_ =	swait.ge [sflag:s18], $0x80  }
0x72: {  	[sflag:s18] =	ssyncset.done $0x0  }
0x73: {  	s29 =	sadd.s32 s5, s22;
	[sflag:s18] =	ssyncadd.s32 $0xFFFFFF80  }
0x74: {  	[tilespmem:s23], [sflag:$0x7] =	stream.linear.gather [hbm4b:s29+s23], $0x80, $0x38;
	[tilespmem:$0x1C880] =	vst v63  }
0x75: {  	_ =	swait.ge [sflag:s18], $0x80  }
0x76: {  	[sflag:s18] =	ssyncset.done $0x0  }
0x77: {  	[sflag:s18] =	ssyncadd.s32 $0xFFFFFF80  }
0x78: {  	[tilespmem:s20], [sflag:$0x1] =	stream.indirect.gather [hbm4b:s6+s19], $0x10, s30, s19, $0xb8;
	[tilespmem:$0x1C880] =	vst v63  }
0x79: {  	_ = 	snop  }
0x7a: {  	[tilespmem:s21], [sflag:$0x1] =	stream.indirect.gather [hbm4b:s7+s19], $0x50, s23, s19, $0xb8;
	[tilespmem:$0x1C880] =	vst v63  }
0x7b: {  	_ =	swait.ge [sflag:s31], $0x800  }
0x7c: {  	[sflag:s31] =	ssyncset.done $0x0  }
0x7d: {  	[sflag:s31] =	ssyncadd.s32 $0xFFFFF800  }
0x7e: {  	_ =	swait.ge [sflag:s31], $0x2800  }
0x7f: {  	[sflag:s31] =	ssyncset.done $0x0  }
0x80: {  	s22 =	simm.s32 $0x0;
	[sflag:s31] =	ssyncadd.s32 $0xFFFFD800  }
0x81: {  	s15 =	simm.s32 $0x140;
	s23 =	simm.s32 $0xB00;
	v4 =	vld [tilespmem:s22+$0x3B00]  }
.LBB2_5:
0x82: {  	p1 =	sne.s32 s15, $0x9EC0;
	v5 =	vld [tilespmem:s23+$0x0];
	_ =	sdelay $0x4  }
0x83: {  	v4 =	vadd.f32 v4, v5;
	_ =	sdelay $0x1  }
0x84: {  	v5 =	vmul.f32 $2.000000030e-01, v4  }
0x85: {  	vm0 =	vge.f32 v4, $0.0e+00  }
0x86: {  	v4 =	vsel vm0, v4, v5  }
0x87: {  	v4 =	vmax.f32 v4, $-2.000000000e+00  }
0x88: {  	v4 =	vmin.f32 v4, $2.000000000e+00  }
0x89: {  	v4 =	vmul.f32 $1.442695020e+00, v4;
	_ =	sdelay $0x1  }
0x8a: {  	(erf) = vpow2.f32 v4;
	_ =	sdelay $0x4  }
0x8b: {  	v4 =	vld [tilespmem:s22+$0x3B10]  }
0x8c: {  	v5 =	vld [tilespmem:s22+$0x3B20]  }
0x8d: {  	v6 =	vld [tilespmem:s22+$0x3B30]  }
0x8e: {  	v7 =	vld [tilespmem:s22+$0x3B40]  }
0x8f: {  	v8 =	vpop (erf)  }
0x90: {  	[tilespmem:s22+$0x8B00] =	vst v8;
	v9 =	vperm.xlane v8, v0;
	v10 =	vperm.xlane v8, v1  }
0x91: {  	v11 =	vperm.xlane v8, v2;
	v8 =	vperm.xlane v8, v3  }
0x92: {  	v4 =	vmul.f32 v4, v9;
	v5 =	vmul.f32 v5, v10  }
.Ltmp1:
0x93: {  	v6 =	vmul.f32 v6, v11;
	v7 =	vmul.f32 v7, v8;
	(pc) =	sbr.rel @p1 .LBB2_5-.Ltmp1, $4  }
0x94: {  	[tilespmem:s22+$0x8B10] =	vst v4  }
0x95: {  	[tilespmem:s22+$0x8B20] =	vst v5  }
0x96: {  	s29 =	sshra.s32 s15, $0x2;
	[tilespmem:s22+$0x8B30] =	vst v6  }
0x97: {  	s15 =	sadd.s32 $0x140, s15;
	s23 =	sadd.s32 $0x10, s23;
	v4 =	vld [tilespmem:s29+$0x3B00];
	[tilespmem:s22+$0x8B40] =	vst v7;
	s22 =	smov.u32 s29  }
0x98: {  	v5 =	vld [tilespmem:s23+$0x0];
	_ =	sdelay $0x4  }
0x99: {  	v4 =	vadd.f32 v4, v5;
	_ =	sdelay $0x1  }
0x9a: {  	v5 =	vmul.f32 $2.000000030e-01, v4  }
0x9b: {  	vm0 =	vge.f32 v4, $0.0e+00  }
0x9c: {  	v4 =	vsel vm0, v4, v5  }
0x9d: {  	v4 =	vmax.f32 v4, $-2.000000000e+00  }
0x9e: {  	v4 =	vmin.f32 v4, $2.000000000e+00  }
0x9f: {  	v4 =	vmul.f32 $1.442695020e+00, v4;
	_ =	sdelay $0x1  }
0xa0: {  	(erf) = vpow2.f32 v4;
	_ =	sdelay $0x6  }
0xa1: {  	v4 =	vld [tilespmem:s22+$0x3B10]  }
0xa2: {  	v5 =	vld [tilespmem:s22+$0x3B20]  }
0xa3: {  	v6 =	vld [tilespmem:s22+$0x3B30];
	v7 =	vpop (erf)  }
0xa4: {  	v8 =	vld [tilespmem:s22+$0x3B40];
	v9 =	vperm.xlane v7, v0  }
0xa5: {  	v10 =	vperm.xlane v7, v1  }
0xa6: {  	v11 =	vperm.xlane v7, v2;
	v4 =	vmul.f32 v4, v9  }
0xa7: {  	[tilespmem:s22+$0x8B00] =	vst v7;
	v7 =	vperm.xlane v7, v3;
	v5 =	vmul.f32 v5, v10  }
0xa8: {  	v6 =	vmul.f32 v6, v11;
	[tilespmem:s22+$0x8B10] =	vst v4  }
0xa9: {  	v4 =	vmul.f32 v8, v7;
	[tilespmem:s22+$0x8B20] =	vst v5  }
0xaa: {  	[tilespmem:s22+$0x8B30] =	vst v6  }
0xab: {  	s15 =	simm.s32 @!p0 $0x6;
	[tilespmem:s22+$0x8B40] =	vst v4  }
0xac: {  	[spmem:s2] =	stream.indirect.scatter.add.f32 [tilespmem:s0], [sflag:$0x4], $0x50, s24, s19, $0xb8;
	[tilespmem:$0x1C880] =	vst v63  }
0xad: {  	s23 =	sadd.s32 s4, s13;
	_ =	swait.ge @!p0 [sflag:s15], $0x2800  }
0xae: {  	s22 =	sshrl.u32 s23, $0x3;
	[sflag:s15] =	ssyncset.done @!p0 $0x0  }
0xaf: {  	s23 =	simm.s32 $0x0;
	s29 =	sadd.s32 s1, s22;
	[sflag:s15] =	ssyncadd.s32 @!p0 $0xFFFFD800  }
0xb0: {  	[tilespmem:s3], [sflag:$0x7] =	stream.linear.gather [hbm4b:s29+s23], $0x80, $0x38;
	[tilespmem:$0x1C880] =	vst v63  }
0xb1: {  	_ =	swait.ge [sflag:s18], $0x80  }
0xb2: {  	[sflag:s18] =	ssyncset.done $0x0  }
0xb3: {  	s29 =	sadd.s32 s5, s22;
	[sflag:s18] =	ssyncadd.s32 $0xFFFFFF80  }
0xb4: {  	[tilespmem:s19], [sflag:$0x7] =	stream.linear.gather [hbm4b:s29+s23], $0x80, $0x38;
	[tilespmem:$0x1C880] =	vst v63  }
0xb5: {  	_ =	swait.ge [sflag:s18], $0x80  }
0xb6: {  	[sflag:s18] =	ssyncset.done $0x0  }
0xb7: {  	[sflag:s18] =	ssyncadd.s32 $0xFFFFFF80  }
0xb8: {  	[tilespmem:s25], [sflag:$0x2] =	stream.indirect.gather [hbm4b:s6+s19], $0x10, s3, s19, $0xb8;
	[tilespmem:$0x1C880] =	vst v63  }
0xb9: {  	_ = 	snop  }
0xba: {  	[tilespmem:s26], [sflag:$0x2] =	stream.indirect.gather [hbm4b:s7+s19], $0x50, s19, s19, $0xb8;
	[tilespmem:$0x1C880] =	vst v63  }
0xbb: {  	_ =	swait.ge [sflag:s28], $0x800  }
0xbc: {  	[sflag:s28] =	ssyncset.done $0x0  }
0xbd: {  	[sflag:s28] =	ssyncadd.s32 $0xFFFFF800  }
0xbe: {  	_ =	swait.ge [sflag:s28], $0x2800  }
0xbf: {  	[sflag:s28] =	ssyncset.done $0x0  }
0xc0: {  	s22 =	simm.s32 $0x0;
	[sflag:s28] =	ssyncadd.s32 $0xFFFFD800  }
0xc1: {  	s15 =	simm.s32 $0x140;
	s23 =	simm.s32 $0x300;
	v4 =	vld [tilespmem:s22+$0x1300]  }
.LBB2_7:
0xc2: {  	p0 =	sne.s32 s15, $0x9EC0;
	v5 =	vld [tilespmem:s23+$0x0];
	_ =	sdelay $0x4  }
0xc3: {  	v4 =	vadd.f32 v4, v5;
	_ =	sdelay $0x1  }
0xc4: {  	v5 =	vmul.f32 $2.000000030e-01, v4  }
0xc5: {  	vm0 =	vge.f32 v4, $0.0e+00  }
0xc6: {  	v4 =	vsel vm0, v4, v5  }
0xc7: {  	v4 =	vmax.f32 v4, $-2.000000000e+00  }
0xc8: {  	v4 =	vmin.f32 v4, $2.000000000e+00  }
0xc9: {  	v4 =	vmul.f32 $1.442695020e+00, v4;
	_ =	sdelay $0x1  }
0xca: {  	(erf) = vpow2.f32 v4;
	_ =	sdelay $0x4  }
0xcb: {  	v4 =	vld [tilespmem:s22+$0x1310]  }
0xcc: {  	v5 =	vld [tilespmem:s22+$0x1320]  }
0xcd: {  	v6 =	vld [tilespmem:s22+$0x1330]  }
0xce: {  	v7 =	vld [tilespmem:s22+$0x1340]  }
0xcf: {  	v8 =	vpop (erf)  }
0xd0: {  	[tilespmem:s22+$0xB300] =	vst v8;
	v9 =	vperm.xlane v8, v0;
	v10 =	vperm.xlane v8, v1  }
0xd1: {  	v11 =	vperm.xlane v8, v2;
	v8 =	vperm.xlane v8, v3  }
0xd2: {  	v4 =	vmul.f32 v4, v9;
	v5 =	vmul.f32 v5, v10  }
.Ltmp2:
0xd3: {  	v6 =	vmul.f32 v6, v11;
	v7 =	vmul.f32 v7, v8;
	(pc) =	sbr.rel @p0 .LBB2_7-.Ltmp2, $4  }
0xd4: {  	[tilespmem:s22+$0xB310] =	vst v4  }
0xd5: {  	[tilespmem:s22+$0xB320] =	vst v5  }
0xd6: {  	s29 =	sshra.s32 s15, $0x2;
	[tilespmem:s22+$0xB330] =	vst v6  }
0xd7: {  	s15 =	sadd.s32 $0x140, s15;
	s23 =	sadd.s32 $0x10, s23;
	v4 =	vld [tilespmem:s29+$0x1300];
	[tilespmem:s22+$0xB340] =	vst v7;
	s22 =	smov.u32 s29  }
0xd8: {  	v5 =	vld [tilespmem:s23+$0x0];
	_ =	sdelay $0x4  }
0xd9: {  	v4 =	vadd.f32 v4, v5;
	_ =	sdelay $0x1  }
0xda: {  	v5 =	vmul.f32 $2.000000030e-01, v4  }
0xdb: {  	vm0 =	vge.f32 v4, $0.0e+00  }
0xdc: {  	v4 =	vsel vm0, v4, v5  }
0xdd: {  	v4 =	vmax.f32 v4, $-2.000000000e+00  }
0xde: {  	v4 =	vmin.f32 v4, $2.000000000e+00  }
0xdf: {  	v4 =	vmul.f32 $1.442695020e+00, v4;
	_ =	sdelay $0x1  }
0xe0: {  	(erf) = vpow2.f32 v4;
	_ =	sdelay $0x6  }
0xe1: {  	v4 =	vld [tilespmem:s22+$0x1310]  }
0xe2: {  	v5 =	vld [tilespmem:s22+$0x1320]  }
0xe3: {  	v6 =	vld [tilespmem:s22+$0x1330];
	v7 =	vpop (erf)  }
0xe4: {  	v8 =	vld [tilespmem:s22+$0x1340];
	v9 =	vperm.xlane v7, v0  }
0xe5: {  	v10 =	vperm.xlane v7, v1  }
0xe6: {  	v11 =	vperm.xlane v7, v2;
	v4 =	vmul.f32 v4, v9  }
0xe7: {  	[tilespmem:s22+$0xB300] =	vst v7;
	v7 =	vperm.xlane v7, v3;
	v5 =	vmul.f32 v5, v10  }
0xe8: {  	v6 =	vmul.f32 v6, v11;
	[tilespmem:s22+$0xB310] =	vst v4  }
0xe9: {  	v4 =	vmul.f32 v8, v7;
	[tilespmem:s22+$0xB320] =	vst v5  }
0xea: {  	[tilespmem:s22+$0xB330] =	vst v6  }
0xeb: {  	p0 =	seq.s32 s16, $0x9;
	[tilespmem:s22+$0xB340] =	vst v4  }
0xec: {  	[spmem:s2] =	stream.indirect.scatter.add.f32 [tilespmem:s8], [sflag:$0x5], $0x50, s30, s19, $0xb8;
	[tilespmem:$0x1C880] =	vst v63  }
0xed: {  	s4 =	sadd.s32 @!p0 s4, s14;
	_ =	swait.ge [sflag:s9], $0x2800  }
0xee: {  	s23 =	simm.s32 @!p0 $0x100;
	s4 =	sshrl.u32 @!p0 s4, $0x3;
	[sflag:s9] =	ssyncset.done $0x0  }
0xef: {  	s15 =	sadd.s32 @!p0 s1, s4;
	s22 =	simm.s32 @!p0 $0x0;
	[sflag:s9] =	ssyncadd.s32 $0xFFFFD800  }
0xf0: {  	[tilespmem:s23], [sflag:$0x7] =	stream.linear.gather @!p0 [hbm4b:s15+s22], $0x80, $0x38;
	[tilespmem:$0x1C880] =	vst v63  }
0xf1: {  	s15 =	simm.s32 @!p0 $0x7  }
0xf2: {  	_ =	swait.ge @!p0 [sflag:s15], $0x80  }
0xf3: {  	[sflag:s15] =	ssyncset.done @!p0 $0x0  }
0xf4: {  	s4 =	sadd.s32 @!p0 s5, s4;
	[sflag:s15] =	ssyncadd.s32 @!p0 $0xFFFFFF80  }
0xf5: {  	[tilespmem:s22], [sflag:$0x7] =	stream.linear.gather @!p0 [hbm4b:s4+s22], $0x80, $0x38;
	[tilespmem:$0x1C880] =	vst v63  }
0xf6: {  	_ =	swait.ge @!p0 [sflag:s15], $0x80  }
0xf7: {  	[sflag:s15] =	ssyncset.done @!p0 $0x0  }
0xf8: {  	s4 =	simm.s32 @!p0 $0x80;
	[sflag:s15] =	ssyncadd.s32 @!p0 $0xFFFFFF80;
	s15 =	simm.s32 @!p0 $0x300  }
0xf9: {  	[tilespmem:s15], [sflag:$0x1] =	stream.indirect.gather @!p0 [hbm4b:s6+s4], $0x10, s23, s4, $0xb8;
	[tilespmem:$0x1C880] =	vst v63  }
0xfa: {  	s15 =	simm.s32 @!p0 $0x1300  }
0xfb: {  	[tilespmem:s15], [sflag:$0x1] =	stream.indirect.gather @!p0 [hbm4b:s7+s4], $0x50, s22, s4, $0xb8;
	[tilespmem:$0x1C880] =	vst v63  }
0xfc: {  	_ =	swait.ge [sflag:s31], $0x800  }
0xfd: {  	[sflag:s31] =	ssyncset.done $0x0  }
0xfe: {  	[sflag:s31] =	ssyncadd.s32 $0xFFFFF800  }
0xff: {  	_ =	swait.ge [sflag:s31], $0x2800  }
0x100: {  	[sflag:s31] =	ssyncset.done $0x0  }
0x101: {  	s4 =	simm.s32 $0x0;
	[sflag:s31] =	ssyncadd.s32 $0xFFFFD800  }
0x102: {  	s22 =	simm.s32 $0xB00;
	s15 =	simm.s32 $0x140;
	v4 =	vld [tilespmem:s4+$0x3B00]  }
.LBB2_9:
0x103: {  	p0 =	sne.s32 s15, $0x9EC0;
	v5 =	vld [tilespmem:s22+$0x0];
	_ =	sdelay $0x4  }
0x104: {  	v4 =	vadd.f32 v4, v5;
	_ =	sdelay $0x1  }
0x105: {  	v5 =	vmul.f32 $2.000000030e-01, v4  }
0x106: {  	vm0 =	vge.f32 v4, $0.0e+00  }
0x107: {  	v4 =	vsel vm0, v4, v5  }
0x108: {  	v4 =	vmax.f32 v4, $-2.000000000e+00  }
0x109: {  	v4 =	vmin.f32 v4, $2.000000000e+00  }
0x10a: {  	v4 =	vmul.f32 $1.442695020e+00, v4;
	_ =	sdelay $0x1  }
0x10b: {  	(erf) = vpow2.f32 v4;
	_ =	sdelay $0x4  }
0x10c: {  	v4 =	vld [tilespmem:s4+$0x3B10]  }
0x10d: {  	v5 =	vld [tilespmem:s4+$0x3B20]  }
0x10e: {  	v6 =	vld [tilespmem:s4+$0x3B30]  }
0x10f: {  	v7 =	vld [tilespmem:s4+$0x3B40]  }
0x110: {  	v8 =	vpop (erf)  }
0x111: {  	[tilespmem:s4+$0xDB00] =	vst v8;
	v9 =	vperm.xlane v8, v0;
	v10 =	vperm.xlane v8, v1  }
0x112: {  	v11 =	vperm.xlane v8, v2;
	v8 =	vperm.xlane v8, v3  }
0x113: {  	v4 =	vmul.f32 v4, v9;
	v5 =	vmul.f32 v5, v10  }
.Ltmp3:
0x114: {  	v6 =	vmul.f32 v6, v11;
	v7 =	vmul.f32 v7, v8;
	(pc) =	sbr.rel @p0 .LBB2_9-.Ltmp3, $4  }
0x115: {  	[tilespmem:s4+$0xDB10] =	vst v4  }
0x116: {  	[tilespmem:s4+$0xDB20] =	vst v5  }
0x117: {  	s23 =	sshra.s32 s15, $0x2;
	[tilespmem:s4+$0xDB30] =	vst v6  }
0x118: {  	s15 =	sadd.s32 $0x140, s15;
	s22 =	sadd.s32 $0x10, s22;
	v4 =	vld [tilespmem:s23+$0x3B00];
	[tilespmem:s4+$0xDB40] =	vst v7;
	s4 =	smov.u32 s23  }
0x119: {  	v5 =	vld [tilespmem:s22+$0x0];
	_ =	sdelay $0x4  }
0x11a: {  	v4 =	vadd.f32 v4, v5;
	_ =	sdelay $0x1  }
0x11b: {  	v5 =	vmul.f32 $2.000000030e-01, v4  }
0x11c: {  	vm0 =	vge.f32 v4, $0.0e+00  }
0x11d: {  	v4 =	vsel vm0, v4, v5  }
0x11e: {  	v4 =	vmax.f32 v4, $-2.000000000e+00  }
0x11f: {  	v4 =	vmin.f32 v4, $2.000000000e+00  }
0x120: {  	v4 =	vmul.f32 $1.442695020e+00, v4;
	_ =	sdelay $0x1  }
0x121: {  	(erf) = vpow2.f32 v4;
	_ =	sdelay $0x6  }
0x122: {  	v4 =	vld [tilespmem:s4+$0x3B10]  }
0x123: {  	v5 =	vld [tilespmem:s4+$0x3B20]  }
0x124: {  	v6 =	vld [tilespmem:s4+$0x3B30];
	v7 =	vpop (erf)  }
0x125: {  	v8 =	vld [tilespmem:s4+$0x3B40];
	v9 =	vperm.xlane v7, v0  }
0x126: {  	v10 =	vperm.xlane v7, v1  }
0x127: {  	s16 =	sadd.s32 $0x1, s16;
	v11 =	vperm.xlane v7, v2;
	v4 =	vmul.f32 v4, v9  }
0x128: {  	p0 =	sne.s32 s16, $0xA;
	[tilespmem:s4+$0xDB00] =	vst v7;
	v7 =	vperm.xlane v7, v3;
	v5 =	vmul.f32 v5, v10  }
.Ltmp4:
0x129: {  	v6 =	vmul.f32 v6, v11;
	[tilespmem:s4+$0xDB10] =	vst v4;
	(pc) =	sbr.rel @p0 .LBB2_2-.Ltmp4, $4  }
0x12a: {  	v4 =	vmul.f32 v8, v7;
	[tilespmem:s4+$0xDB20] =	vst v5  }
0x12b: {  	[tilespmem:s4+$0xDB30] =	vst v6  }
0x12c: {  	[tilespmem:s4+$0xDB40] =	vst v4  }
0x12d: {  	[spmem:s2] =	stream.indirect.scatter.add.f32 [tilespmem:s10], [sflag:$0x6], $0x50, s3, s19, $0xb8;
	[tilespmem:$0x1C880] =	vst v63  }
0x12e: {  	s4 =	simm.s32 $0x4  }
0x12f: {  	_ =	swait.ge [sflag:s4], $0x2800  }
0x130: {  	[sflag:s4] =	ssyncset.done $0x0  }
0x131: {  	s16 =	simm.s32 $0x5;
	[sflag:s4] =	ssyncadd.s32 $0xFFFFD800  }
0x132: {  	_ =	swait.ge [sflag:s16], $0x2800  }
0x133: {  	[sflag:s16] =	ssyncset.done $0x0  }
0x134: {  	s22 =	simm.s32 $0x6;
	[sflag:s16] =	ssyncadd.s32 $0xFFFFD800  }
0x135: {  	_ =	swait.ge [sflag:s22], $0x2800  }
0x136: {  	[sflag:s22] =	ssyncset.done $0x0  }
0x137: {  	[sflag:s22] =	ssyncadd.s32 $0xFFFFD800  }
0x138: {  	[bflag:$0x0] =	sbarrier.arrive $0xFFFF  }
0x139: {  	s23 =	rddreg [dreg:$0x7]  }
0x13a: {  	s16 =	rddreg [dreg:$0x9]  }
0x13b: {  	s22 =	rddreg [dreg:$0xa]  }
0x13c: {  	[hbm:s23], [sflag:s16] =	dma.local [spmem:s22], $0x18B0  }
0x13d: {  	_ =	swait.ge [sflag:s18], $0x18B0  }
0x13e: {  	s15 =	rddreg [dreg:$0xb]  }
0x13f: {  	s29 =	rddreg [dreg:$0x8];
	s15 =	sadd.s32 $0x1, s15  }
0x140: {  	p0 =	sne.s32 s15, s29  }
.Ltmp5:
0x141: {  	_ = 	snop;
	(pc) =	sbr.rel @p0 .LBB2_1-.Ltmp5, $3  }
0x142: {  	_ =	sdelay $0x1  }
0x143: {  	[sflag:s18] =	ssyncset.done $0x0  }
0x144: {  	[sflag:s18] =	ssyncadd.s32 $0xFFFFE750  }
0x145: {  	_ =	sfence.sel $0x180000  }
0x146: {  	[bflag:$0x0] =	sbarrier.arrive $0xFFFF  }
0x147: {  	_ =	strace $0x90000047  }
0x148: {  	s0 =	stileid.u32;
	[bflag:$0x2] =	sbarrier.arrive $0xFFFF  }
0x149: {  	p0 =	sne.s32 s0, $0x0;
	s0 =	rddreg [dreg:$0x3]  }
0x14a: {  	s0 =	sadd.s32 @!p0 $0x100000, s0  }
0x14b: {  	[sflag:s0] =	ssyncadd.tile.s32 @!p0 $0x1;
	_ =	shalt  }
.Lfunc_end2:
_tile_overlayer_lowered:
.L_overlay_start_2:
0x14c: {  	(tag) =	ssettag $0x2  }
0x14d: {  	s0 =	rddreg [dreg:$0x0];
	s2 =	stileid.u32  }
0x14e: {  	s1 =	rddreg [dreg:$0x1];
	p0 =	sne.s32 s2, $0x0  }
0x14f: {  	s3 =	rddreg [dreg:$0x2];
	[bflag:$0x3] =	sbarrier.arrive $0xFFFF;
	s2 =	simm.s32 @!p0 $0x1C07  }
0x150: {  	[timem:s3], [sflag:s2] =	dma.local @!p0 [hbm:s0], s1  }
0x151: {  	s0 =	simm.s32 @!p0 $0x7  }
0x152: {  	_ =	swait.ge @!p0 [sflag:s0], s1  }
0x153: {  	s1 =	ssub.s32 @!p0 $0x0, s1;
	[sflag:s0] =	ssyncset.done @!p0 $0x0  }
0x154: {  	[sflag:s0] =	ssyncadd.s32 @!p0 s1  }
0x155: {  	[bflag:$0x3] =	sbarrier.arrive $0xFFFF  }
0x156: {  	_ =	shalt  }

</sc_bundles>
